<compile_context>
chip_gen: v7x
topology: tpu7x:2x2x1
jax: 0.10.2.dev20260603
libtpu: 0.0.44.dev20260713+nightly
codegen_flags: <defaults>
</compile_context>

<pallas_src>
import functools

import jax
import jax.numpy as jnp
from jax import lax
from jax.experimental import pallas as pl
from jax.experimental.pallas import tpu as pltpu
from jax.experimental.pallas import tpu_sc as plsc

POOL = 16
B, C, L = 4, 768, 4096
NUM_WORKERS = 32
W_PER_B = NUM_WORKERS // B
ROWS_PER_W = C // W_PER_B
CHUNK_ROWS = 4
NCHUNKS = ROWS_PER_W // CHUNK_ROWS
DEPTH = 3


def _extrema_body(x_hbm, out_hbm,
                  in0, in1, in2, out0, out1, out2,
                  si0, si1, si2, so0, so1, so2):
    cid = lax.axis_index("c")
    sid = lax.axis_index("s")
    wid = sid * 2 + cid
    b_idx = wid // W_PER_B
    row_base = (wid % W_PER_B) * ROWS_PER_W
    lanes = lax.iota(jnp.int32, POOL)
    ins, outs = (in0, in1, in2), (out0, out1, out2)
    sis, sos = (si0, si1, si2), (so0, so1, so2)

    def in_copy(ci, b):
        return pltpu.make_async_copy(
            x_hbm.at[b_idx, pl.ds(row_base + ci * CHUNK_ROWS, CHUNK_ROWS), :],
            ins[b], sis[b])

    def out_copy(ci, b):
        return pltpu.make_async_copy(
            outs[b],
            out_hbm.at[b_idx, pl.ds(row_base + ci * CHUNK_ROWS, CHUNK_ROWS), :],
            sos[b])

    for b in range(DEPTH):
        in_copy(b, b).start()

    def ring_body(p, carry):
        for b in range(DEPTH):
            ci = DEPTH * p + b
            in_copy(ci, b).wait()

            @pl.when(ci >= DEPTH)
            def _():
                out_copy(ci - DEPTH, b).wait()

            for r in range(CHUNK_ROWS):
                @plsc.parallel_loop(0, L, step=POOL, unroll=16)
                def win_body(coff):
                    w = ins[b][r, pl.ds(coff, POOL)]
                    a = jnp.abs(w)
                    mx = jnp.max(a)
                    first = plsc.all_reduce_ffs(a == mx)
                    outs[b][r, pl.ds(coff, POOL)] = jnp.where(
                        lanes == first, w, 0.0)

            out_copy(ci, b).start()

            @pl.when(ci + DEPTH < NCHUNKS)
            def _():
                in_copy(ci + DEPTH, b).start()

        return carry

    lax.fori_loop(0, NCHUNKS // DEPTH, ring_body, 0)
    for b in range(DEPTH):
        out_copy(NCHUNKS - DEPTH + b, b).wait()


def kernel(input_):
    mesh = plsc.VectorSubcoreMesh(core_axis_name="c", subcore_axis_name="s")
    return pl.kernel(
        _extrema_body,
        mesh=mesh,
        out_type=jax.ShapeDtypeStruct((B, C, L), jnp.float32),
        scratch_types=[
            pltpu.VMEM((CHUNK_ROWS, L), jnp.float32),
            pltpu.VMEM((CHUNK_ROWS, L), jnp.float32),
            pltpu.VMEM((CHUNK_ROWS, L), jnp.float32),
            pltpu.VMEM((CHUNK_ROWS, L), jnp.float32),
            pltpu.VMEM((CHUNK_ROWS, L), jnp.float32),
            pltpu.VMEM((CHUNK_ROWS, L), jnp.float32),
            pltpu.SemaphoreType.DMA,
            pltpu.SemaphoreType.DMA,
            pltpu.SemaphoreType.DMA,
            pltpu.SemaphoreType.DMA,
            pltpu.SemaphoreType.DMA,
            pltpu.SemaphoreType.DMA,
        ],
        compiler_params=pltpu.CompilerParams(needs_layout_passes=False),
    )(input_)

# --- scband reference (transcript-rebuilt; emitter-appended) ---
"""Pipeline reference for scband-extrema-pool-indices1-d-27504970563629 (READ-ONLY COPY).

The authoritative reference and input builder live on the scoring server;
editing this copy changes nothing except your own understanding.
"""

import jax, jax.numpy as jnp
import numpy as np

POOL_SIZE = 16


def setup_inputs(seed: int = 0) -> dict:
    key = jax.random.key(seed)
    input_ = jax.random.normal(key, (4, 768, 4096), dtype=jnp.float32)
    return {"input_": input_}


def reference(input_):
    # ExtremaPoolIndices1D: max_pool1d(|x|, k, stride=k, return_indices=True),
    # then scatter x.gather(idx) into zeros_like(x) at those indices.
    k = POOL_SIZE
    B, C, L = input_.shape
    Lout = L // k
    xw = input_[..., : Lout * k].reshape(B, C, Lout, k)
    # argmax of |x| within each window (first occurrence, matching torch max_pool1d)
    idx = jnp.argmax(jnp.abs(xw), axis=-1)  # [B, C, Lout]
    # gather the signed values at the extrema indices
    vals = jnp.take_along_axis(xw, idx[..., None], axis=-1)  # [B, C, Lout, 1]
    # scatter-overwrite into zeros: exactly one position per window
    mask = jnp.arange(k, dtype=idx.dtype) == idx[..., None]  # [B, C, Lout, k]
    out_w = jnp.where(mask, vals, jnp.zeros_like(vals))
    out = out_w.reshape(B, C, Lout * k)
    if Lout * k < L:
        out = jnp.pad(out, ((0, 0), (0, 0), (0, L - Lout * k)))
    return out

if __name__ == "__main__":
    import jax
    _d = setup_inputs()
    print(jax.jit(kernel)(*tuple(_d.values())))

</pallas_src>

<mosaic_0001>
#map = affine_map<(d0, d1) -> (0, 0, 0)>
module attributes {stable_mosaic.version = 14 : i64} {
  func.func @_extrema_body(%arg0: i32, %arg1: i32, %arg2: memref<4x768x4096xf32, #tpu.memory_space<hbm>>, %arg3: memref<4x768x4096xf32, #tpu.memory_space<hbm>>, %arg4: memref<4x4096xf32, #tpu.memory_space<vmem>>, %arg5: memref<4x4096xf32, #tpu.memory_space<vmem>>, %arg6: memref<4x4096xf32, #tpu.memory_space<vmem>>, %arg7: memref<4x4096xf32, #tpu.memory_space<vmem>>, %arg8: memref<4x4096xf32, #tpu.memory_space<vmem>>, %arg9: memref<4x4096xf32, #tpu.memory_space<vmem>>, %arg10: memref<!tpu.dma_semaphore, #tpu.memory_space<semaphore_mem>>, %arg11: memref<!tpu.dma_semaphore, #tpu.memory_space<semaphore_mem>>, %arg12: memref<!tpu.dma_semaphore, #tpu.memory_space<semaphore_mem>>, %arg13: memref<!tpu.dma_semaphore, #tpu.memory_space<semaphore_mem>>, %arg14: memref<!tpu.dma_semaphore, #tpu.memory_space<semaphore_mem>>, %arg15: memref<!tpu.dma_semaphore, #tpu.memory_space<semaphore_mem>>) attributes {dimension_semantics = [#tpu.dimension_semantics<core_parallel>, #tpu.dimension_semantics<subcore_parallel>], iteration_bounds = array<i64: 2, 16>, scalar_prefetch = 0 : i64, scratch_operands = 12 : i64, tpu.core_type = #tpu.core_type<sc_vector_subcore>, window_params = [{transform_indices = #map}, {transform_indices = #map}]} {
    %mul3A = arith.constant 2 : i32
    %mul3A_0 = arith.muli %arg1, %mul3A : i32
    %add3A = arith.addi %mul3A_0, %arg0 : i32
    %jit3A = arith.constant 8 : i32
    %div3A = arith.divsi %add3A, %jit3A : i32
    %sign3A = arith.constant 0 : i32
    %sign3A_1 = arith.cmpi sgt, %add3A, %sign3A : i32
    %sign3A_2 = arith.extui %sign3A_1 : i1 to i32
    %sign3A_3 = arith.constant 0 : i32
    %sign3A_4 = arith.cmpi slt, %add3A, %sign3A_3 : i32
    %sign3A_5 = arith.extui %sign3A_4 : i1 to i32
    %sign3A_6 = arith.subi %sign3A_2, %sign3A_5 : i32
    %sign3A_7 = arith.constant 0 : i32
    %sign3A_8 = arith.cmpi sgt, %jit3A, %sign3A_7 : i32
    %sign3A_9 = arith.extui %sign3A_8 : i1 to i32
    %sign3A_10 = arith.constant 0 : i32
    %sign3A_11 = arith.cmpi slt, %jit3A, %sign3A_10 : i32
    %sign3A_12 = arith.extui %sign3A_11 : i1 to i32
    %sign3A_13 = arith.subi %sign3A_9, %sign3A_12 : i32
    %ne3A = arith.cmpi ne, %sign3A_6, %sign3A_13 : i32
    %rem3A = arith.remsi %add3A, %jit3A : i32
    %ne3A_14 = arith.constant 0 : i32
    %ne3A_15 = arith.cmpi ne, %rem3A, %ne3A_14 : i32
    %and3A = arith.andi %ne3A, %ne3A_15 : i1
    %sub3A = arith.constant 1 : i32
    %sub3A_16 = arith.subi %div3A, %sub3A : i32
    %select_n3A = arith.select %and3A, %sub3A_16, %div3A : i32
    %jit3A_17 = arith.constant 8 : i32
    %eq3A = arith.constant 0 : i32
    %eq3A_18 = arith.cmpi eq, %jit3A_17, %eq3A : i32
    %jit3A_19 = arith.constant 1 : i32
    %select_n3A_20 = arith.select %eq3A_18, %jit3A_19, %jit3A_17 : i32
    %rem3A_21 = arith.remsi %add3A, %select_n3A_20 : i32
    %ne3A_22 = arith.constant 0 : i32
    %ne3A_23 = arith.cmpi ne, %rem3A_21, %ne3A_22 : i32
    %lt3A = arith.constant 0 : i32
    %lt3A_24 = arith.cmpi slt, %rem3A_21, %lt3A : i32
    %lt3A_25 = arith.constant 0 : i32
    %lt3A_26 = arith.cmpi slt, %select_n3A_20, %lt3A_25 : i32
    %ne3A_27 = arith.xori %lt3A_24, %lt3A_26 : i1
    %and3A_28 = arith.andi %ne3A_27, %ne3A_23 : i1
    %add3A_29 = arith.addi %rem3A_21, %select_n3A_20 : i32
    %select_n3A_30 = arith.select %and3A_28, %add3A_29, %rem3A_21 : i32
    %mul3A_31 = arith.constant 96 : i32
    %mul3A_32 = arith.muli %select_n3A_30, %mul3A_31 : i32
    %iota3A = tpu.iota {dimensions = array<i32: 0>} : vector<16xi32>
    %add3A_33 = arith.constant 0 : i32
    %add3A_34 = arith.addi %mul3A_32, %add3A_33 : i32
    %dma_start3A = arith.constant 0 : i32
    %dma_start3A_35 = tpu.memref_slice %arg2[%select_n3A, %add3A_34, %dma_start3A] : memref<4x768x4096xf32, #tpu.memory_space<hbm>> -> memref<1x4x4096xf32, #tpu.memory_space<hbm>>
    %dma_start3A_36 = tpu.memref_squeeze %dma_start3A_35 : memref<1x4x4096xf32, #tpu.memory_space<hbm>> -> memref<4x4096xf32, #tpu.memory_space<hbm>>
    %dma_start3A_37 = arith.constant 0 : i32
    %dma_start3A_38 = tpu.memref_slice %arg2[%select_n3A, %add3A_34, %dma_start3A_37] : memref<4x768x4096xf32, #tpu.memory_space<hbm>> -> memref<1x4x4096xf32, #tpu.memory_space<hbm>>
    %dma_start3A_39 = tpu.memref_squeeze %dma_start3A_38 : memref<1x4x4096xf32, #tpu.memory_space<hbm>> -> memref<4x4096xf32, #tpu.memory_space<hbm>>
    tpu.enqueue_dma source(%dma_start3A_39 : memref<4x4096xf32, #tpu.memory_space<hbm>>) target(%arg4 : memref<4x4096xf32, #tpu.memory_space<vmem>>) target_semaphore(%arg10 : memref<!tpu.dma_semaphore, #tpu.memory_space<semaphore_mem>>)
    %add3A_40 = arith.constant 4 : i32
    %add3A_41 = arith.addi %mul3A_32, %add3A_40 : i32
    %dma_start3A_42 = arith.constant 0 : i32
    %dma_start3A_43 = tpu.memref_slice %arg2[%select_n3A, %add3A_41, %dma_start3A_42] : memref<4x768x4096xf32, #tpu.memory_space<hbm>> -> memref<1x4x4096xf32, #tpu.memory_space<hbm>>
    %dma_start3A_44 = tpu.memref_squeeze %dma_start3A_43 : memref<1x4x4096xf32, #tpu.memory_space<hbm>> -> memref<4x4096xf32, #tpu.memory_space<hbm>>
    %dma_start3A_45 = arith.constant 0 : i32
    %dma_start3A_46 = tpu.memref_slice %arg2[%select_n3A, %add3A_41, %dma_start3A_45] : memref<4x768x4096xf32, #tpu.memory_space<hbm>> -> memref<1x4x4096xf32, #tpu.memory_space<hbm>>
    %dma_start3A_47 = tpu.memref_squeeze %dma_start3A_46 : memref<1x4x4096xf32, #tpu.memory_space<hbm>> -> memref<4x4096xf32, #tpu.memory_space<hbm>>
    tpu.enqueue_dma source(%dma_start3A_47 : memref<4x4096xf32, #tpu.memory_space<hbm>>) target(%arg5 : memref<4x4096xf32, #tpu.memory_space<vmem>>) target_semaphore(%arg11 : memref<!tpu.dma_semaphore, #tpu.memory_space<semaphore_mem>>)
    %add3A_48 = arith.constant 8 : i32
    %add3A_49 = arith.addi %mul3A_32, %add3A_48 : i32
    %dma_start3A_50 = arith.constant 0 : i32
    %dma_start3A_51 = tpu.memref_slice %arg2[%select_n3A, %add3A_49, %dma_start3A_50] : memref<4x768x4096xf32, #tpu.memory_space<hbm>> -> memref<1x4x4096xf32, #tpu.memory_space<hbm>>
    %dma_start3A_52 = tpu.memref_squeeze %dma_start3A_51 : memref<1x4x4096xf32, #tpu.memory_space<hbm>> -> memref<4x4096xf32, #tpu.memory_space<hbm>>
    %dma_start3A_53 = arith.constant 0 : i32
    %dma_start3A_54 = tpu.memref_slice %arg2[%select_n3A, %add3A_49, %dma_start3A_53] : memref<4x768x4096xf32, #tpu.memory_space<hbm>> -> memref<1x4x4096xf32, #tpu.memory_space<hbm>>
    %dma_start3A_55 = tpu.memref_squeeze %dma_start3A_54 : memref<1x4x4096xf32, #tpu.memory_space<hbm>> -> memref<4x4096xf32, #tpu.memory_space<hbm>>
    tpu.enqueue_dma source(%dma_start3A_55 : memref<4x4096xf32, #tpu.memory_space<hbm>>) target(%arg6 : memref<4x4096xf32, #tpu.memory_space<vmem>>) target_semaphore(%arg12 : memref<!tpu.dma_semaphore, #tpu.memory_space<semaphore_mem>>)
    %scan3A = arith.constant 0 : i32
    %scan3A_56 = arith.constant 0 : i32
    %scan3A_57 = arith.constant 8 : i32
    %scan3A_58 = arith.addi %scan3A_56, %scan3A_57 : i32
    %scan3A_59 = arith.constant 1 : i32
    scf.for %scan3A_84 = %scan3A_56 to %scan3A_58 step %scan3A_59  : i32 {
      %mul3A_85 = arith.constant 3 : i32
      %mul3A_86 = arith.muli %mul3A_85, %scan3A_84 : i32
      %add3A_87 = arith.constant 0 : i32
      %add3A_88 = arith.addi %mul3A_86, %add3A_87 : i32
      %mul3A_89 = arith.constant 4 : i32
      %mul3A_90 = arith.muli %add3A_88, %mul3A_89 : i32
      %add3A_91 = arith.addi %mul3A_32, %mul3A_90 : i32
      %dma_wait3A_92 = arith.constant 0 : i32
      %dma_wait3A_93 = tpu.memref_slice %arg2[%select_n3A, %add3A_91, %dma_wait3A_92] : memref<4x768x4096xf32, #tpu.memory_space<hbm>> -> memref<1x4x4096xf32, #tpu.memory_space<hbm>>
      %dma_wait3A_94 = tpu.memref_squeeze %dma_wait3A_93 : memref<1x4x4096xf32, #tpu.memory_space<hbm>> -> memref<4x4096xf32, #tpu.memory_space<hbm>>
      %dma_wait3A_95 = arith.constant 0 : i32
      %dma_wait3A_96 = tpu.memref_slice %arg2[%select_n3A, %add3A_91, %dma_wait3A_95] : memref<4x768x4096xf32, #tpu.memory_space<hbm>> -> memref<1x4x4096xf32, #tpu.memory_space<hbm>>
      %dma_wait3A_97 = tpu.memref_squeeze %dma_wait3A_96 : memref<1x4x4096xf32, #tpu.memory_space<hbm>> -> memref<4x4096xf32, #tpu.memory_space<hbm>>
      tpu.wait_dma2 semaphore(%arg10 : memref<!tpu.dma_semaphore, #tpu.memory_space<semaphore_mem>>) src(%dma_wait3A_97 : memref<4x4096xf32, #tpu.memory_space<hbm>>) dst(%arg4 : memref<4x4096xf32, #tpu.memory_space<vmem>>)
      %ge3A = arith.constant 3 : i32
      %ge3A_98 = arith.cmpi sge, %add3A_88, %ge3A : i32
      %convert_element_type3A = arith.extui %ge3A_98 : i1 to i32
      %cond3A = arith.constant 0 : i32
      %cond3A_99 = arith.cmpi ne, %convert_element_type3A, %cond3A : i32
      scf.if %cond3A_99 {
        %sub3A_219 = arith.constant 3 : i32
        %sub3A_220 = arith.subi %add3A_88, %sub3A_219 : i32
        %mul3A_221 = arith.constant 4 : i32
        %mul3A_222 = arith.muli %sub3A_220, %mul3A_221 : i32
        %add3A_223 = arith.addi %mul3A_32, %mul3A_222 : i32
        %dma_wait3A_224 = arith.constant 0 : i32
        %dma_wait3A_225 = tpu.memref_slice %arg3[%select_n3A, %add3A_223, %dma_wait3A_224] : memref<4x768x4096xf32, #tpu.memory_space<hbm>> -> memref<1x4x4096xf32, #tpu.memory_space<hbm>>
        %dma_wait3A_226 = tpu.memref_squeeze %dma_wait3A_225 : memref<1x4x4096xf32, #tpu.memory_space<hbm>> -> memref<4x4096xf32, #tpu.memory_space<hbm>>
        %dma_wait3A_227 = arith.constant 0 : i32
        %dma_wait3A_228 = tpu.memref_slice %arg3[%select_n3A, %add3A_223, %dma_wait3A_227] : memref<4x768x4096xf32, #tpu.memory_space<hbm>> -> memref<1x4x4096xf32, #tpu.memory_space<hbm>>
        %dma_wait3A_229 = tpu.memref_squeeze %dma_wait3A_228 : memref<1x4x4096xf32, #tpu.memory_space<hbm>> -> memref<4x4096xf32, #tpu.memory_space<hbm>>
        tpu.wait_dma2 semaphore(%arg13 : memref<!tpu.dma_semaphore, #tpu.memory_space<semaphore_mem>>) src(%arg7 : memref<4x4096xf32, #tpu.memory_space<vmem>>) dst(%dma_wait3A_229 : memref<4x4096xf32, #tpu.memory_space<hbm>>)
      } else {
      }
      %parallel_loop3A = arith.constant 0 : i32
      %parallel_loop3A_100 = arith.constant 4096 : i32
      %parallel_loop3A_101 = arith.constant 16 : i32
      scf.for %parallel_loop3A_219 = %parallel_loop3A to %parallel_loop3A_100 step %parallel_loop3A_101  : i32 {
        %parallel_loop3A_220 = arith.constant 0 : i32
        %parallel_loop3A_221 = arith.index_cast %parallel_loop3A_220 : i32 to index
        %parallel_loop3A_222 = arith.index_cast %parallel_loop3A_219 : i32 to index
        %parallel_loop3A_223 = tpu.vector_load %arg4[%parallel_loop3A_221, %parallel_loop3A_222] {strides = array<i32>} : memref<4x4096xf32, #tpu.memory_space<vmem>>, vector<16xf32>,
        %parallel_loop3A_224 = math.absf %parallel_loop3A_223 : vector<16xf32>
        %parallel_loop3A_225 = arith.constant true
        %parallel_loop3A_226 = vector.broadcast %parallel_loop3A_225 : i1 to vector<16xi1>
        %parallel_loop3A_227 = tpu.scan <max>, %parallel_loop3A_224 masked %parallel_loop3A_226 : vector<16xf32>, vector<16xi1> -> vector<16xf32>
        %parallel_loop3A_228 = vector.extract %parallel_loop3A_227[15] : f32 from vector<16xf32>
        %parallel_loop3A_229 = vector.broadcast %parallel_loop3A_228 : f32 to vector<16xf32>
        %parallel_loop3A_230 = arith.cmpf oeq, %parallel_loop3A_224, %parallel_loop3A_229 : vector<16xf32>
        %parallel_loop3A_231 = tpu.all_reduce %parallel_loop3A_230 {dim = 0 : i64, kind = #tpu.reduction_kind<find_first_set>} : vector<16xi1> -> vector<16xi32>
        %parallel_loop3A_232 = arith.cmpi eq, %iota3A, %parallel_loop3A_231 : vector<16xi32>
        %parallel_loop3A_233 = arith.constant 0.000000e+00 : f32
        %parallel_loop3A_234 = vector.broadcast %parallel_loop3A_233 : f32 to vector<16xf32>
        %parallel_loop3A_235 = arith.select %parallel_loop3A_232, %parallel_loop3A_223, %parallel_loop3A_234 : vector<16xi1>, vector<16xf32>
        %parallel_loop3A_236 = arith.constant 0 : i32
        %parallel_loop3A_237 = arith.index_cast %parallel_loop3A_236 : i32 to index
        %parallel_loop3A_238 = arith.index_cast %parallel_loop3A_219 : i32 to index
        %parallel_loop3A_239 = tpu.vector_load %arg7[%parallel_loop3A_237, %parallel_loop3A_238] {strides = array<i32>} : memref<4x4096xf32, #tpu.memory_space<vmem>>, vector<16xf32>,
        tpu.vector_store %arg7[%parallel_loop3A_237, %parallel_loop3A_238], %parallel_loop3A_235 {strides = array<i32>} : memref<4x4096xf32, #tpu.memory_space<vmem>>, vector<16xf32>,
      } {sc.loop_unroll_factor = 16 : i64, sc.parallel_access}
      %parallel_loop3A_102 = arith.constant 0 : i32
      %parallel_loop3A_103 = arith.constant 4096 : i32
      %parallel_loop3A_104 = arith.constant 16 : i32
      scf.for %parallel_loop3A_219 = %parallel_loop3A_102 to %parallel_loop3A_103 step %parallel_loop3A_104  : i32 {
        %parallel_loop3A_220 = arith.constant 1 : i32
        %parallel_loop3A_221 = arith.index_cast %parallel_loop3A_220 : i32 to index
        %parallel_loop3A_222 = arith.index_cast %parallel_loop3A_219 : i32 to index
        %parallel_loop3A_223 = tpu.vector_load %arg4[%parallel_loop3A_221, %parallel_loop3A_222] {strides = array<i32>} : memref<4x4096xf32, #tpu.memory_space<vmem>>, vector<16xf32>,
        %parallel_loop3A_224 = math.absf %parallel_loop3A_223 : vector<16xf32>
        %parallel_loop3A_225 = arith.constant true
        %parallel_loop3A_226 = vector.broadcast %parallel_loop3A_225 : i1 to vector<16xi1>
        %parallel_loop3A_227 = tpu.scan <max>, %parallel_loop3A_224 masked %parallel_loop3A_226 : vector<16xf32>, vector<16xi1> -> vector<16xf32>
        %parallel_loop3A_228 = vector.extract %parallel_loop3A_227[15] : f32 from vector<16xf32>
        %parallel_loop3A_229 = vector.broadcast %parallel_loop3A_228 : f32 to vector<16xf32>
        %parallel_loop3A_230 = arith.cmpf oeq, %parallel_loop3A_224, %parallel_loop3A_229 : vector<16xf32>
        %parallel_loop3A_231 = tpu.all_reduce %parallel_loop3A_230 {dim = 0 : i64, kind = #tpu.reduction_kind<find_first_set>} : vector<16xi1> -> vector<16xi32>
        %parallel_loop3A_232 = arith.cmpi eq, %iota3A, %parallel_loop3A_231 : vector<16xi32>
        %parallel_loop3A_233 = arith.constant 0.000000e+00 : f32
        %parallel_loop3A_234 = vector.broadcast %parallel_loop3A_233 : f32 to vector<16xf32>
        %parallel_loop3A_235 = arith.select %parallel_loop3A_232, %parallel_loop3A_223, %parallel_loop3A_234 : vector<16xi1>, vector<16xf32>
        %parallel_loop3A_236 = arith.constant 1 : i32
        %parallel_loop3A_237 = arith.index_cast %parallel_loop3A_236 : i32 to index
        %parallel_loop3A_238 = arith.index_cast %parallel_loop3A_219 : i32 to index
        %parallel_loop3A_239 = tpu.vector_load %arg7[%parallel_loop3A_237, %parallel_loop3A_238] {strides = array<i32>} : memref<4x4096xf32, #tpu.memory_space<vmem>>, vector<16xf32>,
        tpu.vector_store %arg7[%parallel_loop3A_237, %parallel_loop3A_238], %parallel_loop3A_235 {strides = array<i32>} : memref<4x4096xf32, #tpu.memory_space<vmem>>, vector<16xf32>,
      } {sc.loop_unroll_factor = 16 : i64, sc.parallel_access}
      %parallel_loop3A_105 = arith.constant 0 : i32
      %parallel_loop3A_106 = arith.constant 4096 : i32
      %parallel_loop3A_107 = arith.constant 16 : i32
      scf.for %parallel_loop3A_219 = %parallel_loop3A_105 to %parallel_loop3A_106 step %parallel_loop3A_107  : i32 {
        %parallel_loop3A_220 = arith.constant 2 : i32
        %parallel_loop3A_221 = arith.index_cast %parallel_loop3A_220 : i32 to index
        %parallel_loop3A_222 = arith.index_cast %parallel_loop3A_219 : i32 to index
        %parallel_loop3A_223 = tpu.vector_load %arg4[%parallel_loop3A_221, %parallel_loop3A_222] {strides = array<i32>} : memref<4x4096xf32, #tpu.memory_space<vmem>>, vector<16xf32>,
        %parallel_loop3A_224 = math.absf %parallel_loop3A_223 : vector<16xf32>
        %parallel_loop3A_225 = arith.constant true
        %parallel_loop3A_226 = vector.broadcast %parallel_loop3A_225 : i1 to vector<16xi1>
        %parallel_loop3A_227 = tpu.scan <max>, %parallel_loop3A_224 masked %parallel_loop3A_226 : vector<16xf32>, vector<16xi1> -> vector<16xf32>
        %parallel_loop3A_228 = vector.extract %parallel_loop3A_227[15] : f32 from vector<16xf32>
        %parallel_loop3A_229 = vector.broadcast %parallel_loop3A_228 : f32 to vector<16xf32>
        %parallel_loop3A_230 = arith.cmpf oeq, %parallel_loop3A_224, %parallel_loop3A_229 : vector<16xf32>
        %parallel_loop3A_231 = tpu.all_reduce %parallel_loop3A_230 {dim = 0 : i64, kind = #tpu.reduction_kind<find_first_set>} : vector<16xi1> -> vector<16xi32>
        %parallel_loop3A_232 = arith.cmpi eq, %iota3A, %parallel_loop3A_231 : vector<16xi32>
        %parallel_loop3A_233 = arith.constant 0.000000e+00 : f32
        %parallel_loop3A_234 = vector.broadcast %parallel_loop3A_233 : f32 to vector<16xf32>
        %parallel_loop3A_235 = arith.select %parallel_loop3A_232, %parallel_loop3A_223, %parallel_loop3A_234 : vector<16xi1>, vector<16xf32>
        %parallel_loop3A_236 = arith.constant 2 : i32
        %parallel_loop3A_237 = arith.index_cast %parallel_loop3A_236 : i32 to index
        %parallel_loop3A_238 = arith.index_cast %parallel_loop3A_219 : i32 to index
        %parallel_loop3A_239 = tpu.vector_load %arg7[%parallel_loop3A_237, %parallel_loop3A_238] {strides = array<i32>} : memref<4x4096xf32, #tpu.memory_space<vmem>>, vector<16xf32>,
        tpu.vector_store %arg7[%parallel_loop3A_237, %parallel_loop3A_238], %parallel_loop3A_235 {strides = array<i32>} : memref<4x4096xf32, #tpu.memory_space<vmem>>, vector<16xf32>,
      } {sc.loop_unroll_factor = 16 : i64, sc.parallel_access}
      %parallel_loop3A_108 = arith.constant 0 : i32
      %parallel_loop3A_109 = arith.constant 4096 : i32
      %parallel_loop3A_110 = arith.constant 16 : i32
      scf.for %parallel_loop3A_219 = %parallel_loop3A_108 to %parallel_loop3A_109 step %parallel_loop3A_110  : i32 {
        %parallel_loop3A_220 = arith.constant 3 : i32
        %parallel_loop3A_221 = arith.index_cast %parallel_loop3A_220 : i32 to index
        %parallel_loop3A_222 = arith.index_cast %parallel_loop3A_219 : i32 to index
        %parallel_loop3A_223 = tpu.vector_load %arg4[%parallel_loop3A_221, %parallel_loop3A_222] {strides = array<i32>} : memref<4x4096xf32, #tpu.memory_space<vmem>>, vector<16xf32>,
        %parallel_loop3A_224 = math.absf %parallel_loop3A_223 : vector<16xf32>
        %parallel_loop3A_225 = arith.constant true
        %parallel_loop3A_226 = vector.broadcast %parallel_loop3A_225 : i1 to vector<16xi1>
        %parallel_loop3A_227 = tpu.scan <max>, %parallel_loop3A_224 masked %parallel_loop3A_226 : vector<16xf32>, vector<16xi1> -> vector<16xf32>
        %parallel_loop3A_228 = vector.extract %parallel_loop3A_227[15] : f32 from vector<16xf32>
        %parallel_loop3A_229 = vector.broadcast %parallel_loop3A_228 : f32 to vector<16xf32>
        %parallel_loop3A_230 = arith.cmpf oeq, %parallel_loop3A_224, %parallel_loop3A_229 : vector<16xf32>
        %parallel_loop3A_231 = tpu.all_reduce %parallel_loop3A_230 {dim = 0 : i64, kind = #tpu.reduction_kind<find_first_set>} : vector<16xi1> -> vector<16xi32>
        %parallel_loop3A_232 = arith.cmpi eq, %iota3A, %parallel_loop3A_231 : vector<16xi32>
        %parallel_loop3A_233 = arith.constant 0.000000e+00 : f32
        %parallel_loop3A_234 = vector.broadcast %parallel_loop3A_233 : f32 to vector<16xf32>
        %parallel_loop3A_235 = arith.select %parallel_loop3A_232, %parallel_loop3A_223, %parallel_loop3A_234 : vector<16xi1>, vector<16xf32>
        %parallel_loop3A_236 = arith.constant 3 : i32
        %parallel_loop3A_237 = arith.index_cast %parallel_loop3A_236 : i32 to index
        %parallel_loop3A_238 = arith.index_cast %parallel_loop3A_219 : i32 to index
        %parallel_loop3A_239 = tpu.vector_load %arg7[%parallel_loop3A_237, %parallel_loop3A_238] {strides = array<i32>} : memref<4x4096xf32, #tpu.memory_space<vmem>>, vector<16xf32>,
        tpu.vector_store %arg7[%parallel_loop3A_237, %parallel_loop3A_238], %parallel_loop3A_235 {strides = array<i32>} : memref<4x4096xf32, #tpu.memory_space<vmem>>, vector<16xf32>,
      } {sc.loop_unroll_factor = 16 : i64, sc.parallel_access}
      %mul3A_111 = arith.constant 4 : i32
      %mul3A_112 = arith.muli %add3A_88, %mul3A_111 : i32
      %add3A_113 = arith.addi %mul3A_32, %mul3A_112 : i32
      %dma_start3A_114 = arith.constant 0 : i32
      %dma_start3A_115 = tpu.memref_slice %arg3[%select_n3A, %add3A_113, %dma_start3A_114] : memref<4x768x4096xf32, #tpu.memory_space<hbm>> -> memref<1x4x4096xf32, #tpu.memory_space<hbm>>
      %dma_start3A_116 = tpu.memref_squeeze %dma_start3A_115 : memref<1x4x4096xf32, #tpu.memory_space<hbm>> -> memref<4x4096xf32, #tpu.memory_space<hbm>>
      %dma_start3A_117 = arith.constant 0 : i32
      %dma_start3A_118 = tpu.memref_slice %arg3[%select_n3A, %add3A_113, %dma_start3A_117] : memref<4x768x4096xf32, #tpu.memory_space<hbm>> -> memref<1x4x4096xf32, #tpu.memory_space<hbm>>
      %dma_start3A_119 = tpu.memref_squeeze %dma_start3A_118 : memref<1x4x4096xf32, #tpu.memory_space<hbm>> -> memref<4x4096xf32, #tpu.memory_space<hbm>>
      tpu.enqueue_dma source(%arg7 : memref<4x4096xf32, #tpu.memory_space<vmem>>) target(%dma_start3A_119 : memref<4x4096xf32, #tpu.memory_space<hbm>>) target_semaphore(%arg13 : memref<!tpu.dma_semaphore, #tpu.memory_space<semaphore_mem>>)
      %add3A_120 = arith.constant 3 : i32
      %add3A_121 = arith.addi %add3A_88, %add3A_120 : i32
      %lt3A_122 = arith.constant 24 : i32
      %lt3A_123 = arith.cmpi slt, %add3A_121, %lt3A_122 : i32
      %convert_element_type3A_124 = arith.extui %lt3A_123 : i1 to i32
      %cond3A_125 = arith.constant 0 : i32
      %cond3A_126 = arith.cmpi ne, %convert_element_type3A_124, %cond3A_125 : i32
      scf.if %cond3A_126 {
        %add3A_219 = arith.constant 3 : i32
        %add3A_220 = arith.addi %add3A_88, %add3A_219 : i32
        %mul3A_221 = arith.constant 4 : i32
        %mul3A_222 = arith.muli %add3A_220, %mul3A_221 : i32
        %add3A_223 = arith.addi %mul3A_32, %mul3A_222 : i32
        %dma_start3A_224 = arith.constant 0 : i32
        %dma_start3A_225 = tpu.memref_slice %arg2[%select_n3A, %add3A_223, %dma_start3A_224] : memref<4x768x4096xf32, #tpu.memory_space<hbm>> -> memref<1x4x4096xf32, #tpu.memory_space<hbm>>
        %dma_start3A_226 = tpu.memref_squeeze %dma_start3A_225 : memref<1x4x4096xf32, #tpu.memory_space<hbm>> -> memref<4x4096xf32, #tpu.memory_space<hbm>>
        %dma_start3A_227 = arith.constant 0 : i32
        %dma_start3A_228 = tpu.memref_slice %arg2[%select_n3A, %add3A_223, %dma_start3A_227] : memref<4x768x4096xf32, #tpu.memory_space<hbm>> -> memref<1x4x4096xf32, #tpu.memory_space<hbm>>
        %dma_start3A_229 = tpu.memref_squeeze %dma_start3A_228 : memref<1x4x4096xf32, #tpu.memory_space<hbm>> -> memref<4x4096xf32, #tpu.memory_space<hbm>>
        tpu.enqueue_dma source(%dma_start3A_229 : memref<4x4096xf32, #tpu.memory_space<hbm>>) target(%arg4 : memref<4x4096xf32, #tpu.memory_space<vmem>>) target_semaphore(%arg10 : memref<!tpu.dma_semaphore, #tpu.memory_space<semaphore_mem>>)
      } else {
      }
      %mul3A_127 = arith.constant 3 : i32
      %mul3A_128 = arith.muli %mul3A_127, %scan3A_84 : i32
      %add3A_129 = arith.constant 1 : i32
      %add3A_130 = arith.addi %mul3A_128, %add3A_129 : i32
      %mul3A_131 = arith.constant 4 : i32
      %mul3A_132 = arith.muli %add3A_130, %mul3A_131 : i32
      %add3A_133 = arith.addi %mul3A_32, %mul3A_132 : i32
      %dma_wait3A_134 = arith.constant 0 : i32
      %dma_wait3A_135 = tpu.memref_slice %arg2[%select_n3A, %add3A_133, %dma_wait3A_134] : memref<4x768x4096xf32, #tpu.memory_space<hbm>> -> memref<1x4x4096xf32, #tpu.memory_space<hbm>>
      %dma_wait3A_136 = tpu.memref_squeeze %dma_wait3A_135 : memref<1x4x4096xf32, #tpu.memory_space<hbm>> -> memref<4x4096xf32, #tpu.memory_space<hbm>>
      %dma_wait3A_137 = arith.constant 0 : i32
      %dma_wait3A_138 = tpu.memref_slice %arg2[%select_n3A, %add3A_133, %dma_wait3A_137] : memref<4x768x4096xf32, #tpu.memory_space<hbm>> -> memref<1x4x4096xf32, #tpu.memory_space<hbm>>
      %dma_wait3A_139 = tpu.memref_squeeze %dma_wait3A_138 : memref<1x4x4096xf32, #tpu.memory_space<hbm>> -> memref<4x4096xf32, #tpu.memory_space<hbm>>
      tpu.wait_dma2 semaphore(%arg11 : memref<!tpu.dma_semaphore, #tpu.memory_space<semaphore_mem>>) src(%dma_wait3A_139 : memref<4x4096xf32, #tpu.memory_space<hbm>>) dst(%arg5 : memref<4x4096xf32, #tpu.memory_space<vmem>>)
      %ge3A_140 = arith.constant 3 : i32
      %ge3A_141 = arith.cmpi sge, %add3A_130, %ge3A_140 : i32
      %convert_element_type3A_142 = arith.extui %ge3A_141 : i1 to i32
      %cond3A_143 = arith.constant 0 : i32
      %cond3A_144 = arith.cmpi ne, %convert_element_type3A_142, %cond3A_143 : i32
      scf.if %cond3A_144 {
        %sub3A_219 = arith.constant 3 : i32
        %sub3A_220 = arith.subi %add3A_130, %sub3A_219 : i32
        %mul3A_221 = arith.constant 4 : i32
        %mul3A_222 = arith.muli %sub3A_220, %mul3A_221 : i32
        %add3A_223 = arith.addi %mul3A_32, %mul3A_222 : i32
        %dma_wait3A_224 = arith.constant 0 : i32
        %dma_wait3A_225 = tpu.memref_slice %arg3[%select_n3A, %add3A_223, %dma_wait3A_224] : memref<4x768x4096xf32, #tpu.memory_space<hbm>> -> memref<1x4x4096xf32, #tpu.memory_space<hbm>>
        %dma_wait3A_226 = tpu.memref_squeeze %dma_wait3A_225 : memref<1x4x4096xf32, #tpu.memory_space<hbm>> -> memref<4x4096xf32, #tpu.memory_space<hbm>>
        %dma_wait3A_227 = arith.constant 0 : i32
        %dma_wait3A_228 = tpu.memref_slice %arg3[%select_n3A, %add3A_223, %dma_wait3A_227] : memref<4x768x4096xf32, #tpu.memory_space<hbm>> -> memref<1x4x4096xf32, #tpu.memory_space<hbm>>
        %dma_wait3A_229 = tpu.memref_squeeze %dma_wait3A_228 : memref<1x4x4096xf32, #tpu.memory_space<hbm>> -> memref<4x4096xf32, #tpu.memory_space<hbm>>
        tpu.wait_dma2 semaphore(%arg14 : memref<!tpu.dma_semaphore, #tpu.memory_space<semaphore_mem>>) src(%arg8 : memref<4x4096xf32, #tpu.memory_space<vmem>>) dst(%dma_wait3A_229 : memref<4x4096xf32, #tpu.memory_space<hbm>>)
      } else {
      }
      %parallel_loop3A_145 = arith.constant 0 : i32
      %parallel_loop3A_146 = arith.constant 4096 : i32
      %parallel_loop3A_147 = arith.constant 16 : i32
      scf.for %parallel_loop3A_219 = %parallel_loop3A_145 to %parallel_loop3A_146 step %parallel_loop3A_147  : i32 {
        %parallel_loop3A_220 = arith.constant 0 : i32
        %parallel_loop3A_221 = arith.index_cast %parallel_loop3A_220 : i32 to index
        %parallel_loop3A_222 = arith.index_cast %parallel_loop3A_219 : i32 to index
        %parallel_loop3A_223 = tpu.vector_load %arg5[%parallel_loop3A_221, %parallel_loop3A_222] {strides = array<i32>} : memref<4x4096xf32, #tpu.memory_space<vmem>>, vector<16xf32>,
        %parallel_loop3A_224 = math.absf %parallel_loop3A_223 : vector<16xf32>
        %parallel_loop3A_225 = arith.constant true
        %parallel_loop3A_226 = vector.broadcast %parallel_loop3A_225 : i1 to vector<16xi1>
        %parallel_loop3A_227 = tpu.scan <max>, %parallel_loop3A_224 masked %parallel_loop3A_226 : vector<16xf32>, vector<16xi1> -> vector<16xf32>
        %parallel_loop3A_228 = vector.extract %parallel_loop3A_227[15] : f32 from vector<16xf32>
        %parallel_loop3A_229 = vector.broadcast %parallel_loop3A_228 : f32 to vector<16xf32>
        %parallel_loop3A_230 = arith.cmpf oeq, %parallel_loop3A_224, %parallel_loop3A_229 : vector<16xf32>
        %parallel_loop3A_231 = tpu.all_reduce %parallel_loop3A_230 {dim = 0 : i64, kind = #tpu.reduction_kind<find_first_set>} : vector<16xi1> -> vector<16xi32>
        %parallel_loop3A_232 = arith.cmpi eq, %iota3A, %parallel_loop3A_231 : vector<16xi32>
        %parallel_loop3A_233 = arith.constant 0.000000e+00 : f32
        %parallel_loop3A_234 = vector.broadcast %parallel_loop3A_233 : f32 to vector<16xf32>
        %parallel_loop3A_235 = arith.select %parallel_loop3A_232, %parallel_loop3A_223, %parallel_loop3A_234 : vector<16xi1>, vector<16xf32>
        %parallel_loop3A_236 = arith.constant 0 : i32
        %parallel_loop3A_237 = arith.index_cast %parallel_loop3A_236 : i32 to index
        %parallel_loop3A_238 = arith.index_cast %parallel_loop3A_219 : i32 to index
        %parallel_loop3A_239 = tpu.vector_load %arg8[%parallel_loop3A_237, %parallel_loop3A_238] {strides = array<i32>} : memref<4x4096xf32, #tpu.memory_space<vmem>>, vector<16xf32>,
        tpu.vector_store %arg8[%parallel_loop3A_237, %parallel_loop3A_238], %parallel_loop3A_235 {strides = array<i32>} : memref<4x4096xf32, #tpu.memory_space<vmem>>, vector<16xf32>,
      } {sc.loop_unroll_factor = 16 : i64, sc.parallel_access}
      %parallel_loop3A_148 = arith.constant 0 : i32
      %parallel_loop3A_149 = arith.constant 4096 : i32
      %parallel_loop3A_150 = arith.constant 16 : i32
      scf.for %parallel_loop3A_219 = %parallel_loop3A_148 to %parallel_loop3A_149 step %parallel_loop3A_150  : i32 {
        %parallel_loop3A_220 = arith.constant 1 : i32
        %parallel_loop3A_221 = arith.index_cast %parallel_loop3A_220 : i32 to index
        %parallel_loop3A_222 = arith.index_cast %parallel_loop3A_219 : i32 to index
        %parallel_loop3A_223 = tpu.vector_load %arg5[%parallel_loop3A_221, %parallel_loop3A_222] {strides = array<i32>} : memref<4x4096xf32, #tpu.memory_space<vmem>>, vector<16xf32>,
        %parallel_loop3A_224 = math.absf %parallel_loop3A_223 : vector<16xf32>
        %parallel_loop3A_225 = arith.constant true
        %parallel_loop3A_226 = vector.broadcast %parallel_loop3A_225 : i1 to vector<16xi1>
        %parallel_loop3A_227 = tpu.scan <max>, %parallel_loop3A_224 masked %parallel_loop3A_226 : vector<16xf32>, vector<16xi1> -> vector<16xf32>
        %parallel_loop3A_228 = vector.extract %parallel_loop3A_227[15] : f32 from vector<16xf32>
        %parallel_loop3A_229 = vector.broadcast %parallel_loop3A_228 : f32 to vector<16xf32>
        %parallel_loop3A_230 = arith.cmpf oeq, %parallel_loop3A_224, %parallel_loop3A_229 : vector<16xf32>
        %parallel_loop3A_231 = tpu.all_reduce %parallel_loop3A_230 {dim = 0 : i64, kind = #tpu.reduction_kind<find_first_set>} : vector<16xi1> -> vector<16xi32>
        %parallel_loop3A_232 = arith.cmpi eq, %iota3A, %parallel_loop3A_231 : vector<16xi32>
        %parallel_loop3A_233 = arith.constant 0.000000e+00 : f32
        %parallel_loop3A_234 = vector.broadcast %parallel_loop3A_233 : f32 to vector<16xf32>
        %parallel_loop3A_235 = arith.select %parallel_loop3A_232, %parallel_loop3A_223, %parallel_loop3A_234 : vector<16xi1>, vector<16xf32>
        %parallel_loop3A_236 = arith.constant 1 : i32
        %parallel_loop3A_237 = arith.index_cast %parallel_loop3A_236 : i32 to index
        %parallel_loop3A_238 = arith.index_cast %parallel_loop3A_219 : i32 to index
        %parallel_loop3A_239 = tpu.vector_load %arg8[%parallel_loop3A_237, %parallel_loop3A_238] {strides = array<i32>} : memref<4x4096xf32, #tpu.memory_space<vmem>>, vector<16xf32>,
        tpu.vector_store %arg8[%parallel_loop3A_237, %parallel_loop3A_238], %parallel_loop3A_235 {strides = array<i32>} : memref<4x4096xf32, #tpu.memory_space<vmem>>, vector<16xf32>,
      } {sc.loop_unroll_factor = 16 : i64, sc.parallel_access}
      %parallel_loop3A_151 = arith.constant 0 : i32
      %parallel_loop3A_152 = arith.constant 4096 : i32
      %parallel_loop3A_153 = arith.constant 16 : i32
      scf.for %parallel_loop3A_219 = %parallel_loop3A_151 to %parallel_loop3A_152 step %parallel_loop3A_153  : i32 {
        %parallel_loop3A_220 = arith.constant 2 : i32
        %parallel_loop3A_221 = arith.index_cast %parallel_loop3A_220 : i32 to index
        %parallel_loop3A_222 = arith.index_cast %parallel_loop3A_219 : i32 to index
        %parallel_loop3A_223 = tpu.vector_load %arg5[%parallel_loop3A_221, %parallel_loop3A_222] {strides = array<i32>} : memref<4x4096xf32, #tpu.memory_space<vmem>>, vector<16xf32>,
        %parallel_loop3A_224 = math.absf %parallel_loop3A_223 : vector<16xf32>
        %parallel_loop3A_225 = arith.constant true
        %parallel_loop3A_226 = vector.broadcast %parallel_loop3A_225 : i1 to vector<16xi1>
        %parallel_loop3A_227 = tpu.scan <max>, %parallel_loop3A_224 masked %parallel_loop3A_226 : vector<16xf32>, vector<16xi1> -> vector<16xf32>
        %parallel_loop3A_228 = vector.extract %parallel_loop3A_227[15] : f32 from vector<16xf32>
        %parallel_loop3A_229 = vector.broadcast %parallel_loop3A_228 : f32 to vector<16xf32>
        %parallel_loop3A_230 = arith.cmpf oeq, %parallel_loop3A_224, %parallel_loop3A_229 : vector<16xf32>
        %parallel_loop3A_231 = tpu.all_reduce %parallel_loop3A_230 {dim = 0 : i64, kind = #tpu.reduction_kind<find_first_set>} : vector<16xi1> -> vector<16xi32>
        %parallel_loop3A_232 = arith.cmpi eq, %iota3A, %parallel_loop3A_231 : vector<16xi32>
        %parallel_loop3A_233 = arith.constant 0.000000e+00 : f32
        %parallel_loop3A_234 = vector.broadcast %parallel_loop3A_233 : f32 to vector<16xf32>
        %parallel_loop3A_235 = arith.select %parallel_loop3A_232, %parallel_loop3A_223, %parallel_loop3A_234 : vector<16xi1>, vector<16xf32>
        %parallel_loop3A_236 = arith.constant 2 : i32
        %parallel_loop3A_237 = arith.index_cast %parallel_loop3A_236 : i32 to index
        %parallel_loop3A_238 = arith.index_cast %parallel_loop3A_219 : i32 to index
        %parallel_loop3A_239 = tpu.vector_load %arg8[%parallel_loop3A_237, %parallel_loop3A_238] {strides = array<i32>} : memref<4x4096xf32, #tpu.memory_space<vmem>>, vector<16xf32>,
        tpu.vector_store %arg8[%parallel_loop3A_237, %parallel_loop3A_238], %parallel_loop3A_235 {strides = array<i32>} : memref<4x4096xf32, #tpu.memory_space<vmem>>, vector<16xf32>,
      } {sc.loop_unroll_factor = 16 : i64, sc.parallel_access}
      %parallel_loop3A_154 = arith.constant 0 : i32
      %parallel_loop3A_155 = arith.constant 4096 : i32
      %parallel_loop3A_156 = arith.constant 16 : i32
      scf.for %parallel_loop3A_219 = %parallel_loop3A_154 to %parallel_loop3A_155 step %parallel_loop3A_156  : i32 {
        %parallel_loop3A_220 = arith.constant 3 : i32
        %parallel_loop3A_221 = arith.index_cast %parallel_loop3A_220 : i32 to index
        %parallel_loop3A_222 = arith.index_cast %parallel_loop3A_219 : i32 to index
        %parallel_loop3A_223 = tpu.vector_load %arg5[%parallel_loop3A_221, %parallel_loop3A_222] {strides = array<i32>} : memref<4x4096xf32, #tpu.memory_space<vmem>>, vector<16xf32>,
        %parallel_loop3A_224 = math.absf %parallel_loop3A_223 : vector<16xf32>
        %parallel_loop3A_225 = arith.constant true
        %parallel_loop3A_226 = vector.broadcast %parallel_loop3A_225 : i1 to vector<16xi1>
        %parallel_loop3A_227 = tpu.scan <max>, %parallel_loop3A_224 masked %parallel_loop3A_226 : vector<16xf32>, vector<16xi1> -> vector<16xf32>
        %parallel_loop3A_228 = vector.extract %parallel_loop3A_227[15] : f32 from vector<16xf32>
        %parallel_loop3A_229 = vector.broadcast %parallel_loop3A_228 : f32 to vector<16xf32>
        %parallel_loop3A_230 = arith.cmpf oeq, %parallel_loop3A_224, %parallel_loop3A_229 : vector<16xf32>
        %parallel_loop3A_231 = tpu.all_reduce %parallel_loop3A_230 {dim = 0 : i64, kind = #tpu.reduction_kind<find_first_set>} : vector<16xi1> -> vector<16xi32>
        %parallel_loop3A_232 = arith.cmpi eq, %iota3A, %parallel_loop3A_231 : vector<16xi32>
        %parallel_loop3A_233 = arith.constant 0.000000e+00 : f32
        %parallel_loop3A_234 = vector.broadcast %parallel_loop3A_233 : f32 to vector<16xf32>
        %parallel_loop3A_235 = arith.select %parallel_loop3A_232, %parallel_loop3A_223, %parallel_loop3A_234 : vector<16xi1>, vector<16xf32>
        %parallel_loop3A_236 = arith.constant 3 : i32
        %parallel_loop3A_237 = arith.index_cast %parallel_loop3A_236 : i32 to index
        %parallel_loop3A_238 = arith.index_cast %parallel_loop3A_219 : i32 to index
        %parallel_loop3A_239 = tpu.vector_load %arg8[%parallel_loop3A_237, %parallel_loop3A_238] {strides = array<i32>} : memref<4x4096xf32, #tpu.memory_space<vmem>>, vector<16xf32>,
        tpu.vector_store %arg8[%parallel_loop3A_237, %parallel_loop3A_238], %parallel_loop3A_235 {strides = array<i32>} : memref<4x4096xf32, #tpu.memory_space<vmem>>, vector<16xf32>,
      } {sc.loop_unroll_factor = 16 : i64, sc.parallel_access}
      %mul3A_157 = arith.constant 4 : i32
      %mul3A_158 = arith.muli %add3A_130, %mul3A_157 : i32
      %add3A_159 = arith.addi %mul3A_32, %mul3A_158 : i32
      %dma_start3A_160 = arith.constant 0 : i32
      %dma_start3A_161 = tpu.memref_slice %arg3[%select_n3A, %add3A_159, %dma_start3A_160] : memref<4x768x4096xf32, #tpu.memory_space<hbm>> -> memref<1x4x4096xf32, #tpu.memory_space<hbm>>
      %dma_start3A_162 = tpu.memref_squeeze %dma_start3A_161 : memref<1x4x4096xf32, #tpu.memory_space<hbm>> -> memref<4x4096xf32, #tpu.memory_space<hbm>>
      %dma_start3A_163 = arith.constant 0 : i32
      %dma_start3A_164 = tpu.memref_slice %arg3[%select_n3A, %add3A_159, %dma_start3A_163] : memref<4x768x4096xf32, #tpu.memory_space<hbm>> -> memref<1x4x4096xf32, #tpu.memory_space<hbm>>
      %dma_start3A_165 = tpu.memref_squeeze %dma_start3A_164 : memref<1x4x4096xf32, #tpu.memory_space<hbm>> -> memref<4x4096xf32, #tpu.memory_space<hbm>>
      tpu.enqueue_dma source(%arg8 : memref<4x4096xf32, #tpu.memory_space<vmem>>) target(%dma_start3A_165 : memref<4x4096xf32, #tpu.memory_space<hbm>>) target_semaphore(%arg14 : memref<!tpu.dma_semaphore, #tpu.memory_space<semaphore_mem>>)
      %add3A_166 = arith.constant 3 : i32
      %add3A_167 = arith.addi %add3A_130, %add3A_166 : i32
      %lt3A_168 = arith.constant 24 : i32
      %lt3A_169 = arith.cmpi slt, %add3A_167, %lt3A_168 : i32
      %convert_element_type3A_170 = arith.extui %lt3A_169 : i1 to i32
      %cond3A_171 = arith.constant 0 : i32
      %cond3A_172 = arith.cmpi ne, %convert_element_type3A_170, %cond3A_171 : i32
      scf.if %cond3A_172 {
        %add3A_219 = arith.constant 3 : i32
        %add3A_220 = arith.addi %add3A_130, %add3A_219 : i32
        %mul3A_221 = arith.constant 4 : i32
        %mul3A_222 = arith.muli %add3A_220, %mul3A_221 : i32
        %add3A_223 = arith.addi %mul3A_32, %mul3A_222 : i32
        %dma_start3A_224 = arith.constant 0 : i32
        %dma_start3A_225 = tpu.memref_slice %arg2[%select_n3A, %add3A_223, %dma_start3A_224] : memref<4x768x4096xf32, #tpu.memory_space<hbm>> -> memref<1x4x4096xf32, #tpu.memory_space<hbm>>
        %dma_start3A_226 = tpu.memref_squeeze %dma_start3A_225 : memref<1x4x4096xf32, #tpu.memory_space<hbm>> -> memref<4x4096xf32, #tpu.memory_space<hbm>>
        %dma_start3A_227 = arith.constant 0 : i32
        %dma_start3A_228 = tpu.memref_slice %arg2[%select_n3A, %add3A_223, %dma_start3A_227] : memref<4x768x4096xf32, #tpu.memory_space<hbm>> -> memref<1x4x4096xf32, #tpu.memory_space<hbm>>
        %dma_start3A_229 = tpu.memref_squeeze %dma_start3A_228 : memref<1x4x4096xf32, #tpu.memory_space<hbm>> -> memref<4x4096xf32, #tpu.memory_space<hbm>>
        tpu.enqueue_dma source(%dma_start3A_229 : memref<4x4096xf32, #tpu.memory_space<hbm>>) target(%arg5 : memref<4x4096xf32, #tpu.memory_space<vmem>>) target_semaphore(%arg11 : memref<!tpu.dma_semaphore, #tpu.memory_space<semaphore_mem>>)
      } else {
      }
      %mul3A_173 = arith.constant 3 : i32
      %mul3A_174 = arith.muli %mul3A_173, %scan3A_84 : i32
      %add3A_175 = arith.constant 2 : i32
      %add3A_176 = arith.addi %mul3A_174, %add3A_175 : i32
      %mul3A_177 = arith.constant 4 : i32
      %mul3A_178 = arith.muli %add3A_176, %mul3A_177 : i32
      %add3A_179 = arith.addi %mul3A_32, %mul3A_178 : i32
      %dma_wait3A_180 = arith.constant 0 : i32
      %dma_wait3A_181 = tpu.memref_slice %arg2[%select_n3A, %add3A_179, %dma_wait3A_180] : memref<4x768x4096xf32, #tpu.memory_space<hbm>> -> memref<1x4x4096xf32, #tpu.memory_space<hbm>>
      %dma_wait3A_182 = tpu.memref_squeeze %dma_wait3A_181 : memref<1x4x4096xf32, #tpu.memory_space<hbm>> -> memref<4x4096xf32, #tpu.memory_space<hbm>>
      %dma_wait3A_183 = arith.constant 0 : i32
      %dma_wait3A_184 = tpu.memref_slice %arg2[%select_n3A, %add3A_179, %dma_wait3A_183] : memref<4x768x4096xf32, #tpu.memory_space<hbm>> -> memref<1x4x4096xf32, #tpu.memory_space<hbm>>
      %dma_wait3A_185 = tpu.memref_squeeze %dma_wait3A_184 : memref<1x4x4096xf32, #tpu.memory_space<hbm>> -> memref<4x4096xf32, #tpu.memory_space<hbm>>
      tpu.wait_dma2 semaphore(%arg12 : memref<!tpu.dma_semaphore, #tpu.memory_space<semaphore_mem>>) src(%dma_wait3A_185 : memref<4x4096xf32, #tpu.memory_space<hbm>>) dst(%arg6 : memref<4x4096xf32, #tpu.memory_space<vmem>>)
      %ge3A_186 = arith.constant 3 : i32
      %ge3A_187 = arith.cmpi sge, %add3A_176, %ge3A_186 : i32
      %convert_element_type3A_188 = arith.extui %ge3A_187 : i1 to i32
      %cond3A_189 = arith.constant 0 : i32
      %cond3A_190 = arith.cmpi ne, %convert_element_type3A_188, %cond3A_189 : i32
      scf.if %cond3A_190 {
        %sub3A_219 = arith.constant 3 : i32
        %sub3A_220 = arith.subi %add3A_176, %sub3A_219 : i32
        %mul3A_221 = arith.constant 4 : i32
        %mul3A_222 = arith.muli %sub3A_220, %mul3A_221 : i32
        %add3A_223 = arith.addi %mul3A_32, %mul3A_222 : i32
        %dma_wait3A_224 = arith.constant 0 : i32
        %dma_wait3A_225 = tpu.memref_slice %arg3[%select_n3A, %add3A_223, %dma_wait3A_224] : memref<4x768x4096xf32, #tpu.memory_space<hbm>> -> memref<1x4x4096xf32, #tpu.memory_space<hbm>>
        %dma_wait3A_226 = tpu.memref_squeeze %dma_wait3A_225 : memref<1x4x4096xf32, #tpu.memory_space<hbm>> -> memref<4x4096xf32, #tpu.memory_space<hbm>>
        %dma_wait3A_227 = arith.constant 0 : i32
        %dma_wait3A_228 = tpu.memref_slice %arg3[%select_n3A, %add3A_223, %dma_wait3A_227] : memref<4x768x4096xf32, #tpu.memory_space<hbm>> -> memref<1x4x4096xf32, #tpu.memory_space<hbm>>
        %dma_wait3A_229 = tpu.memref_squeeze %dma_wait3A_228 : memref<1x4x4096xf32, #tpu.memory_space<hbm>> -> memref<4x4096xf32, #tpu.memory_space<hbm>>
        tpu.wait_dma2 semaphore(%arg15 : memref<!tpu.dma_semaphore, #tpu.memory_space<semaphore_mem>>) src(%arg9 : memref<4x4096xf32, #tpu.memory_space<vmem>>) dst(%dma_wait3A_229 : memref<4x4096xf32, #tpu.memory_space<hbm>>)
      } else {
      }
      %parallel_loop3A_191 = arith.constant 0 : i32
      %parallel_loop3A_192 = arith.constant 4096 : i32
      %parallel_loop3A_193 = arith.constant 16 : i32
      scf.for %parallel_loop3A_219 = %parallel_loop3A_191 to %parallel_loop3A_192 step %parallel_loop3A_193  : i32 {
        %parallel_loop3A_220 = arith.constant 0 : i32
        %parallel_loop3A_221 = arith.index_cast %parallel_loop3A_220 : i32 to index
        %parallel_loop3A_222 = arith.index_cast %parallel_loop3A_219 : i32 to index
        %parallel_loop3A_223 = tpu.vector_load %arg6[%parallel_loop3A_221, %parallel_loop3A_222] {strides = array<i32>} : memref<4x4096xf32, #tpu.memory_space<vmem>>, vector<16xf32>,
        %parallel_loop3A_224 = math.absf %parallel_loop3A_223 : vector<16xf32>
        %parallel_loop3A_225 = arith.constant true
        %parallel_loop3A_226 = vector.broadcast %parallel_loop3A_225 : i1 to vector<16xi1>
        %parallel_loop3A_227 = tpu.scan <max>, %parallel_loop3A_224 masked %parallel_loop3A_226 : vector<16xf32>, vector<16xi1> -> vector<16xf32>
        %parallel_loop3A_228 = vector.extract %parallel_loop3A_227[15] : f32 from vector<16xf32>
        %parallel_loop3A_229 = vector.broadcast %parallel_loop3A_228 : f32 to vector<16xf32>
        %parallel_loop3A_230 = arith.cmpf oeq, %parallel_loop3A_224, %parallel_loop3A_229 : vector<16xf32>
        %parallel_loop3A_231 = tpu.all_reduce %parallel_loop3A_230 {dim = 0 : i64, kind = #tpu.reduction_kind<find_first_set>} : vector<16xi1> -> vector<16xi32>
        %parallel_loop3A_232 = arith.cmpi eq, %iota3A, %parallel_loop3A_231 : vector<16xi32>
        %parallel_loop3A_233 = arith.constant 0.000000e+00 : f32
        %parallel_loop3A_234 = vector.broadcast %parallel_loop3A_233 : f32 to vector<16xf32>
        %parallel_loop3A_235 = arith.select %parallel_loop3A_232, %parallel_loop3A_223, %parallel_loop3A_234 : vector<16xi1>, vector<16xf32>
        %parallel_loop3A_236 = arith.constant 0 : i32
        %parallel_loop3A_237 = arith.index_cast %parallel_loop3A_236 : i32 to index
        %parallel_loop3A_238 = arith.index_cast %parallel_loop3A_219 : i32 to index
        %parallel_loop3A_239 = tpu.vector_load %arg9[%parallel_loop3A_237, %parallel_loop3A_238] {strides = array<i32>} : memref<4x4096xf32, #tpu.memory_space<vmem>>, vector<16xf32>,
        tpu.vector_store %arg9[%parallel_loop3A_237, %parallel_loop3A_238], %parallel_loop3A_235 {strides = array<i32>} : memref<4x4096xf32, #tpu.memory_space<vmem>>, vector<16xf32>,
      } {sc.loop_unroll_factor = 16 : i64, sc.parallel_access}
      %parallel_loop3A_194 = arith.constant 0 : i32
      %parallel_loop3A_195 = arith.constant 4096 : i32
      %parallel_loop3A_196 = arith.constant 16 : i32
      scf.for %parallel_loop3A_219 = %parallel_loop3A_194 to %parallel_loop3A_195 step %parallel_loop3A_196  : i32 {
        %parallel_loop3A_220 = arith.constant 1 : i32
        %parallel_loop3A_221 = arith.index_cast %parallel_loop3A_220 : i32 to index
        %parallel_loop3A_222 = arith.index_cast %parallel_loop3A_219 : i32 to index
        %parallel_loop3A_223 = tpu.vector_load %arg6[%parallel_loop3A_221, %parallel_loop3A_222] {strides = array<i32>} : memref<4x4096xf32, #tpu.memory_space<vmem>>, vector<16xf32>,
        %parallel_loop3A_224 = math.absf %parallel_loop3A_223 : vector<16xf32>
        %parallel_loop3A_225 = arith.constant true
        %parallel_loop3A_226 = vector.broadcast %parallel_loop3A_225 : i1 to vector<16xi1>
        %parallel_loop3A_227 = tpu.scan <max>, %parallel_loop3A_224 masked %parallel_loop3A_226 : vector<16xf32>, vector<16xi1> -> vector<16xf32>
        %parallel_loop3A_228 = vector.extract %parallel_loop3A_227[15] : f32 from vector<16xf32>
        %parallel_loop3A_229 = vector.broadcast %parallel_loop3A_228 : f32 to vector<16xf32>
        %parallel_loop3A_230 = arith.cmpf oeq, %parallel_loop3A_224, %parallel_loop3A_229 : vector<16xf32>
        %parallel_loop3A_231 = tpu.all_reduce %parallel_loop3A_230 {dim = 0 : i64, kind = #tpu.reduction_kind<find_first_set>} : vector<16xi1> -> vector<16xi32>
        %parallel_loop3A_232 = arith.cmpi eq, %iota3A, %parallel_loop3A_231 : vector<16xi32>
        %parallel_loop3A_233 = arith.constant 0.000000e+00 : f32
        %parallel_loop3A_234 = vector.broadcast %parallel_loop3A_233 : f32 to vector<16xf32>
        %parallel_loop3A_235 = arith.select %parallel_loop3A_232, %parallel_loop3A_223, %parallel_loop3A_234 : vector<16xi1>, vector<16xf32>
        %parallel_loop3A_236 = arith.constant 1 : i32
        %parallel_loop3A_237 = arith.index_cast %parallel_loop3A_236 : i32 to index
        %parallel_loop3A_238 = arith.index_cast %parallel_loop3A_219 : i32 to index
        %parallel_loop3A_239 = tpu.vector_load %arg9[%parallel_loop3A_237, %parallel_loop3A_238] {strides = array<i32>} : memref<4x4096xf32, #tpu.memory_space<vmem>>, vector<16xf32>,
        tpu.vector_store %arg9[%parallel_loop3A_237, %parallel_loop3A_238], %parallel_loop3A_235 {strides = array<i32>} : memref<4x4096xf32, #tpu.memory_space<vmem>>, vector<16xf32>,
      } {sc.loop_unroll_factor = 16 : i64, sc.parallel_access}
      %parallel_loop3A_197 = arith.constant 0 : i32
      %parallel_loop3A_198 = arith.constant 4096 : i32
      %parallel_loop3A_199 = arith.constant 16 : i32
      scf.for %parallel_loop3A_219 = %parallel_loop3A_197 to %parallel_loop3A_198 step %parallel_loop3A_199  : i32 {
        %parallel_loop3A_220 = arith.constant 2 : i32
        %parallel_loop3A_221 = arith.index_cast %parallel_loop3A_220 : i32 to index
        %parallel_loop3A_222 = arith.index_cast %parallel_loop3A_219 : i32 to index
        %parallel_loop3A_223 = tpu.vector_load %arg6[%parallel_loop3A_221, %parallel_loop3A_222] {strides = array<i32>} : memref<4x4096xf32, #tpu.memory_space<vmem>>, vector<16xf32>,
        %parallel_loop3A_224 = math.absf %parallel_loop3A_223 : vector<16xf32>
        %parallel_loop3A_225 = arith.constant true
        %parallel_loop3A_226 = vector.broadcast %parallel_loop3A_225 : i1 to vector<16xi1>
        %parallel_loop3A_227 = tpu.scan <max>, %parallel_loop3A_224 masked %parallel_loop3A_226 : vector<16xf32>, vector<16xi1> -> vector<16xf32>
        %parallel_loop3A_228 = vector.extract %parallel_loop3A_227[15] : f32 from vector<16xf32>
        %parallel_loop3A_229 = vector.broadcast %parallel_loop3A_228 : f32 to vector<16xf32>
        %parallel_loop3A_230 = arith.cmpf oeq, %parallel_loop3A_224, %parallel_loop3A_229 : vector<16xf32>
        %parallel_loop3A_231 = tpu.all_reduce %parallel_loop3A_230 {dim = 0 : i64, kind = #tpu.reduction_kind<find_first_set>} : vector<16xi1> -> vector<16xi32>
        %parallel_loop3A_232 = arith.cmpi eq, %iota3A, %parallel_loop3A_231 : vector<16xi32>
        %parallel_loop3A_233 = arith.constant 0.000000e+00 : f32
        %parallel_loop3A_234 = vector.broadcast %parallel_loop3A_233 : f32 to vector<16xf32>
        %parallel_loop3A_235 = arith.select %parallel_loop3A_232, %parallel_loop3A_223, %parallel_loop3A_234 : vector<16xi1>, vector<16xf32>
        %parallel_loop3A_236 = arith.constant 2 : i32
        %parallel_loop3A_237 = arith.index_cast %parallel_loop3A_236 : i32 to index
        %parallel_loop3A_238 = arith.index_cast %parallel_loop3A_219 : i32 to index
        %parallel_loop3A_239 = tpu.vector_load %arg9[%parallel_loop3A_237, %parallel_loop3A_238] {strides = array<i32>} : memref<4x4096xf32, #tpu.memory_space<vmem>>, vector<16xf32>,
        tpu.vector_store %arg9[%parallel_loop3A_237, %parallel_loop3A_238], %parallel_loop3A_235 {strides = array<i32>} : memref<4x4096xf32, #tpu.memory_space<vmem>>, vector<16xf32>,
      } {sc.loop_unroll_factor = 16 : i64, sc.parallel_access}
      %parallel_loop3A_200 = arith.constant 0 : i32
      %parallel_loop3A_201 = arith.constant 4096 : i32
      %parallel_loop3A_202 = arith.constant 16 : i32
      scf.for %parallel_loop3A_219 = %parallel_loop3A_200 to %parallel_loop3A_201 step %parallel_loop3A_202  : i32 {
        %parallel_loop3A_220 = arith.constant 3 : i32
        %parallel_loop3A_221 = arith.index_cast %parallel_loop3A_220 : i32 to index
        %parallel_loop3A_222 = arith.index_cast %parallel_loop3A_219 : i32 to index
        %parallel_loop3A_223 = tpu.vector_load %arg6[%parallel_loop3A_221, %parallel_loop3A_222] {strides = array<i32>} : memref<4x4096xf32, #tpu.memory_space<vmem>>, vector<16xf32>,
        %parallel_loop3A_224 = math.absf %parallel_loop3A_223 : vector<16xf32>
        %parallel_loop3A_225 = arith.constant true
        %parallel_loop3A_226 = vector.broadcast %parallel_loop3A_225 : i1 to vector<16xi1>
        %parallel_loop3A_227 = tpu.scan <max>, %parallel_loop3A_224 masked %parallel_loop3A_226 : vector<16xf32>, vector<16xi1> -> vector<16xf32>
        %parallel_loop3A_228 = vector.extract %parallel_loop3A_227[15] : f32 from vector<16xf32>
        %parallel_loop3A_229 = vector.broadcast %parallel_loop3A_228 : f32 to vector<16xf32>
        %parallel_loop3A_230 = arith.cmpf oeq, %parallel_loop3A_224, %parallel_loop3A_229 : vector<16xf32>
        %parallel_loop3A_231 = tpu.all_reduce %parallel_loop3A_230 {dim = 0 : i64, kind = #tpu.reduction_kind<find_first_set>} : vector<16xi1> -> vector<16xi32>
        %parallel_loop3A_232 = arith.cmpi eq, %iota3A, %parallel_loop3A_231 : vector<16xi32>
        %parallel_loop3A_233 = arith.constant 0.000000e+00 : f32
        %parallel_loop3A_234 = vector.broadcast %parallel_loop3A_233 : f32 to vector<16xf32>
        %parallel_loop3A_235 = arith.select %parallel_loop3A_232, %parallel_loop3A_223, %parallel_loop3A_234 : vector<16xi1>, vector<16xf32>
        %parallel_loop3A_236 = arith.constant 3 : i32
        %parallel_loop3A_237 = arith.index_cast %parallel_loop3A_236 : i32 to index
        %parallel_loop3A_238 = arith.index_cast %parallel_loop3A_219 : i32 to index
        %parallel_loop3A_239 = tpu.vector_load %arg9[%parallel_loop3A_237, %parallel_loop3A_238] {strides = array<i32>} : memref<4x4096xf32, #tpu.memory_space<vmem>>, vector<16xf32>,
        tpu.vector_store %arg9[%parallel_loop3A_237, %parallel_loop3A_238], %parallel_loop3A_235 {strides = array<i32>} : memref<4x4096xf32, #tpu.memory_space<vmem>>, vector<16xf32>,
      } {sc.loop_unroll_factor = 16 : i64, sc.parallel_access}
      %mul3A_203 = arith.constant 4 : i32
      %mul3A_204 = arith.muli %add3A_176, %mul3A_203 : i32
      %add3A_205 = arith.addi %mul3A_32, %mul3A_204 : i32
      %dma_start3A_206 = arith.constant 0 : i32
      %dma_start3A_207 = tpu.memref_slice %arg3[%select_n3A, %add3A_205, %dma_start3A_206] : memref<4x768x4096xf32, #tpu.memory_space<hbm>> -> memref<1x4x4096xf32, #tpu.memory_space<hbm>>
      %dma_start3A_208 = tpu.memref_squeeze %dma_start3A_207 : memref<1x4x4096xf32, #tpu.memory_space<hbm>> -> memref<4x4096xf32, #tpu.memory_space<hbm>>
      %dma_start3A_209 = arith.constant 0 : i32
      %dma_start3A_210 = tpu.memref_slice %arg3[%select_n3A, %add3A_205, %dma_start3A_209] : memref<4x768x4096xf32, #tpu.memory_space<hbm>> -> memref<1x4x4096xf32, #tpu.memory_space<hbm>>
      %dma_start3A_211 = tpu.memref_squeeze %dma_start3A_210 : memref<1x4x4096xf32, #tpu.memory_space<hbm>> -> memref<4x4096xf32, #tpu.memory_space<hbm>>
      tpu.enqueue_dma source(%arg9 : memref<4x4096xf32, #tpu.memory_space<vmem>>) target(%dma_start3A_211 : memref<4x4096xf32, #tpu.memory_space<hbm>>) target_semaphore(%arg15 : memref<!tpu.dma_semaphore, #tpu.memory_space<semaphore_mem>>)
      %add3A_212 = arith.constant 3 : i32
      %add3A_213 = arith.addi %add3A_176, %add3A_212 : i32
      %lt3A_214 = arith.constant 24 : i32
      %lt3A_215 = arith.cmpi slt, %add3A_213, %lt3A_214 : i32
      %convert_element_type3A_216 = arith.extui %lt3A_215 : i1 to i32
      %cond3A_217 = arith.constant 0 : i32
      %cond3A_218 = arith.cmpi ne, %convert_element_type3A_216, %cond3A_217 : i32
      scf.if %cond3A_218 {
        %add3A_219 = arith.constant 3 : i32
        %add3A_220 = arith.addi %add3A_176, %add3A_219 : i32
        %mul3A_221 = arith.constant 4 : i32
        %mul3A_222 = arith.muli %add3A_220, %mul3A_221 : i32
        %add3A_223 = arith.addi %mul3A_32, %mul3A_222 : i32
        %dma_start3A_224 = arith.constant 0 : i32
        %dma_start3A_225 = tpu.memref_slice %arg2[%select_n3A, %add3A_223, %dma_start3A_224] : memref<4x768x4096xf32, #tpu.memory_space<hbm>> -> memref<1x4x4096xf32, #tpu.memory_space<hbm>>
        %dma_start3A_226 = tpu.memref_squeeze %dma_start3A_225 : memref<1x4x4096xf32, #tpu.memory_space<hbm>> -> memref<4x4096xf32, #tpu.memory_space<hbm>>
        %dma_start3A_227 = arith.constant 0 : i32
        %dma_start3A_228 = tpu.memref_slice %arg2[%select_n3A, %add3A_223, %dma_start3A_227] : memref<4x768x4096xf32, #tpu.memory_space<hbm>> -> memref<1x4x4096xf32, #tpu.memory_space<hbm>>
        %dma_start3A_229 = tpu.memref_squeeze %dma_start3A_228 : memref<1x4x4096xf32, #tpu.memory_space<hbm>> -> memref<4x4096xf32, #tpu.memory_space<hbm>>
        tpu.enqueue_dma source(%dma_start3A_229 : memref<4x4096xf32, #tpu.memory_space<hbm>>) target(%arg6 : memref<4x4096xf32, #tpu.memory_space<vmem>>) target_semaphore(%arg12 : memref<!tpu.dma_semaphore, #tpu.memory_space<semaphore_mem>>)
      } else {
      }
    }
    %scan3A_60 = arith.constant 8 : i32
    %add3A_61 = arith.constant 84 : i32
    %add3A_62 = arith.addi %mul3A_32, %add3A_61 : i32
    %dma_wait3A = arith.constant 0 : i32
    %dma_wait3A_63 = tpu.memref_slice %arg3[%select_n3A, %add3A_62, %dma_wait3A] : memref<4x768x4096xf32, #tpu.memory_space<hbm>> -> memref<1x4x4096xf32, #tpu.memory_space<hbm>>
    %dma_wait3A_64 = tpu.memref_squeeze %dma_wait3A_63 : memref<1x4x4096xf32, #tpu.memory_space<hbm>> -> memref<4x4096xf32, #tpu.memory_space<hbm>>
    %dma_wait3A_65 = arith.constant 0 : i32
    %dma_wait3A_66 = tpu.memref_slice %arg3[%select_n3A, %add3A_62, %dma_wait3A_65] : memref<4x768x4096xf32, #tpu.memory_space<hbm>> -> memref<1x4x4096xf32, #tpu.memory_space<hbm>>
    %dma_wait3A_67 = tpu.memref_squeeze %dma_wait3A_66 : memref<1x4x4096xf32, #tpu.memory_space<hbm>> -> memref<4x4096xf32, #tpu.memory_space<hbm>>
    tpu.wait_dma2 semaphore(%arg13 : memref<!tpu.dma_semaphore, #tpu.memory_space<semaphore_mem>>) src(%arg7 : memref<4x4096xf32, #tpu.memory_space<vmem>>) dst(%dma_wait3A_67 : memref<4x4096xf32, #tpu.memory_space<hbm>>)
    %add3A_68 = arith.constant 88 : i32
    %add3A_69 = arith.addi %mul3A_32, %add3A_68 : i32
    %dma_wait3A_70 = arith.constant 0 : i32
    %dma_wait3A_71 = tpu.memref_slice %arg3[%select_n3A, %add3A_69, %dma_wait3A_70] : memref<4x768x4096xf32, #tpu.memory_space<hbm>> -> memref<1x4x4096xf32, #tpu.memory_space<hbm>>
    %dma_wait3A_72 = tpu.memref_squeeze %dma_wait3A_71 : memref<1x4x4096xf32, #tpu.memory_space<hbm>> -> memref<4x4096xf32, #tpu.memory_space<hbm>>
    %dma_wait3A_73 = arith.constant 0 : i32
    %dma_wait3A_74 = tpu.memref_slice %arg3[%select_n3A, %add3A_69, %dma_wait3A_73] : memref<4x768x4096xf32, #tpu.memory_space<hbm>> -> memref<1x4x4096xf32, #tpu.memory_space<hbm>>
    %dma_wait3A_75 = tpu.memref_squeeze %dma_wait3A_74 : memref<1x4x4096xf32, #tpu.memory_space<hbm>> -> memref<4x4096xf32, #tpu.memory_space<hbm>>
    tpu.wait_dma2 semaphore(%arg14 : memref<!tpu.dma_semaphore, #tpu.memory_space<semaphore_mem>>) src(%arg8 : memref<4x4096xf32, #tpu.memory_space<vmem>>) dst(%dma_wait3A_75 : memref<4x4096xf32, #tpu.memory_space<hbm>>)
    %add3A_76 = arith.constant 92 : i32
    %add3A_77 = arith.addi %mul3A_32, %add3A_76 : i32
    %dma_wait3A_78 = arith.constant 0 : i32
    %dma_wait3A_79 = tpu.memref_slice %arg3[%select_n3A, %add3A_77, %dma_wait3A_78] : memref<4x768x4096xf32, #tpu.memory_space<hbm>> -> memref<1x4x4096xf32, #tpu.memory_space<hbm>>
    %dma_wait3A_80 = tpu.memref_squeeze %dma_wait3A_79 : memref<1x4x4096xf32, #tpu.memory_space<hbm>> -> memref<4x4096xf32, #tpu.memory_space<hbm>>
    %dma_wait3A_81 = arith.constant 0 : i32
    %dma_wait3A_82 = tpu.memref_slice %arg3[%select_n3A, %add3A_77, %dma_wait3A_81] : memref<4x768x4096xf32, #tpu.memory_space<hbm>> -> memref<1x4x4096xf32, #tpu.memory_space<hbm>>
    %dma_wait3A_83 = tpu.memref_squeeze %dma_wait3A_82 : memref<1x4x4096xf32, #tpu.memory_space<hbm>> -> memref<4x4096xf32, #tpu.memory_space<hbm>>
    tpu.wait_dma2 semaphore(%arg15 : memref<!tpu.dma_semaphore, #tpu.memory_space<semaphore_mem>>) src(%arg9 : memref<4x4096xf32, #tpu.memory_space<vmem>>) dst(%dma_wait3A_83 : memref<4x4096xf32, #tpu.memory_space<hbm>>)
    return
  }
}

</mosaic_0001>

<sc_bundles>
// kernel: kernel.3.cloned.1.call-start
scs
__scs_entry_jumppad:
0x0: {  	(pc) =	sbr.rel $0x88, $3  }
0x1: {  	(tag) =	ssettag $0x0;
	lr =	simm.s32 $0x1  }
0x2: {  	[smem:$0x3FA0] =	sst lr;
	_ =	strace $0xD0000000  }
0x3: {  	_ = 	snop  }
0x4: {  	_ = 	snop  }
0x5: {  	_ = 	snop  }
0x6: {  	_ = 	snop  }
0x7: {  	_ = 	snop  }
__scs_overlays_trampoline_lowered:
0x8: {  	[smem:$0x3FAF] =	sst s0  }
0x9: {  	[smem:$0x3FB0] =	sst s1  }
0xa: {  	[smem:$0x3FB1] =	sst s2  }
0xb: {  	[smem:$0x3FB2] =	sst s3  }
0xc: {  	[smem:$0x3FB3] =	sst s4  }
0xd: {  	[smem:$0x3FB4] =	sst s5  }
0xe: {  	[smem:$0x3FB5] =	sst s6  }
0xf: {  	[smem:$0x3FB6] =	sst s7  }
0x10: {  	[smem:$0x3FB7] =	sst s8  }
0x11: {  	[smem:$0x3FB8] =	sst s9;
	s0 =	simm.s32 @!p0 $0x0  }
0x12: {  	s1 =	sld [smem:$0x3F9E];
	s0 =	simm.s32 @p0 $0x1  }
0x13: {  	[smem:$0x3FB9] =	sst s0;
	s0 =	simm.s32 @!p1 $0x0  }
0x14: {  	s2 =	sld [smem:$0x3F9D];
	s0 =	simm.s32 @p1 $0x1  }
0x15: {  	[smem:$0x3FBA] =	sst s0;
	s0 =	simm.s32 @!p2 $0x0  }
0x16: {  	s3 =	sld [smem:$0x3FDB];
	s0 =	simm.s32 @p2 $0x1  }
0x17: {  	s4 =	simm.s32 $0x1BF5;
	[smem:$0x3FBC] =	sst s0  }
0x18: {  	s0 =	sld [smem:$0x3F9F];
	_ =	swait.ge [sflag:s4], $0x0  }
0x19: {  	s7 =	sld [smem:$0x3FA0]  }
0x1a: {  	s8 =	sadd.s32 $0xFFFFE003, lr  }
0x1b: {  	s9 =	sadd.s32 $0xFFFFFEF7, lr;
	s5 =	simm.s32 $0xFFFFFFFF;
	p2 =	slt.u32 s8, $0xFFFFF086  }
0x1c: {  	p1 =	slt.u32 s9, $0xF7A;
	s5 =	simm.s32 @!p2 $0x0  }
0x1d: {  	s5 =	simm.s32 @p1 $0x1;
	p0 =	seq.s32 s7, s2  }
0x1e: {  	s7 =	smul.u32 @!p0 $0xF7A, s2;
	p2 =	seq.s32 @!p0 s5, $0x0  }
0x1f: {  	s9 =	smul.u32 $0xF7A, s1;
	s8 =	simm.s32 @!p0 $0x1BF5;
	p2 =	por !p2, p0  }
0x20: {  	[sflag:s8] =	ssyncset.s32 @!p0 $0xFFFFF086;
	s6 =	sadd.s32 @!p0 s3, s7;
	s7 =	simm.s32 @!p0 $0x108  }
0x21: {  	s3 =	sadd.s32 s3, s9;
	s6 =	sadd.s32 @!p0 $0x88, s6;
	s7 =	simm.s32 @p2 $0x1082  }
0x22: {  	[simem:s7], [sflag:s8] =	dma.local @!p0 [hbm:s6], $0xF7A  }
0x23: {  	s9 =	sor.u32 $0xD0000000, s2;
	s6 =	simm.s32 $0x108;
	_ =	swait.ge @!p0 [sflag:s8], $0x0  }
0x24: {  	s3 =	sadd.s32 $0x88, s3;
	s6 =	simm.s32 @!p1 $0x1082;
	[sflag:s4] =	ssyncset.s32 $0xFFFFF086  }
0x25: {  	[simem:s6], [sflag:s4] =	dma.local [hbm:s3], $0xF7A  }
0x26: {  	[smem:$0x3FA0] =	sst s1;
	(tag) =	ssettag s2;
	_ =	strace s9  }
0x27: {  	s1 =	sld [smem:$0x3FB0]  }
0x28: {  	s2 =	sld [smem:$0x3FB1]  }
0x29: {  	s4 =	sld [smem:$0x3FB3]  }
0x2a: {  	p0 =	seq.s32 s5, $0x0;
	s5 =	sld [smem:$0x3FB4]  }
0x2b: {  	s6 =	sld [smem:$0x3FB5]  }
0x2c: {  	s7 =	sld [smem:$0x3FB6]  }
0x2d: {  	s3 =	simm.s32 $0x108;
	s8 =	sld [smem:$0x3FB7]  }
0x2e: {  	s3 =	simm.s32 @!p0 $0x1082;
	s9 =	sld [smem:$0x3FB8]  }
0x2f: {  	lr =	sadd.s32 s0, s3;
	s0 =	sld [smem:$0x3FAF]  }
0x30: {  	s3 =	sld [smem:$0x3FB2]  }
0x31: {  	[smem:$0x3FBB] =	sst s10  }
0x32: {  	s10 =	sld [smem:$0x3FB9];
	_ =	sdelay $0x3  }
0x33: {  	p0 =	seq.s32 s10, $0x1;
	s10 =	sld [smem:$0x3FBB];
	_ =	sdelay $0x3  }
0x34: {  	[smem:$0x3FBB] =	sst s10  }
0x35: {  	s10 =	sld [smem:$0x3FBA];
	_ =	sdelay $0x3  }
0x36: {  	p1 =	seq.s32 s10, $0x1;
	s10 =	sld [smem:$0x3FBB];
	_ =	sdelay $0x3  }
0x37: {  	[smem:$0x3FBB] =	sst s10  }
0x38: {  	s10 =	sld [smem:$0x3FBC]  }
0x39: {  	_ = 	snop;
	(pc) =	sbr.ind lr, $3  }
0x3a: {  	_ = 	snop  }
0x3b: {  	_ = 	snop  }
0x3c: {  	p2 =	seq.s32 s10, $0x1;
	s10 =	sld [smem:$0x3FBB]  }
0x3d: {  	_ =	shalt  }
0x3e: {  	_ =	shalt  }
0x3f: {  	_ =	shalt  }
0x40: {  	_ =	shalt  }
0x41: {  	_ =	shalt  }
0x42: {  	_ =	shalt  }
0x43: {  	_ =	shalt  }
0x44: {  	_ =	shalt  }
0x45: {  	_ =	shalt  }
0x46: {  	_ =	shalt  }
0x47: {  	_ =	shalt  }
0x48: {  	_ =	shalt  }
0x49: {  	_ =	shalt  }
0x4a: {  	_ =	shalt  }
0x4b: {  	_ =	shalt  }
0x4c: {  	_ =	shalt  }
0x4d: {  	_ =	shalt  }
0x4e: {  	_ =	shalt  }
0x4f: {  	_ =	shalt  }
0x50: {  	_ =	shalt  }
0x51: {  	_ =	shalt  }
0x52: {  	_ =	shalt  }
0x53: {  	_ =	shalt  }
0x54: {  	_ =	shalt  }
0x55: {  	_ =	shalt  }
0x56: {  	_ =	shalt  }
0x57: {  	_ =	shalt  }
0x58: {  	_ =	shalt  }
0x59: {  	_ =	shalt  }
0x5a: {  	_ =	shalt  }
0x5b: {  	_ =	shalt  }
0x5c: {  	_ =	shalt  }
0x5d: {  	_ =	shalt  }
0x5e: {  	_ =	shalt  }
0x5f: {  	_ =	shalt  }
0x60: {  	_ =	shalt  }
0x61: {  	_ =	shalt  }
0x62: {  	_ =	shalt  }
0x63: {  	_ =	shalt  }
0x64: {  	_ =	shalt  }
0x65: {  	_ =	shalt  }
0x66: {  	_ =	shalt  }
0x67: {  	_ =	shalt  }
0x68: {  	_ =	shalt  }
0x69: {  	_ =	shalt  }
0x6a: {  	_ =	shalt  }
0x6b: {  	_ =	shalt  }
0x6c: {  	_ =	shalt  }
0x6d: {  	_ =	shalt  }
0x6e: {  	_ =	shalt  }
0x6f: {  	_ =	shalt  }
0x70: {  	_ =	shalt  }
0x71: {  	_ =	shalt  }
0x72: {  	_ =	shalt  }
0x73: {  	_ =	shalt  }
0x74: {  	_ =	shalt  }
0x75: {  	_ =	shalt  }
0x76: {  	_ =	shalt  }
0x77: {  	_ =	shalt  }
0x78: {  	_ =	shalt  }
0x79: {  	_ =	shalt  }
0x7a: {  	_ =	shalt  }
0x7b: {  	_ =	shalt  }
0x7c: {  	_ =	shalt  }
0x7d: {  	_ =	shalt  }
0x7e: {  	_ =	shalt  }
0x7f: {  	_ =	shalt  }
0x80: {  	_ =	shalt  }
0x81: {  	_ =	shalt  }
0x82: {  	_ =	shalt  }
0x83: {  	_ =	shalt  }
0x84: {  	_ =	shalt  }
0x85: {  	_ =	shalt  }
0x86: {  	_ =	shalt  }
0x87: {  	_ =	shalt  }
.Lfunc_end0:
.L_simem_size_0:
called_computation_lowered:
.L_overlay_start_0:
0x88: {  	s2 =	sld [smem:$0x3FD9]  }
0x89: {  	s3 =	sld [smem:$0x3FFE];
	_ =	sdelay $0x1  }
0x8a: {  	s1 =	srdreg.scid  }
0x8b: {  	s0 =	sand.u32 $0x1, s1  }
0x8c: {  	s18 =	sshll.u32 s0, $0xA;
	s2 =	sadd.s32 s3, s2  }
0x8d: {  	s2 =	sadd.s32 s2, s18  }
0x8e: {  	[smem:$0x3FC7] =	sst s2  }
0x8f: {  	_ = 	snop  }
0x90: {  	s2 =	sld [smem:$0x3FC9]  }
0x91: {  	s19 =	sld [smem:$0x3FD0];
	(tm) =	ssettm $0x1  }
0x92: {  	s4 =	sld [smem:$0x3FFB];
	_ =	sdelay $0x3  }
0x93: {  	_ =	strace s4  }
0x94: {  	s4 =	sld [smem:$0x3FFC];
	_ =	sdelay $0x3  }
0x95: {  	_ =	strace s4  }
0x96: {  	s4 =	sld [smem:$0x3FFD];
	_ =	sdelay $0x3  }
0x97: {  	_ =	strace s4  }
0x98: {  	_ =	strace $0x8FFFFFFF  }
0x99: {  	s20 =	sld [smem:$0x3FDB];
	_ =	sdelay $0x1  }
0x9a: {  	s5 =	simm.s32 $_scs_section_size  }
0x9b: {  	s6 =	simm.s32 $_size__tile_overlayer_lowered;
	s7 =	simm.s32 $_tile_overlayer_lowered  }
0x9c: {  	s23 =	simm.s32 $0x1BFF;
	s22 =	sshll.u32 s7, $0x1;
	s4 =	sadd.s32 s5, s20  }
0x9d: {  	s8 =	simm.s32 $0x0;
	s21 =	sshll.u32 s6, $0x1;
	s6 =	sadd.s32 s22, s4  }
0x9e: {  	[timem:s8], [sflag:s23] =	dma.local [hbm:s6], s21  }
0x9f: {  	_ =	swait.ge [sflag:s23], s21  }
0xa0: {  	s5 =	ssub.s32 $0x0, s21;
	[sflag:s23] =	ssyncset.done $0x0  }
0xa1: {  	[sflag:s23] =	ssyncadd.s32 s5;
	_ =	sdelay $0x1  }
0xa2: {  	s24 =	simm.s32 $0x1B8B  }
0xa3: {  	_ =	swait.ge [sflag:s24], $0x1  }
0xa4: {  	[sflag:s24] =	ssyncset.done $0x0  }
0xa5: {  	s25 =	simm.s32 $0x1B8E;
	[sflag:s24] =	ssyncadd.s32 $0xFFFFFFFF  }
0xa6: {  	s26 =	simm.s32 $execute0_lowered;
	[smem:$0x3FD2] =	sst s25  }
0xa7: {  	s5 =	sshll.u32 s26, $0x1;
	_ =	strace $0x80000046;
	[dreg:$0x1] =	wrdreg $0xFFFFFFFF  }
0xa8: {  	s28 =	simm.s32 $_size_execute0_lowered;
	s4 =	sadd.s32 s4, s5;
	[dreg:$0x0] =	wrdreg $0x0  }
0xa9: {  	s5 =	sshll.u32 s28, $0x1;
	[dreg:$0x2] =	wrdreg s4  }
0xaa: {  	[dreg:$0x3] =	wrdreg s5  }
0xab: {  	[dreg:$0x4] =	wrdreg $0xC0  }
0xac: {  	_ =	task [dreg:s8], $0x5FFFF  }
0xad: {  	[dreg:$0x1] =	wrdreg $0xFFFFFFFF  }
0xae: {  	[dreg:$0x0] =	wrdreg $0x60  }
0xaf: {  	[dreg:$0x2] =	wrdreg s2  }
0xb0: {  	[dreg:$0x3] =	wrdreg s19  }
0xb1: {  	[dreg:$0x4] =	wrdreg $0x9  }
0xb2: {  	_ =	task.clear_ibuf [dreg:s8], $0x5FFFF;
	_ =	strace $0x90000046  }
0xb3: {  	s29 =	simm.s32 $0x9;
	_ =	strace $0x80000048  }
0xb4: {  	_ =	swait.ge [sflag:s29], $0x1  }
0xb5: {  	[sflag:s29] =	ssyncadd.s32 $0xFFFFFFFF  }
0xb6: {  	_ =	strace $0x90000048  }
0xb7: {  	_ =	sfence  }
0xb8: {  	s30 =	sld [smem:$0x0];
	_ =	sdelay $0x2  }
0xb9: {  	s31 =	sshll.u32 s1, $0xD;
	s1 =	sshrl.u32 s1, $0x2  }
0xba: {  	s3 =	sand.u32 $0x4000, s31;
	s1 =	sadd.s32 s1, s30  }
0xbb: {  	s0 =	sor.u32 s3, s0;
	s1 =	sshll.u32 s1, $0x11  }
0xbc: {  	s0 =	sor.u32 s1, s0  }
0xbd: {  	s0 =	sadd.s32 $0x8F2B, s0  }
0xbe: {  	[sflag:s0] =	ssyncadd.remote.s32 $0x1  }
0xbf: {  	_ =	sfence.sel $0xFFFF  }
0xc0: {  	[dreg:$0x0] =	wrdreg $0xFFFFFFFF;
	(pc) =	sbr.abs _section_cstart, $3  }
0xc1: {  	[dreg:$0x1] =	wrdreg $0xFFFFFFFF  }
0xc2: {  	_ =	task.clear_ibuf [dreg:s8], $0x2FFFF;
	_ =	strace $0x9FFFFFFF  }
0xc3: {  	(tm) =	ssettm $0x7FFFFFFF  }
tec
execute0_lowered:
.L_overlay_start_1:
0x0: {  	(tag) =	ssettag $0x1  }
0x1: {  	s2 =	stileid.u32  }
0x2: {  	s0 =	srdreg.scid;
	s4 =	rddreg [dreg:$0x1]  }
0x3: {  	s6 =	simm.s32 $0x0;
	s14 =	simm.s32 $0x200;
	s15 =	simm.s32 $0x400  }
0x4: {  	s17 =	simm.s32 $0x8000;
	s18 =	simm.s32 $0x1;
	s19 =	simm.s32 $0xC000  }
0x5: {  	s20 =	simm.s32 $0x2;
	s21 =	simm.s32 $0x10000;
	s22 =	simm.s32 $0x3  }
0x6: {  	s23 =	simm.s32 $0x14000;
	s25 =	simm.s32 $0x5;
	s1 =	sshll.u32 s2, $0x1  }
0x7: {  	s0 =	sand.u32 $0x1, s0;
	s3 =	sshrl.u32 s2, $0x2;
	s1 =	sand.u32 $0x6, s1  }
0x8: {  	s26 =	simm.s32 $0x6;
	s3 =	smul.u32 $0x300000, s3;
	s1 =	sor.u32 s0, s1  }
0x9: {  	[smem:$0x7FF] =	sst s6;
	s0 =	ssub.s32 $0x2, s0;
	s5 =	smul.u32 $0x60000, s1  }
0xa: {  	s2 =	rddreg [dreg:$0x0];
	_ =	strace $0x80000047;
	s8 =	sshrl.u32 s0, $0x1  }
0xb: {  	s7 =	smul.u32 $0x60, s1;
	s0 =	ssub.s32 s0, s8;
	s29 =	sadd.s32 s3, s5  }
.Ltmp0:
0xc: {  	s0 =	smax.u32 s0, $0x1;
	s9 =	sshrl.u32 s29, $0x3;
	(pc) =	sbr.rel .LBB2_1-.Ltmp0, $4  }
0xd: {  	s30 =	sor.u32 $0x8000, s29;
	[dreg:$0x6] =	wrdreg s0;
	s9 =	sadd.s32 s2, s9  }
0xe: {  	s1 =	sshrl.u32 s30, $0x3;
	[dreg:$0x3] =	wrdreg s9;
	s31 =	sadd.s32 $0x40, s9  }
0xf: {  	s28 =	simm.s32 $0x0;
	s1 =	sadd.s32 s2, s1;
	[dreg:$0x4] =	wrdreg s31  }
0x10: {  	v0 =	vlaneseq.u32;
	s11 =	sor.u32 $0x10, s7;
	s12 =	sor.u32 $0x8000, s5;
	[dreg:$0x5] =	wrdreg s1  }
.LBB2_52:
0x11: {  	s0 =	simm.s32 $0x4  }
0x12: {  	_ =	swait.ge [sflag:s0], $0x4000  }
0x13: {  	[sflag:s0] =	ssyncset.done $0x0  }
0x14: {  	[sflag:s0] =	ssyncadd.s32 $0xFFFFC000  }
0x15: {  	_ =	swait.ge [sflag:s25], $0x4000  }
0x16: {  	[sflag:s25] =	ssyncset.done $0x0  }
0x17: {  	[sflag:s25] =	ssyncadd.s32 $0xFFFFC000  }
0x18: {  	_ =	swait.ge [sflag:s26], $0x4000  }
0x19: {  	s28 =	sadd.s32 $0x1, s28;
	s31 =	rddreg [dreg:$0x6]  }
0x1a: {  	p0 =	sne.s32 s28, s31  }
.Ltmp1:
0x1b: {  	_ = 	snop;
	(pc) =	sbr.rel @!p0 .LBB2_53-.Ltmp1, $3  }
0x1c: {  	_ =	sdelay $0x1  }
0x1d: {  	[sflag:s26] =	ssyncset.done $0x0  }
0x1e: {  	[sflag:s26] =	ssyncadd.s32 $0xFFFFC000  }
.LBB2_1:
0x1f: {  	s0 =	simm.s32 $0x0;
	s1 =	rddreg [dreg:$0x3]  }
0x20: {  	[tilespmem:s0], [sflag:$0x1] =	stream.strided.gather [hbm4b:s1+s14], $0x4000, s15, s14, $0x38;
	[tilespmem:$0x18000] =	vst v63  }
0x21: {  	s24 =	rddreg [dreg:$0x4];
	s30 =	simm.s32 $0x4000  }
0x22: {  	[tilespmem:s30], [sflag:$0x2] =	stream.strided.gather [hbm4b:s24+s14], $0x4000, s15, s14, $0x38;
	[tilespmem:$0x18000] =	vst v63  }
0x23: {  	s31 =	rddreg [dreg:$0x5];
	s29 =	simm.s32 $0x0  }
0x24: {  	[tilespmem:s17], [sflag:$0x3] =	stream.strided.gather [hbm4b:s31+s14], $0x4000, s15, s14, $0x38;
	[tilespmem:$0x18000] =	vst v63  }
.LBB2_2:
0x25: {  	_ =	swait.ge [sflag:s18], $0x4000  }
0x26: {  	p0 =	seq.s32 s29, $0x0;
	[sflag:s18] =	ssyncset.done $0x0  }
0x27: {  	s0 =	simm.s32 @!p0 $0x4;
	[sflag:s18] =	ssyncadd.s32 $0xFFFFC000  }
0x28: {  	_ =	swait.ge @!p0 [sflag:s0], $0x4000  }
0x29: {  	[sflag:s0] =	ssyncset.done @!p0 $0x0  }
0x2a: {  	s13 =	simm.s32 $0x200;
	[sflag:s0] =	ssyncadd.s32 @!p0 $0xFFFFC000  }
0x2b: {  	v1 =	vld [tilespmem:s13+$0xFFFFFE20];
	_ =	sdelay $0x1  }
0x2c: {  	v4 =	vld [tilespmem:s13+$0x50];
	_ =	sdelay $0x2  }
0x2d: {  	v2 =	vld [tilespmem:s13+$0x70];
	v6 =	vand.u32 $0x7FFFFFFF, v1  }
0x2e: {  	v5 =	vld [tilespmem:s13+$0x30];
	(xrf0) =	vmax.scan.msk.f32 $0xffff, v6  }
0x2f: {  	v9 =	vld [tilespmem:s13+$0x20];
	v11 =	vand.u32 $0x7FFFFFFF, v4  }
0x30: {  	v3 =	vld [tilespmem:s13+$0x60];
	(xrf0) =	vmax.scan.msk.f32 $0xffff, v11  }
0x31: {  	v7 =	vld [tilespmem:s13+$0x40]  }
0x32: {  	v10 =	vld [tilespmem:s13+$0xFFFFFE00];
	v15 =	vand.u32 $0x7FFFFFFF, v2  }
0x33: {  	v13 =	vld [tilespmem:s13+$0x0];
	v16 =	vand.u32 $0x7FFFFFFF, v5;
	(xrf0) =	vmax.scan.msk.f32 $0xffff, v15  }
0x34: {  	v18 =	vld [tilespmem:s13+$0xFFFFFE60];
	v20 =	vand.u32 $0x7FFFFFFF, v9;
	(xrf0) =	vmax.scan.msk.f32 $0xffff, v16;
	v8, _, _ =	vpop (xrf0)  }
0x35: {  	v21 =	vld [tilespmem:s13+$0xFFFFFE70];
	(xrf0) =	vmax.scan.msk.f32 $0xffff, v20;
	v14 =	vbroadcast v8, $0xF  }
0x36: {  	v12 =	vld [tilespmem:s13+$0xFFFFFE40];
	v22 =	vand.u32 $0x7FFFFFFF, v3;
	v17, _, _ =	vpop (xrf0)  }
0x37: {  	v24 =	vld [tilespmem:s13+$0xFFFFFE50];
	(xrf0) =	vmax.scan.msk.f32 $0xffff, v22;
	vm0 =	veq.f32 v6, v14;
	v6 =	vbroadcast v17, $0xF  }
0x38: {  	v19 =	vld [tilespmem:s13+$0xFFFFFE30]  }
0x39: {  	v23 =	vand.u32 $0x7FFFFFFF, v13;
	v27, _, _ =	vpop (xrf0);
	v30 =	vmctz.xlane vm0  }
0x3a: {  	v25 =	vand.u32 $0x7FFFFFFF, v18;
	v26 =	vand.u32 $0x7FFFFFFF, v10;
	(xrf0) =	vmax.scan.msk.f32 $0xffff, v23;
	v8 =	vld [tilespmem:s13+$0xFFFFFE10];
	v31, _, _ =	vpop (xrf0)  }
0x3b: {  	v28 =	vand.u32 $0x7FFFFFFF, v7;
	v29 =	vand.u32 $0x7FFFFFFF, v21;
	(xrf0) =	vmax.scan.msk.f32 $0xffff, v25;
	vm0 =	veq.f32 v11, v6;
	v6, _, _ =	vpop (xrf0)  }
0x3c: {  	v32 =	vand.u32 $0x7FFFFFFF, v12;
	v34 =	vand.u32 $0x7FFFFFFF, v24;
	v14 =	vld [tilespmem:s13+$0x10];
	v6 =	vbroadcast v6, $0xF  }
0x3d: {  	(xrf0) =	vmax.scan.msk.f32 $0xffff, v26;
	v17 =	vand.u32 $0x7FFFFFFF, v19;
	vm1 =	veq.s32 v30, v0;
	v11 =	vmctz.xlane vm0;
	v30, _, _ =	vpop (xrf0)  }
0x3e: {  	(xrf0) =	vmax.scan.msk.f32 $0xffff, v28;
	v33 =	vnsel vm1, $0x0, v1;
	v1 =	vbroadcast v31, $0xF;
	v30 =	vbroadcast v30, $0xF  }
0x3f: {  	v31 =	vand.u32 $0x7FFFFFFF, v8;
	vm1 =	veq.s32 v11, v0;
	vm0 =	veq.f32 v20, v6  }
0x40: {  	(xrf0) =	vmax.scan.msk.f32 $0xffff, v17;
	v4 =	vnsel vm1, $0x0, v4;
	vm2 =	veq.f32 v22, v30;
	v30 =	vmctz.xlane vm0;
	v6, _, _ =	vpop (xrf0)  }
0x41: {  	(xrf0) =	vmax.scan.msk.f32 $0xffff, v29;
	v20 =	vand.u32 $0x7FFFFFFF, v14;
	v22 =	vbroadcast v27, $0xF;
	vm0 =	veq.f32 v16, v1;
	v27, _, _ =	vpop (xrf0)  }
0x42: {  	v6 =	vbroadcast v6, $0xF;
	vm1 =	veq.s32 v30, v0;
	v16 =	vbroadcast v27, $0xF  }
0x43: {  	s16 =	simm.s32 $0x600;
	(xrf0) =	vmax.scan.msk.f32 $0xffff, v32;
	v1, _, _ =	vpop (xrf0);
	v27 =	vmctz.xlane vm0;
	vm0 =	veq.f32 v15, v22;
	v9 =	vnsel vm1, $0x0, v9  }
0x44: {  	(xrf0) =	vmax.scan.msk.f32 $0xffff, v20;
	v30 =	vld [tilespmem:s16+$0xFFFFFE20];
	v15, _, _ =	vpop (xrf0);
	vm3 =	veq.f32 v23, v6;
	v6 =	vmctz.xlane vm0;
	v1 =	vbroadcast v1, $0xF  }
0x45: {  	(xrf0) =	vmax.scan.msk.f32 $0xffff, v34;
	v15 =	vbroadcast v15, $0xF;
	vm4 =	veq.f32 v25, v16;
	v16 =	vmctz.xlane vm2  }
0x46: {  	v11, _, _ =	vpop (xrf0);
	(xrf0) =	vmax.scan.msk.f32 $0xffff, v31;
	v23 =	vmctz.xlane vm3;
	vm2 =	veq.s32 v27, v0;
	vm0 =	veq.s32 v6, v0  }
0x47: {  	s6 =	simm.s32 $0xC200;
	v22, _, _ =	vpop (xrf0);
	v5 =	vnsel vm2, $0x0, v5;
	v2 =	vnsel vm0, $0x0, v2;
	vm0 =	veq.f32 v26, v1  }
0x48: {  	[tilespmem:s6+$0x20] =	vst v9;
	v9 =	vld [tilespmem:s16+$0xFFFFFE00];
	vm2 =	veq.s32 v23, v0;
	v22 =	vbroadcast v22, $0xF;
	vm11 =	veq.f32 v28, v15  }
0x49: {  	[tilespmem:s6+$0x50] =	vst v4;
	v27 =	vld [tilespmem:s16+$0x50];
	v23 =	vbroadcast v11, $0xF;
	v28 =	vand.u32 $0x7FFFFFFF, v30;
	v6, _, _ =	vpop (xrf0);
	v35 =	vmctz.xlane vm0  }
0x4a: {  	v26 =	vld [tilespmem:s16+$0x70];
	[tilespmem:s6+$0x30] =	vst v5;
	vm0 =	veq.s32 v16, v0;
	v16 =	vmctz.xlane vm4;
	v25, _, _ =	vpop (xrf0);
	v6 =	vbroadcast v6, $0xF  }
0x4b: {  	v11 =	vld [tilespmem:s16+$0x30];
	[tilespmem:s6+$0x70] =	vst v2;
	v37 =	vnsel vm0, $0x0, v3;
	vm0 =	veq.f32 v29, v22;
	v5, _, _ =	vpop (xrf0);
	vm3 =	veq.s32 v35, v0  }
0x4c: {  	v2 =	vld [tilespmem:s16+$0x40];
	(xrf0) =	vmax.scan.msk.f32 $0xffff, v28;
	v25 =	vbroadcast v25, $0xF;
	v39 =	vmctz.xlane vm0;
	v4, _, _ =	vpop (xrf0);
	v10 =	vnsel vm3, $0x0, v10  }
0x4d: {  	vm1 =	veq.s32 v16, v0;
	v53 =	vbroadcast v5, $0xF;
	[tilespmem:s6+$0xFFFFFE00] =	vst v10;
	v10 =	vbroadcast v4, $0xF;
	v4 =	vld [tilespmem:s16+$0x20]  }
0x4e: {  	v1 =	vld [tilespmem:s16+$0x60];
	v16 =	vnsel vm1, $0x0, v18;
	vm5 =	veq.f32 v32, v6;
	v5 =	vnsel vm2, $0x0, v13  }
0x4f: {  	[tilespmem:s6+$0xFFFFFE20] =	vst v33;
	v18 =	vmctz.xlane vm11;
	vm1 =	veq.f32 v20, v25;
	v25 =	vand.u32 $0x7FFFFFFF, v27  }
0x50: {  	[tilespmem:s6+$0x0] =	vst v5;
	v54 =	vand.u32 $0x7FFFFFFF, v26;
	v36 =	vand.u32 $0x7FFFFFFF, v11;
	(xrf0) =	vmax.scan.msk.f32 $0xffff, v25  }
0x51: {  	v5 =	vld [tilespmem:s16+$0x0];
	v20 =	vand.u32 $0x7FFFFFFF, v9;
	vm0 =	veq.s32 v39, v0;
	v15 =	vand.u32 $0x7FFFFFFF, v2;
	(xrf0) =	vmax.scan.msk.f32 $0xffff, v54  }
0x52: {  	v6 =	vld [tilespmem:s16+$0xFFFFFE70];
	v22 =	vmctz.xlane vm1;
	vm2 =	veq.s32 v18, v0;
	(xrf0) =	vmax.scan.msk.f32 $0xffff, v36;
	v38 =	vand.u32 $0x7FFFFFFF, v4  }
0x53: {  	v13 =	vld [tilespmem:s16+$0xFFFFFE60];
	vm13 =	veq.f32 v34, v53;
	vm3 =	veq.f32 v31, v10;
	v31 =	vand.u32 $0x7FFFFFFF, v1;
	v29, _, _ =	vpop (xrf0);
	(xrf0) =	vmax.scan.msk.f32 $0xffff, v38  }
0x54: {  	v21 =	vnsel vm0, $0x0, v21;
	v10 =	vmctz.xlane vm5;
	v18 =	vbroadcast v29, $0xF;
	(xrf0) =	vmax.scan.msk.f32 $0xffff, v31  }
0x55: {  	v3 =	vld [tilespmem:s16+$0xFFFFFE40];
	[tilespmem:s6+$0x60] =	vst v37;
	v33 =	vmctz.xlane vm13;
	v55 =	vmctz.xlane vm3;
	vm3 =	veq.s32 v22, v0  }
0x56: {  	[tilespmem:s6+$0xFFFFFE60] =	vst v16;
	v22 =	vnsel vm2, $0x0, v7;
	vm2 =	veq.f32 v28, v18;
	v28 =	vand.u32 $0x7FFFFFFF, v5;
	v7, _, _ =	vpop (xrf0)  }
0x57: {  	v16 =	vld [tilespmem:s16+$0xFFFFFE30];
	vm1 =	veq.s32 v10, v0;
	v29 =	vmctz.xlane vm2;
	v56 =	vbroadcast v7, $0xF;
	(xrf0) =	vmax.scan.msk.f32 $0xffff, v28;
	v57, _, _ =	vpop (xrf0)  }
0x58: {  	v10 =	vand.u32 $0x7FFFFFFF, v6;
	v14 =	vnsel vm3, $0x0, v14;
	v58 =	vand.u32 $0x7FFFFFFF, v13;
	[tilespmem:s6+$0x40] =	vst v22;
	v41, _, _ =	vpop (xrf0)  }
0x59: {  	vm12 =	veq.s32 v55, v0;
	[tilespmem:s6+$0x10] =	vst v14;
	v14 =	vld [tilespmem:s16+$0x10];
	vm2 =	veq.s32 v29, v0;
	vm3 =	veq.f32 v25, v56;
	v25, _, _ =	vpop (xrf0)  }
0x5a: {  	v18 =	vand.u32 $0x7FFFFFFF, v3;
	v7 =	vld [tilespmem:s16+$0xFFFFFE10];
	v22 =	vnsel vm2, $0x0, v30;
	(xrf0) =	vmax.scan.msk.f32 $0xffff, v58;
	vm2 =	veq.f32 v17, v23;
	v23, _, _ =	vpop (xrf0)  }
0x5b: {  	v40 =	vnsel vm12, $0x0, v8;
	v8 =	vld [tilespmem:s16+$0xFFFFFE50];
	(xrf0) =	vmax.scan.msk.f32 $0xffff, v20;
	v17 =	vbroadcast v25, $0xF;
	v25 =	vbroadcast v23, $0xF  }
0x5c: {  	v59 =	vnsel vm1, $0x0, v12;
	v12 =	vand.u32 $0x7FFFFFFF, v16;
	v29 =	vbroadcast v41, $0xF;
	(xrf0) =	vmax.scan.msk.f32 $0xffff, v15  }
0x5d: {  	v60 =	vmctz.xlane vm2;
	v30 =	vmctz.xlane vm3;
	(xrf0) =	vmax.scan.msk.f32 $0xffff, v12;
	vm2 =	veq.f32 v31, v25;
	v31, _, _ =	vpop (xrf0)  }
0x5e: {  	v62 =	vbroadcast v57, $0xF;
	vm3 =	veq.s32 v33, v0;
	(xrf0) =	vmax.scan.msk.f32 $0xffff, v10;
	v31 =	vbroadcast v31, $0xF  }
0x5f: {  	v23 =	vand.u32 $0x7FFFFFFF, v7;
	(xrf0) =	vmax.scan.msk.f32 $0xffff, v18;
	vm1 =	veq.f32 v38, v17;
	v25 =	vand.u32 $0x7FFFFFFF, v14  }
0x60: {  	s1 =	smul.u32 $0xC, s29;
	v17 =	vand.u32 $0x7FFFFFFF, v8;
	v61 =	vmctz.xlane vm1;
	vm1 =	veq.f32 v36, v29;
	v29, _, _ =	vpop (xrf0);
	(xrf0) =	vmax.scan.msk.f32 $0xffff, v25  }
0x61: {  	v63 =	vbroadcast v29, $0xF;
	v29 =	vmctz.xlane vm1;
	vm1 =	veq.s32 v30, v0;
	v30, _, _ =	vpop (xrf0);
	(xrf0) =	vmax.scan.msk.f32 $0xffff, v17  }
0x62: {  	s24 =	sadd.s32 s7, s1;
	vm14 =	veq.f32 v54, v62;
	v24 =	vnsel vm3, $0x0, v24;
	vm3 =	veq.f32 v28, v31;
	(xrf0) =	vmax.scan.msk.f32 $0xffff, v23;
	v31, _, _ =	vpop (xrf0)  }
0x63: {  	s8 =	sshll.u32 s29, $0x9;
	s30 =	smul.u32 $0x3, s29;
	s0 =	sshll.u32 s24, $0xC;
	[tilespmem:s6+$0xFFFFFE70] =	vst v21;
	vm15 =	veq.s32 v60, v0;
	v32 =	vmctz.xlane vm14;
	v28 =	vnsel vm1, $0x0, v27;
	v27, _, _ =	vpop (xrf0)  }
0x64: {  	s9 =	simm.s32 $0x280;
	s10 =	simm.s32 $0xC600;
	s0 =	sand.u32 $0x7F8000, s0;
	[tilespmem:s6+$0xFFFFFE40] =	vst v59;
	v19 =	vnsel vm15, $0x0, v19;
	v34 =	vbroadcast v30, $0xF;
	v30 =	vbroadcast v31, $0xF;
	v31, _, _ =	vpop (xrf0)  }
0x65: {  	s31 =	sand.u32 $0x200, s8;
	s8 =	simm.s32 $0x100;
	s0 =	sadd.s32 s3, s0;
	[tilespmem:s6+$0xFFFFFE50] =	vst v24;
	v33 =	vmctz.xlane vm2;
	vm2 =	veq.s32 v32, v0;
	vm0 =	veq.s32 v61, v0;
	v24, _, _ =	vpop (xrf0)  }
0x66: {  	s0 =	sor.u32 s31, s0;
	s13 =	simm.s32 $0xC600;
	[tilespmem:s6+$0xFFFFFE10] =	vst v40;
	s16 =	simm.s32 $0xA00;
	v26 =	vnsel vm2, $0x0, v26;
	vm1 =	veq.f32 v58, v63;
	v32 =	vmctz.xlane vm3;
	v35, _, _ =	vpop (xrf0)  }
.LBB2_3:
0x67: {  	v36 =	vld [tilespmem:s16+$0xFFFFFE20];
	s8 =	sadd.s32 $0x100, s8;
	vm2 =	veq.f32 v20, v34;
	v20 =	vbroadcast v35, $0xF;
	vm3 =	veq.s32 v29, v0;
	s13 =	sadd.s32 $0x400, s13;
	v29, _, _ =	vpop (xrf0);
	[tilespmem:s6+$0xFFFFFE30] =	vst v19  }
0x68: {  	s6 =	smov.u32 s10;
	v19 =	vld [tilespmem:s16+$0x70];
	p1 =	slt.u32 s8, $0xF00;
	v34 =	vmctz.xlane vm2;
	v11 =	vnsel vm3, $0x0, v11;
	vm2 =	veq.s32 v33, v0;
	[tilespmem:s10+$0x70] =	vst v26;
	v33, _, _ =	vpop (xrf0);
	s10 =	smov.u32 s13  }
0x69: {  	v37 =	vbroadcast v24, $0xF;
	v38 =	vmctz.xlane vm1;
	v24 =	vmovc v6;
	v21 =	vmovc v16;
	vm1 =	veq.s32 v32, v0;
	v35 =	vld [tilespmem:s16+$0x60];
	[tilespmem:s6+$0x30] =	vst v11  }
0x6a: {  	v16 =	vbroadcast v31, $0xF;
	vm4 =	veq.f32 v15, v30;
	v26 =	vld [tilespmem:s16+$0x50];
	vm3 =	veq.s32 v34, v0;
	[tilespmem:s6+$0x50] =	vst v28  }
0x6b: {  	v27 =	vbroadcast v27, $0xF;
	v15 =	vnsel vm0, $0x0, v4;
	v28 =	vld [tilespmem:s16+$0x40];
	v6 =	vnsel vm3, $0x0, v9;
	[tilespmem:s6+$0xFFFFFE20] =	vst v22  }
0x6c: {  	vm0 =	veq.s32 v38, v0;
	v22 =	vand.u32 $0x7FFFFFFF, v36;
	v11 =	vld [tilespmem:s16+$0x30];
	[tilespmem:s6+$0xFFFFFE00] =	vst v6;
	v6 =	vbroadcast v33, $0xF  }
0x6d: {  	v29 =	vbroadcast v29, $0xF;
	v30 =	vnsel vm0, $0x0, v13;
	vm0 =	veq.f32 v25, v20;
	v4 =	vld [tilespmem:s16+$0x20];
	(xrf0) =	vmax.scan.msk.f32 $0xffff, v22  }
0x6e: {  	vm5 =	veq.f32 v18, v37;
	v9 =	vld [tilespmem:s16+$0xFFFFFE00];
	vm3 =	veq.f32 v23, v6;
	v6 =	vnsel vm1, $0x0, v5;
	[tilespmem:s6+$0x20] =	vst v15  }
0x6f: {  	v18 =	vmctz.xlane vm5;
	v20 =	vmctz.xlane vm4;
	v5 =	vld [tilespmem:s16+$0x0];
	v23 =	vand.u32 $0x7FFFFFFF, v26;
	[tilespmem:s6+$0x0] =	vst v6  }
0x70: {  	v31 =	vand.u32 $0x7FFFFFFF, v19;
	v25 =	vand.u32 $0x7FFFFFFF, v35;
	v32 =	vmctz.xlane vm3;
	v6 =	vld [tilespmem:s16+$0xFFFFFE70];
	(xrf0) =	vmax.scan.msk.f32 $0xffff, v23  }
0x71: {  	v37 =	vnsel vm2, $0x0, v1;
	v1 =	vmovc v35;
	v15 =	vand.u32 $0x7FFFFFFF, v28;
	v33 =	vld [tilespmem:s16+$0xFFFFFE40];
	v34 =	vand.u32 $0x7FFFFFFF, v11;
	(xrf0) =	vmax.scan.msk.f32 $0xffff, v31  }
0x72: {  	vm2 =	veq.f32 v10, v16;
	v10 =	vmctz.xlane vm0;
	v35 =	vld [tilespmem:s16+$0xFFFFFE50];
	v38 =	vand.u32 $0x7FFFFFFF, v4;
	(xrf0) =	vmax.scan.msk.f32 $0xffff, v34  }
0x73: {  	v39 =	vmctz.xlane vm2;
	vm2 =	veq.s32 v20, v0;
	vm1 =	veq.s32 v18, v0;
	v13 =	vld [tilespmem:s16+$0xFFFFFE60];
	v16, _, _ =	vpop (xrf0);
	(xrf0) =	vmax.scan.msk.f32 $0xffff, v38  }
0x74: {  	vm3 =	veq.s32 v10, v0;
	v20 =	vand.u32 $0x7FFFFFFF, v9;
	v16 =	vbroadcast v16, $0xF;
	[tilespmem:s6+$0x60] =	vst v37  }
0x75: {  	vm0 =	veq.s32 v39, v0;
	v37 =	vnsel vm2, $0x0, v2;
	v2 =	vmovc v28;
	v10 =	vand.u32 $0x7FFFFFFF, v6;
	(xrf0) =	vmax.scan.msk.f32 $0xffff, v25  }
0x76: {  	vm4 =	veq.s32 v32, v0;
	v28 =	vand.u32 $0x7FFFFFFF, v5;
	vm2 =	veq.f32 v22, v16;
	v18, _, _ =	vpop (xrf0);
	[tilespmem:s6+$0xFFFFFE60] =	vst v30  }
0x77: {  	v14 =	vnsel vm3, $0x0, v14;
	v22 =	vmctz.xlane vm2;
	v16 =	vld [tilespmem:s16+$0xFFFFFE30];
	v30 =	vbroadcast v18, $0xF;
	(xrf0) =	vmax.scan.msk.f32 $0xffff, v28;
	v32, _, _ =	vpop (xrf0)  }
0x78: {  	v41 =	vnsel vm4, $0x0, v7;
	v18 =	vand.u32 $0x7FFFFFFF, v33;
	v39 =	vand.u32 $0x7FFFFFFF, v13;
	v40, _, _ =	vpop (xrf0);
	v7 =	vld [tilespmem:s16+$0xFFFFFE10];
	[tilespmem:s6+$0x10] =	vst v14  }
0x79: {  	vm4 =	veq.f32 v17, v29;
	vm2 =	veq.s32 v22, v0;
	vm3 =	veq.f32 v23, v30;
	v23, _, _ =	vpop (xrf0);
	[tilespmem:s6+$0x40] =	vst v37  }
0x7a: {  	v22 =	vnsel vm2, $0x0, v36;
	v14 =	vld [tilespmem:s16+$0x10];
	v30 =	vmctz.xlane vm3;
	(xrf0) =	vmax.scan.msk.f32 $0xffff, v39;
	vm2 =	veq.f32 v12, v27  }
0x7b: {  	v17 =	vbroadcast v23, $0xF;
	v27 =	vbroadcast v40, $0xF;
	v36 =	vnsel vm1, $0x0, v3;
	(xrf0) =	vmax.scan.msk.f32 $0xffff, v20;
	v23, _, _ =	vpop (xrf0)  }
0x7c: {  	v37 =	vmctz.xlane vm4;
	v3 =	vmovc v33;
	v12 =	vand.u32 $0x7FFFFFFF, v16;
	v29 =	vbroadcast v23, $0xF;
	(xrf0) =	vmax.scan.msk.f32 $0xffff, v15  }
0x7d: {  	vm1 =	veq.f32 v38, v17;
	v38 =	vmctz.xlane vm2;
	v23 =	vand.u32 $0x7FFFFFFF, v7;
	(xrf0) =	vmax.scan.msk.f32 $0xffff, v12;
	v33, _, _ =	vpop (xrf0)  }
0x7e: {  	vm3 =	veq.s32 v37, v0;
	v17 =	vand.u32 $0x7FFFFFFF, v35;
	vm2 =	veq.f32 v25, v29;
	(xrf0) =	vmax.scan.msk.f32 $0xffff, v10  }
0x7f: {  	v40 =	vnsel vm3, $0x0, v8;
	v8 =	vmovc v35;
	v37 =	vmctz.xlane vm1;
	v25 =	vand.u32 $0x7FFFFFFF, v14;
	(xrf0) =	vmax.scan.msk.f32 $0xffff, v18  }
0x80: {  	vm1 =	veq.f32 v34, v27;
	v34 =	vbroadcast v32, $0xF;
	v33 =	vbroadcast v33, $0xF;
	v29, _, _ =	vpop (xrf0);
	(xrf0) =	vmax.scan.msk.f32 $0xffff, v25  }
0x81: {  	v32 =	vbroadcast v29, $0xF;
	v29 =	vmctz.xlane vm1;
	vm1 =	veq.s32 v30, v0;
	v30, _, _ =	vpop (xrf0);
	(xrf0) =	vmax.scan.msk.f32 $0xffff, v17  }
.Ltmp2:
0x82: {  	vm5 =	veq.s32 v38, v0;
	vm4 =	veq.f32 v31, v34;
	vm3 =	veq.f32 v28, v33;
	(xrf0) =	vmax.scan.msk.f32 $0xffff, v23;
	v31, _, _ =	vpop (xrf0);
	(pc) =	sbr.rel @p1 .LBB2_3-.Ltmp2, $4  }
0x83: {  	v35 =	vnsel vm0, $0x0, v24;
	v28 =	vnsel vm1, $0x0, v26;
	v26 =	vmctz.xlane vm4;
	v27, _, _ =	vpop (xrf0);
	[tilespmem:s6+$0xFFFFFE50] =	vst v40  }
0x84: {  	vm0 =	veq.s32 v37, v0;
	v34 =	vbroadcast v30, $0xF;
	v30 =	vbroadcast v31, $0xF;
	v31, _, _ =	vpop (xrf0);
	[tilespmem:s6+$0xFFFFFE70] =	vst v35  }
0x85: {  	v33 =	vmctz.xlane vm2;
	vm1 =	veq.f32 v39, v32;
	vm2 =	veq.s32 v26, v0;
	v24, _, _ =	vpop (xrf0);
	[tilespmem:s6+$0xFFFFFE10] =	vst v41  }
0x86: {  	s16 =	sadd.s32 $0x400, s16;
	v32 =	vmctz.xlane vm3;
	v26 =	vnsel vm2, $0x0, v19;
	v19 =	vnsel vm5, $0x0, v21;
	v35, _, _ =	vpop (xrf0);
	[tilespmem:s6+$0xFFFFFE40] =	vst v36  }
0x87: {  	vm2 =	veq.f32 v20, v34  }
0x88: {  	v20 =	vbroadcast v35, $0xF;
	vm3 =	veq.s32 v29, v0;
	[tilespmem:s6+$0xFFFFFE30] =	vst v19;
	v19 =	vbroadcast v24, $0xF  }
0x89: {  	[tilespmem:s10+$0x70] =	vst v26;
	v26 =	vmctz.xlane vm1;
	vm4 =	veq.f32 v15, v30;
	v15 =	vbroadcast v27, $0xF  }
0x8a: {  	v24, _, _ =	vpop (xrf0);
	v4 =	vnsel vm0, $0x0, v4;
	v21 =	vmctz.xlane vm2;
	v11 =	vnsel vm3, $0x0, v11  }
0x8b: {  	[tilespmem:s10+$0xFFFFFE20] =	vst v22;
	vm2 =	veq.s32 v33, v0;
	vm1 =	veq.s32 v32, v0;
	v22 =	vbroadcast v24, $0xF  }
0x8c: {  	[tilespmem:s10+$0x30] =	vst v11;
	v11 =	vbroadcast v31, $0xF;
	vm0 =	veq.f32 v25, v20;
	vm5 =	veq.f32 v18, v19  }
0x8d: {  	[tilespmem:s10+$0x20] =	vst v4;
	v5 =	vnsel vm1, $0x0, v5;
	v1 =	vnsel vm2, $0x0, v1;
	vm3 =	veq.s32 v21, v0  }
0x8e: {  	v4 =	vmctz.xlane vm5;
	[tilespmem:s10+$0x0] =	vst v5;
	v5 =	vmctz.xlane vm4;
	v9 =	vnsel vm3, $0x0, v9  }
0x8f: {  	vm3 =	veq.s32 v26, v0;
	vm1 =	veq.f32 v10, v11;
	v21, _, _ =	vpop (xrf0);
	[tilespmem:s10+$0xFFFFFE00] =	vst v9;
	v9 =	vmctz.xlane vm0  }
0x90: {  	[tilespmem:s10+$0x50] =	vst v28;
	v13 =	vnsel vm3, $0x0, v13;
	vm0 =	veq.f32 v17, v22;
	v21 =	vbroadcast v21, $0xF  }
0x91: {  	[tilespmem:s10+$0x60] =	vst v1;
	v1 =	vmctz.xlane vm0;
	vm0 =	veq.s32 v5, v0;
	vm2 =	veq.s32 v9, v0  }
0x92: {  	[tilespmem:s10+$0xFFFFFE60] =	vst v13;
	v9 =	vmctz.xlane vm1;
	v2 =	vnsel vm0, $0x0, v2;
	vm3 =	veq.f32 v23, v21  }
0x93: {  	v5 =	vnsel vm2, $0x0, v14;
	vm0 =	veq.s32 v1, v0;
	[tilespmem:s10+$0x40] =	vst v2;
	vm2 =	veq.f32 v12, v15  }
0x94: {  	v10 =	vmctz.xlane vm3;
	[tilespmem:s10+$0x10] =	vst v5;
	vm1 =	veq.s32 v9, v0;
	v1 =	vnsel vm0, $0x0, v8  }
0x95: {  	v2 =	vmctz.xlane vm2;
	[tilespmem:s10+$0xFFFFFE50] =	vst v1;
	v1 =	vnsel vm1, $0x0, v6;
	vm1 =	veq.s32 v4, v0  }
0x96: {  	vm0 =	veq.s32 v10, v0;
	[tilespmem:s10+$0xFFFFFE70] =	vst v1;
	v1 =	vnsel vm1, $0x0, v3  }
0x97: {  	v4 =	vnsel vm0, $0x0, v7;
	vm0 =	veq.s32 v2, v0;
	[tilespmem:s10+$0xFFFFFE40] =	vst v1  }
0x98: {  	[tilespmem:s10+$0xFFFFFE10] =	vst v4;
	v2 =	vnsel vm0, $0x0, v16  }
0x99: {  	[tilespmem:s10+$0xFFFFFE30] =	vst v2  }
0x9a: {  	v3 =	vld [tilespmem:s9+$0xFFFFFE20]  }
0x9b: {  	v4 =	vld [tilespmem:s9+$0x70]  }
0x9c: {  	v5 =	vld [tilespmem:s9+$0x60]  }
0x9d: {  	v7 =	vld [tilespmem:s9+$0x50]  }
0x9e: {  	v6 =	vld [tilespmem:s9+$0x10]  }
0x9f: {  	v20 =	vld [tilespmem:s9+$0x40]  }
0xa0: {  	v13 =	vld [tilespmem:s9+$0xFFFFFE10]  }
0xa1: {  	v24 =	vld [tilespmem:s9+$0xFFFFFE50]  }
0xa2: {  	v27 =	vld [tilespmem:s9+$0xFFFFFE70]  }
0xa3: {  	v29 =	vld [tilespmem:s9+$0x0]  }
0xa4: {  	v12 =	vld [tilespmem:s9+$0x30]  }
0xa5: {  	v31 =	vld [tilespmem:s9+$0xFFFFFE00];
	v8 =	vand.u32 $0x7FFFFFFF, v3  }
0xa6: {  	v28 =	vld [tilespmem:s9+$0xFFFFFE60];
	v9 =	vand.u32 $0x7FFFFFFF, v4;
	(xrf0) =	vmax.scan.msk.f32 $0xffff, v8  }
0xa7: {  	v1 =	vld [tilespmem:s9+$0xFFFFFE30];
	v10 =	vand.u32 $0x7FFFFFFF, v5;
	(xrf0) =	vmax.scan.msk.f32 $0xffff, v9  }
0xa8: {  	v32 =	vld [tilespmem:s9+$0xFFFFFE40];
	v11 =	vand.u32 $0x7FFFFFFF, v6;
	(xrf0) =	vmax.scan.msk.f32 $0xffff, v10  }
0xa9: {  	s8 =	simm.s32 $0x680;
	v2 =	vld [tilespmem:s9+$0x20];
	v14 =	vand.u32 $0x7FFFFFFF, v20;
	(xrf0) =	vmax.scan.msk.f32 $0xffff, v11  }
0xaa: {  	v42 =	vld [tilespmem:s8+$0x60];
	v15 =	vand.u32 $0x7FFFFFFF, v13;
	(xrf0) =	vmax.scan.msk.f32 $0xffff, v14  }
0xab: {  	v16 =	vand.u32 $0x7FFFFFFF, v24;
	v18 =	vand.u32 $0x7FFFFFFF, v27;
	v19 =	vand.u32 $0x7FFFFFFF, v7;
	(xrf0) =	vmax.scan.msk.f32 $0xffff, v15  }
0xac: {  	v44 =	vld [tilespmem:s8+$0x10];
	v23 =	vand.u32 $0x7FFFFFFF, v12;
	v26 =	vand.u32 $0x7FFFFFFF, v31;
	v30 =	vand.u32 $0x7FFFFFFF, v28;
	v17, _, _ =	vpop (xrf0);
	(xrf0) =	vmax.scan.msk.f32 $0xffff, v16  }
0xad: {  	v56 =	vand.u32 $0x7FFFFFFF, v29;
	v34 =	vand.u32 $0x7FFFFFFF, v1;
	v21, _, _ =	vpop (xrf0);
	(xrf0) =	vmax.scan.msk.f32 $0xffff, v18;
	v17 =	vbroadcast v17, $0xF  }
0xae: {  	v36 =	vand.u32 $0x7FFFFFFF, v32;
	v38 =	vand.u32 $0x7FFFFFFF, v2;
	v22, _, _ =	vpop (xrf0);
	(xrf0) =	vmax.scan.msk.f32 $0xffff, v19;
	v21 =	vbroadcast v21, $0xF  }
0xaf: {  	v57 =	vand.u32 $0x7FFFFFFF, v42;
	v25, _, _ =	vpop (xrf0);
	v22 =	vbroadcast v22, $0xF;
	vm0 =	veq.f32 v8, v17  }
0xb0: {  	(xrf0) =	vmax.scan.msk.f32 $0xffff, v23;
	v55, _, _ =	vpop (xrf0);
	v8 =	vmctz.xlane vm0;
	v25 =	vbroadcast v25, $0xF;
	vm3 =	veq.f32 v9, v21  }
0xb1: {  	v45 =	vand.u32 $0x7FFFFFFF, v44;
	(xrf0) =	vmax.scan.msk.f32 $0xffff, v26;
	v17, _, _ =	vpop (xrf0);
	vm0 =	veq.f32 v10, v22;
	v21 =	vmctz.xlane vm3  }
0xb2: {  	(xrf0) =	vmax.scan.msk.f32 $0xffff, v30;
	v10, _, _ =	vpop (xrf0);
	v22 =	vmctz.xlane vm0;
	vm1 =	veq.f32 v11, v25;
	v17 =	vbroadcast v17, $0xF  }
0xb3: {  	vm0 =	veq.s32 v8, v0;
	v37, _, _ =	vpop (xrf0);
	v25 =	vmctz.xlane vm1;
	v10 =	vbroadcast v10, $0xF  }
0xb4: {  	v39 =	vnsel vm0, $0x0, v3;
	v8, _, _ =	vpop (xrf0);
	v11 =	vbroadcast v37, $0xF;
	vm1 =	veq.s32 v22, v0  }
0xb5: {  	v40 =	vnsel vm1, $0x0, v5;
	v8 =	vbroadcast v8, $0xF;
	vm14 =	veq.f32 v16, v10  }
0xb6: {  	vm1 =	veq.s32 v25, v0;
	v10 =	vld [tilespmem:s8+$0xFFFFFE70];
	v22, _, _ =	vpop (xrf0);
	vm0 =	veq.f32 v18, v11;
	v58 =	vmctz.xlane vm14  }
0xb7: {  	v41 =	vld [tilespmem:s8+$0xFFFFFE20];
	(xrf0) =	vmax.scan.msk.f32 $0xffff, v36;
	v18 =	vnsel vm1, $0x0, v6;
	v3 =	vbroadcast v22, $0xF;
	v5, _, _ =	vpop (xrf0);
	vm2 =	veq.f32 v19, v8  }
0xb8: {  	(xrf0) =	vmax.scan.msk.f32 $0xffff, v56;
	v6 =	vld [tilespmem:s8+$0x70];
	v22 =	vmctz.xlane vm0;
	v11, _, _ =	vpop (xrf0);
	v9 =	vmctz.xlane vm2;
	vm15 =	veq.s32 v58, v0  }
0xb9: {  	(xrf0) =	vmax.scan.msk.f32 $0xffff, v38;
	v11 =	vbroadcast v11, $0xF;
	vm1 =	veq.f32 v23, v3;
	v3 =	vbroadcast v55, $0xF  }
0xba: {  	s6 =	simm.s32 $0xC280;
	v43 =	vnsel vm15, $0x0, v24;
	v8 =	vmctz.xlane vm1;
	vm2 =	veq.s32 v9, v0  }
0xbb: {  	[tilespmem:s6+$0x10] =	vst v18;
	v49 =	vand.u32 $0x7FFFFFFF, v10;
	vm1 =	veq.f32 v30, v11;
	vm3 =	veq.f32 v14, v3  }
0xbc: {  	(xrf0) =	vmax.scan.msk.f32 $0xffff, v34;
	v3 =	vld [tilespmem:s8+$0xFFFFFE10];
	v7 =	vnsel vm2, $0x0, v7;
	vm2 =	veq.s32 v21, v0;
	v30 =	vand.u32 $0x7FFFFFFF, v41  }
0xbd: {  	v19, _, _ =	vpop (xrf0);
	[tilespmem:s6+$0xFFFFFE50] =	vst v43;
	v37 =	vand.u32 $0x7FFFFFFF, v6;
	v21 =	vld [tilespmem:s8+$0xFFFFFE00];
	vm0 =	veq.s32 v8, v0;
	v18 =	vnsel vm2, $0x0, v4  }
0xbe: {  	(xrf0) =	vmax.scan.msk.f32 $0xffff, v30;
	vm2 =	veq.f32 v15, v17;
	v4 =	vld [tilespmem:s8+$0x40];
	v16 =	vmctz.xlane vm3;
	v17 =	vbroadcast v19, $0xF;
	v11, _, _ =	vpop (xrf0)  }
0xbf: {  	[tilespmem:s6+$0x50] =	vst v7;
	v47 =	vmctz.xlane vm1;
	v14 =	vnsel vm0, $0x0, v12;
	vm0 =	veq.s32 v22, v0;
	v12 =	vld [tilespmem:s8+$0xFFFFFE50];
	v23, _, _ =	vpop (xrf0)  }
0xc0: {  	v8 =	vld [tilespmem:s8+$0x50];
	[tilespmem:s6+$0x70] =	vst v18;
	v15 =	vbroadcast v11, $0xF;
	vm1 =	veq.s32 v16, v0;
	v9 =	vbroadcast v23, $0xF  }
0xc1: {  	v7 =	vld [tilespmem:s8+$0x0];
	(xrf0) =	vmax.scan.msk.f32 $0xffff, v37;
	[tilespmem:s6+$0x30] =	vst v14;
	v43 =	vnsel vm0, $0x0, v27;
	v33 =	vnsel vm1, $0x0, v20  }
0xc2: {  	v18 =	vld [tilespmem:s8+$0x30];
	(xrf0) =	vmax.scan.msk.f32 $0xffff, v57;
	v11 =	vand.u32 $0x7FFFFFFF, v3;
	vm13 =	veq.f32 v38, v9;
	v9 =	vbroadcast v5, $0xF  }
0xc3: {  	(xrf0) =	vmax.scan.msk.f32 $0xffff, v45;
	vm3 =	veq.f32 v56, v15;
	v14, _, _ =	vpop (xrf0);
	v24 =	vand.u32 $0x7FFFFFFF, v21;
	v5 =	vld [tilespmem:s8+$0xFFFFFE30];
	v23 =	vand.u32 $0x7FFFFFFF, v4  }
0xc4: {  	v46 =	vbroadcast v14, $0xF;
	v14 =	vld [tilespmem:s8+$0xFFFFFE60];
	v15, _, _ =	vpop (xrf0);
	(xrf0) =	vmax.scan.msk.f32 $0xffff, v23;
	v19 =	vand.u32 $0x7FFFFFFF, v12;
	vm6 =	veq.f32 v26, v9  }
0xc5: {  	v26 =	vmctz.xlane vm2;
	vm2 =	veq.f32 v36, v17;
	v60 =	vbroadcast v15, $0xF;
	v17 =	vld [tilespmem:s8+$0xFFFFFE40];
	(xrf0) =	vmax.scan.msk.f32 $0xffff, v11  }
0xc6: {  	v22 =	vand.u32 $0x7FFFFFFF, v8;
	v48 =	vmctz.xlane vm3;
	v25 =	vmctz.xlane vm13;
	(xrf0) =	vmax.scan.msk.f32 $0xffff, v19  }
0xc7: {  	v16 =	vld [tilespmem:s8+$0x20];
	v51 =	vand.u32 $0x7FFFFFFF, v18;
	v61, _, _ =	vpop (xrf0);
	v59 =	vmctz.xlane vm6;
	vm3 =	veq.f32 v30, v60;
	(xrf0) =	vmax.scan.msk.f32 $0xffff, v49  }
0xc8: {  	[tilespmem:s6+$0xFFFFFE20] =	vst v39;
	v9 =	vand.u32 $0x7FFFFFFF, v7;
	v50 =	vbroadcast v61, $0xF;
	v62, _, _ =	vpop (xrf0);
	v30 =	vmctz.xlane vm3  }
0xc9: {  	[tilespmem:s6+$0x60] =	vst v40;
	vm1 =	veq.s32 v26, v0;
	v63 =	vbroadcast v62, $0xF;
	v15 =	vand.u32 $0x7FFFFFFF, v5;
	v26, _, _ =	vpop (xrf0)  }
0xca: {  	v36 =	vand.u32 $0x7FFFFFFF, v14;
	(xrf0) =	vmax.scan.msk.f32 $0xffff, v22;
	vm3 =	veq.s32 v30, v0;
	v20 =	vand.u32 $0x7FFFFFFF, v17;
	v56, _, _ =	vpop (xrf0)  }
0xcb: {  	(xrf0) =	vmax.scan.msk.f32 $0xffff, v51;
	v30 =	vnsel vm1, $0x0, v13;
	v52 =	vbroadcast v26, $0xF;
	vm1 =	veq.s32 v59, v0;
	v35, _, _ =	vpop (xrf0)  }
0xcc: {  	v26 =	vand.u32 $0x7FFFFFFF, v16;
	(xrf0) =	vmax.scan.msk.f32 $0xffff, v24;
	v13 =	vnsel vm3, $0x0, v41;
	vm3 =	veq.f32 v57, v63;
	v57, _, _ =	vpop (xrf0)  }
0xcd: {  	v59 =	vmctz.xlane vm2;
	(xrf0) =	vmax.scan.msk.f32 $0xffff, v36;
	v31 =	vnsel vm1, $0x0, v31;
	vm1 =	veq.s32 v48, v0;
	v58, _, _ =	vpop (xrf0)  }
0xce: {  	vm0 =	veq.f32 v45, v52;
	v27 =	vmctz.xlane vm3;
	(xrf0) =	vmax.scan.msk.f32 $0xffff, v20;
	v38 =	vbroadcast v58, $0xF  }
0xcf: {  	[tilespmem:s6+$0xFFFFFE00] =	vst v31;
	vm2 =	veq.s32 v59, v0;
	v29 =	vnsel vm1, $0x0, v29;
	v45 =	vmctz.xlane vm0  }
0xd0: {  	(xrf0) =	vmax.scan.msk.f32 $0xffff, v9;
	v60 =	vnsel vm2, $0x0, v32;
	vm2 =	veq.f32 v34, v46;
	vm0 =	veq.s32 v27, v0;
	v31, _, _ =	vpop (xrf0)  }
0xd1: {  	[tilespmem:s6+$0x0] =	vst v29;
	v39 =	vmctz.xlane vm2;
	vm2 =	veq.s32 v47, v0;
	v27 =	vnsel vm0, $0x0, v42;
	v61, _, _ =	vpop (xrf0)  }
0xd2: {  	(xrf0) =	vmax.scan.msk.f32 $0xffff, v26;
	vm0 =	veq.s32 v45, v0;
	vm1 =	veq.f32 v49, v38;
	v29 =	vbroadcast v61, $0xF;
	v38, _, _ =	vpop (xrf0)  }
0xd3: {  	[tilespmem:s6+$0xFFFFFE40] =	vst v60;
	v32 =	vbroadcast v31, $0xF;
	v63 =	vnsel vm2, $0x0, v28;
	v28 =	vbroadcast v56, $0xF;
	v31, _, _ =	vpop (xrf0)  }
0xd4: {  	s16 =	simm.s32 $0xC300;
	s13 =	simm.s32 $0xC680;
	s24 =	simm.s32 $0xA80;
	v62 =	vnsel vm0, $0x0, v44;
	[tilespmem:s6+$0xFFFFFE60] =	vst v63;
	vm0 =	veq.f32 v51, v29;
	v42 =	vbroadcast v31, $0xF  }
0xd5: {  	s10 =	simm.s32 $0xC680;
	s9 =	simm.s32 $0x300;
	s8 =	simm.s32 $0x100;
	v45 =	vbroadcast v57, $0xF;
	vm2 =	veq.f32 v37, v50;
	[tilespmem:s13+$0x10] =	vst v62;
	v40 =	vmctz.xlane vm0;
	v44, _, _ =	vpop (xrf0)  }
.LBB2_5:
0xd6: {  	v41 =	vld [tilespmem:s24+$0xFFFFFE20];
	s8 =	sadd.s32 $0x100, s8;
	vm0 =	veq.f32 v36, v42;
	vm3 =	veq.f32 v22, v32;
	s13 =	sadd.s32 $0x400, s13;
	v22, _, _ =	vpop (xrf0);
	vm4 =	veq.s32 v25, v0;
	[tilespmem:s6+$0x40] =	vst v33  }
0xd7: {  	v31 =	vmctz.xlane vm2;
	v25 =	vld [tilespmem:s24+$0x70];
	p1 =	slt.u32 s8, $0xF00;
	v29 =	vmctz.xlane vm3;
	[tilespmem:s6+$0xFFFFFE70] =	vst v43;
	v33 =	vnsel vm4, $0x0, v2;
	v43 =	vmovc v12;
	v2 =	vmovc v16  }
0xd8: {  	v12 =	vmctz.xlane vm1;
	vm1 =	veq.s32 v40, v0;
	vm3 =	veq.s32 v39, v0;
	v32 =	vld [tilespmem:s24+$0x60];
	v16, _, _ =	vpop (xrf0);
	[tilespmem:s6+$0x20] =	vst v33  }
0xd9: {  	v35 =	vbroadcast v35, $0xF;
	vm2 =	veq.f32 v23, v28;
	v28 =	vmovc v14;
	v33 =	vld [tilespmem:s24+$0x50];
	vm4 =	veq.s32 v29, v0;
	[tilespmem:s6+$0xFFFFFE10] =	vst v30  }
0xda: {  	v39 =	vmovc v17;
	v14 =	vbroadcast v16, $0xF;
	v42 =	vld [tilespmem:s24+$0xFFFFFE10];
	v8 =	vnsel vm4, $0x0, v8;
	vm4 =	veq.s32 v31, v0;
	(xrf0) =	vmax.scan.msk.f32 $0xffff, v15  }
0xdb: {  	v46 =	vmovc v21;
	v40 =	vmovc v15;
	v16 =	vnsel vm1, $0x0, v18;
	v30 =	vand.u32 $0x7FFFFFFF, v41;
	v37 =	vld [tilespmem:s24+$0x10];
	[tilespmem:s10+$0x50] =	vst v8;
	v17 =	vnsel vm4, $0x0, v6  }
0xdc: {  	vm1 =	veq.s32 v12, v0;
	v12 =	vnsel vm3, $0x0, v1;
	v29 =	vld [tilespmem:s24+$0xFFFFFE70];
	v31 =	vand.u32 $0x7FFFFFFF, v25;
	(xrf0) =	vmax.scan.msk.f32 $0xffff, v30;
	v6 =	vmovc v25  }
0xdd: {  	vm5 =	veq.f32 v11, v35;
	v1 =	vmovc v5;
	v15 =	vbroadcast v22, $0xF;
	vm3 =	veq.f32 v26, v14;
	v34 =	vld [tilespmem:s24+$0x0];
	(xrf0) =	vmax.scan.msk.f32 $0xffff, v31  }
0xde: {  	vm6 =	veq.f32 v19, v45;
	v19 =	vmctz.xlane vm2;
	v14 =	vbroadcast v38, $0xF;
	v26 =	vld [tilespmem:s24+$0x40];
	[tilespmem:s6+$0xFFFFFE30] =	vst v12;
	v8 =	vmovc v33;
	s6 =	smov.u32 s10;
	s10 =	smov.u32 s13  }
0xdf: {  	v21 =	vbroadcast v44, $0xF;
	v38 =	vand.u32 $0x7FFFFFFF, v32;
	v12 =	vld [tilespmem:s24+$0xFFFFFE50];
	v22 =	vand.u32 $0x7FFFFFFF, v8;
	[tilespmem:s6+$0x70] =	vst v17  }
0xe0: {  	vm4 =	veq.f32 v9, v15;
	v11 =	vand.u32 $0x7FFFFFFF, v42;
	v5 =	vld [tilespmem:s24+$0xFFFFFE30];
	v44 =	vand.u32 $0x7FFFFFFF, v37;
	[tilespmem:s6+$0x30] =	vst v16;
	v9, _, _ =	vpop (xrf0)  }
0xe1: {  	vm7 =	veq.f32 v24, v14;
	v24 =	vmctz.xlane vm5;
	v16 =	vld [tilespmem:s24+$0x20];
	(xrf0) =	vmax.scan.msk.f32 $0xffff, v38;
	v45 =	vbroadcast v9, $0xF  }
0xe2: {  	vm2 =	veq.f32 v20, v21;
	v20 =	vmctz.xlane vm6;
	v9 =	vand.u32 $0x7FFFFFFF, v34;
	v18 =	vld [tilespmem:s24+$0x30];
	v15, _, _ =	vpop (xrf0);
	[tilespmem:s6+$0x60] =	vst v27  }
0xe3: {  	v25 =	vmctz.xlane vm3;
	v47 =	vmctz.xlane vm7;
	v14 =	vld [tilespmem:s24+$0xFFFFFE60];
	v23 =	vand.u32 $0x7FFFFFFF, v26;
	(xrf0) =	vmax.scan.msk.f32 $0xffff, v44;
	v27, _, _ =	vpop (xrf0)  }
0xe4: {  	v48 =	vmctz.xlane vm0;
	vm0 =	veq.s32 v19, v0;
	v33 =	vbroadcast v15, $0xF;
	v17 =	vld [tilespmem:s24+$0xFFFFFE40];
	(xrf0) =	vmax.scan.msk.f32 $0xffff, v23  }
0xe5: {  	v49 =	vmctz.xlane vm4;
	v19 =	vand.u32 $0x7FFFFFFF, v12;
	v15 =	vand.u32 $0x7FFFFFFF, v5;
	(xrf0) =	vmax.scan.msk.f32 $0xffff, v11  }
0xe6: {  	vm4 =	veq.s32 v20, v0;
	v50 =	vand.u32 $0x7FFFFFFF, v29;
	vm3 =	veq.f32 v30, v33;
	v21 =	vld [tilespmem:s24+$0xFFFFFE00];
	(xrf0) =	vmax.scan.msk.f32 $0xffff, v19  }
0xe7: {  	v51 =	vbroadcast v27, $0xF;
	v33 =	vnsel vm0, $0x0, v4;
	v20 =	vmctz.xlane vm3;
	(xrf0) =	vmax.scan.msk.f32 $0xffff, v50;
	v27, _, _ =	vpop (xrf0)  }
0xe8: {  	vm0 =	veq.s32 v24, v0;
	v4 =	vmovc v26;
	v52 =	vand.u32 $0x7FFFFFFF, v18;
	v36 =	vand.u32 $0x7FFFFFFF, v14;
	[tilespmem:s6+$0xFFFFFE20] =	vst v13  }
0xe9: {  	v30 =	vnsel vm0, $0x0, v3;
	vm3 =	veq.s32 v20, v0;
	v20 =	vand.u32 $0x7FFFFFFF, v17;
	v26, _, _ =	vpop (xrf0);
	(xrf0) =	vmax.scan.msk.f32 $0xffff, v22  }
0xea: {  	v54 =	vbroadcast v27, $0xF;
	v27 =	vnsel vm4, $0x0, v43;
	v13 =	vnsel vm3, $0x0, v41;
	(xrf0) =	vmax.scan.msk.f32 $0xffff, v52;
	v41, _, _ =	vpop (xrf0)  }
0xeb: {  	vm0 =	veq.s32 v47, v0;
	v53 =	vbroadcast v26, $0xF;
	v24 =	vand.u32 $0x7FFFFFFF, v21;
	v35, _, _ =	vpop (xrf0);
	[tilespmem:s6+$0xFFFFFE50] =	vst v27  }
0xec: {  	v43 =	vnsel vm1, $0x0, v10;
	v26 =	vand.u32 $0x7FFFFFFF, v16;
	vm3 =	veq.f32 v38, v54;
	(xrf0) =	vmax.scan.msk.f32 $0xffff, v24;
	v47, _, _ =	vpop (xrf0)  }
0xed: {  	v27 =	vmctz.xlane vm2;
	vm1 =	veq.f32 v44, v53;
	v53 =	vmctz.xlane vm3;
	(xrf0) =	vmax.scan.msk.f32 $0xffff, v36;
	v3, _, _ =	vpop (xrf0)  }
0xee: {  	v44 =	vnsel vm0, $0x0, v46;
	vm0 =	veq.s32 v49, v0;
	v38 =	vbroadcast v3, $0xF;
	(xrf0) =	vmax.scan.msk.f32 $0xffff, v20;
	v3 =	vmovc v42  }
0xef: {  	vm2 =	veq.s32 v27, v0;
	v42 =	vmctz.xlane vm1;
	vm1 =	veq.s32 v53, v0;
	v10, _, _ =	vpop (xrf0);
	[tilespmem:s6+$0xFFFFFE00] =	vst v44  }
0xf0: {  	v7 =	vnsel vm0, $0x0, v7;
	v27 =	vnsel vm1, $0x0, v32;
	v44 =	vnsel vm2, $0x0, v39;
	(xrf0) =	vmax.scan.msk.f32 $0xffff, v9;
	v32, _, _ =	vpop (xrf0)  }
.Ltmp3:
0xf1: {  	vm2 =	veq.f32 v40, v45;
	vm1 =	veq.f32 v50, v38;
	vm0 =	veq.s32 v42, v0;
	[tilespmem:s6+$0x0] =	vst v7;
	(pc) =	sbr.rel @p1 .LBB2_5-.Ltmp3, $4  }
0xf2: {  	v39 =	vmctz.xlane vm2;
	vm2 =	veq.s32 v48, v0;
	v46 =	vbroadcast v32, $0xF;
	v38, _, _ =	vpop (xrf0);
	(xrf0) =	vmax.scan.msk.f32 $0xffff, v26  }
0xf3: {  	v37 =	vnsel vm0, $0x0, v37;
	v32 =	vbroadcast v10, $0xF;
	v40 =	vnsel vm2, $0x0, v28;
	v10, _, _ =	vpop (xrf0);
	[tilespmem:s6+$0xFFFFFE40] =	vst v44  }
0xf4: {  	v28 =	vbroadcast v41, $0xF;
	vm0 =	veq.f32 v52, v46;
	v42 =	vbroadcast v10, $0xF;
	v44, _, _ =	vpop (xrf0);
	[tilespmem:s6+$0xFFFFFE60] =	vst v40  }
0xf5: {  	s24 =	sadd.s32 $0x400, s24;
	v45 =	vbroadcast v47, $0xF;
	vm2 =	veq.f32 v31, v51;
	v7 =	vmovc v34;
	v40 =	vmctz.xlane vm0;
	v10 =	vmovc v29;
	[tilespmem:s13+$0x10] =	vst v37  }
0xf6: {  	vm0 =	veq.f32 v36, v42;
	vm3 =	veq.f32 v22, v32  }
0xf7: {  	vm4 =	veq.s32 v25, v0;
	[tilespmem:s6+$0x40] =	vst v33;
	v25 =	vmctz.xlane vm2;
	v31 =	vmctz.xlane vm1  }
0xf8: {  	[tilespmem:s6+$0xFFFFFE70] =	vst v43;
	vm2 =	veq.f32 v23, v28;
	v22 =	vmctz.xlane vm3;
	v2 =	vnsel vm4, $0x0, v2  }
0xf9: {  	[tilespmem:s6+$0xFFFFFE10] =	vst v30;
	vm1 =	veq.s32 v40, v0;
	vm3 =	veq.s32 v39, v0;
	vm9 =	veq.f32 v19, v45  }
0xfa: {  	v29, _, _ =	vpop (xrf0);
	[tilespmem:s6+$0x20] =	vst v2;
	v2 =	vbroadcast v35, $0xF;
	vm5 =	veq.s32 v25, v0;
	vm8 =	veq.s32 v22, v0  }
0xfb: {  	(xrf0) =	vmax.scan.msk.f32 $0xffff, v15;
	v58, _, _ =	vpop (xrf0);
	v18 =	vnsel vm1, $0x0, v18;
	vm1 =	veq.s32 v31, v0;
	v8 =	vnsel vm8, $0x0, v8  }
0xfc: {  	v1 =	vnsel vm3, $0x0, v1;
	v22 =	vbroadcast v58, $0xF;
	[tilespmem:s10+$0x50] =	vst v8;
	v8 =	vbroadcast v38, $0xF  }
0xfd: {  	v6 =	vnsel vm5, $0x0, v6;
	[tilespmem:s6+$0xFFFFFE30] =	vst v1;
	vm3 =	veq.f32 v11, v2;
	v2 =	vbroadcast v29, $0xF  }
0xfe: {  	v1 =	vbroadcast v44, $0xF;
	[tilespmem:s10+$0x70] =	vst v6;
	v6 =	vmctz.xlane vm9;
	vm10 =	veq.f32 v24, v8  }
0xff: {  	[tilespmem:s10+$0x60] =	vst v27;
	vm11 =	veq.f32 v26, v22;
	vm6 =	veq.f32 v9, v2;
	v2 =	vmctz.xlane vm10  }
0x100: {  	[tilespmem:s10+$0xFFFFFE20] =	vst v13;
	vm12 =	veq.f32 v20, v1;
	vm13 =	veq.s32 v6, v0;
	v1 =	vmctz.xlane vm6  }
0x101: {  	[tilespmem:s10+$0x30] =	vst v18;
	v6 =	vnsel vm13, $0x0, v12;
	vm14 =	veq.s32 v2, v0;
	v2 =	vmctz.xlane vm12  }
0x102: {  	v8 =	vmctz.xlane vm0;
	[tilespmem:s10+$0xFFFFFE50] =	vst v6;
	vm0 =	veq.s32 v1, v0;
	v6 =	vnsel vm14, $0x0, v21  }
0x103: {  	v9, _, _ =	vpop (xrf0);
	v1 =	vmctz.xlane vm2;
	[tilespmem:s10+$0xFFFFFE00] =	vst v6;
	vm2 =	veq.s32 v2, v0;
	v2 =	vnsel vm0, $0x0, v7  }
0x104: {  	v6 =	vbroadcast v9, $0xF;
	vm0 =	veq.s32 v8, v0;
	v7 =	vnsel vm2, $0x0, v17;
	[tilespmem:s10+$0x0] =	vst v2  }
0x105: {  	v2 =	vmctz.xlane vm11;
	vm2 =	veq.s32 v1, v0;
	v1 =	vnsel vm0, $0x0, v14;
	[tilespmem:s10+$0xFFFFFE40] =	vst v7  }
0x106: {  	v7 =	vmctz.xlane vm3;
	v4 =	vnsel vm2, $0x0, v4;
	vm0 =	veq.f32 v15, v6;
	[tilespmem:s10+$0xFFFFFE60] =	vst v1  }
0x107: {  	v1 =	vnsel vm1, $0x0, v10;
	v6 =	vmctz.xlane vm0;
	vm0 =	veq.s32 v2, v0;
	[tilespmem:s10+$0x40] =	vst v4  }
0x108: {  	[tilespmem:s10+$0xFFFFFE70] =	vst v1;
	vm1 =	veq.s32 v7, v0;
	v1 =	vnsel vm0, $0x0, v16  }
0x109: {  	v2 =	vnsel vm1, $0x0, v3;
	vm0 =	veq.s32 v6, v0;
	[tilespmem:s10+$0x20] =	vst v1  }
0x10a: {  	[tilespmem:s10+$0xFFFFFE10] =	vst v2;
	v1 =	vnsel vm0, $0x0, v5  }
0x10b: {  	[tilespmem:s10+$0xFFFFFE30] =	vst v1  }
0x10c: {  	v9 =	vld [tilespmem:s9+$0xFFFFFE20];
	_ =	sdelay $0x1  }
0x10d: {  	v13 =	vld [tilespmem:s9+$0x50]  }
0x10e: {  	v12 =	vld [tilespmem:s9+$0x70]  }
0x10f: {  	v7 =	vld [tilespmem:s9+$0x30]  }
0x110: {  	v2 =	vld [tilespmem:s9+$0x20];
	v3 =	vand.u32 $0x7FFFFFFF, v9  }
0x111: {  	(xrf0) =	vmax.scan.msk.f32 $0xffff, v3  }
0x112: {  	v28 =	vld [tilespmem:s9+$0x60];
	v14 =	vand.u32 $0x7FFFFFFF, v13  }
0x113: {  	v27 =	vld [tilespmem:s9+$0x40];
	v20 =	vand.u32 $0x7FFFFFFF, v12;
	(xrf0) =	vmax.scan.msk.f32 $0xffff, v14  }
0x114: {  	v5 =	vld [tilespmem:s9+$0xFFFFFE00];
	v21 =	vand.u32 $0x7FFFFFFF, v7;
	(xrf0) =	vmax.scan.msk.f32 $0xffff, v20  }
0x115: {  	v1 =	vld [tilespmem:s9+$0x0];
	v22 =	vand.u32 $0x7FFFFFFF, v2;
	(xrf0) =	vmax.scan.msk.f32 $0xffff, v21  }
0x116: {  	v8 =	vld [tilespmem:s9+$0xFFFFFE60];
	(xrf0) =	vmax.scan.msk.f32 $0xffff, v22  }
0x117: {  	v17 =	vld [tilespmem:s9+$0xFFFFFE70];
	v4, _, _ =	vpop (xrf0)  }
0x118: {  	v24 =	vld [tilespmem:s9+$0xFFFFFE40];
	v29 =	vand.u32 $0x7FFFFFFF, v28;
	v4 =	vbroadcast v4, $0xF  }
0x119: {  	v15 =	vld [tilespmem:s9+$0xFFFFFE30];
	(xrf0) =	vmax.scan.msk.f32 $0xffff, v29;
	v6, _, _ =	vpop (xrf0)  }
0x11a: {  	v26 =	vld [tilespmem:s9+$0xFFFFFE10];
	v30 =	vand.u32 $0x7FFFFFFF, v1;
	v59, _, _ =	vpop (xrf0);
	vm0 =	veq.f32 v3, v4;
	v3 =	vbroadcast v6, $0xF  }
0x11b: {  	v31 =	vand.u32 $0x7FFFFFFF, v8;
	(xrf0) =	vmax.scan.msk.f32 $0xffff, v30;
	v19, _, _ =	vpop (xrf0)  }
0x11c: {  	v16 =	vand.u32 $0x7FFFFFFF, v5;
	(xrf0) =	vmax.scan.msk.f32 $0xffff, v31;
	v4 =	vld [tilespmem:s9+$0x10];
	v18 =	vmctz.xlane vm0;
	vm0 =	veq.f32 v14, v3;
	v14, _, _ =	vpop (xrf0)  }
0x11d: {  	v25 =	vld [tilespmem:s9+$0xFFFFFE50];
	v10 =	vand.u32 $0x7FFFFFFF, v27;
	(xrf0) =	vmax.scan.msk.f32 $0xffff, v16;
	v14 =	vbroadcast v14, $0xF  }
0x11e: {  	v11 =	vand.u32 $0x7FFFFFFF, v24;
	v3 =	vand.u32 $0x7FFFFFFF, v15;
	(xrf0) =	vmax.scan.msk.f32 $0xffff, v10  }
0x11f: {  	v6 =	vand.u32 $0x7FFFFFFF, v17;
	v34 =	vbroadcast v19, $0xF;
	v19 =	vand.u32 $0x7FFFFFFF, v26;
	v23, _, _ =	vpop (xrf0);
	(xrf0) =	vmax.scan.msk.f32 $0xffff, v3  }
0x120: {  	vm1 =	veq.s32 v18, v0;
	v60 =	vmctz.xlane vm0;
	v61 =	vbroadcast v23, $0xF;
	(xrf0) =	vmax.scan.msk.f32 $0xffff, v6  }
0x121: {  	v18 =	vnsel vm1, $0x0, v9;
	vm0 =	veq.f32 v22, v14;
	v23 =	vand.u32 $0x7FFFFFFF, v4;
	v14, _, _ =	vpop (xrf0);
	(xrf0) =	vmax.scan.msk.f32 $0xffff, v11  }
0x122: {  	v9 =	vand.u32 $0x7FFFFFFF, v25;
	v22 =	vbroadcast v59, $0xF;
	vm2 =	veq.f32 v29, v61;
	v29, _, _ =	vpop (xrf0);
	(xrf0) =	vmax.scan.msk.f32 $0xffff, v23  }
0x123: {  	p2 =	por $0x1, $0x1;
	v62 =	vmctz.xlane vm0;
	vm0 =	veq.f32 v21, v34;
	v14 =	vbroadcast v14, $0xF;
	v21, _, _ =	vpop (xrf0)  }
.Ltmp4:
0x124: {  	vm1 =	veq.s32 v60, v0;
	v34 =	vmctz.xlane vm0;
	vm0 =	veq.f32 v20, v22;
	v20, _, _ =	vpop (xrf0);
	(pc) =	sbr.rel @!p2 .LBB2_7-.Ltmp4, $4  }
0x125: {  	v63 =	vbroadcast v29, $0xF;
	vm3 =	veq.f32 v30, v14;
	v14 =	vmctz.xlane vm0;
	v29, _, _ =	vpop (xrf0)  }
0x126: {  	v38 =	vmctz.xlane vm2;
	v30 =	vnsel vm1, $0x0, v13;
	v37 =	vbroadcast v21, $0xF;
	v33, _, _ =	vpop (xrf0)  }
0x127: {  	(xrf0) =	vmax.scan.msk.f32 $0xffff, v9;
	vm0 =	veq.s32 v62, v0;
	v32 =	vbroadcast v20, $0xF;
	vm15 =	veq.s32 v14, v0;
	v35, _, _ =	vpop (xrf0)  }
0x128: {  	s8 =	simm.s32 $0x700;
	p1 =	por $0x0, $0x0;
	s6 =	simm.s32 $0x380;
	vm1 =	veq.f32 v31, v63;
	(xrf0) =	vmax.scan.msk.f32 $0xffff, v19;
	v36 =	vmctz.xlane vm3;
	v39 =	vnsel vm15, $0x0, v12;
	v31, _, _ =	vpop (xrf0)  }
0x129: {  	vm2 =	veq.f32 v16, v37  }
0x12a: {  	v40 =	vld [tilespmem:s8+$0xFFFFFE20];
	v14 =	vbroadcast v31, $0xF;
	vm3 =	veq.s32 v34, v0;
	v16 =	vbroadcast v35, $0xF  }
0x12b: {  	v31 =	vld [tilespmem:s8+$0x70];
	v20 =	vmctz.xlane vm1;
	v33 =	vbroadcast v33, $0xF;
	vm4 =	veq.f32 v10, v32  }
0x12c: {  	v46 =	vld [tilespmem:s8+$0x50];
	[tilespmem:s16+$0xFFFFFE20] =	vst v18;
	v29 =	vbroadcast v29, $0xF;
	v18 =	vnsel vm0, $0x0, v2;
	v13 =	vmctz.xlane vm2  }
0x12d: {  	[tilespmem:s16+$0x70] =	vst v39;
	v12 =	vld [tilespmem:s8+$0x60];
	v7 =	vnsel vm3, $0x0, v7;
	vm2 =	veq.s32 v38, v0;
	vm1 =	veq.s32 v36, v0  }
0x12e: {  	[tilespmem:s16+$0x50] =	vst v30;
	v2 =	vld [tilespmem:s8+$0x20];
	vm0 =	veq.s32 v20, v0;
	vm5 =	veq.f32 v11, v16;
	v1 =	vnsel vm1, $0x0, v1  }
0x12f: {  	[tilespmem:s16+$0x20] =	vst v18;
	v16 =	vmctz.xlane vm4;
	vm3 =	veq.s32 v13, v0;
	v20 =	vnsel vm0, $0x0, v8  }
0x130: {  	[tilespmem:s16+$0x30] =	vst v7;
	v7 =	vld [tilespmem:s8+$0x30];
	vm0 =	veq.f32 v23, v14;
	v11 =	vmctz.xlane vm5;
	v21, _, _ =	vpop (xrf0);
	v30 =	vand.u32 $0x7FFFFFFF, v40  }
0x131: {  	v5 =	vnsel vm3, $0x0, v5;
	v47 =	vbroadcast v21, $0xF;
	v18 =	vand.u32 $0x7FFFFFFF, v46;
	(xrf0) =	vmax.scan.msk.f32 $0xffff, v30  }
0x132: {  	v13 =	vld [tilespmem:s8+$0x40];
	[tilespmem:s16+$0x0] =	vst v1;
	v23 =	vand.u32 $0x7FFFFFFF, v12;
	v48 =	vand.u32 $0x7FFFFFFF, v31;
	v21 =	vnsel vm2, $0x0, v28  }
0x133: {  	v8 =	vld [tilespmem:s8+$0xFFFFFE60];
	v10, _, _ =	vpop (xrf0);
	[tilespmem:s16+$0xFFFFFE00] =	vst v5;
	v28 =	vand.u32 $0x7FFFFFFF, v2;
	vm2 =	veq.f32 v6, v33;
	v6 =	vmctz.xlane vm0  }
0x134: {  	v22 =	vld [tilespmem:s8+$0xFFFFFE70];
	vm1 =	veq.s32 v11, v0;
	v5 =	vbroadcast v10, $0xF;
	v11 =	vmctz.xlane vm2;
	(xrf0) =	vmax.scan.msk.f32 $0xffff, v18  }
0x135: {  	vm2 =	veq.s32 v16, v0;
	v24 =	vnsel vm1, $0x0, v24;
	v49 =	vand.u32 $0x7FFFFFFF, v7;
	(xrf0) =	vmax.scan.msk.f32 $0xffff, v48  }
0x136: {  	v1 =	vld [tilespmem:s8+$0x0];
	v51 =	vnsel vm2, $0x0, v27;
	vm13 =	veq.f32 v9, v47;
	vm3 =	veq.f32 v19, v5;
	(xrf0) =	vmax.scan.msk.f32 $0xffff, v49  }
0x137: {  	v5 =	vld [tilespmem:s8+$0xFFFFFE00];
	v10 =	vand.u32 $0x7FFFFFFF, v13;
	vm0 =	veq.s32 v11, v0;
	v57 =	vmctz.xlane vm13;
	(xrf0) =	vmax.scan.msk.f32 $0xffff, v28;
	v50, _, _ =	vpop (xrf0)  }
0x138: {  	v14 =	vld [tilespmem:s8+$0xFFFFFE40];
	[tilespmem:s16+$0xFFFFFE60] =	vst v20;
	v54 =	vand.u32 $0x7FFFFFFF, v8;
	v19 =	vmctz.xlane vm3;
	v33 =	vbroadcast v50, $0xF  }
0x139: {  	vm3 =	veq.s32 v6, v0;
	v6 =	vand.u32 $0x7FFFFFFF, v22;
	v17 =	vnsel vm0, $0x0, v17;
	(xrf0) =	vmax.scan.msk.f32 $0xffff, v23  }
0x13a: {  	[tilespmem:s16+$0x60] =	vst v21;
	v27 =	vld [tilespmem:s8+$0xFFFFFE30];
	v4 =	vnsel vm3, $0x0, v4;
	vm12 =	veq.s32 v19, v0;
	v11, _, _ =	vpop (xrf0);
	vm2 =	veq.f32 v30, v33  }
0x13b: {  	[tilespmem:s16+$0xFFFFFE40] =	vst v24;
	v52 =	vbroadcast v11, $0xF;
	v53, _, _ =	vpop (xrf0);
	v30 =	vand.u32 $0x7FFFFFFF, v1;
	v19 =	vmctz.xlane vm2  }
0x13c: {  	[tilespmem:s16+$0x10] =	vst v4;
	v26 =	vnsel vm12, $0x0, v26;
	v16 =	vand.u32 $0x7FFFFFFF, v5;
	v41, _, _ =	vpop (xrf0);
	(xrf0) =	vmax.scan.msk.f32 $0xffff, v30  }
0x13d: {  	v4 =	vld [tilespmem:s8+$0x10];
	v11 =	vand.u32 $0x7FFFFFFF, v14;
	vm3 =	veq.f32 v18, v52;
	v9, _, _ =	vpop (xrf0);
	(xrf0) =	vmax.scan.msk.f32 $0xffff, v54;
	vm2 =	veq.s32 v19, v0  }
0x13e: {  	v21 =	vld [tilespmem:s8+$0xFFFFFE50];
	v55 =	vmctz.xlane vm3;
	v9 =	vbroadcast v9, $0xF;
	(xrf0) =	vmax.scan.msk.f32 $0xffff, v16;
	v18 =	vnsel vm2, $0x0, v40  }
0x13f: {  	v20 =	vld [tilespmem:s8+$0xFFFFFE10];
	vm2 =	veq.f32 v3, v29;
	v29 =	vbroadcast v41, $0xF;
	v3 =	vand.u32 $0x7FFFFFFF, v27;
	(xrf0) =	vmax.scan.msk.f32 $0xffff, v10;
	v19, _, _ =	vpop (xrf0)  }
0x140: {  	vm3 =	veq.s32 v57, v0;
	vm1 =	veq.f32 v28, v9;
	(xrf0) =	vmax.scan.msk.f32 $0xffff, v3;
	v56 =	vbroadcast v19, $0xF  }
0x141: {  	v28 =	vmctz.xlane vm2;
	v59 =	vmctz.xlane vm1;
	(xrf0) =	vmax.scan.msk.f32 $0xffff, v6;
	vm1 =	veq.f32 v49, v29  }
0x142: {  	v29 =	vbroadcast v53, $0xF;
	v58, _, _ =	vpop (xrf0);
	(xrf0) =	vmax.scan.msk.f32 $0xffff, v11;
	vm2 =	veq.f32 v23, v56;
	v23 =	vand.u32 $0x7FFFFFFF, v4  }
0x143: {  	v25 =	vnsel vm3, $0x0, v25;
	v9 =	vand.u32 $0x7FFFFFFF, v21;
	v33 =	vbroadcast v58, $0xF;
	v60, _, _ =	vpop (xrf0);
	(xrf0) =	vmax.scan.msk.f32 $0xffff, v23  }
0x144: {  	p4 =	por $0x1, $0x1;
	v19 =	vand.u32 $0x7FFFFFFF, v20;
	v34 =	vmctz.xlane vm1;
	vm1 =	veq.s32 v55, v0;
	v62, _, _ =	vpop (xrf0);
	(xrf0) =	vmax.scan.msk.f32 $0xffff, v9  }
.Ltmp5:
0x145: {  	vm15 =	veq.s32 v28, v0;
	vm0 =	veq.s32 v59, v0;
	vm14 =	veq.f32 v48, v29;
	v63, _, _ =	vpop (xrf0);
	(xrf0) =	vmax.scan.msk.f32 $0xffff, v19;
	(pc) =	sbr.rel @!p4 .LBB2_9-.Ltmp5, $4  }
0x146: {  	[tilespmem:s16+$0x40] =	vst v51;
	v40 =	vnsel vm15, $0x0, v15;
	v61 =	vbroadcast v60, $0xF;
	v28 =	vmctz.xlane vm14;
	v29, _, _ =	vpop (xrf0)  }
0x147: {  	[tilespmem:s16+$0xFFFFFE70] =	vst v17;
	v38 =	vmctz.xlane vm2;
	vm3 =	veq.f32 v30, v33;
	v30 =	vnsel vm1, $0x0, v46;
	v33, _, _ =	vpop (xrf0)  }
0x148: {  	s10 =	simm.s32 $0x100;
	s9 =	simm.s32 $0xC700;
	[tilespmem:s16+$0xFFFFFE10] =	vst v26;
	v37 =	vbroadcast v62, $0xF;
	v32 =	vbroadcast v63, $0xF;
	vm2 =	veq.s32 v28, v0;
	v35, _, _ =	vpop (xrf0)  }
0x149: {  	p3 =	por $0x1, $0x1;
	s13 =	simm.s32 $0xC700;
	s8 =	simm.s32 $0xB00;
	[tilespmem:s16+$0xFFFFFE50] =	vst v25;
	vm1 =	veq.f32 v54, v61;
	v36 =	vmctz.xlane vm3;
	v39 =	vnsel vm2, $0x0, v31;
	v31, _, _ =	vpop (xrf0)  }
.LBB2_10:
0x14a: {  	v26 =	vld [tilespmem:s8+$0xFFFFFE20];
	s10 =	sadd.s32 $0x100, s10;
	vm2 =	veq.f32 v16, v37;
	v16 =	vbroadcast v31, $0xF;
	vm3 =	veq.s32 v34, v0;
	s13 =	sadd.s32 $0x400, s13;
	v28, _, _ =	vpop (xrf0);
	[tilespmem:s16+$0xFFFFFE30] =	vst v40  }
0x14b: {  	s16 =	smov.u32 s9;
	v15 =	vld [tilespmem:s8+$0x70];
	p4 =	slt.u32 s10, $0xF00;
	v31 =	vmctz.xlane vm2;
	v7 =	vnsel vm3, $0x0, v7;
	vm2 =	veq.s32 v38, v0;
	[tilespmem:s9+$0x70] =	vst v39;
	v34, _, _ =	vpop (xrf0);
	s9 =	smov.u32 s13  }
0x14c: {  	v35 =	vbroadcast v35, $0xF;
	v24 =	vmovc v22;
	v17 =	vmovc v27;
	v38 =	vmctz.xlane vm1;
	vm1 =	veq.s32 v36, v0;
	v37 =	vld [tilespmem:s8+$0x60];
	[tilespmem:s16+$0x30] =	vst v7  }
0x14d: {  	v27 =	vbroadcast v33, $0xF;
	vm4 =	veq.f32 v10, v32;
	v25 =	vld [tilespmem:s8+$0x50];
	vm3 =	veq.s32 v31, v0;
	[tilespmem:s16+$0x50] =	vst v30  }
0x14e: {  	v29 =	vbroadcast v29, $0xF;
	v10 =	vnsel vm0, $0x0, v2;
	v30 =	vld [tilespmem:s8+$0x40];
	v5 =	vnsel vm3, $0x0, v5;
	[tilespmem:s16+$0xFFFFFE20] =	vst v18  }
0x14f: {  	v22 =	vbroadcast v34, $0xF;
	vm0 =	veq.s32 v38, v0;
	v18 =	vand.u32 $0x7FFFFFFF, v26;
	v7 =	vld [tilespmem:s8+$0x30];
	[tilespmem:s16+$0xFFFFFE00] =	vst v5  }
0x150: {  	v28 =	vbroadcast v28, $0xF;
	v31 =	vnsel vm0, $0x0, v8;
	vm0 =	veq.f32 v23, v16;
	v2 =	vld [tilespmem:s8+$0x20];
	(xrf0) =	vmax.scan.msk.f32 $0xffff, v18  }
0x151: {  	vm5 =	veq.f32 v11, v35;
	vm3 =	veq.f32 v19, v22;
	v8 =	vnsel vm1, $0x0, v1;
	v5 =	vld [tilespmem:s8+$0xFFFFFE00];
	[tilespmem:s16+$0x20] =	vst v10  }
0x152: {  	v11 =	vmctz.xlane vm5;
	v16 =	vmctz.xlane vm4;
	v1 =	vld [tilespmem:s8+$0x0];
	v19 =	vand.u32 $0x7FFFFFFF, v25;
	[tilespmem:s16+$0x0] =	vst v8  }
0x153: {  	v33 =	vmctz.xlane vm3;
	v32 =	vand.u32 $0x7FFFFFFF, v15;
	v23 =	vand.u32 $0x7FFFFFFF, v37;
	v22 =	vld [tilespmem:s8+$0xFFFFFE70];
	(xrf0) =	vmax.scan.msk.f32 $0xffff, v19  }
0x154: {  	v36 =	vnsel vm2, $0x0, v12;
	v12 =	vmovc v37;
	v10 =	vand.u32 $0x7FFFFFFF, v30;
	v34 =	vld [tilespmem:s8+$0xFFFFFE40];
	v35 =	vand.u32 $0x7FFFFFFF, v7;
	(xrf0) =	vmax.scan.msk.f32 $0xffff, v32  }
0x155: {  	vm2 =	veq.f32 v6, v27;
	v6 =	vmctz.xlane vm0;
	v37 =	vld [tilespmem:s8+$0xFFFFFE50];
	v38 =	vand.u32 $0x7FFFFFFF, v2;
	(xrf0) =	vmax.scan.msk.f32 $0xffff, v35  }
0x156: {  	v39 =	vmctz.xlane vm2;
	vm1 =	veq.s32 v11, v0;
	vm2 =	veq.s32 v16, v0;
	v8 =	vld [tilespmem:s8+$0xFFFFFE60];
	v27, _, _ =	vpop (xrf0);
	(xrf0) =	vmax.scan.msk.f32 $0xffff, v38  }
0x157: {  	vm3 =	veq.s32 v6, v0;
	v16 =	vand.u32 $0x7FFFFFFF, v5;
	v27 =	vbroadcast v27, $0xF;
	[tilespmem:s16+$0x60] =	vst v36  }
0x158: {  	vm0 =	veq.s32 v39, v0;
	v36 =	vnsel vm2, $0x0, v13;
	v13 =	vmovc v30;
	v6 =	vand.u32 $0x7FFFFFFF, v22;
	(xrf0) =	vmax.scan.msk.f32 $0xffff, v23  }
0x159: {  	vm4 =	veq.s32 v33, v0;
	v30 =	vand.u32 $0x7FFFFFFF, v1;
	vm2 =	veq.f32 v18, v27;
	v11, _, _ =	vpop (xrf0);
	[tilespmem:s16+$0xFFFFFE60] =	vst v31  }
0x15a: {  	v4 =	vnsel vm3, $0x0, v4;
	v18 =	vmctz.xlane vm2;
	v27 =	vld [tilespmem:s8+$0xFFFFFE30];
	v31 =	vbroadcast v11, $0xF;
	(xrf0) =	vmax.scan.msk.f32 $0xffff, v30;
	v33, _, _ =	vpop (xrf0)  }
0x15b: {  	v41 =	vnsel vm4, $0x0, v20;
	v11 =	vand.u32 $0x7FFFFFFF, v34;
	v39 =	vand.u32 $0x7FFFFFFF, v8;
	v40, _, _ =	vpop (xrf0);
	v20 =	vld [tilespmem:s8+$0xFFFFFE10];
	[tilespmem:s16+$0x10] =	vst v4  }
0x15c: {  	vm4 =	veq.f32 v9, v28;
	vm2 =	veq.s32 v18, v0;
	vm3 =	veq.f32 v19, v31;
	v19, _, _ =	vpop (xrf0);
	[tilespmem:s16+$0x40] =	vst v36  }
0x15d: {  	v18 =	vnsel vm2, $0x0, v26;
	v4 =	vld [tilespmem:s8+$0x10];
	v26 =	vmctz.xlane vm3;
	(xrf0) =	vmax.scan.msk.f32 $0xffff, v39;
	vm2 =	veq.f32 v3, v29  }
0x15e: {  	v42 =	vnsel vm1, $0x0, v14;
	v28 =	vbroadcast v40, $0xF;
	v9 =	vbroadcast v19, $0xF;
	(xrf0) =	vmax.scan.msk.f32 $0xffff, v16;
	v19, _, _ =	vpop (xrf0)  }
0x15f: {  	v14 =	vmovc v34;
	v31 =	vmctz.xlane vm4;
	v3 =	vand.u32 $0x7FFFFFFF, v27;
	v29 =	vbroadcast v19, $0xF;
	(xrf0) =	vmax.scan.msk.f32 $0xffff, v10  }
0x160: {  	v36 =	vmctz.xlane vm2;
	vm1 =	veq.f32 v38, v9;
	v19 =	vand.u32 $0x7FFFFFFF, v20;
	(xrf0) =	vmax.scan.msk.f32 $0xffff, v3;
	v34, _, _ =	vpop (xrf0)  }
0x161: {  	vm3 =	veq.s32 v31, v0;
	v9 =	vand.u32 $0x7FFFFFFF, v37;
	vm2 =	veq.f32 v23, v29;
	(xrf0) =	vmax.scan.msk.f32 $0xffff, v6  }
0x162: {  	v38 =	vnsel vm3, $0x0, v21;
	v21 =	vmovc v37;
	v31 =	vmctz.xlane vm1;
	v23 =	vand.u32 $0x7FFFFFFF, v4;
	(xrf0) =	vmax.scan.msk.f32 $0xffff, v11  }
0x163: {  	v37 =	vbroadcast v33, $0xF;
	vm1 =	veq.f32 v35, v28;
	v40 =	vbroadcast v34, $0xF;
	v33, _, _ =	vpop (xrf0);
	(xrf0) =	vmax.scan.msk.f32 $0xffff, v23  }
0x164: {  	v34 =	vmctz.xlane vm1;
	vm1 =	veq.s32 v26, v0;
	v35 =	vbroadcast v33, $0xF;
	v26, _, _ =	vpop (xrf0);
	(xrf0) =	vmax.scan.msk.f32 $0xffff, v9  }
.Ltmp6:
0x165: {  	vm5 =	veq.s32 v36, v0;
	vm4 =	veq.f32 v32, v37;
	vm3 =	veq.f32 v30, v40;
	(xrf0) =	vmax.scan.msk.f32 $0xffff, v19;
	v28, _, _ =	vpop (xrf0);
	(pc) =	sbr.rel @p4 .LBB2_10-.Ltmp6, $4  }
0x166: {  	v24 =	vnsel vm0, $0x0, v24;
	v30 =	vnsel vm1, $0x0, v25;
	v25 =	vmctz.xlane vm4;
	v29, _, _ =	vpop (xrf0);
	[tilespmem:s16+$0xFFFFFE50] =	vst v38  }
0x167: {  	vm0 =	veq.s32 v31, v0;
	v37 =	vbroadcast v26, $0xF;
	v32 =	vbroadcast v28, $0xF;
	v33, _, _ =	vpop (xrf0);
	[tilespmem:s16+$0xFFFFFE70] =	vst v24  }
0x168: {  	vm1 =	veq.f32 v39, v35;
	v38 =	vmctz.xlane vm2;
	vm2 =	veq.s32 v25, v0;
	v35, _, _ =	vpop (xrf0);
	[tilespmem:s16+$0xFFFFFE10] =	vst v41  }
0x169: {  	s8 =	sadd.s32 $0x400, s8;
	v40 =	vnsel vm5, $0x0, v17;
	v36 =	vmctz.xlane vm3;
	v39 =	vnsel vm2, $0x0, v15;
	v31, _, _ =	vpop (xrf0);
	[tilespmem:s16+$0xFFFFFE40] =	vst v42  }
0x16a: {  	v17 =	vmov v22;
	v15 =	vmov v27  }
0x16b: {  	s8 =	smov.u32 s16;
	s16 =	smov.u32 s9;
	v28 =	vmovc v12;
	v27 =	vmovc v13;
	v26 =	vmov v20;
	v24 =	vmov v14;
	v25 =	vmov v21  }
.LBB2_12:
0x16c: {  	vm2 =	veq.f32 v16, v37  }
0x16d: {  	v12 =	vbroadcast v31, $0xF;
	vm3 =	veq.s32 v34, v0;
	v14 =	vbroadcast v35, $0xF  }
0x16e: {  	[tilespmem:s8+$0xFFFFFE30] =	vst @p3 v40;
	v20 =	vmctz.xlane vm1;
	vm1 =	veq.s32 v36, v0;
	vm4 =	veq.f32 v10, v32  }
0x16f: {  	v16, _, _ =	vpop (xrf0);
	[tilespmem:s16+$0x70] =	vst v39;
	v10 =	vbroadcast v29, $0xF;
	v2 =	vnsel vm0, $0x0, v2;
	v13 =	vmctz.xlane vm2  }
0x170: {  	[tilespmem:s16+$0x50] =	vst v30;
	v7 =	vnsel vm3, $0x0, v7;
	vm2 =	veq.s32 v38, v0;
	v16 =	vbroadcast v16, $0xF  }
0x171: {  	v1 =	vnsel vm1, $0x0, v1;
	[tilespmem:s16+$0x30] =	vst v7;
	v7 =	vbroadcast v33, $0xF;
	vm0 =	veq.f32 v23, v12  }
0x172: {  	vm5 =	veq.f32 v11, v14;
	[tilespmem:s16+$0x0] =	vst v1;
	v1 =	vmctz.xlane vm4;
	vm3 =	veq.s32 v13, v0  }
0x173: {  	[tilespmem:s16+$0x20] =	vst v2;
	v11 =	vnsel vm2, $0x0, v28;
	v2 =	vmctz.xlane vm5;
	v5 =	vnsel vm3, $0x0, v5  }
0x174: {  	vm3 =	veq.s32 v20, v0;
	vm1 =	veq.f32 v6, v7;
	v13, _, _ =	vpop (xrf0);
	[tilespmem:s16+$0xFFFFFE00] =	vst v5;
	v5 =	vmctz.xlane vm0  }
0x175: {  	[tilespmem:s16+$0xFFFFFE20] =	vst v18;
	v8 =	vnsel vm3, $0x0, v8;
	vm0 =	veq.f32 v9, v16;
	v13 =	vbroadcast v13, $0xF  }
0x176: {  	[tilespmem:s16+$0x60] =	vst v11;
	v6 =	vmctz.xlane vm1;
	vm2 =	veq.s32 v5, v0;
	v5 =	vmctz.xlane vm0  }
0x177: {  	[tilespmem:s16+$0xFFFFFE60] =	vst v8;
	vm0 =	veq.s32 v1, v0;
	vm3 =	veq.f32 v19, v13;
	v1 =	vnsel vm2, $0x0, v4  }
0x178: {  	v7 =	vnsel vm0, $0x0, v27;
	v4 =	vmctz.xlane vm3;
	[tilespmem:s16+$0x10] =	vst v1;
	vm0 =	veq.s32 v5, v0  }
0x179: {  	vm1 =	veq.s32 v6, v0;
	vm2 =	veq.f32 v3, v10;
	[tilespmem:s16+$0x40] =	vst v7;
	v1 =	vnsel vm0, $0x0, v25  }
0x17a: {  	v3 =	vmctz.xlane vm2;
	vm0 =	veq.s32 v4, v0;
	[tilespmem:s16+$0xFFFFFE50] =	vst v1;
	v1 =	vnsel vm1, $0x0, v17  }
0x17b: {  	vm1 =	veq.s32 v2, v0;
	v2 =	vnsel vm0, $0x0, v26;
	[tilespmem:s16+$0xFFFFFE70] =	vst v1  }
0x17c: {  	v1 =	vnsel vm1, $0x0, v24;
	vm0 =	veq.s32 v3, v0;
	[tilespmem:s16+$0xFFFFFE10] =	vst v2  }
0x17d: {  	v2 =	vnsel vm0, $0x0, v15;
	[tilespmem:s16+$0xFFFFFE40] =	vst v1  }
0x17e: {  	[tilespmem:s16+$0xFFFFFE30] =	vst v2  }
0x17f: {  	v3 =	vld [tilespmem:s6+$0xFFFFFE20]  }
0x180: {  	v11 =	vld [tilespmem:s6+$0x50]  }
0x181: {  	v25 =	vld [tilespmem:s6+$0x70]  }
0x182: {  	v4 =	vld [tilespmem:s6+$0x40]  }
0x183: {  	v5 =	vld [tilespmem:s6+$0x30]  }
0x184: {  	v17 =	vld [tilespmem:s6+$0xFFFFFE00];
	v6 =	vand.u32 $0x7FFFFFFF, v3  }
0x185: {  	v21 =	vld [tilespmem:s6+$0x20];
	v12 =	vand.u32 $0x7FFFFFFF, v11;
	(xrf0) =	vmax.scan.msk.f32 $0xffff, v6  }
0x186: {  	v31 =	vld [tilespmem:s6+$0xFFFFFE10];
	v13 =	vand.u32 $0x7FFFFFFF, v25;
	(xrf0) =	vmax.scan.msk.f32 $0xffff, v12  }
0x187: {  	v9 =	vld [tilespmem:s6+$0x0];
	v15 =	vand.u32 $0x7FFFFFFF, v4;
	(xrf0) =	vmax.scan.msk.f32 $0xffff, v13  }
0x188: {  	v24 =	vld [tilespmem:s6+$0x10];
	v16 =	vand.u32 $0x7FFFFFFF, v5;
	(xrf0) =	vmax.scan.msk.f32 $0xffff, v15  }
0x189: {  	v22 =	vld [tilespmem:s6+$0xFFFFFE60];
	(xrf0) =	vmax.scan.msk.f32 $0xffff, v16  }
0x18a: {  	v2 =	vld [tilespmem:s6+$0xFFFFFE30]  }
0x18b: {  	v32 =	vld [tilespmem:s6+$0xFFFFFE50];
	v18 =	vand.u32 $0x7FFFFFFF, v17;
	v7, _, _ =	vpop (xrf0)  }
0x18c: {  	v19 =	vand.u32 $0x7FFFFFFF, v31;
	(xrf0) =	vmax.scan.msk.f32 $0xffff, v18;
	v7 =	vbroadcast v7, $0xF;
	v14, _, _ =	vpop (xrf0)  }
0x18d: {  	v30 =	vld [tilespmem:s6+$0xFFFFFE70];
	v20 =	vand.u32 $0x7FFFFFFF, v9;
	(xrf0) =	vmax.scan.msk.f32 $0xffff, v19;
	v23, _, _ =	vpop (xrf0)  }
0x18e: {  	v8 =	vand.u32 $0x7FFFFFFF, v24;
	v10 =	vand.u32 $0x7FFFFFFF, v21;
	(xrf0) =	vmax.scan.msk.f32 $0xffff, v20;
	vm0 =	veq.f32 v6, v7;
	v27, _, _ =	vpop (xrf0)  }
0x18f: {  	v26 =	vand.u32 $0x7FFFFFFF, v2;
	(xrf0) =	vmax.scan.msk.f32 $0xffff, v8;
	v29 =	vbroadcast v14, $0xF;
	v7 =	vmctz.xlane vm0;
	v61, _, _ =	vpop (xrf0)  }
0x190: {  	v14 =	vand.u32 $0x7FFFFFFF, v32;
	(xrf0) =	vmax.scan.msk.f32 $0xffff, v10;
	v6 =	vand.u32 $0x7FFFFFFF, v22;
	v33 =	vbroadcast v61, $0xF  }
0x191: {  	v1 =	vld [tilespmem:s6+$0x60];
	(xrf0) =	vmax.scan.msk.f32 $0xffff, v26;
	vm1 =	veq.f32 v12, v29;
	v12 =	vbroadcast v27, $0xF;
	vm0 =	veq.s32 v7, v0  }
0x192: {  	v62, _, _ =	vpop (xrf0);
	(xrf0) =	vmax.scan.msk.f32 $0xffff, v14;
	v7 =	vand.u32 $0x7FFFFFFF, v30;
	v3 =	vnsel vm0, $0x0, v3;
	vm0 =	veq.f32 v16, v33  }
0x193: {  	v29 =	vbroadcast v23, $0xF;
	v27, _, _ =	vpop (xrf0);
	vm2 =	veq.f32 v15, v12;
	(xrf0) =	vmax.scan.msk.f32 $0xffff, v7;
	v12 =	vmctz.xlane vm0  }
0x194: {  	v16, _, _ =	vpop (xrf0);
	(xrf0) =	vmax.scan.msk.f32 $0xffff, v6  }
0x195: {  	v63 =	vbroadcast v62, $0xF;
	vm4 =	veq.f32 v13, v29;
	v27 =	vbroadcast v27, $0xF;
	v23, _, _ =	vpop (xrf0)  }
.Ltmp7:
0x196: {  	v28 =	vand.u32 $0x7FFFFFFF, v1;
	v40 =	vmctz.xlane vm2;
	v38 =	vmctz.xlane vm4;
	v15, _, _ =	vpop (xrf0);
	(pc) =	sbr.rel @!p2 .LBB2_13-.Ltmp7, $4  }
0x197: {  	v13 =	vbroadcast v16, $0xF;
	v16 =	vmctz.xlane vm1;
	vm1 =	veq.s32 v12, v0;
	v12, _, _ =	vpop (xrf0)  }
0x198: {  	s16 =	simm.s32 $0xC380;
	vm3 =	veq.f32 v18, v63;
	vm0 =	veq.f32 v19, v27;
	v34 =	vbroadcast v15, $0xF;
	v33, _, _ =	vpop (xrf0)  }
0x199: {  	[tilespmem:s16+$0xFFFFFE20] =	vst v3;
	vm5 =	veq.s32 v16, v0;
	v37 =	vnsel vm1, $0x0, v5;
	vm1 =	veq.f32 v20, v13;
	v29, _, _ =	vpop (xrf0)  }
0x19a: {  	s8 =	sadd.s32 $0x400, s6;
	v5 =	vld [tilespmem:s6+$0xFFFFFE40];
	v3 =	vnsel vm5, $0x0, v11;
	v41 =	vmctz.xlane vm1;
	v39 =	vbroadcast v12, $0xF;
	(xrf0) =	vmax.scan.msk.f32 $0xffff, v28;
	v35, _, _ =	vpop (xrf0)  }
0x19b: {  	_ = 	snop  }
0x19c: {  	v15 =	vld [tilespmem:s8+$0xFFFFFE20];
	vm2 =	veq.s32 v40, v0;
	v18 =	vmctz.xlane vm0;
	vm0 =	veq.f32 v10, v34  }
0x19d: {  	v11 =	vld [tilespmem:s8+$0x70];
	v10 =	vmctz.xlane vm3;
	v20 =	vbroadcast v35, $0xF;
	vm1 =	veq.f32 v26, v39  }
0x19e: {  	v12 =	vld [tilespmem:s8+$0x60];
	vm4 =	veq.s32 v41, v0;
	v13 =	vnsel vm2, $0x0, v4;
	vm2 =	veq.s32 v38, v0  }
0x19f: {  	v36 =	vld [tilespmem:s8+$0x50];
	v9 =	vnsel vm4, $0x0, v9;
	[tilespmem:s16+$0x40] =	vst v13;
	v13 =	vmctz.xlane vm0;
	v19 =	vnsel vm2, $0x0, v25  }
0x1a0: {  	v51 =	vld [tilespmem:s8+$0x30];
	vm0 =	veq.s32 v10, v0;
	v10 =	vbroadcast v33, $0xF;
	vm2 =	veq.s32 v18, v0;
	v4, _, _ =	vpop (xrf0)  }
0x1a1: {  	v45 =	vmctz.xlane vm1;
	[tilespmem:s16+$0x0] =	vst v9;
	v26 =	vand.u32 $0x7FFFFFFF, v15;
	v50 =	vbroadcast v4, $0xF;
	v4 =	vld [tilespmem:s8+$0x40]  }
0x1a2: {  	v9 =	vnsel vm0, $0x0, v17;
	v31 =	vnsel vm2, $0x0, v31;
	vm3 =	veq.s32 v13, v0;
	(xrf0) =	vmax.scan.msk.f32 $0xffff, v26  }
0x1a3: {  	v16 =	vld [tilespmem:s8+$0x20];
	[tilespmem:s16+$0x70] =	vst v19;
	vm4 =	veq.f32 v14, v10;
	v10 =	vbroadcast v23, $0xF;
	v54 =	vand.u32 $0x7FFFFFFF, v5  }
0x1a4: {  	v25 =	vld [tilespmem:s8+$0xFFFFFE70];
	[tilespmem:s16+$0xFFFFFE00] =	vst v9;
	vm1 =	veq.s32 v45, v0;
	v14 =	vand.u32 $0x7FFFFFFF, v36;
	v9 =	vnsel vm3, $0x0, v21  }
0x1a5: {  	v17 =	vld [tilespmem:s8+$0xFFFFFE00];
	v21 =	vand.u32 $0x7FFFFFFF, v12;
	v23 =	vand.u32 $0x7FFFFFFF, v11;
	vm3 =	veq.f32 v6, v20;
	(xrf0) =	vmax.scan.msk.f32 $0xffff, v14  }
0x1a6: {  	v52 =	vand.u32 $0x7FFFFFFF, v51;
	v20 =	vld [tilespmem:s8+$0xFFFFFE10];
	v6 =	vbroadcast v29, $0xF;
	(xrf0) =	vmax.scan.msk.f32 $0xffff, v23;
	v53 =	vand.u32 $0x7FFFFFFF, v4  }
0x1a7: {  	v13 =	vld [tilespmem:s8+$0xFFFFFE60];
	v18 =	vmctz.xlane vm4;
	[tilespmem:s16+$0x20] =	vst v9;
	vm0 =	veq.f32 v8, v10;
	(xrf0) =	vmax.scan.msk.f32 $0xffff, v53  }
0x1a8: {  	v9 =	vld [tilespmem:s8+$0x0];
	v29 =	vmctz.xlane vm3;
	v10 =	vand.u32 $0x7FFFFFFF, v16;
	vm3 =	veq.f32 v7, v6;
	v8, _, _ =	vpop (xrf0);
	(xrf0) =	vmax.scan.msk.f32 $0xffff, v54  }
0x1a9: {  	v19 =	vld [tilespmem:s8+$0x10];
	vm4 =	veq.s32 v18, v0;
	v58 =	vmctz.xlane vm0;
	v8 =	vbroadcast v8, $0xF;
	(xrf0) =	vmax.scan.msk.f32 $0xffff, v52  }
0x1aa: {  	v27 =	vld [tilespmem:s8+$0xFFFFFE30];
	v55 =	vand.u32 $0x7FFFFFFF, v17;
	v7 =	vmctz.xlane vm3;
	v32 =	vnsel vm4, $0x0, v32  }
0x1ab: {  	vm6 =	veq.s32 v29, v0;
	v56 =	vand.u32 $0x7FFFFFFF, v20;
	vm3 =	veq.f32 v26, v8;
	(xrf0) =	vmax.scan.msk.f32 $0xffff, v55;
	v26, _, _ =	vpop (xrf0)  }
0x1ac: {  	v18 =	vld [tilespmem:s8+$0xFFFFFE50];
	v6 =	vand.u32 $0x7FFFFFFF, v13;
	vm0 =	veq.s32 v58, v0;
	v8 =	vmctz.xlane vm3;
	(xrf0) =	vmax.scan.msk.f32 $0xffff, v56;
	v43, _, _ =	vpop (xrf0)  }
0x1ad: {  	[tilespmem:s16+$0x30] =	vst v37;
	vm2 =	veq.s32 v7, v0;
	v7 =	vand.u32 $0x7FFFFFFF, v25;
	v57 =	vand.u32 $0x7FFFFFFF, v9;
	v44, _, _ =	vpop (xrf0)  }
0x1ae: {  	v42 =	vbroadcast v26, $0xF;
	(xrf0) =	vmax.scan.msk.f32 $0xffff, v57;
	vm3 =	veq.s32 v8, v0;
	v8 =	vand.u32 $0x7FFFFFFF, v19;
	v46, _, _ =	vpop (xrf0)  }
0x1af: {  	s6 =	simm.s32 $0xC780;
	v30 =	vnsel vm2, $0x0, v30;
	v26 =	vand.u32 $0x7FFFFFFF, v27;
	(xrf0) =	vmax.scan.msk.f32 $0xffff, v8;
	v15 =	vnsel vm3, $0x0, v15;
	v47, _, _ =	vpop (xrf0)  }
0x1b0: {  	vm2 =	veq.f32 v14, v42;
	(xrf0) =	vmax.scan.msk.f32 $0xffff, v10;
	[tilespmem:s6+$0xFFFFFE20] =	vst v15;
	v15 =	vbroadcast v47, $0xF  }
0x1b1: {  	v14 =	vand.u32 $0x7FFFFFFF, v18;
	vm3 =	veq.f32 v28, v50;
	v28 =	vbroadcast v43, $0xF;
	(xrf0) =	vmax.scan.msk.f32 $0xffff, v26;
	v59, _, _ =	vpop (xrf0)  }
0x1b2: {  	v24 =	vnsel vm0, $0x0, v24;
	v44 =	vbroadcast v44, $0xF;
	v61, _, _ =	vpop (xrf0);
	(xrf0) =	vmax.scan.msk.f32 $0xffff, v14;
	vm0 =	veq.f32 v52, v15  }
0x1b3: {  	v29 =	vmctz.xlane vm2;
	vm5 =	veq.f32 v23, v28;
	(xrf0) =	vmax.scan.msk.f32 $0xffff, v7;
	v28 =	vmctz.xlane vm0  }
0x1b4: {  	v22 =	vnsel vm6, $0x0, v22;
	v63 =	vbroadcast v46, $0xF;
	vm4 =	veq.f32 v53, v44;
	v15, _, _ =	vpop (xrf0);
	(xrf0) =	vmax.scan.msk.f32 $0xffff, v6  }
0x1b5: {  	p2 =	por $0x1, $0x1;
	[tilespmem:s16+$0xFFFFFE10] =	vst v31;
	vm7 =	veq.s32 v29, v0;
	v60 =	vbroadcast v59, $0xF;
	v34 =	vbroadcast v61, $0xF;
	v23, _, _ =	vpop (xrf0)  }
.Ltmp8:
0x1b6: {  	v40 =	vmctz.xlane vm4;
	v38 =	vmctz.xlane vm5;
	v31 =	vnsel vm7, $0x0, v36;
	(xrf0) =	vmax.scan.msk.f32 $0xffff, v21;
	v62, _, _ =	vpop (xrf0);
	(pc) =	sbr.rel @!p2 .LBB2_15-.Ltmp8, $4  }
0x1b7: {  	[tilespmem:s16+$0xFFFFFE50] =	vst v32;
	vm0 =	veq.f32 v56, v34;
	v15 =	vbroadcast v15, $0xF;
	vm2 =	veq.s32 v28, v0;
	v28, _, _ =	vpop (xrf0)  }
0x1b8: {  	[tilespmem:s16+$0xFFFFFE60] =	vst v22;
	v37 =	vnsel vm2, $0x0, v51;
	v39 =	vbroadcast v28, $0xF;
	v33, _, _ =	vpop (xrf0);
	v28 =	vmctz.xlane vm3  }
0x1b9: {  	s9 =	simm.s32 $0x100;
	[tilespmem:s16+$0x10] =	vst v24;
	vm2 =	veq.f32 v54, v63;
	v34 =	vbroadcast v62, $0xF;
	vm6 =	veq.f32 v57, v15;
	v29, _, _ =	vpop (xrf0)  }
0x1ba: {  	p1 =	por $0x1, $0x1;
	s10 =	simm.s32 $0xC780;
	[tilespmem:s16+$0xFFFFFE70] =	vst v30;
	v15 =	vld [tilespmem:s8+$0xFFFFFE40];
	s8 =	sadd.s32 $0x400, s8;
	vm3 =	veq.f32 v55, v60;
	v41 =	vmctz.xlane vm6;
	v35, _, _ =	vpop (xrf0);
	vm5 =	veq.s32 v28, v0  }
.LBB2_16:
0x1bb: {  	v28 =	vld [tilespmem:s8+$0xFFFFFE20];
	s9 =	sadd.s32 $0x100, s9;
	vm4 =	veq.f32 v26, v39;
	[tilespmem:s6+$0x30] =	vst v37;
	vm6 =	veq.s32 v40, v0;
	s10 =	sadd.s32 $0x400, s10;
	v22 =	vnsel vm5, $0x0, v1;
	v1 =	vmovc v12  }
0x1bc: {  	v37 =	vnsel vm1, $0x0, v2;
	v26 =	vld [tilespmem:s8+$0x70];
	p2 =	slt.u32 s9, $0xF00;
	vm5 =	veq.s32 v41, v0;
	v4 =	vnsel vm6, $0x0, v4;
	v24, _, _ =	vpop (xrf0);
	[tilespmem:s16+$0x60] =	vst v22  }
0x1bd: {  	v30 =	vmctz.xlane vm0;
	vm0 =	veq.f32 v10, v34;
	v32 =	vmovc v21;
	v34 =	vmovc v25;
	v12 =	vld [tilespmem:s8+$0x60];
	v9 =	vnsel vm5, $0x0, v9;
	[tilespmem:s6+$0x40] =	vst v4  }
0x1be: {  	v10 =	vmctz.xlane vm3;
	vm1 =	veq.s32 v38, v0;
	v2 =	vmovc v27;
	v36 =	vbroadcast v24, $0xF;
	v22 =	vld [tilespmem:s8+$0x50];
	[tilespmem:s16+$0xFFFFFE30] =	vst v37  }
0x1bf: {  	v21 =	vmctz.xlane vm2;
	v38 =	vnsel vm1, $0x0, v11;
	v4 =	vld [tilespmem:s8+$0x40];
	[tilespmem:s6+$0x0] =	vst v9;
	v9 =	vmctz.xlane vm0  }
0x1c0: {  	vm0 =	veq.s32 v10, v0;
	v10 =	vbroadcast v33, $0xF;
	v37 =	vand.u32 $0x7FFFFFFF, v28;
	v24 =	vld [tilespmem:s8+$0x30];
	[tilespmem:s6+$0x70] =	vst v38  }
0x1c1: {  	v27 =	vbroadcast v35, $0xF;
	vm2 =	veq.s32 v21, v0;
	v25 =	vld [tilespmem:s8+$0xFFFFFE00];
	(xrf0) =	vmax.scan.msk.f32 $0xffff, v37;
	vm5 =	veq.s32 v9, v0;
	v11 =	vmovc v26  }
0x1c2: {  	vm1 =	veq.s32 v30, v0;
	v9 =	vnsel vm0, $0x0, v17;
	vm3 =	veq.f32 v14, v10;
	v26 =	vld [tilespmem:s8+$0x20];
	[tilespmem:s16+$0x50] =	vst v3;
	v3 =	vmovc v31  }
0x1c3: {  	v10 =	vbroadcast v23, $0xF;
	v30 =	vld [tilespmem:s8+$0x10];
	v14 =	vand.u32 $0x7FFFFFFF, v22;
	[tilespmem:s6+$0xFFFFFE00] =	vst v9;
	v9 =	vnsel vm5, $0x0, v16  }
0x1c4: {  	v21 =	vand.u32 $0x7FFFFFFF, v12;
	v23 =	vand.u32 $0x7FFFFFFF, v11;
	vm5 =	veq.f32 v6, v27;
	v31 =	vld [tilespmem:s8+$0xFFFFFE60];
	[tilespmem:s6+$0x20] =	vst v9  }
0x1c5: {  	vm0 =	veq.f32 v8, v10;
	v35 =	vand.u32 $0x7FFFFFFF, v4;
	v9 =	vld [tilespmem:s8+$0x0];
	v33 =	vand.u32 $0x7FFFFFFF, v24;
	(xrf0) =	vmax.scan.msk.f32 $0xffff, v14  }
0x1c6: {  	v40 =	vand.u32 $0x7FFFFFFF, v15;
	v6 =	vbroadcast v29, $0xF;
	v39 =	vmctz.xlane vm5;
	v38 =	vld [tilespmem:s8+$0xFFFFFE10];
	(xrf0) =	vmax.scan.msk.f32 $0xffff, v23;
	v17 =	vmovc v25  }
0x1c7: {  	v29 =	vmctz.xlane vm3;
	v27 =	vnsel vm2, $0x0, v5;
	v25 =	vld [tilespmem:s8+$0xFFFFFE70];
	v10 =	vand.u32 $0x7FFFFFFF, v26;
	v8, _, _ =	vpop (xrf0);
	(xrf0) =	vmax.scan.msk.f32 $0xffff, v35  }
0x1c8: {  	v5 =	vmovc v15;
	vm2 =	veq.f32 v7, v6;
	v41 =	vand.u32 $0x7FFFFFFF, v17;
	v16 =	vmovc v26;
	v8 =	vbroadcast v8, $0xF;
	[tilespmem:s16+$0xFFFFFE40] =	vst v27;
	v15 =	vld [tilespmem:s8+$0xFFFFFE40];
	s16 =	smov.u32 s6;
	s6 =	smov.u32 s10  }
0x1c9: {  	vm3 =	veq.s32 v29, v0;
	v7 =	vmctz.xlane vm2;
	v27 =	vld [tilespmem:s8+$0xFFFFFE30];
	v6 =	vand.u32 $0x7FFFFFFF, v31;
	(xrf0) =	vmax.scan.msk.f32 $0xffff, v40  }
0x1ca: {  	v29 =	vnsel vm1, $0x0, v20;
	vm2 =	veq.f32 v37, v8;
	(xrf0) =	vmax.scan.msk.f32 $0xffff, v33;
	v37 =	vnsel vm3, $0x0, v18;
	v18 =	vld [tilespmem:s8+$0xFFFFFE50]  }
0x1cb: {  	vm1 =	veq.s32 v7, v0;
	v42 =	vand.u32 $0x7FFFFFFF, v38;
	v8 =	vmctz.xlane vm2;
	(xrf0) =	vmax.scan.msk.f32 $0xffff, v41;
	v20, _, _ =	vpop (xrf0)  }
0x1cc: {  	v45 =	vnsel vm1, $0x0, v34;
	v43 =	vand.u32 $0x7FFFFFFF, v9;
	v48 =	vbroadcast v20, $0xF;
	(xrf0) =	vmax.scan.msk.f32 $0xffff, v42;
	v44, _, _ =	vpop (xrf0)  }
0x1cd: {  	v7 =	vand.u32 $0x7FFFFFFF, v25;
	vm1 =	veq.s32 v8, v0;
	v8 =	vand.u32 $0x7FFFFFFF, v30;
	(xrf0) =	vmax.scan.msk.f32 $0xffff, v43;
	v34, _, _ =	vpop (xrf0)  }
0x1ce: {  	v46 =	vmctz.xlane vm0;
	v20 =	vmovc v38;
	v26 =	vand.u32 $0x7FFFFFFF, v27;
	vm2 =	veq.f32 v14, v48;
	(xrf0) =	vmax.scan.msk.f32 $0xffff, v8  }
0x1cf: {  	v38 =	vmctz.xlane vm4;
	v28 =	vnsel vm1, $0x0, v28;
	v14 =	vand.u32 $0x7FFFFFFF, v18;
	(xrf0) =	vmax.scan.msk.f32 $0xffff, v10;
	v47, _, _ =	vpop (xrf0)  }
0x1d0: {  	vm0 =	veq.s32 v46, v0;
	vm3 =	veq.f32 v32, v36;
	v34 =	vbroadcast v34, $0xF;
	(xrf0) =	vmax.scan.msk.f32 $0xffff, v26;
	v48, _, _ =	vpop (xrf0)  }
0x1d1: {  	v32 =	vbroadcast v44, $0xF;
	v44 =	vnsel vm0, $0x0, v19;
	[tilespmem:s10+$0xFFFFFE20] =	vst v28;
	v28 =	vbroadcast v48, $0xF;
	v36, _, _ =	vpop (xrf0)  }
0x1d2: {  	vm1 =	veq.s32 v38, v0;
	vm4 =	veq.f32 v35, v34;
	v36 =	vbroadcast v36, $0xF;
	v19, _, _ =	vpop (xrf0);
	(xrf0) =	vmax.scan.msk.f32 $0xffff, v14  }
0x1d3: {  	vm5 =	veq.f32 v23, v32;
	v34 =	vbroadcast v19, $0xF;
	vm0 =	veq.f32 v33, v28;
	(xrf0) =	vmax.scan.msk.f32 $0xffff, v7;
	v23, _, _ =	vpop (xrf0)  }
0x1d4: {  	vm6 =	veq.s32 v39, v0;
	v28 =	vbroadcast v23, $0xF;
	v32 =	vmctz.xlane vm0;
	(xrf0) =	vmax.scan.msk.f32 $0xffff, v6;
	v23, _, _ =	vpop (xrf0)  }
0x1d5: {  	v38 =	vmctz.xlane vm2;
	v35 =	vbroadcast v47, $0xF;
	vm0 =	veq.f32 v42, v34;
	v19, _, _ =	vpop (xrf0);
	[tilespmem:s16+$0xFFFFFE50] =	vst v37  }
.Ltmp9:
0x1d6: {  	v34 =	vbroadcast v19, $0xF;
	vm2 =	veq.s32 v32, v0;
	v19, _, _ =	vpop (xrf0);
	(xrf0) =	vmax.scan.msk.f32 $0xffff, v21;
	v32 =	vnsel vm6, $0x0, v13;
	(pc) =	sbr.rel @p2 .LBB2_16-.Ltmp9, $4  }
0x1d7: {  	v13 =	vmovc v31;
	v39 =	vbroadcast v19, $0xF;
	v37 =	vnsel vm2, $0x0, v24;
	[tilespmem:s16+$0xFFFFFE10] =	vst v29;
	vm2 =	veq.f32 v40, v35;
	v19 =	vmovc v30  }
0x1d8: {  	vm7 =	veq.s32 v38, v0;
	vm6 =	veq.f32 v43, v28;
	v24 =	vmctz.xlane vm3;
	v33, _, _ =	vpop (xrf0);
	[tilespmem:s16+$0xFFFFFE70] =	vst v45  }
0x1d9: {  	v38 =	vmctz.xlane vm5;
	vm3 =	veq.f32 v41, v36;
	v40 =	vmctz.xlane vm4;
	v29, _, _ =	vpop (xrf0);
	[tilespmem:s16+$0xFFFFFE60] =	vst v32  }
0x1da: {  	s8 =	sadd.s32 $0x400, s8;
	v31 =	vnsel vm7, $0x0, v22;
	v41 =	vmctz.xlane vm6;
	vm5 =	veq.s32 v24, v0;
	v35, _, _ =	vpop (xrf0);
	[tilespmem:s16+$0x10] =	vst v44  }
0x1db: {  	v42 =	vmovc v1;
	v43 =	vmov v2;
	v36 =	vmov v3;
	v1 =	vmov v12  }
0x1dc: {  	v28 =	vmovc v21;
	v30 =	vmovc v25;
	v2 =	vmov v27;
	v25 =	vmov v11;
	v3 =	vmov v31  }
0x1dd: {  	v21 =	vmovc v16;
	v31 =	vmovc v20;
	v32 =	vmov v18;
	v24 =	vmov v19;
	v22 =	vmov v13  }
.LBB2_18:
0x1de: {  	vm4 =	veq.f32 v26, v39  }
0x1df: {  	vm6 =	veq.s32 v40, v0;
	v11 =	vnsel @p1 vm5, $0x0, v42;
	vm15 =	veq.s32 v41, v0  }
0x1e0: {  	[tilespmem:s6+$0x30] =	vst v37;
	v12 =	vnsel @p1 vm1, $0x0, v43;
	v13 =	vmctz.xlane vm0;
	vm0 =	veq.f32 v10, v34  }
0x1e1: {  	v10 =	vmctz.xlane vm3;
	vm1 =	veq.s32 v38, v0;
	v4 =	vnsel vm6, $0x0, v4;
	[tilespmem:s16+$0x60] =	vst @p1 v11  }
0x1e2: {  	v16, _, _ =	vpop (xrf0);
	v9 =	vnsel vm15, $0x0, v9;
	v11 =	vmctz.xlane vm0;
	[tilespmem:s16+$0xFFFFFE30] =	vst @p1 v12;
	v12 =	vmctz.xlane @p1 vm2  }
0x1e3: {  	[tilespmem:s6+$0x40] =	vst v4;
	v4 =	vbroadcast v16, $0xF;
	v16 =	vnsel vm1, $0x0, v25;
	vm0 =	veq.s32 v10, v0  }
0x1e4: {  	v10 =	vbroadcast v33, $0xF;
	[tilespmem:s6+$0x0] =	vst v9;
	vm1 =	veq.s32 v11, v0;
	v11 =	vand.u32 $0x7FFFFFFF, v15  }
0x1e5: {  	v9 =	vbroadcast v35, $0xF;
	vm2 =	veq.s32 @p1 v12, v0;
	v12 =	vnsel vm0, $0x0, v17;
	(xrf0) =	vmax.scan.msk.f32 $0xffff, v11  }
0x1e6: {  	[tilespmem:s16+$0x50] =	vst @p1 v36;
	v17 =	vbroadcast v29, $0xF;
	vm0 =	veq.s32 v13, v0;
	vm3 =	veq.f32 v14, v10  }
0x1e7: {  	[tilespmem:s6+$0x50] =	vst v3;
	v10 =	vbroadcast v23, $0xF;
	v13 =	vnsel vm1, $0x0, v21;
	v5 =	vnsel @p1 vm2, $0x0, v5  }
0x1e8: {  	[tilespmem:s6+$0x70] =	vst v16;
	v14 =	vmctz.xlane vm3;
	vm1 =	veq.f32 v7, v17;
	vm3 =	veq.f32 v6, v9  }
0x1e9: {  	[tilespmem:s6+$0xFFFFFE00] =	vst v12;
	vm8 =	veq.f32 v8, v10;
	v6 =	vmctz.xlane vm1;
	v7 =	vmctz.xlane vm3  }
0x1ea: {  	[tilespmem:s16+$0xFFFFFE40] =	vst @p1 v5;
	v5 =	vnsel vm0, $0x0, v31;
	vm1 =	veq.s32 v14, v0;
	v9 =	vmctz.xlane vm8  }
0x1eb: {  	[tilespmem:s6+$0x20] =	vst v13;
	v8 =	vnsel vm1, $0x0, v32;
	vm0 =	veq.s32 v6, v0;
	vm1 =	veq.s32 v7, v0;
	v10, _, _ =	vpop (xrf0)  }
0x1ec: {  	[tilespmem:s6+$0xFFFFFE10] =	vst v5;
	v6 =	vnsel vm0, $0x0, v30;
	vm0 =	veq.f32 v28, v4;
	v4 =	vbroadcast v10, $0xF  }
0x1ed: {  	v7 =	vmctz.xlane vm4;
	[tilespmem:s6+$0xFFFFFE50] =	vst v8;
	v5 =	vmctz.xlane vm0;
	vm0 =	veq.s32 v9, v0  }
0x1ee: {  	v8 =	vnsel vm1, $0x0, v22;
	[tilespmem:s6+$0xFFFFFE70] =	vst v6;
	v6 =	vnsel vm0, $0x0, v24;
	vm0 =	veq.f32 v11, v4  }
0x1ef: {  	[tilespmem:s6+$0xFFFFFE60] =	vst v8;
	vm2 =	veq.s32 v7, v0;
	v4 =	vmctz.xlane vm0  }
0x1f0: {  	v2 =	vnsel vm2, $0x0, v2;
	vm1 =	veq.s32 v5, v0;
	[tilespmem:s6+$0x10] =	vst v6  }
0x1f1: {  	[tilespmem:s6+$0xFFFFFE30] =	vst v2;
	v1 =	vnsel vm1, $0x0, v1;
	vm0 =	veq.s32 v4, v0  }
0x1f2: {  	s0 =	sshrl.u32 s0, $0x3;
	[tilespmem:s6+$0x60] =	vst v1;
	v1 =	vnsel vm0, $0x0, v15  }
0x1f3: {  	s0 =	sadd.s32 s4, s0;
	p1 =	seq.s32 s29, $0x7;
	[tilespmem:s6+$0xFFFFFE40] =	vst v1  }
0x1f4: {  	[hbm4b:s0+s14] =	stream.strided.scatter [tilespmem:s19], [sflag:$0x4], $0x4000, s15, s14, $0x38;
	[tilespmem:$0x18000] =	vst v63  }
0x1f5: {  	s0 =	sadd.s32 @!p1 $0x3, s30  }
0x1f6: {  	s6 =	sshll.u32 @!p1 s0, $0xE  }
0x1f7: {  	s6 =	sadd.s32 @!p1 s5, s6  }
0x1f8: {  	s0 =	sshll.u32 @!p1 s0, $0x9;
	s6 =	sand.u32 @!p1 $0x7F8000, s6  }
0x1f9: {  	s0 =	sand.u32 @!p1 $0x200, s0;
	s6 =	sadd.s32 @!p1 s3, s6  }
0x1fa: {  	s0 =	sor.u32 @!p1 s0, s6  }
0x1fb: {  	s8 =	simm.s32 @!p1 $0x400;
	s0 =	sshrl.u32 @!p1 s0, $0x3  }
0x1fc: {  	s9 =	simm.s32 @!p1 $0x0;
	s6 =	simm.s32 @!p1 $0x200;
	s0 =	sadd.s32 @!p1 s2, s0  }
0x1fd: {  	[tilespmem:s9], [sflag:$0x1] =	stream.strided.gather @!p1 [hbm4b:s0+s6], $0x4000, s8, s6, $0x38;
	[tilespmem:$0x18000] =	vst v63  }
0x1fe: {  	_ =	swait.ge [sflag:s20], $0x4000  }
0x1ff: {  	[sflag:s20] =	ssyncset.done $0x0  }
0x200: {  	s0 =	simm.s32 @!p0 $0x5;
	[sflag:s20] =	ssyncadd.s32 $0xFFFFC000  }
0x201: {  	_ =	swait.ge @!p0 [sflag:s0], $0x4000  }
0x202: {  	[sflag:s0] =	ssyncset.done @!p0 $0x0  }
0x203: {  	s10 =	simm.s32 $0x4200;
	[sflag:s0] =	ssyncadd.s32 @!p0 $0xFFFFC000  }
0x204: {  	v1 =	vld [tilespmem:s10+$0xFFFFFE20];
	_ =	sdelay $0x1  }
0x205: {  	v4 =	vld [tilespmem:s10+$0x50];
	_ =	sdelay $0x2  }
0x206: {  	v2 =	vld [tilespmem:s10+$0x70];
	v6 =	vand.u32 $0x7FFFFFFF, v1  }
0x207: {  	v5 =	vld [tilespmem:s10+$0x30];
	(xrf0) =	vmax.scan.msk.f32 $0xffff, v6  }
0x208: {  	v9 =	vld [tilespmem:s10+$0x20];
	v11 =	vand.u32 $0x7FFFFFFF, v4  }
0x209: {  	v3 =	vld [tilespmem:s10+$0x60];
	(xrf0) =	vmax.scan.msk.f32 $0xffff, v11  }
0x20a: {  	v7 =	vld [tilespmem:s10+$0x40]  }
0x20b: {  	v10 =	vld [tilespmem:s10+$0xFFFFFE00];
	v15 =	vand.u32 $0x7FFFFFFF, v2  }
0x20c: {  	v13 =	vld [tilespmem:s10+$0x0];
	v16 =	vand.u32 $0x7FFFFFFF, v5;
	(xrf0) =	vmax.scan.msk.f32 $0xffff, v15  }
0x20d: {  	v18 =	vld [tilespmem:s10+$0xFFFFFE60];
	v21 =	vand.u32 $0x7FFFFFFF, v9;
	(xrf0) =	vmax.scan.msk.f32 $0xffff, v16;
	v8, _, _ =	vpop (xrf0)  }
0x20e: {  	v20 =	vld [tilespmem:s10+$0xFFFFFE70];
	(xrf0) =	vmax.scan.msk.f32 $0xffff, v21;
	v14 =	vbroadcast v8, $0xF  }
0x20f: {  	v12 =	vld [tilespmem:s10+$0xFFFFFE40];
	v22 =	vand.u32 $0x7FFFFFFF, v3;
	v17, _, _ =	vpop (xrf0)  }
0x210: {  	v25 =	vld [tilespmem:s10+$0xFFFFFE50];
	(xrf0) =	vmax.scan.msk.f32 $0xffff, v22;
	vm0 =	veq.f32 v6, v14;
	v6 =	vbroadcast v17, $0xF  }
0x211: {  	v19 =	vld [tilespmem:s10+$0xFFFFFE30]  }
0x212: {  	v23 =	vand.u32 $0x7FFFFFFF, v13;
	v27, _, _ =	vpop (xrf0);
	v30 =	vmctz.xlane vm0  }
0x213: {  	v24 =	vand.u32 $0x7FFFFFFF, v18;
	v26 =	vand.u32 $0x7FFFFFFF, v10;
	(xrf0) =	vmax.scan.msk.f32 $0xffff, v23;
	v8 =	vld [tilespmem:s10+$0xFFFFFE10];
	v31, _, _ =	vpop (xrf0)  }
0x214: {  	v28 =	vand.u32 $0x7FFFFFFF, v7;
	v29 =	vand.u32 $0x7FFFFFFF, v20;
	(xrf0) =	vmax.scan.msk.f32 $0xffff, v24;
	vm0 =	veq.f32 v11, v6;
	v6, _, _ =	vpop (xrf0)  }
0x215: {  	v43 =	vand.u32 $0x7FFFFFFF, v12;
	v45 =	vand.u32 $0x7FFFFFFF, v25;
	v14 =	vld [tilespmem:s10+$0x10];
	v6 =	vbroadcast v6, $0xF  }
0x216: {  	(xrf0) =	vmax.scan.msk.f32 $0xffff, v26;
	v17 =	vand.u32 $0x7FFFFFFF, v19;
	vm1 =	veq.s32 v30, v0;
	v11 =	vmctz.xlane vm0;
	v30, _, _ =	vpop (xrf0)  }
0x217: {  	(xrf0) =	vmax.scan.msk.f32 $0xffff, v28;
	v44 =	vnsel vm1, $0x0, v1;
	v1 =	vbroadcast v31, $0xF;
	v30 =	vbroadcast v30, $0xF  }
0x218: {  	v31 =	vand.u32 $0x7FFFFFFF, v8;
	vm1 =	veq.s32 v11, v0;
	vm0 =	veq.f32 v21, v6  }
0x219: {  	(xrf0) =	vmax.scan.msk.f32 $0xffff, v17;
	v4 =	vnsel vm1, $0x0, v4;
	vm2 =	veq.f32 v22, v30;
	v30 =	vmctz.xlane vm0;
	v6, _, _ =	vpop (xrf0)  }
0x21a: {  	(xrf0) =	vmax.scan.msk.f32 $0xffff, v29;
	v21 =	vand.u32 $0x7FFFFFFF, v14;
	v22 =	vbroadcast v27, $0xF;
	vm0 =	veq.f32 v16, v1;
	v27, _, _ =	vpop (xrf0)  }
0x21b: {  	v6 =	vbroadcast v6, $0xF;
	vm1 =	veq.s32 v30, v0;
	v16 =	vbroadcast v27, $0xF  }
0x21c: {  	s13 =	simm.s32 $0x4600;
	(xrf0) =	vmax.scan.msk.f32 $0xffff, v43;
	v1, _, _ =	vpop (xrf0);
	v27 =	vmctz.xlane vm0;
	vm0 =	veq.f32 v15, v22;
	v9 =	vnsel vm1, $0x0, v9  }
0x21d: {  	(xrf0) =	vmax.scan.msk.f32 $0xffff, v21;
	v30 =	vld [tilespmem:s13+$0xFFFFFE20];
	v15, _, _ =	vpop (xrf0);
	vm3 =	veq.f32 v23, v6;
	v6 =	vmctz.xlane vm0;
	v1 =	vbroadcast v1, $0xF  }
0x21e: {  	(xrf0) =	vmax.scan.msk.f32 $0xffff, v45;
	v15 =	vbroadcast v15, $0xF;
	vm9 =	veq.f32 v24, v16;
	v16 =	vmctz.xlane vm2  }
0x21f: {  	v11, _, _ =	vpop (xrf0);
	(xrf0) =	vmax.scan.msk.f32 $0xffff, v31;
	v23 =	vmctz.xlane vm3;
	vm2 =	veq.s32 v27, v0;
	vm0 =	veq.s32 v6, v0  }
0x220: {  	s6 =	simm.s32 $0x10200;
	v22, _, _ =	vpop (xrf0);
	v5 =	vnsel vm2, $0x0, v5;
	v2 =	vnsel vm0, $0x0, v2;
	vm0 =	veq.f32 v26, v1  }
0x221: {  	[tilespmem:s6+$0x20] =	vst v9;
	v9 =	vld [tilespmem:s13+$0xFFFFFE00];
	vm2 =	veq.s32 v23, v0;
	v22 =	vbroadcast v22, $0xF;
	vm10 =	veq.f32 v28, v15  }
0x222: {  	[tilespmem:s6+$0x50] =	vst v4;
	v27 =	vld [tilespmem:s13+$0x50];
	v23 =	vbroadcast v11, $0xF;
	v28 =	vand.u32 $0x7FFFFFFF, v30;
	v6, _, _ =	vpop (xrf0);
	v46 =	vmctz.xlane vm0  }
0x223: {  	v26 =	vld [tilespmem:s13+$0x70];
	[tilespmem:s6+$0x30] =	vst v5;
	vm0 =	veq.s32 v16, v0;
	v16 =	vmctz.xlane vm9;
	v24, _, _ =	vpop (xrf0);
	v6 =	vbroadcast v6, $0xF  }
0x224: {  	v11 =	vld [tilespmem:s13+$0x30];
	[tilespmem:s6+$0x70] =	vst v2;
	v51 =	vnsel vm0, $0x0, v3;
	vm0 =	veq.f32 v29, v22;
	v5, _, _ =	vpop (xrf0);
	vm3 =	veq.s32 v46, v0  }
0x225: {  	v2 =	vld [tilespmem:s13+$0x40];
	(xrf0) =	vmax.scan.msk.f32 $0xffff, v28;
	v24 =	vbroadcast v24, $0xF;
	v53 =	vmctz.xlane vm0;
	v4, _, _ =	vpop (xrf0);
	v10 =	vnsel vm3, $0x0, v10  }
0x226: {  	vm1 =	veq.s32 v16, v0;
	v47 =	vbroadcast v5, $0xF;
	[tilespmem:s6+$0xFFFFFE00] =	vst v10;
	v10 =	vbroadcast v4, $0xF;
	v4 =	vld [tilespmem:s13+$0x20]  }
0x227: {  	v1 =	vld [tilespmem:s13+$0x60];
	v16 =	vnsel vm1, $0x0, v18;
	vm11 =	veq.f32 v43, v6;
	v5 =	vnsel vm2, $0x0, v13  }
0x228: {  	[tilespmem:s6+$0xFFFFFE20] =	vst v44;
	v18 =	vmctz.xlane vm10;
	vm1 =	veq.f32 v21, v24;
	v24 =	vand.u32 $0x7FFFFFFF, v27  }
0x229: {  	[tilespmem:s6+$0x0] =	vst v5;
	v48 =	vand.u32 $0x7FFFFFFF, v26;
	v50 =	vand.u32 $0x7FFFFFFF, v11;
	(xrf0) =	vmax.scan.msk.f32 $0xffff, v24  }
0x22a: {  	v5 =	vld [tilespmem:s13+$0x0];
	v21 =	vand.u32 $0x7FFFFFFF, v9;
	vm0 =	veq.s32 v53, v0;
	v15 =	vand.u32 $0x7FFFFFFF, v2;
	(xrf0) =	vmax.scan.msk.f32 $0xffff, v48  }
0x22b: {  	v6 =	vld [tilespmem:s13+$0xFFFFFE70];
	v22 =	vmctz.xlane vm1;
	vm2 =	veq.s32 v18, v0;
	(xrf0) =	vmax.scan.msk.f32 $0xffff, v50;
	v52 =	vand.u32 $0x7FFFFFFF, v4  }
0x22c: {  	v13 =	vld [tilespmem:s13+$0xFFFFFE60];
	vm13 =	veq.f32 v45, v47;
	vm3 =	veq.f32 v31, v10;
	v31 =	vand.u32 $0x7FFFFFFF, v1;
	v29, _, _ =	vpop (xrf0);
	(xrf0) =	vmax.scan.msk.f32 $0xffff, v52  }
0x22d: {  	v20 =	vnsel vm0, $0x0, v20;
	v10 =	vmctz.xlane vm11;
	v18 =	vbroadcast v29, $0xF;
	(xrf0) =	vmax.scan.msk.f32 $0xffff, v31  }
0x22e: {  	v3 =	vld [tilespmem:s13+$0xFFFFFE40];
	[tilespmem:s6+$0x60] =	vst v51;
	v33 =	vmctz.xlane vm13;
	v49 =	vmctz.xlane vm3;
	vm3 =	veq.s32 v22, v0  }
0x22f: {  	[tilespmem:s6+$0xFFFFFE60] =	vst v16;
	v22 =	vnsel vm2, $0x0, v7;
	vm2 =	veq.f32 v28, v18;
	v28 =	vand.u32 $0x7FFFFFFF, v5;
	v7, _, _ =	vpop (xrf0)  }
0x230: {  	v16 =	vld [tilespmem:s13+$0xFFFFFE30];
	vm1 =	veq.s32 v10, v0;
	v29 =	vmctz.xlane vm2;
	v54 =	vbroadcast v7, $0xF;
	(xrf0) =	vmax.scan.msk.f32 $0xffff, v28;
	v55, _, _ =	vpop (xrf0)  }
0x231: {  	v10 =	vand.u32 $0x7FFFFFFF, v6;
	v14 =	vnsel vm3, $0x0, v14;
	v56 =	vand.u32 $0x7FFFFFFF, v13;
	[tilespmem:s6+$0x40] =	vst v22;
	v58, _, _ =	vpop (xrf0)  }
0x232: {  	vm12 =	veq.s32 v49, v0;
	[tilespmem:s6+$0x10] =	vst v14;
	v14 =	vld [tilespmem:s13+$0x10];
	vm2 =	veq.s32 v29, v0;
	vm3 =	veq.f32 v24, v54;
	v24, _, _ =	vpop (xrf0)  }
0x233: {  	v18 =	vand.u32 $0x7FFFFFFF, v3;
	v7 =	vld [tilespmem:s13+$0xFFFFFE10];
	v22 =	vnsel vm2, $0x0, v30;
	(xrf0) =	vmax.scan.msk.f32 $0xffff, v56;
	vm2 =	veq.f32 v17, v23;
	v23, _, _ =	vpop (xrf0)  }
0x234: {  	v57 =	vnsel vm12, $0x0, v8;
	v8 =	vld [tilespmem:s13+$0xFFFFFE50];
	(xrf0) =	vmax.scan.msk.f32 $0xffff, v21;
	v17 =	vbroadcast v24, $0xF;
	v24 =	vbroadcast v23, $0xF  }
0x235: {  	v59 =	vnsel vm1, $0x0, v12;
	v12 =	vand.u32 $0x7FFFFFFF, v16;
	v29 =	vbroadcast v58, $0xF;
	(xrf0) =	vmax.scan.msk.f32 $0xffff, v15  }
0x236: {  	v60 =	vmctz.xlane vm2;
	v30 =	vmctz.xlane vm3;
	(xrf0) =	vmax.scan.msk.f32 $0xffff, v12;
	vm2 =	veq.f32 v31, v24;
	v31, _, _ =	vpop (xrf0)  }
0x237: {  	v62 =	vbroadcast v55, $0xF;
	vm3 =	veq.s32 v33, v0;
	(xrf0) =	vmax.scan.msk.f32 $0xffff, v10;
	v31 =	vbroadcast v31, $0xF  }
0x238: {  	v23 =	vand.u32 $0x7FFFFFFF, v7;
	(xrf0) =	vmax.scan.msk.f32 $0xffff, v18;
	vm1 =	veq.f32 v52, v17;
	v24 =	vand.u32 $0x7FFFFFFF, v14  }
0x239: {  	s16 =	sadd.s32 $0x1, s30;
	v17 =	vand.u32 $0x7FFFFFFF, v8;
	v61 =	vmctz.xlane vm1;
	vm1 =	veq.f32 v50, v29;
	v29, _, _ =	vpop (xrf0);
	(xrf0) =	vmax.scan.msk.f32 $0xffff, v24  }
0x23a: {  	s24 =	sshll.u32 s16, $0xE;
	v63 =	vbroadcast v29, $0xF;
	v29 =	vmctz.xlane vm1;
	vm1 =	veq.s32 v30, v0;
	v30, _, _ =	vpop (xrf0);
	(xrf0) =	vmax.scan.msk.f32 $0xffff, v17  }
0x23b: {  	s8 =	sadd.s32 s5, s24;
	vm14 =	veq.f32 v48, v62;
	v25 =	vnsel vm3, $0x0, v25;
	vm3 =	veq.f32 v28, v31;
	(xrf0) =	vmax.scan.msk.f32 $0xffff, v23;
	v31, _, _ =	vpop (xrf0)  }
0x23c: {  	s8 =	sand.u32 $0x7F8000, s8;
	s0 =	sshll.u32 s16, $0x9;
	[tilespmem:s6+$0xFFFFFE70] =	vst v20;
	vm15 =	veq.s32 v60, v0;
	v32 =	vmctz.xlane vm14;
	v28 =	vnsel vm1, $0x0, v27;
	v27, _, _ =	vpop (xrf0)  }
0x23d: {  	s8 =	sadd.s32 s3, s8;
	s0 =	sand.u32 $0x200, s0;
	[tilespmem:s6+$0xFFFFFE40] =	vst v59;
	v19 =	vnsel vm15, $0x0, v19;
	v34 =	vbroadcast v30, $0xF;
	v30 =	vbroadcast v31, $0xF;
	v31, _, _ =	vpop (xrf0)  }
0x23e: {  	s9 =	simm.s32 $0x4280;
	s16 =	simm.s32 $0x4A00;
	s0 =	sor.u32 s0, s8;
	[tilespmem:s6+$0xFFFFFE50] =	vst v25;
	v33 =	vmctz.xlane vm2;
	vm2 =	veq.s32 v32, v0;
	vm0 =	veq.s32 v61, v0;
	v25, _, _ =	vpop (xrf0)  }
0x23f: {  	s8 =	simm.s32 $0x100;
	s10 =	simm.s32 $0x10600;
	[tilespmem:s6+$0xFFFFFE10] =	vst v57;
	s13 =	simm.s32 $0x10600;
	v26 =	vnsel vm2, $0x0, v26;
	vm1 =	veq.f32 v56, v63;
	v32 =	vmctz.xlane vm3;
	v35, _, _ =	vpop (xrf0)  }
.LBB2_19:
0x240: {  	v36 =	vld [tilespmem:s16+$0xFFFFFE20];
	s8 =	sadd.s32 $0x100, s8;
	vm2 =	veq.f32 v21, v34;
	v21 =	vbroadcast v35, $0xF;
	vm3 =	veq.s32 v29, v0;
	s13 =	sadd.s32 $0x400, s13;
	v29, _, _ =	vpop (xrf0);
	[tilespmem:s6+$0xFFFFFE30] =	vst v19  }
0x241: {  	s6 =	smov.u32 s10;
	v19 =	vld [tilespmem:s16+$0x70];
	p2 =	slt.u32 s8, $0xF00;
	v34 =	vmctz.xlane vm2;
	v11 =	vnsel vm3, $0x0, v11;
	vm2 =	veq.s32 v33, v0;
	[tilespmem:s10+$0x70] =	vst v26;
	v33, _, _ =	vpop (xrf0);
	s10 =	smov.u32 s13  }
0x242: {  	v37 =	vbroadcast v25, $0xF;
	v38 =	vmctz.xlane vm1;
	v25 =	vmovc v6;
	v20 =	vmovc v16;
	vm1 =	veq.s32 v32, v0;
	v35 =	vld [tilespmem:s16+$0x60];
	[tilespmem:s6+$0x30] =	vst v11  }
0x243: {  	v16 =	vbroadcast v31, $0xF;
	vm4 =	veq.f32 v15, v30;
	v26 =	vld [tilespmem:s16+$0x50];
	vm3 =	veq.s32 v34, v0;
	[tilespmem:s6+$0x50] =	vst v28  }
0x244: {  	v27 =	vbroadcast v27, $0xF;
	v15 =	vnsel vm0, $0x0, v4;
	v28 =	vld [tilespmem:s16+$0x40];
	v6 =	vnsel vm3, $0x0, v9;
	[tilespmem:s6+$0xFFFFFE20] =	vst v22  }
0x245: {  	vm0 =	veq.s32 v38, v0;
	v22 =	vand.u32 $0x7FFFFFFF, v36;
	v11 =	vld [tilespmem:s16+$0x30];
	[tilespmem:s6+$0xFFFFFE00] =	vst v6;
	v6 =	vbroadcast v33, $0xF  }
0x246: {  	v29 =	vbroadcast v29, $0xF;
	v30 =	vnsel vm0, $0x0, v13;
	vm0 =	veq.f32 v24, v21;
	v4 =	vld [tilespmem:s16+$0x20];
	(xrf0) =	vmax.scan.msk.f32 $0xffff, v22  }
0x247: {  	vm5 =	veq.f32 v18, v37;
	v9 =	vld [tilespmem:s16+$0xFFFFFE00];
	vm3 =	veq.f32 v23, v6;
	v6 =	vnsel vm1, $0x0, v5;
	[tilespmem:s6+$0x20] =	vst v15  }
0x248: {  	v18 =	vmctz.xlane vm5;
	v21 =	vmctz.xlane vm4;
	v5 =	vld [tilespmem:s16+$0x0];
	v23 =	vand.u32 $0x7FFFFFFF, v26;
	[tilespmem:s6+$0x0] =	vst v6  }
0x249: {  	v31 =	vand.u32 $0x7FFFFFFF, v19;
	v24 =	vand.u32 $0x7FFFFFFF, v35;
	v32 =	vmctz.xlane vm3;
	v6 =	vld [tilespmem:s16+$0xFFFFFE70];
	(xrf0) =	vmax.scan.msk.f32 $0xffff, v23  }
0x24a: {  	v37 =	vnsel vm2, $0x0, v1;
	v1 =	vmovc v35;
	v15 =	vand.u32 $0x7FFFFFFF, v28;
	v33 =	vld [tilespmem:s16+$0xFFFFFE40];
	v34 =	vand.u32 $0x7FFFFFFF, v11;
	(xrf0) =	vmax.scan.msk.f32 $0xffff, v31  }
0x24b: {  	vm2 =	veq.f32 v10, v16;
	v10 =	vmctz.xlane vm0;
	v35 =	vld [tilespmem:s16+$0xFFFFFE50];
	v38 =	vand.u32 $0x7FFFFFFF, v4;
	(xrf0) =	vmax.scan.msk.f32 $0xffff, v34  }
0x24c: {  	v39 =	vmctz.xlane vm2;
	vm2 =	veq.s32 v21, v0;
	vm1 =	veq.s32 v18, v0;
	v13 =	vld [tilespmem:s16+$0xFFFFFE60];
	v16, _, _ =	vpop (xrf0);
	(xrf0) =	vmax.scan.msk.f32 $0xffff, v38  }
0x24d: {  	vm3 =	veq.s32 v10, v0;
	v21 =	vand.u32 $0x7FFFFFFF, v9;
	v16 =	vbroadcast v16, $0xF;
	[tilespmem:s6+$0x60] =	vst v37  }
0x24e: {  	vm0 =	veq.s32 v39, v0;
	v37 =	vnsel vm2, $0x0, v2;
	v2 =	vmovc v28;
	v10 =	vand.u32 $0x7FFFFFFF, v6;
	(xrf0) =	vmax.scan.msk.f32 $0xffff, v24  }
0x24f: {  	vm4 =	veq.s32 v32, v0;
	v28 =	vand.u32 $0x7FFFFFFF, v5;
	vm2 =	veq.f32 v22, v16;
	v18, _, _ =	vpop (xrf0);
	[tilespmem:s6+$0xFFFFFE60] =	vst v30  }
0x250: {  	v14 =	vnsel vm3, $0x0, v14;
	v22 =	vmctz.xlane vm2;
	v16 =	vld [tilespmem:s16+$0xFFFFFE30];
	v30 =	vbroadcast v18, $0xF;
	(xrf0) =	vmax.scan.msk.f32 $0xffff, v28;
	v32, _, _ =	vpop (xrf0)  }
0x251: {  	v41 =	vnsel vm4, $0x0, v7;
	v18 =	vand.u32 $0x7FFFFFFF, v33;
	v39 =	vand.u32 $0x7FFFFFFF, v13;
	v40, _, _ =	vpop (xrf0);
	v7 =	vld [tilespmem:s16+$0xFFFFFE10];
	[tilespmem:s6+$0x10] =	vst v14  }
0x252: {  	vm4 =	veq.f32 v17, v29;
	vm2 =	veq.s32 v22, v0;
	vm3 =	veq.f32 v23, v30;
	v23, _, _ =	vpop (xrf0);
	[tilespmem:s6+$0x40] =	vst v37  }
0x253: {  	v22 =	vnsel vm2, $0x0, v36;
	v14 =	vld [tilespmem:s16+$0x10];
	v30 =	vmctz.xlane vm3;
	(xrf0) =	vmax.scan.msk.f32 $0xffff, v39;
	vm2 =	veq.f32 v12, v27  }
0x254: {  	v17 =	vbroadcast v23, $0xF;
	v27 =	vbroadcast v40, $0xF;
	v36 =	vnsel vm1, $0x0, v3;
	(xrf0) =	vmax.scan.msk.f32 $0xffff, v21;
	v23, _, _ =	vpop (xrf0)  }
0x255: {  	v37 =	vmctz.xlane vm4;
	v3 =	vmovc v33;
	v12 =	vand.u32 $0x7FFFFFFF, v16;
	v29 =	vbroadcast v23, $0xF;
	(xrf0) =	vmax.scan.msk.f32 $0xffff, v15  }
0x256: {  	vm1 =	veq.f32 v38, v17;
	v38 =	vmctz.xlane vm2;
	v23 =	vand.u32 $0x7FFFFFFF, v7;
	(xrf0) =	vmax.scan.msk.f32 $0xffff, v12;
	v33, _, _ =	vpop (xrf0)  }
0x257: {  	vm3 =	veq.s32 v37, v0;
	v17 =	vand.u32 $0x7FFFFFFF, v35;
	vm2 =	veq.f32 v24, v29;
	(xrf0) =	vmax.scan.msk.f32 $0xffff, v10  }
0x258: {  	v40 =	vnsel vm3, $0x0, v8;
	v8 =	vmovc v35;
	v37 =	vmctz.xlane vm1;
	v24 =	vand.u32 $0x7FFFFFFF, v14;
	(xrf0) =	vmax.scan.msk.f32 $0xffff, v18  }
0x259: {  	vm1 =	veq.f32 v34, v27;
	v34 =	vbroadcast v32, $0xF;
	v33 =	vbroadcast v33, $0xF;
	v29, _, _ =	vpop (xrf0);
	(xrf0) =	vmax.scan.msk.f32 $0xffff, v24  }
0x25a: {  	v32 =	vbroadcast v29, $0xF;
	v29 =	vmctz.xlane vm1;
	vm1 =	veq.s32 v30, v0;
	v30, _, _ =	vpop (xrf0);
	(xrf0) =	vmax.scan.msk.f32 $0xffff, v17  }
.Ltmp10:
0x25b: {  	vm5 =	veq.s32 v38, v0;
	vm4 =	veq.f32 v31, v34;
	vm3 =	veq.f32 v28, v33;
	(xrf0) =	vmax.scan.msk.f32 $0xffff, v23;
	v31, _, _ =	vpop (xrf0);
	(pc) =	sbr.rel @p2 .LBB2_19-.Ltmp10, $4  }
0x25c: {  	v35 =	vnsel vm0, $0x0, v25;
	v28 =	vnsel vm1, $0x0, v26;
	v26 =	vmctz.xlane vm4;
	v27, _, _ =	vpop (xrf0);
	[tilespmem:s6+$0xFFFFFE50] =	vst v40  }
0x25d: {  	vm0 =	veq.s32 v37, v0;
	v34 =	vbroadcast v30, $0xF;
	v30 =	vbroadcast v31, $0xF;
	v31, _, _ =	vpop (xrf0);
	[tilespmem:s6+$0xFFFFFE70] =	vst v35  }
0x25e: {  	v33 =	vmctz.xlane vm2;
	vm1 =	veq.f32 v39, v32;
	vm2 =	veq.s32 v26, v0;
	v25, _, _ =	vpop (xrf0);
	[tilespmem:s6+$0xFFFFFE10] =	vst v41  }
0x25f: {  	s16 =	sadd.s32 $0x400, s16;
	v32 =	vmctz.xlane vm3;
	v26 =	vnsel vm2, $0x0, v19;
	v19 =	vnsel vm5, $0x0, v20;
	v35, _, _ =	vpop (xrf0);
	[tilespmem:s6+$0xFFFFFE40] =	vst v36  }
0x260: {  	vm2 =	veq.f32 v21, v34  }
0x261: {  	v20 =	vbroadcast v35, $0xF;
	vm3 =	veq.s32 v29, v0;
	[tilespmem:s6+$0xFFFFFE30] =	vst v19;
	v19 =	vbroadcast v25, $0xF  }
0x262: {  	[tilespmem:s10+$0x70] =	vst v26;
	v26 =	vmctz.xlane vm1;
	vm4 =	veq.f32 v15, v30;
	v15 =	vbroadcast v27, $0xF  }
0x263: {  	v25, _, _ =	vpop (xrf0);
	v4 =	vnsel vm0, $0x0, v4;
	v21 =	vmctz.xlane vm2;
	v11 =	vnsel vm3, $0x0, v11  }
0x264: {  	[tilespmem:s10+$0xFFFFFE20] =	vst v22;
	vm2 =	veq.s32 v33, v0;
	vm1 =	veq.s32 v32, v0;
	v22 =	vbroadcast v25, $0xF  }
0x265: {  	[tilespmem:s10+$0x30] =	vst v11;
	v11 =	vbroadcast v31, $0xF;
	vm0 =	veq.f32 v24, v20;
	vm5 =	veq.f32 v18, v19  }
0x266: {  	[tilespmem:s10+$0x20] =	vst v4;
	v5 =	vnsel vm1, $0x0, v5;
	v1 =	vnsel vm2, $0x0, v1;
	vm3 =	veq.s32 v21, v0  }
0x267: {  	v4 =	vmctz.xlane vm5;
	[tilespmem:s10+$0x0] =	vst v5;
	v5 =	vmctz.xlane vm4;
	v9 =	vnsel vm3, $0x0, v9  }
0x268: {  	vm3 =	veq.s32 v26, v0;
	vm1 =	veq.f32 v10, v11;
	v21, _, _ =	vpop (xrf0);
	[tilespmem:s10+$0xFFFFFE00] =	vst v9;
	v9 =	vmctz.xlane vm0  }
0x269: {  	[tilespmem:s10+$0x50] =	vst v28;
	v13 =	vnsel vm3, $0x0, v13;
	vm0 =	veq.f32 v17, v22;
	v21 =	vbroadcast v21, $0xF  }
0x26a: {  	[tilespmem:s10+$0x60] =	vst v1;
	v1 =	vmctz.xlane vm0;
	vm0 =	veq.s32 v5, v0;
	vm2 =	veq.s32 v9, v0  }
0x26b: {  	[tilespmem:s10+$0xFFFFFE60] =	vst v13;
	v9 =	vmctz.xlane vm1;
	v2 =	vnsel vm0, $0x0, v2;
	vm3 =	veq.f32 v23, v21  }
0x26c: {  	v5 =	vnsel vm2, $0x0, v14;
	vm0 =	veq.s32 v1, v0;
	[tilespmem:s10+$0x40] =	vst v2;
	vm2 =	veq.f32 v12, v15  }
0x26d: {  	v10 =	vmctz.xlane vm3;
	[tilespmem:s10+$0x10] =	vst v5;
	vm1 =	veq.s32 v9, v0;
	v1 =	vnsel vm0, $0x0, v8  }
0x26e: {  	v2 =	vmctz.xlane vm2;
	[tilespmem:s10+$0xFFFFFE50] =	vst v1;
	v1 =	vnsel vm1, $0x0, v6;
	vm1 =	veq.s32 v4, v0  }
0x26f: {  	vm0 =	veq.s32 v10, v0;
	[tilespmem:s10+$0xFFFFFE70] =	vst v1;
	v1 =	vnsel vm1, $0x0, v3  }
0x270: {  	v4 =	vnsel vm0, $0x0, v7;
	vm0 =	veq.s32 v2, v0;
	[tilespmem:s10+$0xFFFFFE40] =	vst v1  }
0x271: {  	[tilespmem:s10+$0xFFFFFE10] =	vst v4;
	v2 =	vnsel vm0, $0x0, v16  }
0x272: {  	[tilespmem:s10+$0xFFFFFE30] =	vst v2  }
0x273: {  	v3 =	vld [tilespmem:s9+$0xFFFFFE20]  }
0x274: {  	v4 =	vld [tilespmem:s9+$0x70]  }
0x275: {  	v5 =	vld [tilespmem:s9+$0x60]  }
0x276: {  	v7 =	vld [tilespmem:s9+$0x50]  }
0x277: {  	v6 =	vld [tilespmem:s9+$0x10]  }
0x278: {  	v20 =	vld [tilespmem:s9+$0x40]  }
0x279: {  	v13 =	vld [tilespmem:s9+$0xFFFFFE10]  }
0x27a: {  	v24 =	vld [tilespmem:s9+$0xFFFFFE50]  }
0x27b: {  	v27 =	vld [tilespmem:s9+$0xFFFFFE70]  }
0x27c: {  	v29 =	vld [tilespmem:s9+$0x0]  }
0x27d: {  	v12 =	vld [tilespmem:s9+$0x30]  }
0x27e: {  	v31 =	vld [tilespmem:s9+$0xFFFFFE00];
	v8 =	vand.u32 $0x7FFFFFFF, v3  }
0x27f: {  	v28 =	vld [tilespmem:s9+$0xFFFFFE60];
	v9 =	vand.u32 $0x7FFFFFFF, v4;
	(xrf0) =	vmax.scan.msk.f32 $0xffff, v8  }
0x280: {  	v1 =	vld [tilespmem:s9+$0xFFFFFE30];
	v10 =	vand.u32 $0x7FFFFFFF, v5;
	(xrf0) =	vmax.scan.msk.f32 $0xffff, v9  }
0x281: {  	v32 =	vld [tilespmem:s9+$0xFFFFFE40];
	v11 =	vand.u32 $0x7FFFFFFF, v6;
	(xrf0) =	vmax.scan.msk.f32 $0xffff, v10  }
0x282: {  	s8 =	simm.s32 $0x4680;
	v2 =	vld [tilespmem:s9+$0x20];
	v14 =	vand.u32 $0x7FFFFFFF, v20;
	(xrf0) =	vmax.scan.msk.f32 $0xffff, v11  }
0x283: {  	v42 =	vld [tilespmem:s8+$0x60];
	v15 =	vand.u32 $0x7FFFFFFF, v13;
	(xrf0) =	vmax.scan.msk.f32 $0xffff, v14  }
0x284: {  	v16 =	vand.u32 $0x7FFFFFFF, v24;
	v18 =	vand.u32 $0x7FFFFFFF, v27;
	v19 =	vand.u32 $0x7FFFFFFF, v7;
	(xrf0) =	vmax.scan.msk.f32 $0xffff, v15  }
0x285: {  	v44 =	vld [tilespmem:s8+$0x10];
	v23 =	vand.u32 $0x7FFFFFFF, v12;
	v26 =	vand.u32 $0x7FFFFFFF, v31;
	v30 =	vand.u32 $0x7FFFFFFF, v28;
	v17, _, _ =	vpop (xrf0);
	(xrf0) =	vmax.scan.msk.f32 $0xffff, v16  }
0x286: {  	v56 =	vand.u32 $0x7FFFFFFF, v29;
	v34 =	vand.u32 $0x7FFFFFFF, v1;
	v21, _, _ =	vpop (xrf0);
	(xrf0) =	vmax.scan.msk.f32 $0xffff, v18;
	v17 =	vbroadcast v17, $0xF  }
0x287: {  	v36 =	vand.u32 $0x7FFFFFFF, v32;
	v38 =	vand.u32 $0x7FFFFFFF, v2;
	v22, _, _ =	vpop (xrf0);
	(xrf0) =	vmax.scan.msk.f32 $0xffff, v19;
	v21 =	vbroadcast v21, $0xF  }
0x288: {  	v57 =	vand.u32 $0x7FFFFFFF, v42;
	v25, _, _ =	vpop (xrf0);
	v22 =	vbroadcast v22, $0xF;
	vm0 =	veq.f32 v8, v17  }
0x289: {  	(xrf0) =	vmax.scan.msk.f32 $0xffff, v23;
	v55, _, _ =	vpop (xrf0);
	v8 =	vmctz.xlane vm0;
	v25 =	vbroadcast v25, $0xF;
	vm3 =	veq.f32 v9, v21  }
0x28a: {  	v45 =	vand.u32 $0x7FFFFFFF, v44;
	(xrf0) =	vmax.scan.msk.f32 $0xffff, v26;
	v17, _, _ =	vpop (xrf0);
	vm0 =	veq.f32 v10, v22;
	v21 =	vmctz.xlane vm3  }
0x28b: {  	(xrf0) =	vmax.scan.msk.f32 $0xffff, v30;
	v10, _, _ =	vpop (xrf0);
	v22 =	vmctz.xlane vm0;
	vm1 =	veq.f32 v11, v25;
	v17 =	vbroadcast v17, $0xF  }
0x28c: {  	vm0 =	veq.s32 v8, v0;
	v37, _, _ =	vpop (xrf0);
	v25 =	vmctz.xlane vm1;
	v10 =	vbroadcast v10, $0xF  }
0x28d: {  	v39 =	vnsel vm0, $0x0, v3;
	v8, _, _ =	vpop (xrf0);
	v11 =	vbroadcast v37, $0xF;
	vm1 =	veq.s32 v22, v0  }
0x28e: {  	v40 =	vnsel vm1, $0x0, v5;
	v8 =	vbroadcast v8, $0xF;
	vm14 =	veq.f32 v16, v10  }
0x28f: {  	vm1 =	veq.s32 v25, v0;
	v10 =	vld [tilespmem:s8+$0xFFFFFE70];
	v22, _, _ =	vpop (xrf0);
	vm0 =	veq.f32 v18, v11;
	v58 =	vmctz.xlane vm14  }
0x290: {  	v41 =	vld [tilespmem:s8+$0xFFFFFE20];
	(xrf0) =	vmax.scan.msk.f32 $0xffff, v36;
	v18 =	vnsel vm1, $0x0, v6;
	v3 =	vbroadcast v22, $0xF;
	v5, _, _ =	vpop (xrf0);
	vm2 =	veq.f32 v19, v8  }
0x291: {  	(xrf0) =	vmax.scan.msk.f32 $0xffff, v56;
	v6 =	vld [tilespmem:s8+$0x70];
	v22 =	vmctz.xlane vm0;
	v11, _, _ =	vpop (xrf0);
	v9 =	vmctz.xlane vm2;
	vm15 =	veq.s32 v58, v0  }
0x292: {  	(xrf0) =	vmax.scan.msk.f32 $0xffff, v38;
	v11 =	vbroadcast v11, $0xF;
	vm1 =	veq.f32 v23, v3;
	v3 =	vbroadcast v55, $0xF  }
0x293: {  	s6 =	simm.s32 $0x10280;
	v43 =	vnsel vm15, $0x0, v24;
	v8 =	vmctz.xlane vm1;
	vm2 =	veq.s32 v9, v0  }
0x294: {  	[tilespmem:s6+$0x10] =	vst v18;
	v49 =	vand.u32 $0x7FFFFFFF, v10;
	vm1 =	veq.f32 v30, v11;
	vm3 =	veq.f32 v14, v3  }
0x295: {  	(xrf0) =	vmax.scan.msk.f32 $0xffff, v34;
	v3 =	vld [tilespmem:s8+$0xFFFFFE10];
	v7 =	vnsel vm2, $0x0, v7;
	vm2 =	veq.s32 v21, v0;
	v30 =	vand.u32 $0x7FFFFFFF, v41  }
0x296: {  	v19, _, _ =	vpop (xrf0);
	[tilespmem:s6+$0xFFFFFE50] =	vst v43;
	v37 =	vand.u32 $0x7FFFFFFF, v6;
	v21 =	vld [tilespmem:s8+$0xFFFFFE00];
	vm0 =	veq.s32 v8, v0;
	v18 =	vnsel vm2, $0x0, v4  }
0x297: {  	(xrf0) =	vmax.scan.msk.f32 $0xffff, v30;
	vm2 =	veq.f32 v15, v17;
	v4 =	vld [tilespmem:s8+$0x40];
	v16 =	vmctz.xlane vm3;
	v17 =	vbroadcast v19, $0xF;
	v11, _, _ =	vpop (xrf0)  }
0x298: {  	[tilespmem:s6+$0x50] =	vst v7;
	v47 =	vmctz.xlane vm1;
	v14 =	vnsel vm0, $0x0, v12;
	vm0 =	veq.s32 v22, v0;
	v12 =	vld [tilespmem:s8+$0xFFFFFE50];
	v23, _, _ =	vpop (xrf0)  }
0x299: {  	v8 =	vld [tilespmem:s8+$0x50];
	[tilespmem:s6+$0x70] =	vst v18;
	v15 =	vbroadcast v11, $0xF;
	vm1 =	veq.s32 v16, v0;
	v9 =	vbroadcast v23, $0xF  }
0x29a: {  	v7 =	vld [tilespmem:s8+$0x0];
	(xrf0) =	vmax.scan.msk.f32 $0xffff, v37;
	[tilespmem:s6+$0x30] =	vst v14;
	v43 =	vnsel vm0, $0x0, v27;
	v33 =	vnsel vm1, $0x0, v20  }
0x29b: {  	v18 =	vld [tilespmem:s8+$0x30];
	(xrf0) =	vmax.scan.msk.f32 $0xffff, v57;
	v11 =	vand.u32 $0x7FFFFFFF, v3;
	vm13 =	veq.f32 v38, v9;
	v9 =	vbroadcast v5, $0xF  }
0x29c: {  	(xrf0) =	vmax.scan.msk.f32 $0xffff, v45;
	vm3 =	veq.f32 v56, v15;
	v14, _, _ =	vpop (xrf0);
	v24 =	vand.u32 $0x7FFFFFFF, v21;
	v5 =	vld [tilespmem:s8+$0xFFFFFE30];
	v23 =	vand.u32 $0x7FFFFFFF, v4  }
0x29d: {  	v46 =	vbroadcast v14, $0xF;
	v14 =	vld [tilespmem:s8+$0xFFFFFE60];
	v15, _, _ =	vpop (xrf0);
	(xrf0) =	vmax.scan.msk.f32 $0xffff, v23;
	v19 =	vand.u32 $0x7FFFFFFF, v12;
	vm6 =	veq.f32 v26, v9  }
0x29e: {  	v26 =	vmctz.xlane vm2;
	vm2 =	veq.f32 v36, v17;
	v60 =	vbroadcast v15, $0xF;
	v17 =	vld [tilespmem:s8+$0xFFFFFE40];
	(xrf0) =	vmax.scan.msk.f32 $0xffff, v11  }
0x29f: {  	v22 =	vand.u32 $0x7FFFFFFF, v8;
	v48 =	vmctz.xlane vm3;
	v25 =	vmctz.xlane vm13;
	(xrf0) =	vmax.scan.msk.f32 $0xffff, v19  }
0x2a0: {  	v16 =	vld [tilespmem:s8+$0x20];
	v51 =	vand.u32 $0x7FFFFFFF, v18;
	v61, _, _ =	vpop (xrf0);
	v59 =	vmctz.xlane vm6;
	vm3 =	veq.f32 v30, v60;
	(xrf0) =	vmax.scan.msk.f32 $0xffff, v49  }
0x2a1: {  	[tilespmem:s6+$0xFFFFFE20] =	vst v39;
	v9 =	vand.u32 $0x7FFFFFFF, v7;
	v50 =	vbroadcast v61, $0xF;
	v62, _, _ =	vpop (xrf0);
	v30 =	vmctz.xlane vm3  }
0x2a2: {  	[tilespmem:s6+$0x60] =	vst v40;
	vm1 =	veq.s32 v26, v0;
	v63 =	vbroadcast v62, $0xF;
	v15 =	vand.u32 $0x7FFFFFFF, v5;
	v26, _, _ =	vpop (xrf0)  }
0x2a3: {  	v36 =	vand.u32 $0x7FFFFFFF, v14;
	(xrf0) =	vmax.scan.msk.f32 $0xffff, v22;
	vm3 =	veq.s32 v30, v0;
	v20 =	vand.u32 $0x7FFFFFFF, v17;
	v56, _, _ =	vpop (xrf0)  }
0x2a4: {  	(xrf0) =	vmax.scan.msk.f32 $0xffff, v51;
	v30 =	vnsel vm1, $0x0, v13;
	v52 =	vbroadcast v26, $0xF;
	vm1 =	veq.s32 v59, v0;
	v35, _, _ =	vpop (xrf0)  }
0x2a5: {  	v26 =	vand.u32 $0x7FFFFFFF, v16;
	(xrf0) =	vmax.scan.msk.f32 $0xffff, v24;
	v13 =	vnsel vm3, $0x0, v41;
	vm3 =	veq.f32 v57, v63;
	v57, _, _ =	vpop (xrf0)  }
0x2a6: {  	v59 =	vmctz.xlane vm2;
	(xrf0) =	vmax.scan.msk.f32 $0xffff, v36;
	v31 =	vnsel vm1, $0x0, v31;
	vm1 =	veq.s32 v48, v0;
	v58, _, _ =	vpop (xrf0)  }
0x2a7: {  	vm0 =	veq.f32 v45, v52;
	v27 =	vmctz.xlane vm3;
	(xrf0) =	vmax.scan.msk.f32 $0xffff, v20;
	v38 =	vbroadcast v58, $0xF  }
0x2a8: {  	[tilespmem:s6+$0xFFFFFE00] =	vst v31;
	vm2 =	veq.s32 v59, v0;
	v29 =	vnsel vm1, $0x0, v29;
	v45 =	vmctz.xlane vm0  }
0x2a9: {  	(xrf0) =	vmax.scan.msk.f32 $0xffff, v9;
	v60 =	vnsel vm2, $0x0, v32;
	vm2 =	veq.f32 v34, v46;
	vm0 =	veq.s32 v27, v0;
	v31, _, _ =	vpop (xrf0)  }
0x2aa: {  	[tilespmem:s6+$0x0] =	vst v29;
	v39 =	vmctz.xlane vm2;
	vm2 =	veq.s32 v47, v0;
	v27 =	vnsel vm0, $0x0, v42;
	v61, _, _ =	vpop (xrf0)  }
0x2ab: {  	(xrf0) =	vmax.scan.msk.f32 $0xffff, v26;
	vm0 =	veq.s32 v45, v0;
	vm1 =	veq.f32 v49, v38;
	v29 =	vbroadcast v61, $0xF;
	v38, _, _ =	vpop (xrf0)  }
0x2ac: {  	[tilespmem:s6+$0xFFFFFE40] =	vst v60;
	v32 =	vbroadcast v31, $0xF;
	v63 =	vnsel vm2, $0x0, v28;
	v28 =	vbroadcast v56, $0xF;
	v31, _, _ =	vpop (xrf0)  }
0x2ad: {  	s16 =	simm.s32 $0x10300;
	s13 =	simm.s32 $0x10680;
	s24 =	simm.s32 $0x4A80;
	v62 =	vnsel vm0, $0x0, v44;
	[tilespmem:s6+$0xFFFFFE60] =	vst v63;
	vm0 =	veq.f32 v51, v29;
	v42 =	vbroadcast v31, $0xF  }
0x2ae: {  	s10 =	simm.s32 $0x10680;
	s9 =	simm.s32 $0x4300;
	s8 =	simm.s32 $0x100;
	v45 =	vbroadcast v57, $0xF;
	vm2 =	veq.f32 v37, v50;
	[tilespmem:s13+$0x10] =	vst v62;
	v40 =	vmctz.xlane vm0;
	v44, _, _ =	vpop (xrf0)  }
.LBB2_21:
0x2af: {  	v41 =	vld [tilespmem:s24+$0xFFFFFE20];
	s8 =	sadd.s32 $0x100, s8;
	vm0 =	veq.f32 v36, v42;
	vm3 =	veq.f32 v22, v32;
	s13 =	sadd.s32 $0x400, s13;
	v22, _, _ =	vpop (xrf0);
	vm4 =	veq.s32 v25, v0;
	[tilespmem:s6+$0x40] =	vst v33  }
0x2b0: {  	v31 =	vmctz.xlane vm2;
	v25 =	vld [tilespmem:s24+$0x70];
	p2 =	slt.u32 s8, $0xF00;
	v29 =	vmctz.xlane vm3;
	[tilespmem:s6+$0xFFFFFE70] =	vst v43;
	v33 =	vnsel vm4, $0x0, v2;
	v43 =	vmovc v12;
	v2 =	vmovc v16  }
0x2b1: {  	v12 =	vmctz.xlane vm1;
	vm1 =	veq.s32 v40, v0;
	vm3 =	veq.s32 v39, v0;
	v32 =	vld [tilespmem:s24+$0x60];
	v16, _, _ =	vpop (xrf0);
	[tilespmem:s6+$0x20] =	vst v33  }
0x2b2: {  	v35 =	vbroadcast v35, $0xF;
	vm2 =	veq.f32 v23, v28;
	v28 =	vmovc v14;
	v33 =	vld [tilespmem:s24+$0x50];
	vm4 =	veq.s32 v29, v0;
	[tilespmem:s6+$0xFFFFFE10] =	vst v30  }
0x2b3: {  	v39 =	vmovc v17;
	v14 =	vbroadcast v16, $0xF;
	v42 =	vld [tilespmem:s24+$0xFFFFFE10];
	v8 =	vnsel vm4, $0x0, v8;
	vm4 =	veq.s32 v31, v0;
	(xrf0) =	vmax.scan.msk.f32 $0xffff, v15  }
0x2b4: {  	v46 =	vmovc v21;
	v40 =	vmovc v15;
	v16 =	vnsel vm1, $0x0, v18;
	v30 =	vand.u32 $0x7FFFFFFF, v41;
	v37 =	vld [tilespmem:s24+$0x10];
	[tilespmem:s10+$0x50] =	vst v8;
	v17 =	vnsel vm4, $0x0, v6  }
0x2b5: {  	vm1 =	veq.s32 v12, v0;
	v12 =	vnsel vm3, $0x0, v1;
	v29 =	vld [tilespmem:s24+$0xFFFFFE70];
	v31 =	vand.u32 $0x7FFFFFFF, v25;
	(xrf0) =	vmax.scan.msk.f32 $0xffff, v30;
	v6 =	vmovc v25  }
0x2b6: {  	vm5 =	veq.f32 v11, v35;
	v1 =	vmovc v5;
	v15 =	vbroadcast v22, $0xF;
	vm3 =	veq.f32 v26, v14;
	v34 =	vld [tilespmem:s24+$0x0];
	(xrf0) =	vmax.scan.msk.f32 $0xffff, v31  }
0x2b7: {  	vm6 =	veq.f32 v19, v45;
	v19 =	vmctz.xlane vm2;
	v14 =	vbroadcast v38, $0xF;
	v26 =	vld [tilespmem:s24+$0x40];
	[tilespmem:s6+$0xFFFFFE30] =	vst v12;
	v8 =	vmovc v33;
	s6 =	smov.u32 s10;
	s10 =	smov.u32 s13  }
0x2b8: {  	v21 =	vbroadcast v44, $0xF;
	v38 =	vand.u32 $0x7FFFFFFF, v32;
	v12 =	vld [tilespmem:s24+$0xFFFFFE50];
	v22 =	vand.u32 $0x7FFFFFFF, v8;
	[tilespmem:s6+$0x70] =	vst v17  }
0x2b9: {  	vm4 =	veq.f32 v9, v15;
	v11 =	vand.u32 $0x7FFFFFFF, v42;
	v5 =	vld [tilespmem:s24+$0xFFFFFE30];
	v44 =	vand.u32 $0x7FFFFFFF, v37;
	[tilespmem:s6+$0x30] =	vst v16;
	v9, _, _ =	vpop (xrf0)  }
0x2ba: {  	vm7 =	veq.f32 v24, v14;
	v24 =	vmctz.xlane vm5;
	v16 =	vld [tilespmem:s24+$0x20];
	(xrf0) =	vmax.scan.msk.f32 $0xffff, v38;
	v45 =	vbroadcast v9, $0xF  }
0x2bb: {  	vm2 =	veq.f32 v20, v21;
	v20 =	vmctz.xlane vm6;
	v9 =	vand.u32 $0x7FFFFFFF, v34;
	v18 =	vld [tilespmem:s24+$0x30];
	v15, _, _ =	vpop (xrf0);
	[tilespmem:s6+$0x60] =	vst v27  }
0x2bc: {  	v25 =	vmctz.xlane vm3;
	v47 =	vmctz.xlane vm7;
	v14 =	vld [tilespmem:s24+$0xFFFFFE60];
	v23 =	vand.u32 $0x7FFFFFFF, v26;
	(xrf0) =	vmax.scan.msk.f32 $0xffff, v44;
	v27, _, _ =	vpop (xrf0)  }
0x2bd: {  	v48 =	vmctz.xlane vm0;
	vm0 =	veq.s32 v19, v0;
	v33 =	vbroadcast v15, $0xF;
	v17 =	vld [tilespmem:s24+$0xFFFFFE40];
	(xrf0) =	vmax.scan.msk.f32 $0xffff, v23  }
0x2be: {  	v49 =	vmctz.xlane vm4;
	v19 =	vand.u32 $0x7FFFFFFF, v12;
	v15 =	vand.u32 $0x7FFFFFFF, v5;
	(xrf0) =	vmax.scan.msk.f32 $0xffff, v11  }
0x2bf: {  	vm4 =	veq.s32 v20, v0;
	v50 =	vand.u32 $0x7FFFFFFF, v29;
	vm3 =	veq.f32 v30, v33;
	v21 =	vld [tilespmem:s24+$0xFFFFFE00];
	(xrf0) =	vmax.scan.msk.f32 $0xffff, v19  }
0x2c0: {  	v51 =	vbroadcast v27, $0xF;
	v33 =	vnsel vm0, $0x0, v4;
	v20 =	vmctz.xlane vm3;
	(xrf0) =	vmax.scan.msk.f32 $0xffff, v50;
	v27, _, _ =	vpop (xrf0)  }
0x2c1: {  	vm0 =	veq.s32 v24, v0;
	v4 =	vmovc v26;
	v52 =	vand.u32 $0x7FFFFFFF, v18;
	v36 =	vand.u32 $0x7FFFFFFF, v14;
	[tilespmem:s6+$0xFFFFFE20] =	vst v13  }
0x2c2: {  	v30 =	vnsel vm0, $0x0, v3;
	vm3 =	veq.s32 v20, v0;
	v20 =	vand.u32 $0x7FFFFFFF, v17;
	v26, _, _ =	vpop (xrf0);
	(xrf0) =	vmax.scan.msk.f32 $0xffff, v22  }
0x2c3: {  	v54 =	vbroadcast v27, $0xF;
	v27 =	vnsel vm4, $0x0, v43;
	v13 =	vnsel vm3, $0x0, v41;
	(xrf0) =	vmax.scan.msk.f32 $0xffff, v52;
	v41, _, _ =	vpop (xrf0)  }
0x2c4: {  	vm0 =	veq.s32 v47, v0;
	v53 =	vbroadcast v26, $0xF;
	v24 =	vand.u32 $0x7FFFFFFF, v21;
	v35, _, _ =	vpop (xrf0);
	[tilespmem:s6+$0xFFFFFE50] =	vst v27  }
0x2c5: {  	v43 =	vnsel vm1, $0x0, v10;
	v26 =	vand.u32 $0x7FFFFFFF, v16;
	vm3 =	veq.f32 v38, v54;
	(xrf0) =	vmax.scan.msk.f32 $0xffff, v24;
	v47, _, _ =	vpop (xrf0)  }
0x2c6: {  	v27 =	vmctz.xlane vm2;
	vm1 =	veq.f32 v44, v53;
	v53 =	vmctz.xlane vm3;
	(xrf0) =	vmax.scan.msk.f32 $0xffff, v36;
	v3, _, _ =	vpop (xrf0)  }
0x2c7: {  	v44 =	vnsel vm0, $0x0, v46;
	vm0 =	veq.s32 v49, v0;
	v38 =	vbroadcast v3, $0xF;
	(xrf0) =	vmax.scan.msk.f32 $0xffff, v20;
	v3 =	vmovc v42  }
0x2c8: {  	vm2 =	veq.s32 v27, v0;
	v42 =	vmctz.xlane vm1;
	vm1 =	veq.s32 v53, v0;
	v10, _, _ =	vpop (xrf0);
	[tilespmem:s6+$0xFFFFFE00] =	vst v44  }
0x2c9: {  	v7 =	vnsel vm0, $0x0, v7;
	v27 =	vnsel vm1, $0x0, v32;
	v44 =	vnsel vm2, $0x0, v39;
	(xrf0) =	vmax.scan.msk.f32 $0xffff, v9;
	v32, _, _ =	vpop (xrf0)  }
.Ltmp11:
0x2ca: {  	vm2 =	veq.f32 v40, v45;
	vm1 =	veq.f32 v50, v38;
	vm0 =	veq.s32 v42, v0;
	[tilespmem:s6+$0x0] =	vst v7;
	(pc) =	sbr.rel @p2 .LBB2_21-.Ltmp11, $4  }
0x2cb: {  	v39 =	vmctz.xlane vm2;
	vm2 =	veq.s32 v48, v0;
	v46 =	vbroadcast v32, $0xF;
	v38, _, _ =	vpop (xrf0);
	(xrf0) =	vmax.scan.msk.f32 $0xffff, v26  }
0x2cc: {  	v37 =	vnsel vm0, $0x0, v37;
	v32 =	vbroadcast v10, $0xF;
	v40 =	vnsel vm2, $0x0, v28;
	v10, _, _ =	vpop (xrf0);
	[tilespmem:s6+$0xFFFFFE40] =	vst v44  }
0x2cd: {  	v28 =	vbroadcast v41, $0xF;
	vm0 =	veq.f32 v52, v46;
	v42 =	vbroadcast v10, $0xF;
	v44, _, _ =	vpop (xrf0);
	[tilespmem:s6+$0xFFFFFE60] =	vst v40  }
0x2ce: {  	s24 =	sadd.s32 $0x400, s24;
	v45 =	vbroadcast v47, $0xF;
	vm2 =	veq.f32 v31, v51;
	v7 =	vmovc v34;
	v40 =	vmctz.xlane vm0;
	v10 =	vmovc v29;
	[tilespmem:s13+$0x10] =	vst v37  }
0x2cf: {  	vm0 =	veq.f32 v36, v42;
	vm3 =	veq.f32 v22, v32  }
0x2d0: {  	vm4 =	veq.s32 v25, v0;
	[tilespmem:s6+$0x40] =	vst v33;
	v25 =	vmctz.xlane vm2;
	v31 =	vmctz.xlane vm1  }
0x2d1: {  	[tilespmem:s6+$0xFFFFFE70] =	vst v43;
	vm2 =	veq.f32 v23, v28;
	v22 =	vmctz.xlane vm3;
	v2 =	vnsel vm4, $0x0, v2  }
0x2d2: {  	[tilespmem:s6+$0xFFFFFE10] =	vst v30;
	vm1 =	veq.s32 v40, v0;
	vm3 =	veq.s32 v39, v0;
	vm9 =	veq.f32 v19, v45  }
0x2d3: {  	v29, _, _ =	vpop (xrf0);
	[tilespmem:s6+$0x20] =	vst v2;
	v2 =	vbroadcast v35, $0xF;
	vm5 =	veq.s32 v25, v0;
	vm8 =	veq.s32 v22, v0  }
0x2d4: {  	(xrf0) =	vmax.scan.msk.f32 $0xffff, v15;
	v58, _, _ =	vpop (xrf0);
	v18 =	vnsel vm1, $0x0, v18;
	vm1 =	veq.s32 v31, v0;
	v8 =	vnsel vm8, $0x0, v8  }
0x2d5: {  	v1 =	vnsel vm3, $0x0, v1;
	v22 =	vbroadcast v58, $0xF;
	[tilespmem:s10+$0x50] =	vst v8;
	v8 =	vbroadcast v38, $0xF  }
0x2d6: {  	v6 =	vnsel vm5, $0x0, v6;
	[tilespmem:s6+$0xFFFFFE30] =	vst v1;
	vm3 =	veq.f32 v11, v2;
	v2 =	vbroadcast v29, $0xF  }
0x2d7: {  	v1 =	vbroadcast v44, $0xF;
	[tilespmem:s10+$0x70] =	vst v6;
	v6 =	vmctz.xlane vm9;
	vm10 =	veq.f32 v24, v8  }
0x2d8: {  	[tilespmem:s10+$0x60] =	vst v27;
	vm11 =	veq.f32 v26, v22;
	vm6 =	veq.f32 v9, v2;
	v2 =	vmctz.xlane vm10  }
0x2d9: {  	[tilespmem:s10+$0xFFFFFE20] =	vst v13;
	vm12 =	veq.f32 v20, v1;
	vm13 =	veq.s32 v6, v0;
	v1 =	vmctz.xlane vm6  }
0x2da: {  	[tilespmem:s10+$0x30] =	vst v18;
	v6 =	vnsel vm13, $0x0, v12;
	vm14 =	veq.s32 v2, v0;
	v2 =	vmctz.xlane vm12  }
0x2db: {  	v8 =	vmctz.xlane vm0;
	[tilespmem:s10+$0xFFFFFE50] =	vst v6;
	vm0 =	veq.s32 v1, v0;
	v6 =	vnsel vm14, $0x0, v21  }
0x2dc: {  	v9, _, _ =	vpop (xrf0);
	v1 =	vmctz.xlane vm2;
	[tilespmem:s10+$0xFFFFFE00] =	vst v6;
	vm2 =	veq.s32 v2, v0;
	v2 =	vnsel vm0, $0x0, v7  }
0x2dd: {  	v6 =	vbroadcast v9, $0xF;
	vm0 =	veq.s32 v8, v0;
	v7 =	vnsel vm2, $0x0, v17;
	[tilespmem:s10+$0x0] =	vst v2  }
0x2de: {  	v2 =	vmctz.xlane vm11;
	vm2 =	veq.s32 v1, v0;
	v1 =	vnsel vm0, $0x0, v14;
	[tilespmem:s10+$0xFFFFFE40] =	vst v7  }
0x2df: {  	v7 =	vmctz.xlane vm3;
	v4 =	vnsel vm2, $0x0, v4;
	vm0 =	veq.f32 v15, v6;
	[tilespmem:s10+$0xFFFFFE60] =	vst v1  }
0x2e0: {  	v1 =	vnsel vm1, $0x0, v10;
	v6 =	vmctz.xlane vm0;
	vm0 =	veq.s32 v2, v0;
	[tilespmem:s10+$0x40] =	vst v4  }
0x2e1: {  	[tilespmem:s10+$0xFFFFFE70] =	vst v1;
	vm1 =	veq.s32 v7, v0;
	v1 =	vnsel vm0, $0x0, v16  }
0x2e2: {  	v2 =	vnsel vm1, $0x0, v3;
	vm0 =	veq.s32 v6, v0;
	[tilespmem:s10+$0x20] =	vst v1  }
0x2e3: {  	[tilespmem:s10+$0xFFFFFE10] =	vst v2;
	v1 =	vnsel vm0, $0x0, v5  }
0x2e4: {  	[tilespmem:s10+$0xFFFFFE30] =	vst v1  }
0x2e5: {  	v9 =	vld [tilespmem:s9+$0xFFFFFE20];
	_ =	sdelay $0x1  }
0x2e6: {  	v13 =	vld [tilespmem:s9+$0x50]  }
0x2e7: {  	v12 =	vld [tilespmem:s9+$0x70]  }
0x2e8: {  	v7 =	vld [tilespmem:s9+$0x30]  }
0x2e9: {  	v2 =	vld [tilespmem:s9+$0x20];
	v3 =	vand.u32 $0x7FFFFFFF, v9  }
0x2ea: {  	(xrf0) =	vmax.scan.msk.f32 $0xffff, v3  }
0x2eb: {  	v28 =	vld [tilespmem:s9+$0x60];
	v14 =	vand.u32 $0x7FFFFFFF, v13  }
0x2ec: {  	v27 =	vld [tilespmem:s9+$0x40];
	v20 =	vand.u32 $0x7FFFFFFF, v12;
	(xrf0) =	vmax.scan.msk.f32 $0xffff, v14  }
0x2ed: {  	v5 =	vld [tilespmem:s9+$0xFFFFFE00];
	v21 =	vand.u32 $0x7FFFFFFF, v7;
	(xrf0) =	vmax.scan.msk.f32 $0xffff, v20  }
0x2ee: {  	v1 =	vld [tilespmem:s9+$0x0];
	v22 =	vand.u32 $0x7FFFFFFF, v2;
	(xrf0) =	vmax.scan.msk.f32 $0xffff, v21  }
0x2ef: {  	v8 =	vld [tilespmem:s9+$0xFFFFFE60];
	(xrf0) =	vmax.scan.msk.f32 $0xffff, v22  }
0x2f0: {  	v17 =	vld [tilespmem:s9+$0xFFFFFE70];
	v4, _, _ =	vpop (xrf0)  }
0x2f1: {  	v24 =	vld [tilespmem:s9+$0xFFFFFE40];
	v29 =	vand.u32 $0x7FFFFFFF, v28;
	v4 =	vbroadcast v4, $0xF  }
0x2f2: {  	v15 =	vld [tilespmem:s9+$0xFFFFFE30];
	(xrf0) =	vmax.scan.msk.f32 $0xffff, v29;
	v6, _, _ =	vpop (xrf0)  }
0x2f3: {  	v26 =	vld [tilespmem:s9+$0xFFFFFE10];
	v30 =	vand.u32 $0x7FFFFFFF, v1;
	v59, _, _ =	vpop (xrf0);
	vm0 =	veq.f32 v3, v4;
	v3 =	vbroadcast v6, $0xF  }
0x2f4: {  	v31 =	vand.u32 $0x7FFFFFFF, v8;
	(xrf0) =	vmax.scan.msk.f32 $0xffff, v30;
	v19, _, _ =	vpop (xrf0)  }
0x2f5: {  	v16 =	vand.u32 $0x7FFFFFFF, v5;
	(xrf0) =	vmax.scan.msk.f32 $0xffff, v31;
	v4 =	vld [tilespmem:s9+$0x10];
	v18 =	vmctz.xlane vm0;
	vm0 =	veq.f32 v14, v3;
	v14, _, _ =	vpop (xrf0)  }
0x2f6: {  	v25 =	vld [tilespmem:s9+$0xFFFFFE50];
	v10 =	vand.u32 $0x7FFFFFFF, v27;
	(xrf0) =	vmax.scan.msk.f32 $0xffff, v16;
	v14 =	vbroadcast v14, $0xF  }
0x2f7: {  	v11 =	vand.u32 $0x7FFFFFFF, v24;
	v3 =	vand.u32 $0x7FFFFFFF, v15;
	(xrf0) =	vmax.scan.msk.f32 $0xffff, v10  }
0x2f8: {  	v6 =	vand.u32 $0x7FFFFFFF, v17;
	v34 =	vbroadcast v19, $0xF;
	v19 =	vand.u32 $0x7FFFFFFF, v26;
	v23, _, _ =	vpop (xrf0);
	(xrf0) =	vmax.scan.msk.f32 $0xffff, v3  }
0x2f9: {  	vm1 =	veq.s32 v18, v0;
	v60 =	vmctz.xlane vm0;
	v61 =	vbroadcast v23, $0xF;
	(xrf0) =	vmax.scan.msk.f32 $0xffff, v6  }
0x2fa: {  	v18 =	vnsel vm1, $0x0, v9;
	vm0 =	veq.f32 v22, v14;
	v23 =	vand.u32 $0x7FFFFFFF, v4;
	v14, _, _ =	vpop (xrf0);
	(xrf0) =	vmax.scan.msk.f32 $0xffff, v11  }
0x2fb: {  	v9 =	vand.u32 $0x7FFFFFFF, v25;
	v22 =	vbroadcast v59, $0xF;
	vm2 =	veq.f32 v29, v61;
	v29, _, _ =	vpop (xrf0);
	(xrf0) =	vmax.scan.msk.f32 $0xffff, v23  }
0x2fc: {  	p3 =	por $0x1, $0x1;
	v62 =	vmctz.xlane vm0;
	vm0 =	veq.f32 v21, v34;
	v14 =	vbroadcast v14, $0xF;
	v21, _, _ =	vpop (xrf0)  }
.Ltmp12:
0x2fd: {  	vm1 =	veq.s32 v60, v0;
	v34 =	vmctz.xlane vm0;
	vm0 =	veq.f32 v20, v22;
	v20, _, _ =	vpop (xrf0);
	(pc) =	sbr.rel @!p3 .LBB2_23-.Ltmp12, $4  }
0x2fe: {  	v63 =	vbroadcast v29, $0xF;
	vm3 =	veq.f32 v30, v14;
	v14 =	vmctz.xlane vm0;
	v29, _, _ =	vpop (xrf0)  }
0x2ff: {  	v38 =	vmctz.xlane vm2;
	v30 =	vnsel vm1, $0x0, v13;
	v37 =	vbroadcast v21, $0xF;
	v33, _, _ =	vpop (xrf0)  }
0x300: {  	(xrf0) =	vmax.scan.msk.f32 $0xffff, v9;
	vm0 =	veq.s32 v62, v0;
	v32 =	vbroadcast v20, $0xF;
	vm15 =	veq.s32 v14, v0;
	v35, _, _ =	vpop (xrf0)  }
0x301: {  	s8 =	simm.s32 $0x4700;
	p2 =	por $0x0, $0x0;
	s6 =	simm.s32 $0x4380;
	vm1 =	veq.f32 v31, v63;
	(xrf0) =	vmax.scan.msk.f32 $0xffff, v19;
	v36 =	vmctz.xlane vm3;
	v39 =	vnsel vm15, $0x0, v12;
	v31, _, _ =	vpop (xrf0)  }
0x302: {  	vm2 =	veq.f32 v16, v37  }
0x303: {  	v40 =	vld [tilespmem:s8+$0xFFFFFE20];
	v14 =	vbroadcast v31, $0xF;
	vm3 =	veq.s32 v34, v0;
	v16 =	vbroadcast v35, $0xF  }
0x304: {  	v31 =	vld [tilespmem:s8+$0x70];
	v20 =	vmctz.xlane vm1;
	v33 =	vbroadcast v33, $0xF;
	vm4 =	veq.f32 v10, v32  }
0x305: {  	v46 =	vld [tilespmem:s8+$0x50];
	[tilespmem:s16+$0xFFFFFE20] =	vst v18;
	v29 =	vbroadcast v29, $0xF;
	v18 =	vnsel vm0, $0x0, v2;
	v13 =	vmctz.xlane vm2  }
0x306: {  	[tilespmem:s16+$0x70] =	vst v39;
	v12 =	vld [tilespmem:s8+$0x60];
	v7 =	vnsel vm3, $0x0, v7;
	vm2 =	veq.s32 v38, v0;
	vm1 =	veq.s32 v36, v0  }
0x307: {  	[tilespmem:s16+$0x50] =	vst v30;
	v2 =	vld [tilespmem:s8+$0x20];
	vm0 =	veq.s32 v20, v0;
	vm5 =	veq.f32 v11, v16;
	v1 =	vnsel vm1, $0x0, v1  }
0x308: {  	[tilespmem:s16+$0x20] =	vst v18;
	v16 =	vmctz.xlane vm4;
	vm3 =	veq.s32 v13, v0;
	v20 =	vnsel vm0, $0x0, v8  }
0x309: {  	[tilespmem:s16+$0x30] =	vst v7;
	v7 =	vld [tilespmem:s8+$0x30];
	vm0 =	veq.f32 v23, v14;
	v11 =	vmctz.xlane vm5;
	v21, _, _ =	vpop (xrf0);
	v30 =	vand.u32 $0x7FFFFFFF, v40  }
0x30a: {  	v5 =	vnsel vm3, $0x0, v5;
	v47 =	vbroadcast v21, $0xF;
	v18 =	vand.u32 $0x7FFFFFFF, v46;
	(xrf0) =	vmax.scan.msk.f32 $0xffff, v30  }
0x30b: {  	v13 =	vld [tilespmem:s8+$0x40];
	[tilespmem:s16+$0x0] =	vst v1;
	v23 =	vand.u32 $0x7FFFFFFF, v12;
	v48 =	vand.u32 $0x7FFFFFFF, v31;
	v21 =	vnsel vm2, $0x0, v28  }
0x30c: {  	v8 =	vld [tilespmem:s8+$0xFFFFFE60];
	v10, _, _ =	vpop (xrf0);
	[tilespmem:s16+$0xFFFFFE00] =	vst v5;
	v28 =	vand.u32 $0x7FFFFFFF, v2;
	vm2 =	veq.f32 v6, v33;
	v6 =	vmctz.xlane vm0  }
0x30d: {  	v22 =	vld [tilespmem:s8+$0xFFFFFE70];
	vm1 =	veq.s32 v11, v0;
	v5 =	vbroadcast v10, $0xF;
	v11 =	vmctz.xlane vm2;
	(xrf0) =	vmax.scan.msk.f32 $0xffff, v18  }
0x30e: {  	vm2 =	veq.s32 v16, v0;
	v24 =	vnsel vm1, $0x0, v24;
	v49 =	vand.u32 $0x7FFFFFFF, v7;
	(xrf0) =	vmax.scan.msk.f32 $0xffff, v48  }
0x30f: {  	v1 =	vld [tilespmem:s8+$0x0];
	v51 =	vnsel vm2, $0x0, v27;
	vm13 =	veq.f32 v9, v47;
	vm3 =	veq.f32 v19, v5;
	(xrf0) =	vmax.scan.msk.f32 $0xffff, v49  }
0x310: {  	v5 =	vld [tilespmem:s8+$0xFFFFFE00];
	v10 =	vand.u32 $0x7FFFFFFF, v13;
	vm0 =	veq.s32 v11, v0;
	v57 =	vmctz.xlane vm13;
	(xrf0) =	vmax.scan.msk.f32 $0xffff, v28;
	v50, _, _ =	vpop (xrf0)  }
0x311: {  	v14 =	vld [tilespmem:s8+$0xFFFFFE40];
	[tilespmem:s16+$0xFFFFFE60] =	vst v20;
	v54 =	vand.u32 $0x7FFFFFFF, v8;
	v19 =	vmctz.xlane vm3;
	v33 =	vbroadcast v50, $0xF  }
0x312: {  	vm3 =	veq.s32 v6, v0;
	v6 =	vand.u32 $0x7FFFFFFF, v22;
	v17 =	vnsel vm0, $0x0, v17;
	(xrf0) =	vmax.scan.msk.f32 $0xffff, v23  }
0x313: {  	[tilespmem:s16+$0x60] =	vst v21;
	v27 =	vld [tilespmem:s8+$0xFFFFFE30];
	v4 =	vnsel vm3, $0x0, v4;
	vm12 =	veq.s32 v19, v0;
	v11, _, _ =	vpop (xrf0);
	vm2 =	veq.f32 v30, v33  }
0x314: {  	[tilespmem:s16+$0xFFFFFE40] =	vst v24;
	v52 =	vbroadcast v11, $0xF;
	v53, _, _ =	vpop (xrf0);
	v30 =	vand.u32 $0x7FFFFFFF, v1;
	v19 =	vmctz.xlane vm2  }
0x315: {  	[tilespmem:s16+$0x10] =	vst v4;
	v26 =	vnsel vm12, $0x0, v26;
	v16 =	vand.u32 $0x7FFFFFFF, v5;
	v41, _, _ =	vpop (xrf0);
	(xrf0) =	vmax.scan.msk.f32 $0xffff, v30  }
0x316: {  	v4 =	vld [tilespmem:s8+$0x10];
	v11 =	vand.u32 $0x7FFFFFFF, v14;
	vm3 =	veq.f32 v18, v52;
	v9, _, _ =	vpop (xrf0);
	(xrf0) =	vmax.scan.msk.f32 $0xffff, v54;
	vm2 =	veq.s32 v19, v0  }
0x317: {  	v21 =	vld [tilespmem:s8+$0xFFFFFE50];
	v55 =	vmctz.xlane vm3;
	v9 =	vbroadcast v9, $0xF;
	(xrf0) =	vmax.scan.msk.f32 $0xffff, v16;
	v18 =	vnsel vm2, $0x0, v40  }
0x318: {  	v20 =	vld [tilespmem:s8+$0xFFFFFE10];
	vm2 =	veq.f32 v3, v29;
	v29 =	vbroadcast v41, $0xF;
	v3 =	vand.u32 $0x7FFFFFFF, v27;
	(xrf0) =	vmax.scan.msk.f32 $0xffff, v10;
	v19, _, _ =	vpop (xrf0)  }
0x319: {  	vm3 =	veq.s32 v57, v0;
	vm1 =	veq.f32 v28, v9;
	(xrf0) =	vmax.scan.msk.f32 $0xffff, v3;
	v56 =	vbroadcast v19, $0xF  }
0x31a: {  	v28 =	vmctz.xlane vm2;
	v59 =	vmctz.xlane vm1;
	(xrf0) =	vmax.scan.msk.f32 $0xffff, v6;
	vm1 =	veq.f32 v49, v29  }
0x31b: {  	v29 =	vbroadcast v53, $0xF;
	v58, _, _ =	vpop (xrf0);
	(xrf0) =	vmax.scan.msk.f32 $0xffff, v11;
	vm2 =	veq.f32 v23, v56;
	v23 =	vand.u32 $0x7FFFFFFF, v4  }
0x31c: {  	v25 =	vnsel vm3, $0x0, v25;
	v9 =	vand.u32 $0x7FFFFFFF, v21;
	v33 =	vbroadcast v58, $0xF;
	v60, _, _ =	vpop (xrf0);
	(xrf0) =	vmax.scan.msk.f32 $0xffff, v23  }
0x31d: {  	p5 =	por $0x1, $0x1;
	v19 =	vand.u32 $0x7FFFFFFF, v20;
	v34 =	vmctz.xlane vm1;
	vm1 =	veq.s32 v55, v0;
	v62, _, _ =	vpop (xrf0);
	(xrf0) =	vmax.scan.msk.f32 $0xffff, v9  }
.Ltmp13:
0x31e: {  	vm15 =	veq.s32 v28, v0;
	vm0 =	veq.s32 v59, v0;
	vm14 =	veq.f32 v48, v29;
	v63, _, _ =	vpop (xrf0);
	(xrf0) =	vmax.scan.msk.f32 $0xffff, v19;
	(pc) =	sbr.rel @!p5 .LBB2_25-.Ltmp13, $4  }
0x31f: {  	[tilespmem:s16+$0x40] =	vst v51;
	v40 =	vnsel vm15, $0x0, v15;
	v61 =	vbroadcast v60, $0xF;
	v28 =	vmctz.xlane vm14;
	v29, _, _ =	vpop (xrf0)  }
0x320: {  	[tilespmem:s16+$0xFFFFFE70] =	vst v17;
	v38 =	vmctz.xlane vm2;
	vm3 =	veq.f32 v30, v33;
	v30 =	vnsel vm1, $0x0, v46;
	v33, _, _ =	vpop (xrf0)  }
0x321: {  	s10 =	simm.s32 $0x100;
	s9 =	simm.s32 $0x10700;
	[tilespmem:s16+$0xFFFFFE10] =	vst v26;
	v37 =	vbroadcast v62, $0xF;
	v32 =	vbroadcast v63, $0xF;
	vm2 =	veq.s32 v28, v0;
	v35, _, _ =	vpop (xrf0)  }
0x322: {  	p4 =	por $0x1, $0x1;
	s13 =	simm.s32 $0x10700;
	s8 =	simm.s32 $0x4B00;
	[tilespmem:s16+$0xFFFFFE50] =	vst v25;
	vm1 =	veq.f32 v54, v61;
	v36 =	vmctz.xlane vm3;
	v39 =	vnsel vm2, $0x0, v31;
	v31, _, _ =	vpop (xrf0)  }
.LBB2_26:
0x323: {  	v26 =	vld [tilespmem:s8+$0xFFFFFE20];
	s10 =	sadd.s32 $0x100, s10;
	vm2 =	veq.f32 v16, v37;
	v16 =	vbroadcast v31, $0xF;
	vm3 =	veq.s32 v34, v0;
	s13 =	sadd.s32 $0x400, s13;
	v28, _, _ =	vpop (xrf0);
	[tilespmem:s16+$0xFFFFFE30] =	vst v40  }
0x324: {  	s16 =	smov.u32 s9;
	v15 =	vld [tilespmem:s8+$0x70];
	p5 =	slt.u32 s10, $0xF00;
	v31 =	vmctz.xlane vm2;
	v7 =	vnsel vm3, $0x0, v7;
	vm2 =	veq.s32 v38, v0;
	[tilespmem:s9+$0x70] =	vst v39;
	v34, _, _ =	vpop (xrf0);
	s9 =	smov.u32 s13  }
0x325: {  	v35 =	vbroadcast v35, $0xF;
	v24 =	vmovc v22;
	v17 =	vmovc v27;
	v38 =	vmctz.xlane vm1;
	vm1 =	veq.s32 v36, v0;
	v37 =	vld [tilespmem:s8+$0x60];
	[tilespmem:s16+$0x30] =	vst v7  }
0x326: {  	v27 =	vbroadcast v33, $0xF;
	vm4 =	veq.f32 v10, v32;
	v25 =	vld [tilespmem:s8+$0x50];
	vm3 =	veq.s32 v31, v0;
	[tilespmem:s16+$0x50] =	vst v30  }
0x327: {  	v29 =	vbroadcast v29, $0xF;
	v10 =	vnsel vm0, $0x0, v2;
	v30 =	vld [tilespmem:s8+$0x40];
	v5 =	vnsel vm3, $0x0, v5;
	[tilespmem:s16+$0xFFFFFE20] =	vst v18  }
0x328: {  	v22 =	vbroadcast v34, $0xF;
	vm0 =	veq.s32 v38, v0;
	v18 =	vand.u32 $0x7FFFFFFF, v26;
	v7 =	vld [tilespmem:s8+$0x30];
	[tilespmem:s16+$0xFFFFFE00] =	vst v5  }
0x329: {  	v28 =	vbroadcast v28, $0xF;
	v31 =	vnsel vm0, $0x0, v8;
	vm0 =	veq.f32 v23, v16;
	v2 =	vld [tilespmem:s8+$0x20];
	(xrf0) =	vmax.scan.msk.f32 $0xffff, v18  }
0x32a: {  	vm5 =	veq.f32 v11, v35;
	vm3 =	veq.f32 v19, v22;
	v8 =	vnsel vm1, $0x0, v1;
	v5 =	vld [tilespmem:s8+$0xFFFFFE00];
	[tilespmem:s16+$0x20] =	vst v10  }
0x32b: {  	v11 =	vmctz.xlane vm5;
	v16 =	vmctz.xlane vm4;
	v1 =	vld [tilespmem:s8+$0x0];
	v19 =	vand.u32 $0x7FFFFFFF, v25;
	[tilespmem:s16+$0x0] =	vst v8  }
0x32c: {  	v33 =	vmctz.xlane vm3;
	v32 =	vand.u32 $0x7FFFFFFF, v15;
	v23 =	vand.u32 $0x7FFFFFFF, v37;
	v22 =	vld [tilespmem:s8+$0xFFFFFE70];
	(xrf0) =	vmax.scan.msk.f32 $0xffff, v19  }
0x32d: {  	v36 =	vnsel vm2, $0x0, v12;
	v12 =	vmovc v37;
	v10 =	vand.u32 $0x7FFFFFFF, v30;
	v34 =	vld [tilespmem:s8+$0xFFFFFE40];
	v35 =	vand.u32 $0x7FFFFFFF, v7;
	(xrf0) =	vmax.scan.msk.f32 $0xffff, v32  }
0x32e: {  	vm2 =	veq.f32 v6, v27;
	v6 =	vmctz.xlane vm0;
	v37 =	vld [tilespmem:s8+$0xFFFFFE50];
	v38 =	vand.u32 $0x7FFFFFFF, v2;
	(xrf0) =	vmax.scan.msk.f32 $0xffff, v35  }
0x32f: {  	v39 =	vmctz.xlane vm2;
	vm1 =	veq.s32 v11, v0;
	vm2 =	veq.s32 v16, v0;
	v8 =	vld [tilespmem:s8+$0xFFFFFE60];
	v27, _, _ =	vpop (xrf0);
	(xrf0) =	vmax.scan.msk.f32 $0xffff, v38  }
0x330: {  	vm3 =	veq.s32 v6, v0;
	v16 =	vand.u32 $0x7FFFFFFF, v5;
	v27 =	vbroadcast v27, $0xF;
	[tilespmem:s16+$0x60] =	vst v36  }
0x331: {  	vm0 =	veq.s32 v39, v0;
	v36 =	vnsel vm2, $0x0, v13;
	v13 =	vmovc v30;
	v6 =	vand.u32 $0x7FFFFFFF, v22;
	(xrf0) =	vmax.scan.msk.f32 $0xffff, v23  }
0x332: {  	vm4 =	veq.s32 v33, v0;
	v30 =	vand.u32 $0x7FFFFFFF, v1;
	vm2 =	veq.f32 v18, v27;
	v11, _, _ =	vpop (xrf0);
	[tilespmem:s16+$0xFFFFFE60] =	vst v31  }
0x333: {  	v4 =	vnsel vm3, $0x0, v4;
	v18 =	vmctz.xlane vm2;
	v27 =	vld [tilespmem:s8+$0xFFFFFE30];
	v31 =	vbroadcast v11, $0xF;
	(xrf0) =	vmax.scan.msk.f32 $0xffff, v30;
	v33, _, _ =	vpop (xrf0)  }
0x334: {  	v41 =	vnsel vm4, $0x0, v20;
	v11 =	vand.u32 $0x7FFFFFFF, v34;
	v39 =	vand.u32 $0x7FFFFFFF, v8;
	v40, _, _ =	vpop (xrf0);
	v20 =	vld [tilespmem:s8+$0xFFFFFE10];
	[tilespmem:s16+$0x10] =	vst v4  }
0x335: {  	vm4 =	veq.f32 v9, v28;
	vm2 =	veq.s32 v18, v0;
	vm3 =	veq.f32 v19, v31;
	v19, _, _ =	vpop (xrf0);
	[tilespmem:s16+$0x40] =	vst v36  }
0x336: {  	v18 =	vnsel vm2, $0x0, v26;
	v4 =	vld [tilespmem:s8+$0x10];
	v26 =	vmctz.xlane vm3;
	(xrf0) =	vmax.scan.msk.f32 $0xffff, v39;
	vm2 =	veq.f32 v3, v29  }
0x337: {  	v42 =	vnsel vm1, $0x0, v14;
	v28 =	vbroadcast v40, $0xF;
	v9 =	vbroadcast v19, $0xF;
	(xrf0) =	vmax.scan.msk.f32 $0xffff, v16;
	v19, _, _ =	vpop (xrf0)  }
0x338: {  	v14 =	vmovc v34;
	v31 =	vmctz.xlane vm4;
	v3 =	vand.u32 $0x7FFFFFFF, v27;
	v29 =	vbroadcast v19, $0xF;
	(xrf0) =	vmax.scan.msk.f32 $0xffff, v10  }
0x339: {  	v36 =	vmctz.xlane vm2;
	vm1 =	veq.f32 v38, v9;
	v19 =	vand.u32 $0x7FFFFFFF, v20;
	(xrf0) =	vmax.scan.msk.f32 $0xffff, v3;
	v34, _, _ =	vpop (xrf0)  }
0x33a: {  	vm3 =	veq.s32 v31, v0;
	v9 =	vand.u32 $0x7FFFFFFF, v37;
	vm2 =	veq.f32 v23, v29;
	(xrf0) =	vmax.scan.msk.f32 $0xffff, v6  }
0x33b: {  	v38 =	vnsel vm3, $0x0, v21;
	v21 =	vmovc v37;
	v31 =	vmctz.xlane vm1;
	v23 =	vand.u32 $0x7FFFFFFF, v4;
	(xrf0) =	vmax.scan.msk.f32 $0xffff, v11  }
0x33c: {  	v37 =	vbroadcast v33, $0xF;
	vm1 =	veq.f32 v35, v28;
	v40 =	vbroadcast v34, $0xF;
	v33, _, _ =	vpop (xrf0);
	(xrf0) =	vmax.scan.msk.f32 $0xffff, v23  }
0x33d: {  	v34 =	vmctz.xlane vm1;
	vm1 =	veq.s32 v26, v0;
	v35 =	vbroadcast v33, $0xF;
	v26, _, _ =	vpop (xrf0);
	(xrf0) =	vmax.scan.msk.f32 $0xffff, v9  }
.Ltmp14:
0x33e: {  	vm5 =	veq.s32 v36, v0;
	vm4 =	veq.f32 v32, v37;
	vm3 =	veq.f32 v30, v40;
	(xrf0) =	vmax.scan.msk.f32 $0xffff, v19;
	v28, _, _ =	vpop (xrf0);
	(pc) =	sbr.rel @p5 .LBB2_26-.Ltmp14, $4  }
0x33f: {  	v24 =	vnsel vm0, $0x0, v24;
	v30 =	vnsel vm1, $0x0, v25;
	v25 =	vmctz.xlane vm4;
	v29, _, _ =	vpop (xrf0);
	[tilespmem:s16+$0xFFFFFE50] =	vst v38  }
0x340: {  	vm0 =	veq.s32 v31, v0;
	v37 =	vbroadcast v26, $0xF;
	v32 =	vbroadcast v28, $0xF;
	v33, _, _ =	vpop (xrf0);
	[tilespmem:s16+$0xFFFFFE70] =	vst v24  }
0x341: {  	vm1 =	veq.f32 v39, v35;
	v38 =	vmctz.xlane vm2;
	vm2 =	veq.s32 v25, v0;
	v35, _, _ =	vpop (xrf0);
	[tilespmem:s16+$0xFFFFFE10] =	vst v41  }
0x342: {  	s8 =	sadd.s32 $0x400, s8;
	v40 =	vnsel vm5, $0x0, v17;
	v36 =	vmctz.xlane vm3;
	v39 =	vnsel vm2, $0x0, v15;
	v31, _, _ =	vpop (xrf0);
	[tilespmem:s16+$0xFFFFFE40] =	vst v42  }
0x343: {  	v17 =	vmov v22;
	v15 =	vmov v27  }
0x344: {  	s8 =	smov.u32 s16;
	s16 =	smov.u32 s9;
	v28 =	vmovc v12;
	v27 =	vmovc v13;
	v26 =	vmov v20;
	v24 =	vmov v14;
	v25 =	vmov v21  }
.LBB2_28:
0x345: {  	vm2 =	veq.f32 v16, v37  }
0x346: {  	v12 =	vbroadcast v31, $0xF;
	vm3 =	veq.s32 v34, v0;
	v14 =	vbroadcast v35, $0xF  }
0x347: {  	[tilespmem:s8+$0xFFFFFE30] =	vst @p4 v40;
	v20 =	vmctz.xlane vm1;
	vm1 =	veq.s32 v36, v0;
	vm4 =	veq.f32 v10, v32  }
0x348: {  	v16, _, _ =	vpop (xrf0);
	[tilespmem:s16+$0x70] =	vst v39;
	v10 =	vbroadcast v29, $0xF;
	v2 =	vnsel vm0, $0x0, v2;
	v13 =	vmctz.xlane vm2  }
0x349: {  	[tilespmem:s16+$0x50] =	vst v30;
	v7 =	vnsel vm3, $0x0, v7;
	vm2 =	veq.s32 v38, v0;
	v16 =	vbroadcast v16, $0xF  }
0x34a: {  	v1 =	vnsel vm1, $0x0, v1;
	[tilespmem:s16+$0x30] =	vst v7;
	v7 =	vbroadcast v33, $0xF;
	vm0 =	veq.f32 v23, v12  }
0x34b: {  	vm5 =	veq.f32 v11, v14;
	[tilespmem:s16+$0x0] =	vst v1;
	v1 =	vmctz.xlane vm4;
	vm3 =	veq.s32 v13, v0  }
0x34c: {  	[tilespmem:s16+$0x20] =	vst v2;
	v11 =	vnsel vm2, $0x0, v28;
	v2 =	vmctz.xlane vm5;
	v5 =	vnsel vm3, $0x0, v5  }
0x34d: {  	vm3 =	veq.s32 v20, v0;
	vm1 =	veq.f32 v6, v7;
	v13, _, _ =	vpop (xrf0);
	[tilespmem:s16+$0xFFFFFE00] =	vst v5;
	v5 =	vmctz.xlane vm0  }
0x34e: {  	[tilespmem:s16+$0xFFFFFE20] =	vst v18;
	v8 =	vnsel vm3, $0x0, v8;
	vm0 =	veq.f32 v9, v16;
	v13 =	vbroadcast v13, $0xF  }
0x34f: {  	[tilespmem:s16+$0x60] =	vst v11;
	v6 =	vmctz.xlane vm1;
	vm2 =	veq.s32 v5, v0;
	v5 =	vmctz.xlane vm0  }
0x350: {  	[tilespmem:s16+$0xFFFFFE60] =	vst v8;
	vm0 =	veq.s32 v1, v0;
	vm3 =	veq.f32 v19, v13;
	v1 =	vnsel vm2, $0x0, v4  }
0x351: {  	v7 =	vnsel vm0, $0x0, v27;
	v4 =	vmctz.xlane vm3;
	[tilespmem:s16+$0x10] =	vst v1;
	vm0 =	veq.s32 v5, v0  }
0x352: {  	vm1 =	veq.s32 v6, v0;
	vm2 =	veq.f32 v3, v10;
	[tilespmem:s16+$0x40] =	vst v7;
	v1 =	vnsel vm0, $0x0, v25  }
0x353: {  	v3 =	vmctz.xlane vm2;
	vm0 =	veq.s32 v4, v0;
	[tilespmem:s16+$0xFFFFFE50] =	vst v1;
	v1 =	vnsel vm1, $0x0, v17  }
0x354: {  	vm1 =	veq.s32 v2, v0;
	v2 =	vnsel vm0, $0x0, v26;
	[tilespmem:s16+$0xFFFFFE70] =	vst v1  }
0x355: {  	v1 =	vnsel vm1, $0x0, v24;
	vm0 =	veq.s32 v3, v0;
	[tilespmem:s16+$0xFFFFFE10] =	vst v2  }
0x356: {  	v2 =	vnsel vm0, $0x0, v15;
	[tilespmem:s16+$0xFFFFFE40] =	vst v1  }
0x357: {  	[tilespmem:s16+$0xFFFFFE30] =	vst v2  }
0x358: {  	v3 =	vld [tilespmem:s6+$0xFFFFFE20]  }
0x359: {  	v11 =	vld [tilespmem:s6+$0x50]  }
0x35a: {  	v25 =	vld [tilespmem:s6+$0x70]  }
0x35b: {  	v4 =	vld [tilespmem:s6+$0x40]  }
0x35c: {  	v5 =	vld [tilespmem:s6+$0x30]  }
0x35d: {  	v17 =	vld [tilespmem:s6+$0xFFFFFE00];
	v6 =	vand.u32 $0x7FFFFFFF, v3  }
0x35e: {  	v21 =	vld [tilespmem:s6+$0x20];
	v12 =	vand.u32 $0x7FFFFFFF, v11;
	(xrf0) =	vmax.scan.msk.f32 $0xffff, v6  }
0x35f: {  	v31 =	vld [tilespmem:s6+$0xFFFFFE10];
	v13 =	vand.u32 $0x7FFFFFFF, v25;
	(xrf0) =	vmax.scan.msk.f32 $0xffff, v12  }
0x360: {  	v9 =	vld [tilespmem:s6+$0x0];
	v15 =	vand.u32 $0x7FFFFFFF, v4;
	(xrf0) =	vmax.scan.msk.f32 $0xffff, v13  }
0x361: {  	v24 =	vld [tilespmem:s6+$0x10];
	v16 =	vand.u32 $0x7FFFFFFF, v5;
	(xrf0) =	vmax.scan.msk.f32 $0xffff, v15  }
0x362: {  	v22 =	vld [tilespmem:s6+$0xFFFFFE60];
	(xrf0) =	vmax.scan.msk.f32 $0xffff, v16  }
0x363: {  	v2 =	vld [tilespmem:s6+$0xFFFFFE30]  }
0x364: {  	v32 =	vld [tilespmem:s6+$0xFFFFFE50];
	v18 =	vand.u32 $0x7FFFFFFF, v17;
	v7, _, _ =	vpop (xrf0)  }
0x365: {  	v19 =	vand.u32 $0x7FFFFFFF, v31;
	(xrf0) =	vmax.scan.msk.f32 $0xffff, v18;
	v7 =	vbroadcast v7, $0xF;
	v14, _, _ =	vpop (xrf0)  }
0x366: {  	v30 =	vld [tilespmem:s6+$0xFFFFFE70];
	v20 =	vand.u32 $0x7FFFFFFF, v9;
	(xrf0) =	vmax.scan.msk.f32 $0xffff, v19;
	v23, _, _ =	vpop (xrf0)  }
0x367: {  	v8 =	vand.u32 $0x7FFFFFFF, v24;
	v10 =	vand.u32 $0x7FFFFFFF, v21;
	(xrf0) =	vmax.scan.msk.f32 $0xffff, v20;
	vm0 =	veq.f32 v6, v7;
	v27, _, _ =	vpop (xrf0)  }
0x368: {  	v26 =	vand.u32 $0x7FFFFFFF, v2;
	(xrf0) =	vmax.scan.msk.f32 $0xffff, v8;
	v29 =	vbroadcast v14, $0xF;
	v7 =	vmctz.xlane vm0;
	v61, _, _ =	vpop (xrf0)  }
0x369: {  	v14 =	vand.u32 $0x7FFFFFFF, v32;
	(xrf0) =	vmax.scan.msk.f32 $0xffff, v10;
	v6 =	vand.u32 $0x7FFFFFFF, v22;
	v33 =	vbroadcast v61, $0xF  }
0x36a: {  	v1 =	vld [tilespmem:s6+$0x60];
	(xrf0) =	vmax.scan.msk.f32 $0xffff, v26;
	vm1 =	veq.f32 v12, v29;
	v12 =	vbroadcast v27, $0xF;
	vm0 =	veq.s32 v7, v0  }
0x36b: {  	v62, _, _ =	vpop (xrf0);
	(xrf0) =	vmax.scan.msk.f32 $0xffff, v14;
	v7 =	vand.u32 $0x7FFFFFFF, v30;
	v3 =	vnsel vm0, $0x0, v3;
	vm0 =	veq.f32 v16, v33  }
0x36c: {  	v29 =	vbroadcast v23, $0xF;
	v27, _, _ =	vpop (xrf0);
	vm2 =	veq.f32 v15, v12;
	(xrf0) =	vmax.scan.msk.f32 $0xffff, v7;
	v12 =	vmctz.xlane vm0  }
0x36d: {  	v16, _, _ =	vpop (xrf0);
	(xrf0) =	vmax.scan.msk.f32 $0xffff, v6  }
0x36e: {  	v63 =	vbroadcast v62, $0xF;
	vm4 =	veq.f32 v13, v29;
	v27 =	vbroadcast v27, $0xF;
	v23, _, _ =	vpop (xrf0)  }
.Ltmp15:
0x36f: {  	v28 =	vand.u32 $0x7FFFFFFF, v1;
	v40 =	vmctz.xlane vm2;
	v38 =	vmctz.xlane vm4;
	v15, _, _ =	vpop (xrf0);
	(pc) =	sbr.rel @!p3 .LBB2_29-.Ltmp15, $4  }
0x370: {  	v13 =	vbroadcast v16, $0xF;
	v16 =	vmctz.xlane vm1;
	vm1 =	veq.s32 v12, v0;
	v12, _, _ =	vpop (xrf0)  }
0x371: {  	s16 =	simm.s32 $0x10380;
	vm3 =	veq.f32 v18, v63;
	vm0 =	veq.f32 v19, v27;
	v34 =	vbroadcast v15, $0xF;
	v33, _, _ =	vpop (xrf0)  }
0x372: {  	[tilespmem:s16+$0xFFFFFE20] =	vst v3;
	vm5 =	veq.s32 v16, v0;
	v37 =	vnsel vm1, $0x0, v5;
	vm1 =	veq.f32 v20, v13;
	v29, _, _ =	vpop (xrf0)  }
0x373: {  	s8 =	sadd.s32 $0x400, s6;
	v5 =	vld [tilespmem:s6+$0xFFFFFE40];
	v3 =	vnsel vm5, $0x0, v11;
	v41 =	vmctz.xlane vm1;
	v39 =	vbroadcast v12, $0xF;
	(xrf0) =	vmax.scan.msk.f32 $0xffff, v28;
	v35, _, _ =	vpop (xrf0)  }
0x374: {  	_ = 	snop  }
0x375: {  	v15 =	vld [tilespmem:s8+$0xFFFFFE20];
	vm2 =	veq.s32 v40, v0;
	v18 =	vmctz.xlane vm0;
	vm0 =	veq.f32 v10, v34  }
0x376: {  	v11 =	vld [tilespmem:s8+$0x70];
	v10 =	vmctz.xlane vm3;
	v20 =	vbroadcast v35, $0xF;
	vm1 =	veq.f32 v26, v39  }
0x377: {  	v12 =	vld [tilespmem:s8+$0x60];
	vm4 =	veq.s32 v41, v0;
	v13 =	vnsel vm2, $0x0, v4;
	vm2 =	veq.s32 v38, v0  }
0x378: {  	v36 =	vld [tilespmem:s8+$0x50];
	v9 =	vnsel vm4, $0x0, v9;
	[tilespmem:s16+$0x40] =	vst v13;
	v13 =	vmctz.xlane vm0;
	v19 =	vnsel vm2, $0x0, v25  }
0x379: {  	v51 =	vld [tilespmem:s8+$0x30];
	vm0 =	veq.s32 v10, v0;
	v10 =	vbroadcast v33, $0xF;
	vm2 =	veq.s32 v18, v0;
	v4, _, _ =	vpop (xrf0)  }
0x37a: {  	v45 =	vmctz.xlane vm1;
	[tilespmem:s16+$0x0] =	vst v9;
	v26 =	vand.u32 $0x7FFFFFFF, v15;
	v50 =	vbroadcast v4, $0xF;
	v4 =	vld [tilespmem:s8+$0x40]  }
0x37b: {  	v9 =	vnsel vm0, $0x0, v17;
	v31 =	vnsel vm2, $0x0, v31;
	vm3 =	veq.s32 v13, v0;
	(xrf0) =	vmax.scan.msk.f32 $0xffff, v26  }
0x37c: {  	v16 =	vld [tilespmem:s8+$0x20];
	[tilespmem:s16+$0x70] =	vst v19;
	vm4 =	veq.f32 v14, v10;
	v10 =	vbroadcast v23, $0xF;
	v54 =	vand.u32 $0x7FFFFFFF, v5  }
0x37d: {  	v25 =	vld [tilespmem:s8+$0xFFFFFE70];
	[tilespmem:s16+$0xFFFFFE00] =	vst v9;
	vm1 =	veq.s32 v45, v0;
	v14 =	vand.u32 $0x7FFFFFFF, v36;
	v9 =	vnsel vm3, $0x0, v21  }
0x37e: {  	v17 =	vld [tilespmem:s8+$0xFFFFFE00];
	v21 =	vand.u32 $0x7FFFFFFF, v12;
	v23 =	vand.u32 $0x7FFFFFFF, v11;
	vm3 =	veq.f32 v6, v20;
	(xrf0) =	vmax.scan.msk.f32 $0xffff, v14  }
0x37f: {  	v52 =	vand.u32 $0x7FFFFFFF, v51;
	v20 =	vld [tilespmem:s8+$0xFFFFFE10];
	v6 =	vbroadcast v29, $0xF;
	(xrf0) =	vmax.scan.msk.f32 $0xffff, v23;
	v53 =	vand.u32 $0x7FFFFFFF, v4  }
0x380: {  	v13 =	vld [tilespmem:s8+$0xFFFFFE60];
	v18 =	vmctz.xlane vm4;
	[tilespmem:s16+$0x20] =	vst v9;
	vm0 =	veq.f32 v8, v10;
	(xrf0) =	vmax.scan.msk.f32 $0xffff, v53  }
0x381: {  	v9 =	vld [tilespmem:s8+$0x0];
	v29 =	vmctz.xlane vm3;
	v10 =	vand.u32 $0x7FFFFFFF, v16;
	vm3 =	veq.f32 v7, v6;
	v8, _, _ =	vpop (xrf0);
	(xrf0) =	vmax.scan.msk.f32 $0xffff, v54  }
0x382: {  	v19 =	vld [tilespmem:s8+$0x10];
	vm4 =	veq.s32 v18, v0;
	v58 =	vmctz.xlane vm0;
	v8 =	vbroadcast v8, $0xF;
	(xrf0) =	vmax.scan.msk.f32 $0xffff, v52  }
0x383: {  	v27 =	vld [tilespmem:s8+$0xFFFFFE30];
	v55 =	vand.u32 $0x7FFFFFFF, v17;
	v7 =	vmctz.xlane vm3;
	v32 =	vnsel vm4, $0x0, v32  }
0x384: {  	vm6 =	veq.s32 v29, v0;
	v56 =	vand.u32 $0x7FFFFFFF, v20;
	vm3 =	veq.f32 v26, v8;
	(xrf0) =	vmax.scan.msk.f32 $0xffff, v55;
	v26, _, _ =	vpop (xrf0)  }
0x385: {  	v18 =	vld [tilespmem:s8+$0xFFFFFE50];
	v6 =	vand.u32 $0x7FFFFFFF, v13;
	vm0 =	veq.s32 v58, v0;
	v8 =	vmctz.xlane vm3;
	(xrf0) =	vmax.scan.msk.f32 $0xffff, v56;
	v43, _, _ =	vpop (xrf0)  }
0x386: {  	[tilespmem:s16+$0x30] =	vst v37;
	vm2 =	veq.s32 v7, v0;
	v7 =	vand.u32 $0x7FFFFFFF, v25;
	v57 =	vand.u32 $0x7FFFFFFF, v9;
	v44, _, _ =	vpop (xrf0)  }
0x387: {  	v42 =	vbroadcast v26, $0xF;
	(xrf0) =	vmax.scan.msk.f32 $0xffff, v57;
	vm3 =	veq.s32 v8, v0;
	v8 =	vand.u32 $0x7FFFFFFF, v19;
	v46, _, _ =	vpop (xrf0)  }
0x388: {  	s6 =	simm.s32 $0x10780;
	v30 =	vnsel vm2, $0x0, v30;
	v26 =	vand.u32 $0x7FFFFFFF, v27;
	(xrf0) =	vmax.scan.msk.f32 $0xffff, v8;
	v15 =	vnsel vm3, $0x0, v15;
	v47, _, _ =	vpop (xrf0)  }
0x389: {  	vm2 =	veq.f32 v14, v42;
	(xrf0) =	vmax.scan.msk.f32 $0xffff, v10;
	[tilespmem:s6+$0xFFFFFE20] =	vst v15;
	v15 =	vbroadcast v47, $0xF  }
0x38a: {  	v14 =	vand.u32 $0x7FFFFFFF, v18;
	vm3 =	veq.f32 v28, v50;
	v28 =	vbroadcast v43, $0xF;
	(xrf0) =	vmax.scan.msk.f32 $0xffff, v26;
	v59, _, _ =	vpop (xrf0)  }
0x38b: {  	v24 =	vnsel vm0, $0x0, v24;
	v44 =	vbroadcast v44, $0xF;
	v61, _, _ =	vpop (xrf0);
	(xrf0) =	vmax.scan.msk.f32 $0xffff, v14;
	vm0 =	veq.f32 v52, v15  }
0x38c: {  	v29 =	vmctz.xlane vm2;
	vm5 =	veq.f32 v23, v28;
	(xrf0) =	vmax.scan.msk.f32 $0xffff, v7;
	v28 =	vmctz.xlane vm0  }
0x38d: {  	v22 =	vnsel vm6, $0x0, v22;
	v63 =	vbroadcast v46, $0xF;
	vm4 =	veq.f32 v53, v44;
	v15, _, _ =	vpop (xrf0);
	(xrf0) =	vmax.scan.msk.f32 $0xffff, v6  }
0x38e: {  	p3 =	por $0x1, $0x1;
	[tilespmem:s16+$0xFFFFFE10] =	vst v31;
	vm7 =	veq.s32 v29, v0;
	v60 =	vbroadcast v59, $0xF;
	v34 =	vbroadcast v61, $0xF;
	v23, _, _ =	vpop (xrf0)  }
.Ltmp16:
0x38f: {  	v40 =	vmctz.xlane vm4;
	v38 =	vmctz.xlane vm5;
	v31 =	vnsel vm7, $0x0, v36;
	(xrf0) =	vmax.scan.msk.f32 $0xffff, v21;
	v62, _, _ =	vpop (xrf0);
	(pc) =	sbr.rel @!p3 .LBB2_31-.Ltmp16, $4  }
0x390: {  	[tilespmem:s16+$0xFFFFFE50] =	vst v32;
	vm0 =	veq.f32 v56, v34;
	v15 =	vbroadcast v15, $0xF;
	vm2 =	veq.s32 v28, v0;
	v28, _, _ =	vpop (xrf0)  }
0x391: {  	[tilespmem:s16+$0xFFFFFE60] =	vst v22;
	v37 =	vnsel vm2, $0x0, v51;
	v39 =	vbroadcast v28, $0xF;
	v33, _, _ =	vpop (xrf0);
	v28 =	vmctz.xlane vm3  }
0x392: {  	s9 =	simm.s32 $0x100;
	[tilespmem:s16+$0x10] =	vst v24;
	vm2 =	veq.f32 v54, v63;
	v34 =	vbroadcast v62, $0xF;
	vm6 =	veq.f32 v57, v15;
	v29, _, _ =	vpop (xrf0)  }
0x393: {  	p2 =	por $0x1, $0x1;
	s10 =	simm.s32 $0x10780;
	[tilespmem:s16+$0xFFFFFE70] =	vst v30;
	v15 =	vld [tilespmem:s8+$0xFFFFFE40];
	s8 =	sadd.s32 $0x400, s8;
	vm3 =	veq.f32 v55, v60;
	v41 =	vmctz.xlane vm6;
	v35, _, _ =	vpop (xrf0);
	vm5 =	veq.s32 v28, v0  }
.LBB2_32:
0x394: {  	v28 =	vld [tilespmem:s8+$0xFFFFFE20];
	s9 =	sadd.s32 $0x100, s9;
	vm4 =	veq.f32 v26, v39;
	[tilespmem:s6+$0x30] =	vst v37;
	vm6 =	veq.s32 v40, v0;
	s10 =	sadd.s32 $0x400, s10;
	v22 =	vnsel vm5, $0x0, v1;
	v1 =	vmovc v12  }
0x395: {  	v37 =	vnsel vm1, $0x0, v2;
	v26 =	vld [tilespmem:s8+$0x70];
	p3 =	slt.u32 s9, $0xF00;
	vm5 =	veq.s32 v41, v0;
	v4 =	vnsel vm6, $0x0, v4;
	v24, _, _ =	vpop (xrf0);
	[tilespmem:s16+$0x60] =	vst v22  }
0x396: {  	v30 =	vmctz.xlane vm0;
	vm0 =	veq.f32 v10, v34;
	v32 =	vmovc v21;
	v34 =	vmovc v25;
	v12 =	vld [tilespmem:s8+$0x60];
	v9 =	vnsel vm5, $0x0, v9;
	[tilespmem:s6+$0x40] =	vst v4  }
0x397: {  	v10 =	vmctz.xlane vm3;
	vm1 =	veq.s32 v38, v0;
	v2 =	vmovc v27;
	v36 =	vbroadcast v24, $0xF;
	v22 =	vld [tilespmem:s8+$0x50];
	[tilespmem:s16+$0xFFFFFE30] =	vst v37  }
0x398: {  	v21 =	vmctz.xlane vm2;
	v38 =	vnsel vm1, $0x0, v11;
	v4 =	vld [tilespmem:s8+$0x40];
	[tilespmem:s6+$0x0] =	vst v9;
	v9 =	vmctz.xlane vm0  }
0x399: {  	vm0 =	veq.s32 v10, v0;
	v10 =	vbroadcast v33, $0xF;
	v37 =	vand.u32 $0x7FFFFFFF, v28;
	v24 =	vld [tilespmem:s8+$0x30];
	[tilespmem:s6+$0x70] =	vst v38  }
0x39a: {  	v27 =	vbroadcast v35, $0xF;
	vm2 =	veq.s32 v21, v0;
	v25 =	vld [tilespmem:s8+$0xFFFFFE00];
	(xrf0) =	vmax.scan.msk.f32 $0xffff, v37;
	vm5 =	veq.s32 v9, v0;
	v11 =	vmovc v26  }
0x39b: {  	vm1 =	veq.s32 v30, v0;
	v9 =	vnsel vm0, $0x0, v17;
	vm3 =	veq.f32 v14, v10;
	v26 =	vld [tilespmem:s8+$0x20];
	[tilespmem:s16+$0x50] =	vst v3;
	v3 =	vmovc v31  }
0x39c: {  	v10 =	vbroadcast v23, $0xF;
	v30 =	vld [tilespmem:s8+$0x10];
	v14 =	vand.u32 $0x7FFFFFFF, v22;
	[tilespmem:s6+$0xFFFFFE00] =	vst v9;
	v9 =	vnsel vm5, $0x0, v16  }
0x39d: {  	v21 =	vand.u32 $0x7FFFFFFF, v12;
	v23 =	vand.u32 $0x7FFFFFFF, v11;
	vm5 =	veq.f32 v6, v27;
	v31 =	vld [tilespmem:s8+$0xFFFFFE60];
	[tilespmem:s6+$0x20] =	vst v9  }
0x39e: {  	vm0 =	veq.f32 v8, v10;
	v35 =	vand.u32 $0x7FFFFFFF, v4;
	v9 =	vld [tilespmem:s8+$0x0];
	v33 =	vand.u32 $0x7FFFFFFF, v24;
	(xrf0) =	vmax.scan.msk.f32 $0xffff, v14  }
0x39f: {  	v40 =	vand.u32 $0x7FFFFFFF, v15;
	v6 =	vbroadcast v29, $0xF;
	v39 =	vmctz.xlane vm5;
	v38 =	vld [tilespmem:s8+$0xFFFFFE10];
	(xrf0) =	vmax.scan.msk.f32 $0xffff, v23;
	v17 =	vmovc v25  }
0x3a0: {  	v29 =	vmctz.xlane vm3;
	v27 =	vnsel vm2, $0x0, v5;
	v25 =	vld [tilespmem:s8+$0xFFFFFE70];
	v10 =	vand.u32 $0x7FFFFFFF, v26;
	v8, _, _ =	vpop (xrf0);
	(xrf0) =	vmax.scan.msk.f32 $0xffff, v35  }
0x3a1: {  	v5 =	vmovc v15;
	vm2 =	veq.f32 v7, v6;
	v41 =	vand.u32 $0x7FFFFFFF, v17;
	v16 =	vmovc v26;
	v8 =	vbroadcast v8, $0xF;
	[tilespmem:s16+$0xFFFFFE40] =	vst v27;
	v15 =	vld [tilespmem:s8+$0xFFFFFE40];
	s16 =	smov.u32 s6;
	s6 =	smov.u32 s10  }
0x3a2: {  	vm3 =	veq.s32 v29, v0;
	v7 =	vmctz.xlane vm2;
	v27 =	vld [tilespmem:s8+$0xFFFFFE30];
	v6 =	vand.u32 $0x7FFFFFFF, v31;
	(xrf0) =	vmax.scan.msk.f32 $0xffff, v40  }
0x3a3: {  	v29 =	vnsel vm1, $0x0, v20;
	vm2 =	veq.f32 v37, v8;
	(xrf0) =	vmax.scan.msk.f32 $0xffff, v33;
	v37 =	vnsel vm3, $0x0, v18;
	v18 =	vld [tilespmem:s8+$0xFFFFFE50]  }
0x3a4: {  	vm1 =	veq.s32 v7, v0;
	v42 =	vand.u32 $0x7FFFFFFF, v38;
	v8 =	vmctz.xlane vm2;
	(xrf0) =	vmax.scan.msk.f32 $0xffff, v41;
	v20, _, _ =	vpop (xrf0)  }
0x3a5: {  	v45 =	vnsel vm1, $0x0, v34;
	v43 =	vand.u32 $0x7FFFFFFF, v9;
	v48 =	vbroadcast v20, $0xF;
	(xrf0) =	vmax.scan.msk.f32 $0xffff, v42;
	v44, _, _ =	vpop (xrf0)  }
0x3a6: {  	v7 =	vand.u32 $0x7FFFFFFF, v25;
	vm1 =	veq.s32 v8, v0;
	v8 =	vand.u32 $0x7FFFFFFF, v30;
	(xrf0) =	vmax.scan.msk.f32 $0xffff, v43;
	v34, _, _ =	vpop (xrf0)  }
0x3a7: {  	v46 =	vmctz.xlane vm0;
	v20 =	vmovc v38;
	v26 =	vand.u32 $0x7FFFFFFF, v27;
	vm2 =	veq.f32 v14, v48;
	(xrf0) =	vmax.scan.msk.f32 $0xffff, v8  }
0x3a8: {  	v38 =	vmctz.xlane vm4;
	v28 =	vnsel vm1, $0x0, v28;
	v14 =	vand.u32 $0x7FFFFFFF, v18;
	(xrf0) =	vmax.scan.msk.f32 $0xffff, v10;
	v47, _, _ =	vpop (xrf0)  }
0x3a9: {  	vm0 =	veq.s32 v46, v0;
	vm3 =	veq.f32 v32, v36;
	v34 =	vbroadcast v34, $0xF;
	(xrf0) =	vmax.scan.msk.f32 $0xffff, v26;
	v48, _, _ =	vpop (xrf0)  }
0x3aa: {  	v32 =	vbroadcast v44, $0xF;
	v44 =	vnsel vm0, $0x0, v19;
	[tilespmem:s10+$0xFFFFFE20] =	vst v28;
	v28 =	vbroadcast v48, $0xF;
	v36, _, _ =	vpop (xrf0)  }
0x3ab: {  	vm1 =	veq.s32 v38, v0;
	vm4 =	veq.f32 v35, v34;
	v36 =	vbroadcast v36, $0xF;
	v19, _, _ =	vpop (xrf0);
	(xrf0) =	vmax.scan.msk.f32 $0xffff, v14  }
0x3ac: {  	vm5 =	veq.f32 v23, v32;
	v34 =	vbroadcast v19, $0xF;
	vm0 =	veq.f32 v33, v28;
	(xrf0) =	vmax.scan.msk.f32 $0xffff, v7;
	v23, _, _ =	vpop (xrf0)  }
0x3ad: {  	vm6 =	veq.s32 v39, v0;
	v28 =	vbroadcast v23, $0xF;
	v32 =	vmctz.xlane vm0;
	(xrf0) =	vmax.scan.msk.f32 $0xffff, v6;
	v23, _, _ =	vpop (xrf0)  }
0x3ae: {  	v38 =	vmctz.xlane vm2;
	v35 =	vbroadcast v47, $0xF;
	vm0 =	veq.f32 v42, v34;
	v19, _, _ =	vpop (xrf0);
	[tilespmem:s16+$0xFFFFFE50] =	vst v37  }
.Ltmp17:
0x3af: {  	v34 =	vbroadcast v19, $0xF;
	vm2 =	veq.s32 v32, v0;
	v19, _, _ =	vpop (xrf0);
	(xrf0) =	vmax.scan.msk.f32 $0xffff, v21;
	v32 =	vnsel vm6, $0x0, v13;
	(pc) =	sbr.rel @p3 .LBB2_32-.Ltmp17, $4  }
0x3b0: {  	v13 =	vmovc v31;
	v39 =	vbroadcast v19, $0xF;
	v37 =	vnsel vm2, $0x0, v24;
	[tilespmem:s16+$0xFFFFFE10] =	vst v29;
	vm2 =	veq.f32 v40, v35;
	v19 =	vmovc v30  }
0x3b1: {  	vm7 =	veq.s32 v38, v0;
	vm6 =	veq.f32 v43, v28;
	v24 =	vmctz.xlane vm3;
	v33, _, _ =	vpop (xrf0);
	[tilespmem:s16+$0xFFFFFE70] =	vst v45  }
0x3b2: {  	v38 =	vmctz.xlane vm5;
	vm3 =	veq.f32 v41, v36;
	v40 =	vmctz.xlane vm4;
	v29, _, _ =	vpop (xrf0);
	[tilespmem:s16+$0xFFFFFE60] =	vst v32  }
0x3b3: {  	s8 =	sadd.s32 $0x400, s8;
	v31 =	vnsel vm7, $0x0, v22;
	v41 =	vmctz.xlane vm6;
	vm5 =	veq.s32 v24, v0;
	v35, _, _ =	vpop (xrf0);
	[tilespmem:s16+$0x10] =	vst v44  }
0x3b4: {  	v42 =	vmovc v1;
	v43 =	vmov v2;
	v36 =	vmov v3;
	v1 =	vmov v12  }
0x3b5: {  	v28 =	vmovc v21;
	v30 =	vmovc v25;
	v2 =	vmov v27;
	v25 =	vmov v11;
	v3 =	vmov v31  }
0x3b6: {  	v21 =	vmovc v16;
	v31 =	vmovc v20;
	v32 =	vmov v18;
	v24 =	vmov v19;
	v22 =	vmov v13  }
.LBB2_34:
0x3b7: {  	vm4 =	veq.f32 v26, v39  }
0x3b8: {  	vm6 =	veq.s32 v40, v0;
	v11 =	vnsel @p2 vm5, $0x0, v42;
	vm15 =	veq.s32 v41, v0  }
0x3b9: {  	[tilespmem:s6+$0x30] =	vst v37;
	v12 =	vnsel @p2 vm1, $0x0, v43;
	v13 =	vmctz.xlane vm0;
	vm0 =	veq.f32 v10, v34  }
0x3ba: {  	v10 =	vmctz.xlane vm3;
	vm1 =	veq.s32 v38, v0;
	v4 =	vnsel vm6, $0x0, v4;
	[tilespmem:s16+$0x60] =	vst @p2 v11  }
0x3bb: {  	v16, _, _ =	vpop (xrf0);
	v9 =	vnsel vm15, $0x0, v9;
	v11 =	vmctz.xlane vm0;
	[tilespmem:s16+$0xFFFFFE30] =	vst @p2 v12;
	v12 =	vmctz.xlane @p2 vm2  }
0x3bc: {  	[tilespmem:s6+$0x40] =	vst v4;
	v4 =	vbroadcast v16, $0xF;
	v16 =	vnsel vm1, $0x0, v25;
	vm0 =	veq.s32 v10, v0  }
0x3bd: {  	v10 =	vbroadcast v33, $0xF;
	[tilespmem:s6+$0x0] =	vst v9;
	vm1 =	veq.s32 v11, v0;
	v11 =	vand.u32 $0x7FFFFFFF, v15  }
0x3be: {  	v9 =	vbroadcast v35, $0xF;
	vm2 =	veq.s32 @p2 v12, v0;
	v12 =	vnsel vm0, $0x0, v17;
	(xrf0) =	vmax.scan.msk.f32 $0xffff, v11  }
0x3bf: {  	[tilespmem:s16+$0x50] =	vst @p2 v36;
	v17 =	vbroadcast v29, $0xF;
	vm0 =	veq.s32 v13, v0;
	vm3 =	veq.f32 v14, v10  }
0x3c0: {  	[tilespmem:s6+$0x50] =	vst v3;
	v10 =	vbroadcast v23, $0xF;
	v13 =	vnsel vm1, $0x0, v21;
	v5 =	vnsel @p2 vm2, $0x0, v5  }
0x3c1: {  	[tilespmem:s6+$0x70] =	vst v16;
	v14 =	vmctz.xlane vm3;
	vm1 =	veq.f32 v7, v17;
	vm3 =	veq.f32 v6, v9  }
0x3c2: {  	[tilespmem:s6+$0xFFFFFE00] =	vst v12;
	vm8 =	veq.f32 v8, v10;
	v6 =	vmctz.xlane vm1;
	v7 =	vmctz.xlane vm3  }
0x3c3: {  	[tilespmem:s16+$0xFFFFFE40] =	vst @p2 v5;
	v5 =	vnsel vm0, $0x0, v31;
	vm1 =	veq.s32 v14, v0;
	v9 =	vmctz.xlane vm8  }
0x3c4: {  	[tilespmem:s6+$0x20] =	vst v13;
	v8 =	vnsel vm1, $0x0, v32;
	vm0 =	veq.s32 v6, v0;
	vm1 =	veq.s32 v7, v0;
	v10, _, _ =	vpop (xrf0)  }
0x3c5: {  	[tilespmem:s6+$0xFFFFFE10] =	vst v5;
	v6 =	vnsel vm0, $0x0, v30;
	vm0 =	veq.f32 v28, v4;
	v4 =	vbroadcast v10, $0xF  }
0x3c6: {  	v7 =	vmctz.xlane vm4;
	[tilespmem:s6+$0xFFFFFE50] =	vst v8;
	v5 =	vmctz.xlane vm0;
	vm0 =	veq.s32 v9, v0  }
0x3c7: {  	v8 =	vnsel vm1, $0x0, v22;
	[tilespmem:s6+$0xFFFFFE70] =	vst v6;
	v6 =	vnsel vm0, $0x0, v24;
	vm0 =	veq.f32 v11, v4  }
0x3c8: {  	[tilespmem:s6+$0xFFFFFE60] =	vst v8;
	vm2 =	veq.s32 v7, v0;
	v4 =	vmctz.xlane vm0  }
0x3c9: {  	v2 =	vnsel vm2, $0x0, v2;
	vm1 =	veq.s32 v5, v0;
	[tilespmem:s6+$0x10] =	vst v6  }
0x3ca: {  	[tilespmem:s6+$0xFFFFFE30] =	vst v2;
	v1 =	vnsel vm1, $0x0, v1;
	vm0 =	veq.s32 v4, v0  }
0x3cb: {  	s0 =	sshrl.u32 s0, $0x3;
	[tilespmem:s6+$0x60] =	vst v1;
	v1 =	vnsel vm0, $0x0, v15  }
0x3cc: {  	s0 =	sadd.s32 s4, s0;
	[tilespmem:s6+$0xFFFFFE40] =	vst v1  }
0x3cd: {  	[hbm4b:s0+s14] =	stream.strided.scatter [tilespmem:s21], [sflag:$0x5], $0x4000, s15, s14, $0x38;
	[tilespmem:$0x18000] =	vst v63  }
0x3ce: {  	s0 =	sadd.s32 @!p1 s1, s11  }
0x3cf: {  	s0 =	sshll.u32 @!p1 s0, $0xC  }
0x3d0: {  	s0 =	sand.u32 @!p1 $0x7F8000, s0  }
0x3d1: {  	s0 =	sadd.s32 @!p1 s3, s0  }
0x3d2: {  	s0 =	sor.u32 @!p1 s31, s0  }
0x3d3: {  	s8 =	simm.s32 @!p1 $0x4000;
	s0 =	sshrl.u32 @!p1 s0, $0x3  }
0x3d4: {  	s6 =	simm.s32 @!p1 $0x400;
	s1 =	simm.s32 @!p1 $0x200;
	s0 =	sadd.s32 @!p1 s2, s0  }
0x3d5: {  	[tilespmem:s8], [sflag:$0x2] =	stream.strided.gather @!p1 [hbm4b:s0+s1], $0x4000, s6, s1, $0x38;
	[tilespmem:$0x18000] =	vst v63  }
0x3d6: {  	_ =	swait.ge [sflag:s22], $0x4000  }
0x3d7: {  	[sflag:s22] =	ssyncset.done $0x0  }
0x3d8: {  	s0 =	simm.s32 @!p0 $0x6;
	[sflag:s22] =	ssyncadd.s32 $0xFFFFC000  }
0x3d9: {  	_ =	swait.ge @!p0 [sflag:s0], $0x4000  }
0x3da: {  	[sflag:s0] =	ssyncset.done @!p0 $0x0  }
0x3db: {  	s13 =	simm.s32 $0x8200;
	[sflag:s0] =	ssyncadd.s32 @!p0 $0xFFFFC000  }
0x3dc: {  	v1 =	vld [tilespmem:s13+$0xFFFFFE20];
	_ =	sdelay $0x1  }
0x3dd: {  	v4 =	vld [tilespmem:s13+$0x50];
	_ =	sdelay $0x2  }
0x3de: {  	v2 =	vld [tilespmem:s13+$0x70];
	v6 =	vand.u32 $0x7FFFFFFF, v1  }
0x3df: {  	v5 =	vld [tilespmem:s13+$0x30];
	(xrf0) =	vmax.scan.msk.f32 $0xffff, v6  }
0x3e0: {  	v9 =	vld [tilespmem:s13+$0x20];
	v11 =	vand.u32 $0x7FFFFFFF, v4  }
0x3e1: {  	v3 =	vld [tilespmem:s13+$0x60];
	(xrf0) =	vmax.scan.msk.f32 $0xffff, v11  }
0x3e2: {  	v7 =	vld [tilespmem:s13+$0x40]  }
0x3e3: {  	v10 =	vld [tilespmem:s13+$0xFFFFFE00];
	v15 =	vand.u32 $0x7FFFFFFF, v2  }
0x3e4: {  	v13 =	vld [tilespmem:s13+$0x0];
	v16 =	vand.u32 $0x7FFFFFFF, v5;
	(xrf0) =	vmax.scan.msk.f32 $0xffff, v15  }
0x3e5: {  	v18 =	vld [tilespmem:s13+$0xFFFFFE60];
	v21 =	vand.u32 $0x7FFFFFFF, v9;
	(xrf0) =	vmax.scan.msk.f32 $0xffff, v16;
	v8, _, _ =	vpop (xrf0)  }
0x3e6: {  	v20 =	vld [tilespmem:s13+$0xFFFFFE70];
	(xrf0) =	vmax.scan.msk.f32 $0xffff, v21;
	v14 =	vbroadcast v8, $0xF  }
0x3e7: {  	v12 =	vld [tilespmem:s13+$0xFFFFFE40];
	v22 =	vand.u32 $0x7FFFFFFF, v3;
	v17, _, _ =	vpop (xrf0)  }
0x3e8: {  	v19 =	vld [tilespmem:s13+$0xFFFFFE30];
	(xrf0) =	vmax.scan.msk.f32 $0xffff, v22;
	vm0 =	veq.f32 v6, v14;
	v6 =	vbroadcast v17, $0xF  }
0x3e9: {  	v24 =	vld [tilespmem:s13+$0xFFFFFE50]  }
0x3ea: {  	v23 =	vand.u32 $0x7FFFFFFF, v13;
	v27, _, _ =	vpop (xrf0);
	v30 =	vmctz.xlane vm0  }
0x3eb: {  	v25 =	vand.u32 $0x7FFFFFFF, v18;
	v26 =	vand.u32 $0x7FFFFFFF, v10;
	v28 =	vand.u32 $0x7FFFFFFF, v7;
	(xrf0) =	vmax.scan.msk.f32 $0xffff, v23;
	v8 =	vld [tilespmem:s13+$0xFFFFFE10];
	v31, _, _ =	vpop (xrf0)  }
0x3ec: {  	v29 =	vand.u32 $0x7FFFFFFF, v20;
	v44 =	vand.u32 $0x7FFFFFFF, v12;
	(xrf0) =	vmax.scan.msk.f32 $0xffff, v25;
	v14 =	vld [tilespmem:s13+$0x10];
	vm0 =	veq.f32 v11, v6;
	v6, _, _ =	vpop (xrf0)  }
0x3ed: {  	vm1 =	veq.s32 v30, v0;
	v11 =	vmctz.xlane vm0;
	v6 =	vbroadcast v6, $0xF  }
0x3ee: {  	v46 =	vand.u32 $0x7FFFFFFF, v24;
	(xrf0) =	vmax.scan.msk.f32 $0xffff, v26;
	v17 =	vand.u32 $0x7FFFFFFF, v19;
	v45 =	vnsel vm1, $0x0, v1;
	v30, _, _ =	vpop (xrf0)  }
0x3ef: {  	v1 =	vbroadcast v31, $0xF;
	vm1 =	veq.s32 v11, v0;
	v30 =	vbroadcast v30, $0xF  }
0x3f0: {  	(xrf0) =	vmax.scan.msk.f32 $0xffff, v28;
	v31 =	vand.u32 $0x7FFFFFFF, v8;
	v4 =	vnsel vm1, $0x0, v4;
	vm0 =	veq.f32 v21, v6  }
0x3f1: {  	(xrf0) =	vmax.scan.msk.f32 $0xffff, v17;
	v21 =	vand.u32 $0x7FFFFFFF, v14;
	vm2 =	veq.f32 v22, v30;
	v30 =	vmctz.xlane vm0;
	v6, _, _ =	vpop (xrf0)  }
0x3f2: {  	(xrf0) =	vmax.scan.msk.f32 $0xffff, v29;
	v22 =	vbroadcast v27, $0xF;
	vm0 =	veq.f32 v16, v1;
	v27, _, _ =	vpop (xrf0);
	v6 =	vbroadcast v6, $0xF  }
0x3f3: {  	vm1 =	veq.s32 v30, v0;
	v16 =	vbroadcast v27, $0xF;
	v27 =	vmctz.xlane vm0  }
0x3f4: {  	(xrf0) =	vmax.scan.msk.f32 $0xffff, v44;
	v1, _, _ =	vpop (xrf0);
	vm0 =	veq.f32 v15, v22;
	v9 =	vnsel vm1, $0x0, v9;
	vm3 =	veq.f32 v23, v6  }
0x3f5: {  	(xrf0) =	vmax.scan.msk.f32 $0xffff, v21;
	v6 =	vmctz.xlane vm0;
	v1 =	vbroadcast v1, $0xF;
	vm9 =	veq.f32 v25, v16  }
0x3f6: {  	s16 =	simm.s32 $0x8600;
	v15, _, _ =	vpop (xrf0);
	(xrf0) =	vmax.scan.msk.f32 $0xffff, v46;
	v16 =	vmctz.xlane vm2;
	v23 =	vmctz.xlane vm3;
	vm2 =	veq.s32 v27, v0  }
0x3f7: {  	v30 =	vld [tilespmem:s16+$0xFFFFFE20];
	v11, _, _ =	vpop (xrf0);
	(xrf0) =	vmax.scan.msk.f32 $0xffff, v31;
	v15 =	vbroadcast v15, $0xF;
	vm0 =	veq.s32 v6, v0;
	v5 =	vnsel vm2, $0x0, v5  }
0x3f8: {  	v22, _, _ =	vpop (xrf0);
	v2 =	vnsel vm0, $0x0, v2;
	vm0 =	veq.f32 v26, v1;
	vm2 =	veq.s32 v23, v0  }
0x3f9: {  	s1 =	simm.s32 $0x14200;
	v47 =	vld [tilespmem:s16+$0x50];
	v22 =	vbroadcast v22, $0xF;
	vm10 =	veq.f32 v28, v15;
	v23 =	vbroadcast v11, $0xF  }
0x3fa: {  	[tilespmem:s1+$0x20] =	vst v9;
	v9 =	vld [tilespmem:s16+$0xFFFFFE00];
	v6, _, _ =	vpop (xrf0);
	v27 =	vmctz.xlane vm0;
	vm0 =	veq.s32 v16, v0;
	v16 =	vmctz.xlane vm9  }
0x3fb: {  	[tilespmem:s1+$0x50] =	vst v4;
	v26 =	vld [tilespmem:s16+$0x70];
	v25, _, _ =	vpop (xrf0);
	v6 =	vbroadcast v6, $0xF;
	v51 =	vnsel vm0, $0x0, v3;
	vm0 =	veq.f32 v29, v22  }
0x3fc: {  	[tilespmem:s1+$0x30] =	vst v5;
	v11 =	vld [tilespmem:s16+$0x30];
	v25 =	vbroadcast v25, $0xF;
	v5, _, _ =	vpop (xrf0);
	vm3 =	veq.s32 v27, v0;
	v27 =	vand.u32 $0x7FFFFFFF, v30  }
0x3fd: {  	[tilespmem:s1+$0x70] =	vst v2;
	v2 =	vld [tilespmem:s16+$0x40];
	vm1 =	veq.s32 v16, v0;
	v53 =	vmctz.xlane vm0;
	v4, _, _ =	vpop (xrf0);
	v10 =	vnsel vm3, $0x0, v10  }
0x3fe: {  	(xrf0) =	vmax.scan.msk.f32 $0xffff, v27;
	v28 =	vbroadcast v5, $0xF;
	[tilespmem:s1+$0xFFFFFE00] =	vst v10;
	v10 =	vbroadcast v4, $0xF;
	v4 =	vld [tilespmem:s16+$0x20]  }
0x3ff: {  	v1 =	vld [tilespmem:s16+$0x60];
	v16 =	vnsel vm1, $0x0, v18;
	vm11 =	veq.f32 v44, v6;
	v5 =	vnsel vm2, $0x0, v13  }
0x400: {  	[tilespmem:s1+$0xFFFFFE20] =	vst v45;
	v18 =	vmctz.xlane vm10;
	vm1 =	veq.f32 v21, v25;
	v25 =	vand.u32 $0x7FFFFFFF, v47  }
0x401: {  	[tilespmem:s1+$0x0] =	vst v5;
	v48 =	vand.u32 $0x7FFFFFFF, v26;
	v50 =	vand.u32 $0x7FFFFFFF, v11;
	(xrf0) =	vmax.scan.msk.f32 $0xffff, v25  }
0x402: {  	v6 =	vld [tilespmem:s16+$0xFFFFFE70];
	v21 =	vand.u32 $0x7FFFFFFF, v9;
	vm0 =	veq.s32 v53, v0;
	v15 =	vand.u32 $0x7FFFFFFF, v2;
	(xrf0) =	vmax.scan.msk.f32 $0xffff, v48  }
0x403: {  	v13 =	vld [tilespmem:s16+$0xFFFFFE60];
	v22 =	vmctz.xlane vm1;
	vm2 =	veq.s32 v18, v0;
	(xrf0) =	vmax.scan.msk.f32 $0xffff, v50;
	v52 =	vand.u32 $0x7FFFFFFF, v4  }
0x404: {  	v5 =	vld [tilespmem:s16+$0x0];
	vm13 =	veq.f32 v46, v28;
	vm3 =	veq.f32 v31, v10;
	v31 =	vand.u32 $0x7FFFFFFF, v1;
	v29, _, _ =	vpop (xrf0);
	(xrf0) =	vmax.scan.msk.f32 $0xffff, v52  }
0x405: {  	v20 =	vnsel vm0, $0x0, v20;
	v10 =	vmctz.xlane vm11;
	v18 =	vbroadcast v29, $0xF;
	(xrf0) =	vmax.scan.msk.f32 $0xffff, v31  }
0x406: {  	[tilespmem:s1+$0x60] =	vst v51;
	v49 =	vmctz.xlane vm3;
	vm3 =	veq.s32 v22, v0;
	v22 =	vnsel vm2, $0x0, v7  }
0x407: {  	v3 =	vld [tilespmem:s16+$0xFFFFFE40];
	[tilespmem:s1+$0xFFFFFE60] =	vst v16;
	vm1 =	veq.s32 v10, v0;
	v10 =	vand.u32 $0x7FFFFFFF, v6;
	v7, _, _ =	vpop (xrf0);
	vm2 =	veq.f32 v27, v18  }
0x408: {  	v16 =	vld [tilespmem:s16+$0xFFFFFE30];
	v14 =	vnsel vm3, $0x0, v14;
	[tilespmem:s1+$0x40] =	vst v22;
	v54 =	vbroadcast v7, $0xF;
	v55, _, _ =	vpop (xrf0);
	v29 =	vmctz.xlane vm2  }
0x409: {  	v56 =	vand.u32 $0x7FFFFFFF, v13;
	vm12 =	veq.s32 v49, v0;
	[tilespmem:s1+$0x10] =	vst v14;
	v27 =	vand.u32 $0x7FFFFFFF, v5;
	v58, _, _ =	vpop (xrf0)  }
0x40a: {  	v59 =	vnsel vm1, $0x0, v12;
	(xrf0) =	vmax.scan.msk.f32 $0xffff, v27;
	vm3 =	veq.f32 v25, v54;
	vm2 =	veq.s32 v29, v0;
	v25, _, _ =	vpop (xrf0)  }
0x40b: {  	v14 =	vld [tilespmem:s16+$0x10];
	(xrf0) =	vmax.scan.msk.f32 $0xffff, v56;
	v22 =	vnsel vm2, $0x0, v30;
	vm2 =	veq.f32 v17, v23;
	v30 =	vmctz.xlane vm13;
	v23, _, _ =	vpop (xrf0)  }
0x40c: {  	v57 =	vnsel vm12, $0x0, v8;
	v8 =	vld [tilespmem:s16+$0xFFFFFE50];
	(xrf0) =	vmax.scan.msk.f32 $0xffff, v21;
	v17 =	vbroadcast v25, $0xF;
	v25 =	vbroadcast v23, $0xF  }
0x40d: {  	v12 =	vand.u32 $0x7FFFFFFF, v16;
	v7 =	vld [tilespmem:s16+$0xFFFFFE10];
	v18 =	vand.u32 $0x7FFFFFFF, v3;
	v29 =	vbroadcast v58, $0xF;
	(xrf0) =	vmax.scan.msk.f32 $0xffff, v15  }
0x40e: {  	(xrf0) =	vmax.scan.msk.f32 $0xffff, v12;
	v60 =	vmctz.xlane vm2;
	vm1 =	veq.f32 v52, v17;
	vm2 =	veq.f32 v31, v25  }
0x40f: {  	(xrf0) =	vmax.scan.msk.f32 $0xffff, v10;
	v31 =	vmctz.xlane vm1;
	vm1 =	veq.f32 v50, v29;
	v29 =	vbroadcast v55, $0xF  }
0x410: {  	v28 =	vmctz.xlane vm3;
	vm3 =	veq.s32 v30, v0;
	(xrf0) =	vmax.scan.msk.f32 $0xffff, v18;
	v30, _, _ =	vpop (xrf0);
	v25 =	vand.u32 $0x7FFFFFFF, v14  }
0x411: {  	v17 =	vand.u32 $0x7FFFFFFF, v8;
	vm15 =	veq.s32 v60, v0;
	v61 =	vbroadcast v30, $0xF;
	v30, _, _ =	vpop (xrf0);
	(xrf0) =	vmax.scan.msk.f32 $0xffff, v25  }
0x412: {  	s24 =	smul.u32 $0xC000, s29;
	v23 =	vand.u32 $0x7FFFFFFF, v7;
	v24 =	vnsel vm3, $0x0, v24;
	v19 =	vnsel vm15, $0x0, v19;
	v63, _, _ =	vpop (xrf0);
	(xrf0) =	vmax.scan.msk.f32 $0xffff, v17  }
0x413: {  	v62 =	vbroadcast v30, $0xF;
	v30 =	vmctz.xlane vm1;
	vm14 =	veq.f32 v48, v29;
	(xrf0) =	vmax.scan.msk.f32 $0xffff, v23;
	v29, _, _ =	vpop (xrf0)  }
0x414: {  	s0 =	sadd.s32 s24, s12;
	[tilespmem:s1+$0xFFFFFE70] =	vst v20;
	vm1 =	veq.s32 v28, v0;
	vm3 =	veq.f32 v27, v61;
	v32 =	vmctz.xlane vm14;
	v27, _, _ =	vpop (xrf0)  }
0x415: {  	s10 =	simm.s32 $0x14600;
	s0 =	sand.u32 $0x7F8000, s0;
	[tilespmem:s1+$0xFFFFFE40] =	vst v59;
	v33 =	vmctz.xlane vm2;
	vm0 =	veq.s32 v31, v0;
	v28 =	vnsel vm1, $0x0, v47;
	v31, _, _ =	vpop (xrf0)  }
0x416: {  	s9 =	simm.s32 $0x14600;
	s6 =	simm.s32 $0x8280;
	s0 =	sadd.s32 s3, s0;
	[tilespmem:s1+$0xFFFFFE50] =	vst v24;
	v34 =	vbroadcast v63, $0xF;
	vm1 =	veq.f32 v56, v62;
	vm2 =	veq.s32 v32, v0;
	v24, _, _ =	vpop (xrf0)  }
0x417: {  	s8 =	simm.s32 $0x100;
	s0 =	sor.u32 s31, s0;
	s13 =	simm.s32 $0x8A00;
	[tilespmem:s1+$0xFFFFFE10] =	vst v57;
	v29 =	vbroadcast v29, $0xF;
	v32 =	vmctz.xlane vm3;
	v26 =	vnsel vm2, $0x0, v26;
	v35, _, _ =	vpop (xrf0)  }
.LBB2_35:
0x418: {  	v36 =	vld [tilespmem:s13+$0xFFFFFE20];
	s8 =	sadd.s32 $0x100, s8;
	vm2 =	veq.f32 v21, v34;
	v21 =	vbroadcast v35, $0xF;
	vm3 =	veq.s32 v30, v0;
	s10 =	sadd.s32 $0x400, s10;
	v30, _, _ =	vpop (xrf0);
	[tilespmem:s1+$0xFFFFFE30] =	vst v19  }
0x419: {  	s1 =	smov.u32 s9;
	v19 =	vld [tilespmem:s13+$0x70];
	p0 =	slt.u32 s8, $0xF00;
	v34 =	vmctz.xlane vm2;
	v11 =	vnsel vm3, $0x0, v11;
	vm2 =	veq.s32 v33, v0;
	[tilespmem:s9+$0x70] =	vst v26;
	v33, _, _ =	vpop (xrf0);
	s9 =	smov.u32 s10  }
0x41a: {  	v37 =	vbroadcast v24, $0xF;
	v38 =	vmctz.xlane vm1;
	v24 =	vmovc v6;
	v20 =	vmovc v16;
	vm1 =	veq.s32 v32, v0;
	v35 =	vld [tilespmem:s13+$0x60];
	[tilespmem:s1+$0x30] =	vst v11  }
0x41b: {  	v16 =	vbroadcast v31, $0xF;
	vm4 =	veq.f32 v15, v29;
	v26 =	vld [tilespmem:s13+$0x50];
	vm3 =	veq.s32 v34, v0;
	[tilespmem:s1+$0x50] =	vst v28  }
0x41c: {  	v27 =	vbroadcast v27, $0xF;
	v15 =	vnsel vm0, $0x0, v4;
	v28 =	vld [tilespmem:s13+$0x40];
	v6 =	vnsel vm3, $0x0, v9;
	[tilespmem:s1+$0xFFFFFE20] =	vst v22  }
0x41d: {  	vm0 =	veq.s32 v38, v0;
	v22 =	vand.u32 $0x7FFFFFFF, v36;
	v11 =	vld [tilespmem:s13+$0x30];
	[tilespmem:s1+$0xFFFFFE00] =	vst v6;
	v6 =	vbroadcast v33, $0xF  }
0x41e: {  	v29 =	vbroadcast v30, $0xF;
	v30 =	vnsel vm0, $0x0, v13;
	vm0 =	veq.f32 v25, v21;
	v4 =	vld [tilespmem:s13+$0x20];
	(xrf0) =	vmax.scan.msk.f32 $0xffff, v22  }
0x41f: {  	vm5 =	veq.f32 v18, v37;
	v9 =	vld [tilespmem:s13+$0xFFFFFE00];
	vm3 =	veq.f32 v23, v6;
	v6 =	vnsel vm1, $0x0, v5;
	[tilespmem:s1+$0x20] =	vst v15  }
0x420: {  	v18 =	vmctz.xlane vm5;
	v21 =	vmctz.xlane vm4;
	v5 =	vld [tilespmem:s13+$0x0];
	v23 =	vand.u32 $0x7FFFFFFF, v26;
	[tilespmem:s1+$0x0] =	vst v6  }
0x421: {  	v31 =	vand.u32 $0x7FFFFFFF, v19;
	v25 =	vand.u32 $0x7FFFFFFF, v35;
	v32 =	vmctz.xlane vm3;
	v6 =	vld [tilespmem:s13+$0xFFFFFE70];
	(xrf0) =	vmax.scan.msk.f32 $0xffff, v23  }
0x422: {  	v37 =	vnsel vm2, $0x0, v1;
	v1 =	vmovc v35;
	v15 =	vand.u32 $0x7FFFFFFF, v28;
	v33 =	vld [tilespmem:s13+$0xFFFFFE40];
	v34 =	vand.u32 $0x7FFFFFFF, v11;
	(xrf0) =	vmax.scan.msk.f32 $0xffff, v31  }
0x423: {  	vm2 =	veq.f32 v10, v16;
	v10 =	vmctz.xlane vm0;
	v35 =	vld [tilespmem:s13+$0xFFFFFE50];
	v38 =	vand.u32 $0x7FFFFFFF, v4;
	(xrf0) =	vmax.scan.msk.f32 $0xffff, v34  }
0x424: {  	v39 =	vmctz.xlane vm2;
	vm2 =	veq.s32 v21, v0;
	vm1 =	veq.s32 v18, v0;
	v13 =	vld [tilespmem:s13+$0xFFFFFE60];
	v16, _, _ =	vpop (xrf0);
	(xrf0) =	vmax.scan.msk.f32 $0xffff, v38  }
0x425: {  	vm3 =	veq.s32 v10, v0;
	v21 =	vand.u32 $0x7FFFFFFF, v9;
	v16 =	vbroadcast v16, $0xF;
	[tilespmem:s1+$0x60] =	vst v37  }
0x426: {  	vm0 =	veq.s32 v39, v0;
	v37 =	vnsel vm2, $0x0, v2;
	v2 =	vmovc v28;
	v10 =	vand.u32 $0x7FFFFFFF, v6;
	(xrf0) =	vmax.scan.msk.f32 $0xffff, v25  }
0x427: {  	vm4 =	veq.s32 v32, v0;
	v28 =	vand.u32 $0x7FFFFFFF, v5;
	vm2 =	veq.f32 v22, v16;
	v18, _, _ =	vpop (xrf0);
	[tilespmem:s1+$0xFFFFFE60] =	vst v30  }
0x428: {  	v14 =	vnsel vm3, $0x0, v14;
	v22 =	vmctz.xlane vm2;
	v16 =	vld [tilespmem:s13+$0xFFFFFE30];
	v30 =	vbroadcast v18, $0xF;
	(xrf0) =	vmax.scan.msk.f32 $0xffff, v28;
	v32, _, _ =	vpop (xrf0)  }
0x429: {  	v41 =	vnsel vm4, $0x0, v7;
	v18 =	vand.u32 $0x7FFFFFFF, v33;
	v39 =	vand.u32 $0x7FFFFFFF, v13;
	v40, _, _ =	vpop (xrf0);
	v7 =	vld [tilespmem:s13+$0xFFFFFE10];
	[tilespmem:s1+$0x10] =	vst v14  }
0x42a: {  	vm4 =	veq.f32 v17, v29;
	vm2 =	veq.s32 v22, v0;
	vm3 =	veq.f32 v23, v30;
	v23, _, _ =	vpop (xrf0);
	[tilespmem:s1+$0x40] =	vst v37  }
0x42b: {  	v22 =	vnsel vm2, $0x0, v36;
	v14 =	vld [tilespmem:s13+$0x10];
	v29 =	vmctz.xlane vm3;
	(xrf0) =	vmax.scan.msk.f32 $0xffff, v39;
	vm2 =	veq.f32 v12, v27  }
0x42c: {  	v17 =	vbroadcast v23, $0xF;
	v27 =	vbroadcast v40, $0xF;
	v36 =	vnsel vm1, $0x0, v3;
	(xrf0) =	vmax.scan.msk.f32 $0xffff, v21;
	v23, _, _ =	vpop (xrf0)  }
0x42d: {  	v37 =	vmctz.xlane vm4;
	v3 =	vmovc v33;
	v12 =	vand.u32 $0x7FFFFFFF, v16;
	v30 =	vbroadcast v23, $0xF;
	(xrf0) =	vmax.scan.msk.f32 $0xffff, v15  }
0x42e: {  	vm1 =	veq.f32 v38, v17;
	v38 =	vmctz.xlane vm2;
	v23 =	vand.u32 $0x7FFFFFFF, v7;
	(xrf0) =	vmax.scan.msk.f32 $0xffff, v12;
	v33, _, _ =	vpop (xrf0)  }
0x42f: {  	vm3 =	veq.s32 v37, v0;
	v17 =	vand.u32 $0x7FFFFFFF, v35;
	vm2 =	veq.f32 v25, v30;
	(xrf0) =	vmax.scan.msk.f32 $0xffff, v10  }
0x430: {  	v40 =	vnsel vm3, $0x0, v8;
	v8 =	vmovc v35;
	v37 =	vmctz.xlane vm1;
	v25 =	vand.u32 $0x7FFFFFFF, v14;
	(xrf0) =	vmax.scan.msk.f32 $0xffff, v18  }
0x431: {  	vm1 =	veq.f32 v34, v27;
	v34 =	vbroadcast v32, $0xF;
	v33 =	vbroadcast v33, $0xF;
	v30, _, _ =	vpop (xrf0);
	(xrf0) =	vmax.scan.msk.f32 $0xffff, v25  }
0x432: {  	v32 =	vbroadcast v30, $0xF;
	v30 =	vmctz.xlane vm1;
	vm1 =	veq.s32 v29, v0;
	v29, _, _ =	vpop (xrf0);
	(xrf0) =	vmax.scan.msk.f32 $0xffff, v17  }
.Ltmp18:
0x433: {  	vm5 =	veq.s32 v38, v0;
	vm4 =	veq.f32 v31, v34;
	vm3 =	veq.f32 v28, v33;
	(xrf0) =	vmax.scan.msk.f32 $0xffff, v23;
	v31, _, _ =	vpop (xrf0);
	(pc) =	sbr.rel @p0 .LBB2_35-.Ltmp18, $4  }
0x434: {  	v35 =	vnsel vm0, $0x0, v24;
	v28 =	vnsel vm1, $0x0, v26;
	v26 =	vmctz.xlane vm4;
	v27, _, _ =	vpop (xrf0);
	[tilespmem:s1+$0xFFFFFE50] =	vst v40  }
0x435: {  	vm0 =	veq.s32 v37, v0;
	v34 =	vbroadcast v29, $0xF;
	v29 =	vbroadcast v31, $0xF;
	v31, _, _ =	vpop (xrf0);
	[tilespmem:s1+$0xFFFFFE70] =	vst v35  }
0x436: {  	v33 =	vmctz.xlane vm2;
	vm1 =	veq.f32 v39, v32;
	vm2 =	veq.s32 v26, v0;
	v24, _, _ =	vpop (xrf0);
	[tilespmem:s1+$0xFFFFFE10] =	vst v41  }
0x437: {  	s13 =	sadd.s32 $0x400, s13;
	v32 =	vmctz.xlane vm3;
	v26 =	vnsel vm2, $0x0, v19;
	v19 =	vnsel vm5, $0x0, v20;
	v35, _, _ =	vpop (xrf0);
	[tilespmem:s1+$0xFFFFFE40] =	vst v36  }
0x438: {  	vm2 =	veq.f32 v21, v34  }
0x439: {  	v20 =	vbroadcast v35, $0xF;
	vm3 =	veq.s32 v30, v0;
	[tilespmem:s1+$0xFFFFFE30] =	vst v19;
	v19 =	vbroadcast v24, $0xF  }
0x43a: {  	[tilespmem:s9+$0x70] =	vst v26;
	v26 =	vmctz.xlane vm1;
	vm4 =	veq.f32 v15, v29;
	v15 =	vbroadcast v27, $0xF  }
0x43b: {  	v24, _, _ =	vpop (xrf0);
	v4 =	vnsel vm0, $0x0, v4;
	v21 =	vmctz.xlane vm2;
	v11 =	vnsel vm3, $0x0, v11  }
0x43c: {  	[tilespmem:s9+$0xFFFFFE20] =	vst v22;
	vm2 =	veq.s32 v33, v0;
	vm1 =	veq.s32 v32, v0;
	v22 =	vbroadcast v24, $0xF  }
0x43d: {  	[tilespmem:s9+$0x30] =	vst v11;
	v11 =	vbroadcast v31, $0xF;
	vm0 =	veq.f32 v25, v20;
	vm5 =	veq.f32 v18, v19  }
0x43e: {  	[tilespmem:s9+$0x20] =	vst v4;
	v5 =	vnsel vm1, $0x0, v5;
	v1 =	vnsel vm2, $0x0, v1;
	vm3 =	veq.s32 v21, v0  }
0x43f: {  	v4 =	vmctz.xlane vm5;
	[tilespmem:s9+$0x0] =	vst v5;
	v5 =	vmctz.xlane vm4;
	v9 =	vnsel vm3, $0x0, v9  }
0x440: {  	vm3 =	veq.s32 v26, v0;
	vm1 =	veq.f32 v10, v11;
	v21, _, _ =	vpop (xrf0);
	[tilespmem:s9+$0xFFFFFE00] =	vst v9;
	v9 =	vmctz.xlane vm0  }
0x441: {  	[tilespmem:s9+$0x50] =	vst v28;
	v13 =	vnsel vm3, $0x0, v13;
	vm0 =	veq.f32 v17, v22;
	v21 =	vbroadcast v21, $0xF  }
0x442: {  	[tilespmem:s9+$0x60] =	vst v1;
	v1 =	vmctz.xlane vm0;
	vm0 =	veq.s32 v5, v0;
	vm2 =	veq.s32 v9, v0  }
0x443: {  	[tilespmem:s9+$0xFFFFFE60] =	vst v13;
	v9 =	vmctz.xlane vm1;
	v2 =	vnsel vm0, $0x0, v2;
	vm3 =	veq.f32 v23, v21  }
0x444: {  	v5 =	vnsel vm2, $0x0, v14;
	vm0 =	veq.s32 v1, v0;
	[tilespmem:s9+$0x40] =	vst v2;
	vm2 =	veq.f32 v12, v15  }
0x445: {  	v10 =	vmctz.xlane vm3;
	[tilespmem:s9+$0x10] =	vst v5;
	vm1 =	veq.s32 v9, v0;
	v1 =	vnsel vm0, $0x0, v8  }
0x446: {  	v2 =	vmctz.xlane vm2;
	[tilespmem:s9+$0xFFFFFE50] =	vst v1;
	v1 =	vnsel vm1, $0x0, v6;
	vm1 =	veq.s32 v4, v0  }
0x447: {  	vm0 =	veq.s32 v10, v0;
	[tilespmem:s9+$0xFFFFFE70] =	vst v1;
	v1 =	vnsel vm1, $0x0, v3  }
0x448: {  	v4 =	vnsel vm0, $0x0, v7;
	vm0 =	veq.s32 v2, v0;
	[tilespmem:s9+$0xFFFFFE40] =	vst v1  }
0x449: {  	[tilespmem:s9+$0xFFFFFE10] =	vst v4;
	v2 =	vnsel vm0, $0x0, v16  }
0x44a: {  	[tilespmem:s9+$0xFFFFFE30] =	vst v2  }
0x44b: {  	v3 =	vld [tilespmem:s6+$0xFFFFFE20]  }
0x44c: {  	v4 =	vld [tilespmem:s6+$0x70]  }
0x44d: {  	v5 =	vld [tilespmem:s6+$0x60]  }
0x44e: {  	v7 =	vld [tilespmem:s6+$0x50]  }
0x44f: {  	v6 =	vld [tilespmem:s6+$0x10]  }
0x450: {  	v20 =	vld [tilespmem:s6+$0x40]  }
0x451: {  	v13 =	vld [tilespmem:s6+$0xFFFFFE10]  }
0x452: {  	v24 =	vld [tilespmem:s6+$0xFFFFFE50]  }
0x453: {  	v27 =	vld [tilespmem:s6+$0xFFFFFE70]  }
0x454: {  	v29 =	vld [tilespmem:s6+$0x0]  }
0x455: {  	v12 =	vld [tilespmem:s6+$0x30]  }
0x456: {  	v31 =	vld [tilespmem:s6+$0xFFFFFE00];
	v8 =	vand.u32 $0x7FFFFFFF, v3  }
0x457: {  	v28 =	vld [tilespmem:s6+$0xFFFFFE60];
	v9 =	vand.u32 $0x7FFFFFFF, v4;
	(xrf0) =	vmax.scan.msk.f32 $0xffff, v8  }
0x458: {  	v1 =	vld [tilespmem:s6+$0xFFFFFE30];
	v10 =	vand.u32 $0x7FFFFFFF, v5;
	(xrf0) =	vmax.scan.msk.f32 $0xffff, v9  }
0x459: {  	v32 =	vld [tilespmem:s6+$0xFFFFFE40];
	v11 =	vand.u32 $0x7FFFFFFF, v6;
	(xrf0) =	vmax.scan.msk.f32 $0xffff, v10  }
0x45a: {  	s31 =	simm.s32 $0x8680;
	v2 =	vld [tilespmem:s6+$0x20];
	v14 =	vand.u32 $0x7FFFFFFF, v20;
	(xrf0) =	vmax.scan.msk.f32 $0xffff, v11  }
0x45b: {  	v42 =	vld [tilespmem:s31+$0x60];
	v15 =	vand.u32 $0x7FFFFFFF, v13;
	(xrf0) =	vmax.scan.msk.f32 $0xffff, v14  }
0x45c: {  	v16 =	vand.u32 $0x7FFFFFFF, v24;
	v18 =	vand.u32 $0x7FFFFFFF, v27;
	v19 =	vand.u32 $0x7FFFFFFF, v7;
	(xrf0) =	vmax.scan.msk.f32 $0xffff, v15  }
0x45d: {  	v44 =	vld [tilespmem:s31+$0x10];
	v23 =	vand.u32 $0x7FFFFFFF, v12;
	v26 =	vand.u32 $0x7FFFFFFF, v31;
	v30 =	vand.u32 $0x7FFFFFFF, v28;
	v17, _, _ =	vpop (xrf0);
	(xrf0) =	vmax.scan.msk.f32 $0xffff, v16  }
0x45e: {  	v56 =	vand.u32 $0x7FFFFFFF, v29;
	v34 =	vand.u32 $0x7FFFFFFF, v1;
	v21, _, _ =	vpop (xrf0);
	(xrf0) =	vmax.scan.msk.f32 $0xffff, v18;
	v17 =	vbroadcast v17, $0xF  }
0x45f: {  	v36 =	vand.u32 $0x7FFFFFFF, v32;
	v38 =	vand.u32 $0x7FFFFFFF, v2;
	v22, _, _ =	vpop (xrf0);
	(xrf0) =	vmax.scan.msk.f32 $0xffff, v19;
	v21 =	vbroadcast v21, $0xF  }
0x460: {  	v57 =	vand.u32 $0x7FFFFFFF, v42;
	v25, _, _ =	vpop (xrf0);
	v22 =	vbroadcast v22, $0xF;
	vm0 =	veq.f32 v8, v17  }
0x461: {  	(xrf0) =	vmax.scan.msk.f32 $0xffff, v23;
	v55, _, _ =	vpop (xrf0);
	v8 =	vmctz.xlane vm0;
	v25 =	vbroadcast v25, $0xF;
	vm3 =	veq.f32 v9, v21  }
0x462: {  	v45 =	vand.u32 $0x7FFFFFFF, v44;
	(xrf0) =	vmax.scan.msk.f32 $0xffff, v26;
	v17, _, _ =	vpop (xrf0);
	vm0 =	veq.f32 v10, v22;
	v21 =	vmctz.xlane vm3  }
0x463: {  	(xrf0) =	vmax.scan.msk.f32 $0xffff, v30;
	v10, _, _ =	vpop (xrf0);
	v22 =	vmctz.xlane vm0;
	vm1 =	veq.f32 v11, v25;
	v17 =	vbroadcast v17, $0xF  }
0x464: {  	vm0 =	veq.s32 v8, v0;
	v37, _, _ =	vpop (xrf0);
	v25 =	vmctz.xlane vm1;
	v10 =	vbroadcast v10, $0xF  }
0x465: {  	v39 =	vnsel vm0, $0x0, v3;
	v8, _, _ =	vpop (xrf0);
	v11 =	vbroadcast v37, $0xF;
	vm1 =	veq.s32 v22, v0  }
0x466: {  	v40 =	vnsel vm1, $0x0, v5;
	v8 =	vbroadcast v8, $0xF;
	vm14 =	veq.f32 v16, v10  }
0x467: {  	vm1 =	veq.s32 v25, v0;
	v10 =	vld [tilespmem:s31+$0xFFFFFE70];
	v22, _, _ =	vpop (xrf0);
	vm0 =	veq.f32 v18, v11;
	v58 =	vmctz.xlane vm14  }
0x468: {  	v41 =	vld [tilespmem:s31+$0xFFFFFE20];
	(xrf0) =	vmax.scan.msk.f32 $0xffff, v36;
	v18 =	vnsel vm1, $0x0, v6;
	v3 =	vbroadcast v22, $0xF;
	v5, _, _ =	vpop (xrf0);
	vm2 =	veq.f32 v19, v8  }
0x469: {  	(xrf0) =	vmax.scan.msk.f32 $0xffff, v56;
	v6 =	vld [tilespmem:s31+$0x70];
	v22 =	vmctz.xlane vm0;
	v11, _, _ =	vpop (xrf0);
	v9 =	vmctz.xlane vm2;
	vm15 =	veq.s32 v58, v0  }
0x46a: {  	(xrf0) =	vmax.scan.msk.f32 $0xffff, v38;
	v11 =	vbroadcast v11, $0xF;
	vm1 =	veq.f32 v23, v3;
	v3 =	vbroadcast v55, $0xF  }
0x46b: {  	s6 =	simm.s32 $0x14280;
	v43 =	vnsel vm15, $0x0, v24;
	v8 =	vmctz.xlane vm1;
	vm2 =	veq.s32 v9, v0  }
0x46c: {  	[tilespmem:s6+$0x10] =	vst v18;
	v49 =	vand.u32 $0x7FFFFFFF, v10;
	vm1 =	veq.f32 v30, v11;
	vm3 =	veq.f32 v14, v3  }
0x46d: {  	(xrf0) =	vmax.scan.msk.f32 $0xffff, v34;
	v3 =	vld [tilespmem:s31+$0xFFFFFE10];
	v7 =	vnsel vm2, $0x0, v7;
	vm2 =	veq.s32 v21, v0;
	v30 =	vand.u32 $0x7FFFFFFF, v41  }
0x46e: {  	v19, _, _ =	vpop (xrf0);
	[tilespmem:s6+$0xFFFFFE50] =	vst v43;
	v37 =	vand.u32 $0x7FFFFFFF, v6;
	v21 =	vld [tilespmem:s31+$0xFFFFFE00];
	vm0 =	veq.s32 v8, v0;
	v18 =	vnsel vm2, $0x0, v4  }
0x46f: {  	(xrf0) =	vmax.scan.msk.f32 $0xffff, v30;
	vm2 =	veq.f32 v15, v17;
	v4 =	vld [tilespmem:s31+$0x40];
	v16 =	vmctz.xlane vm3;
	v17 =	vbroadcast v19, $0xF;
	v11, _, _ =	vpop (xrf0)  }
0x470: {  	[tilespmem:s6+$0x50] =	vst v7;
	v47 =	vmctz.xlane vm1;
	v14 =	vnsel vm0, $0x0, v12;
	vm0 =	veq.s32 v22, v0;
	v12 =	vld [tilespmem:s31+$0xFFFFFE50];
	v23, _, _ =	vpop (xrf0)  }
0x471: {  	v8 =	vld [tilespmem:s31+$0x50];
	[tilespmem:s6+$0x70] =	vst v18;
	v15 =	vbroadcast v11, $0xF;
	vm1 =	veq.s32 v16, v0;
	v9 =	vbroadcast v23, $0xF  }
0x472: {  	v7 =	vld [tilespmem:s31+$0x0];
	(xrf0) =	vmax.scan.msk.f32 $0xffff, v37;
	[tilespmem:s6+$0x30] =	vst v14;
	v43 =	vnsel vm0, $0x0, v27;
	v33 =	vnsel vm1, $0x0, v20  }
0x473: {  	v18 =	vld [tilespmem:s31+$0x30];
	(xrf0) =	vmax.scan.msk.f32 $0xffff, v57;
	v11 =	vand.u32 $0x7FFFFFFF, v3;
	vm13 =	veq.f32 v38, v9;
	v9 =	vbroadcast v5, $0xF  }
0x474: {  	(xrf0) =	vmax.scan.msk.f32 $0xffff, v45;
	vm3 =	veq.f32 v56, v15;
	v14, _, _ =	vpop (xrf0);
	v24 =	vand.u32 $0x7FFFFFFF, v21;
	v5 =	vld [tilespmem:s31+$0xFFFFFE30];
	v23 =	vand.u32 $0x7FFFFFFF, v4  }
0x475: {  	v46 =	vbroadcast v14, $0xF;
	v14 =	vld [tilespmem:s31+$0xFFFFFE60];
	v15, _, _ =	vpop (xrf0);
	(xrf0) =	vmax.scan.msk.f32 $0xffff, v23;
	v19 =	vand.u32 $0x7FFFFFFF, v12;
	vm6 =	veq.f32 v26, v9  }
0x476: {  	v26 =	vmctz.xlane vm2;
	vm2 =	veq.f32 v36, v17;
	v60 =	vbroadcast v15, $0xF;
	v17 =	vld [tilespmem:s31+$0xFFFFFE40];
	(xrf0) =	vmax.scan.msk.f32 $0xffff, v11  }
0x477: {  	v22 =	vand.u32 $0x7FFFFFFF, v8;
	v48 =	vmctz.xlane vm3;
	v25 =	vmctz.xlane vm13;
	(xrf0) =	vmax.scan.msk.f32 $0xffff, v19  }
0x478: {  	v16 =	vld [tilespmem:s31+$0x20];
	v51 =	vand.u32 $0x7FFFFFFF, v18;
	v61, _, _ =	vpop (xrf0);
	v59 =	vmctz.xlane vm6;
	vm3 =	veq.f32 v30, v60;
	(xrf0) =	vmax.scan.msk.f32 $0xffff, v49  }
0x479: {  	[tilespmem:s6+$0xFFFFFE20] =	vst v39;
	v9 =	vand.u32 $0x7FFFFFFF, v7;
	v50 =	vbroadcast v61, $0xF;
	v62, _, _ =	vpop (xrf0);
	v30 =	vmctz.xlane vm3  }
0x47a: {  	[tilespmem:s6+$0x60] =	vst v40;
	vm1 =	veq.s32 v26, v0;
	v63 =	vbroadcast v62, $0xF;
	v15 =	vand.u32 $0x7FFFFFFF, v5;
	v26, _, _ =	vpop (xrf0)  }
0x47b: {  	v36 =	vand.u32 $0x7FFFFFFF, v14;
	(xrf0) =	vmax.scan.msk.f32 $0xffff, v22;
	vm3 =	veq.s32 v30, v0;
	v20 =	vand.u32 $0x7FFFFFFF, v17;
	v56, _, _ =	vpop (xrf0)  }
0x47c: {  	(xrf0) =	vmax.scan.msk.f32 $0xffff, v51;
	v30 =	vnsel vm1, $0x0, v13;
	v52 =	vbroadcast v26, $0xF;
	vm1 =	veq.s32 v59, v0;
	v35, _, _ =	vpop (xrf0)  }
0x47d: {  	v26 =	vand.u32 $0x7FFFFFFF, v16;
	(xrf0) =	vmax.scan.msk.f32 $0xffff, v24;
	v13 =	vnsel vm3, $0x0, v41;
	vm3 =	veq.f32 v57, v63;
	v57, _, _ =	vpop (xrf0)  }
0x47e: {  	v59 =	vmctz.xlane vm2;
	(xrf0) =	vmax.scan.msk.f32 $0xffff, v36;
	v31 =	vnsel vm1, $0x0, v31;
	vm1 =	veq.s32 v48, v0;
	v58, _, _ =	vpop (xrf0)  }
0x47f: {  	vm0 =	veq.f32 v45, v52;
	v27 =	vmctz.xlane vm3;
	(xrf0) =	vmax.scan.msk.f32 $0xffff, v20;
	v38 =	vbroadcast v58, $0xF  }
0x480: {  	[tilespmem:s6+$0xFFFFFE00] =	vst v31;
	vm2 =	veq.s32 v59, v0;
	v29 =	vnsel vm1, $0x0, v29;
	v45 =	vmctz.xlane vm0  }
0x481: {  	(xrf0) =	vmax.scan.msk.f32 $0xffff, v9;
	v60 =	vnsel vm2, $0x0, v32;
	vm2 =	veq.f32 v34, v46;
	vm0 =	veq.s32 v27, v0;
	v31, _, _ =	vpop (xrf0)  }
0x482: {  	[tilespmem:s6+$0x0] =	vst v29;
	v39 =	vmctz.xlane vm2;
	vm2 =	veq.s32 v47, v0;
	v27 =	vnsel vm0, $0x0, v42;
	v61, _, _ =	vpop (xrf0)  }
0x483: {  	(xrf0) =	vmax.scan.msk.f32 $0xffff, v26;
	vm0 =	veq.s32 v45, v0;
	vm1 =	veq.f32 v49, v38;
	v29 =	vbroadcast v61, $0xF;
	v38, _, _ =	vpop (xrf0)  }
0x484: {  	[tilespmem:s6+$0xFFFFFE40] =	vst v60;
	v32 =	vbroadcast v31, $0xF;
	v63 =	vnsel vm2, $0x0, v28;
	v28 =	vbroadcast v56, $0xF;
	v31, _, _ =	vpop (xrf0)  }
0x485: {  	s1 =	simm.s32 $0x14300;
	s13 =	simm.s32 $0x14680;
	s8 =	simm.s32 $0x100;
	v62 =	vnsel vm0, $0x0, v44;
	[tilespmem:s6+$0xFFFFFE60] =	vst v63;
	vm0 =	veq.f32 v51, v29;
	v42 =	vbroadcast v31, $0xF  }
0x486: {  	s16 =	simm.s32 $0x8A80;
	s10 =	simm.s32 $0x14680;
	s9 =	simm.s32 $0x8300;
	v45 =	vbroadcast v57, $0xF;
	vm2 =	veq.f32 v37, v50;
	[tilespmem:s13+$0x10] =	vst v62;
	v40 =	vmctz.xlane vm0;
	v44, _, _ =	vpop (xrf0)  }
.LBB2_37:
0x487: {  	v41 =	vld [tilespmem:s16+$0xFFFFFE20];
	s8 =	sadd.s32 $0x100, s8;
	vm0 =	veq.f32 v36, v42;
	vm3 =	veq.f32 v22, v32;
	s13 =	sadd.s32 $0x400, s13;
	v22, _, _ =	vpop (xrf0);
	vm4 =	veq.s32 v25, v0;
	[tilespmem:s6+$0x40] =	vst v33  }
0x488: {  	v31 =	vmctz.xlane vm2;
	v25 =	vld [tilespmem:s16+$0x70];
	p0 =	slt.u32 s8, $0xF00;
	v29 =	vmctz.xlane vm3;
	[tilespmem:s6+$0xFFFFFE70] =	vst v43;
	v33 =	vnsel vm4, $0x0, v2;
	v43 =	vmovc v12;
	v2 =	vmovc v16  }
0x489: {  	v12 =	vmctz.xlane vm1;
	vm1 =	veq.s32 v40, v0;
	vm3 =	veq.s32 v39, v0;
	v32 =	vld [tilespmem:s16+$0x60];
	v16, _, _ =	vpop (xrf0);
	[tilespmem:s6+$0x20] =	vst v33  }
0x48a: {  	v35 =	vbroadcast v35, $0xF;
	vm2 =	veq.f32 v23, v28;
	v28 =	vmovc v14;
	v33 =	vld [tilespmem:s16+$0x50];
	vm4 =	veq.s32 v29, v0;
	[tilespmem:s6+$0xFFFFFE10] =	vst v30  }
0x48b: {  	v39 =	vmovc v17;
	v14 =	vbroadcast v16, $0xF;
	v42 =	vld [tilespmem:s16+$0xFFFFFE10];
	v8 =	vnsel vm4, $0x0, v8;
	vm4 =	veq.s32 v31, v0;
	(xrf0) =	vmax.scan.msk.f32 $0xffff, v15  }
0x48c: {  	v46 =	vmovc v21;
	v40 =	vmovc v15;
	v16 =	vnsel vm1, $0x0, v18;
	v30 =	vand.u32 $0x7FFFFFFF, v41;
	v37 =	vld [tilespmem:s16+$0x10];
	[tilespmem:s10+$0x50] =	vst v8;
	v17 =	vnsel vm4, $0x0, v6  }
0x48d: {  	vm1 =	veq.s32 v12, v0;
	v12 =	vnsel vm3, $0x0, v1;
	v29 =	vld [tilespmem:s16+$0xFFFFFE70];
	v31 =	vand.u32 $0x7FFFFFFF, v25;
	(xrf0) =	vmax.scan.msk.f32 $0xffff, v30;
	v6 =	vmovc v25  }
0x48e: {  	vm5 =	veq.f32 v11, v35;
	v1 =	vmovc v5;
	v15 =	vbroadcast v22, $0xF;
	vm3 =	veq.f32 v26, v14;
	v34 =	vld [tilespmem:s16+$0x0];
	(xrf0) =	vmax.scan.msk.f32 $0xffff, v31  }
0x48f: {  	vm6 =	veq.f32 v19, v45;
	v19 =	vmctz.xlane vm2;
	v14 =	vbroadcast v38, $0xF;
	v26 =	vld [tilespmem:s16+$0x40];
	[tilespmem:s6+$0xFFFFFE30] =	vst v12;
	v8 =	vmovc v33;
	s6 =	smov.u32 s10;
	s10 =	smov.u32 s13  }
0x490: {  	v21 =	vbroadcast v44, $0xF;
	v38 =	vand.u32 $0x7FFFFFFF, v32;
	v12 =	vld [tilespmem:s16+$0xFFFFFE50];
	v22 =	vand.u32 $0x7FFFFFFF, v8;
	[tilespmem:s6+$0x70] =	vst v17  }
0x491: {  	vm4 =	veq.f32 v9, v15;
	v11 =	vand.u32 $0x7FFFFFFF, v42;
	v5 =	vld [tilespmem:s16+$0xFFFFFE30];
	v44 =	vand.u32 $0x7FFFFFFF, v37;
	[tilespmem:s6+$0x30] =	vst v16;
	v9, _, _ =	vpop (xrf0)  }
0x492: {  	vm7 =	veq.f32 v24, v14;
	v24 =	vmctz.xlane vm5;
	v16 =	vld [tilespmem:s16+$0x20];
	(xrf0) =	vmax.scan.msk.f32 $0xffff, v38;
	v45 =	vbroadcast v9, $0xF  }
0x493: {  	vm2 =	veq.f32 v20, v21;
	v20 =	vmctz.xlane vm6;
	v9 =	vand.u32 $0x7FFFFFFF, v34;
	v18 =	vld [tilespmem:s16+$0x30];
	v15, _, _ =	vpop (xrf0);
	[tilespmem:s6+$0x60] =	vst v27  }
0x494: {  	v25 =	vmctz.xlane vm3;
	v47 =	vmctz.xlane vm7;
	v14 =	vld [tilespmem:s16+$0xFFFFFE60];
	v23 =	vand.u32 $0x7FFFFFFF, v26;
	(xrf0) =	vmax.scan.msk.f32 $0xffff, v44;
	v27, _, _ =	vpop (xrf0)  }
0x495: {  	v48 =	vmctz.xlane vm0;
	vm0 =	veq.s32 v19, v0;
	v33 =	vbroadcast v15, $0xF;
	v17 =	vld [tilespmem:s16+$0xFFFFFE40];
	(xrf0) =	vmax.scan.msk.f32 $0xffff, v23  }
0x496: {  	v49 =	vmctz.xlane vm4;
	v19 =	vand.u32 $0x7FFFFFFF, v12;
	v15 =	vand.u32 $0x7FFFFFFF, v5;
	(xrf0) =	vmax.scan.msk.f32 $0xffff, v11  }
0x497: {  	vm4 =	veq.s32 v20, v0;
	v50 =	vand.u32 $0x7FFFFFFF, v29;
	vm3 =	veq.f32 v30, v33;
	v21 =	vld [tilespmem:s16+$0xFFFFFE00];
	(xrf0) =	vmax.scan.msk.f32 $0xffff, v19  }
0x498: {  	v51 =	vbroadcast v27, $0xF;
	v33 =	vnsel vm0, $0x0, v4;
	v20 =	vmctz.xlane vm3;
	(xrf0) =	vmax.scan.msk.f32 $0xffff, v50;
	v27, _, _ =	vpop (xrf0)  }
0x499: {  	vm0 =	veq.s32 v24, v0;
	v4 =	vmovc v26;
	v52 =	vand.u32 $0x7FFFFFFF, v18;
	v36 =	vand.u32 $0x7FFFFFFF, v14;
	[tilespmem:s6+$0xFFFFFE20] =	vst v13  }
0x49a: {  	v30 =	vnsel vm0, $0x0, v3;
	vm3 =	veq.s32 v20, v0;
	v20 =	vand.u32 $0x7FFFFFFF, v17;
	v26, _, _ =	vpop (xrf0);
	(xrf0) =	vmax.scan.msk.f32 $0xffff, v22  }
0x49b: {  	v54 =	vbroadcast v27, $0xF;
	v27 =	vnsel vm4, $0x0, v43;
	v13 =	vnsel vm3, $0x0, v41;
	(xrf0) =	vmax.scan.msk.f32 $0xffff, v52;
	v41, _, _ =	vpop (xrf0)  }
0x49c: {  	vm0 =	veq.s32 v47, v0;
	v53 =	vbroadcast v26, $0xF;
	v24 =	vand.u32 $0x7FFFFFFF, v21;
	v35, _, _ =	vpop (xrf0);
	[tilespmem:s6+$0xFFFFFE50] =	vst v27  }
0x49d: {  	v43 =	vnsel vm1, $0x0, v10;
	v26 =	vand.u32 $0x7FFFFFFF, v16;
	vm3 =	veq.f32 v38, v54;
	(xrf0) =	vmax.scan.msk.f32 $0xffff, v24;
	v47, _, _ =	vpop (xrf0)  }
0x49e: {  	v27 =	vmctz.xlane vm2;
	vm1 =	veq.f32 v44, v53;
	v53 =	vmctz.xlane vm3;
	(xrf0) =	vmax.scan.msk.f32 $0xffff, v36;
	v3, _, _ =	vpop (xrf0)  }
0x49f: {  	v44 =	vnsel vm0, $0x0, v46;
	vm0 =	veq.s32 v49, v0;
	v38 =	vbroadcast v3, $0xF;
	(xrf0) =	vmax.scan.msk.f32 $0xffff, v20;
	v3 =	vmovc v42  }
0x4a0: {  	vm2 =	veq.s32 v27, v0;
	v42 =	vmctz.xlane vm1;
	vm1 =	veq.s32 v53, v0;
	v10, _, _ =	vpop (xrf0);
	[tilespmem:s6+$0xFFFFFE00] =	vst v44  }
0x4a1: {  	v7 =	vnsel vm0, $0x0, v7;
	v27 =	vnsel vm1, $0x0, v32;
	v44 =	vnsel vm2, $0x0, v39;
	(xrf0) =	vmax.scan.msk.f32 $0xffff, v9;
	v32, _, _ =	vpop (xrf0)  }
.Ltmp19:
0x4a2: {  	vm2 =	veq.f32 v40, v45;
	vm1 =	veq.f32 v50, v38;
	vm0 =	veq.s32 v42, v0;
	[tilespmem:s6+$0x0] =	vst v7;
	(pc) =	sbr.rel @p0 .LBB2_37-.Ltmp19, $4  }
0x4a3: {  	v39 =	vmctz.xlane vm2;
	vm2 =	veq.s32 v48, v0;
	v46 =	vbroadcast v32, $0xF;
	v38, _, _ =	vpop (xrf0);
	(xrf0) =	vmax.scan.msk.f32 $0xffff, v26  }
0x4a4: {  	v37 =	vnsel vm0, $0x0, v37;
	v32 =	vbroadcast v10, $0xF;
	v40 =	vnsel vm2, $0x0, v28;
	v10, _, _ =	vpop (xrf0);
	[tilespmem:s6+$0xFFFFFE40] =	vst v44  }
0x4a5: {  	v28 =	vbroadcast v41, $0xF;
	vm0 =	veq.f32 v52, v46;
	v42 =	vbroadcast v10, $0xF;
	v44, _, _ =	vpop (xrf0);
	[tilespmem:s6+$0xFFFFFE60] =	vst v40  }
0x4a6: {  	s16 =	sadd.s32 $0x400, s16;
	v45 =	vbroadcast v47, $0xF;
	vm2 =	veq.f32 v31, v51;
	v7 =	vmovc v34;
	v40 =	vmctz.xlane vm0;
	v10 =	vmovc v29;
	[tilespmem:s13+$0x10] =	vst v37  }
0x4a7: {  	vm0 =	veq.f32 v36, v42;
	vm3 =	veq.f32 v22, v32  }
0x4a8: {  	vm4 =	veq.s32 v25, v0;
	[tilespmem:s6+$0x40] =	vst v33;
	v25 =	vmctz.xlane vm2;
	v31 =	vmctz.xlane vm1  }
0x4a9: {  	[tilespmem:s6+$0xFFFFFE70] =	vst v43;
	vm2 =	veq.f32 v23, v28;
	v22 =	vmctz.xlane vm3;
	v2 =	vnsel vm4, $0x0, v2  }
0x4aa: {  	[tilespmem:s6+$0xFFFFFE10] =	vst v30;
	vm1 =	veq.s32 v40, v0;
	vm3 =	veq.s32 v39, v0;
	vm9 =	veq.f32 v19, v45  }
0x4ab: {  	v29, _, _ =	vpop (xrf0);
	[tilespmem:s6+$0x20] =	vst v2;
	v2 =	vbroadcast v35, $0xF;
	vm5 =	veq.s32 v25, v0;
	vm8 =	veq.s32 v22, v0  }
0x4ac: {  	(xrf0) =	vmax.scan.msk.f32 $0xffff, v15;
	v58, _, _ =	vpop (xrf0);
	v18 =	vnsel vm1, $0x0, v18;
	vm1 =	veq.s32 v31, v0;
	v8 =	vnsel vm8, $0x0, v8  }
0x4ad: {  	v1 =	vnsel vm3, $0x0, v1;
	v22 =	vbroadcast v58, $0xF;
	[tilespmem:s10+$0x50] =	vst v8;
	v8 =	vbroadcast v38, $0xF  }
0x4ae: {  	v6 =	vnsel vm5, $0x0, v6;
	[tilespmem:s6+$0xFFFFFE30] =	vst v1;
	vm3 =	veq.f32 v11, v2;
	v2 =	vbroadcast v29, $0xF  }
0x4af: {  	v1 =	vbroadcast v44, $0xF;
	[tilespmem:s10+$0x70] =	vst v6;
	v6 =	vmctz.xlane vm9;
	vm10 =	veq.f32 v24, v8  }
0x4b0: {  	[tilespmem:s10+$0x60] =	vst v27;
	vm11 =	veq.f32 v26, v22;
	vm6 =	veq.f32 v9, v2;
	v2 =	vmctz.xlane vm10  }
0x4b1: {  	[tilespmem:s10+$0xFFFFFE20] =	vst v13;
	vm12 =	veq.f32 v20, v1;
	vm13 =	veq.s32 v6, v0;
	v1 =	vmctz.xlane vm6  }
0x4b2: {  	[tilespmem:s10+$0x30] =	vst v18;
	v6 =	vnsel vm13, $0x0, v12;
	vm14 =	veq.s32 v2, v0;
	v2 =	vmctz.xlane vm12  }
0x4b3: {  	v8 =	vmctz.xlane vm0;
	[tilespmem:s10+$0xFFFFFE50] =	vst v6;
	vm0 =	veq.s32 v1, v0;
	v6 =	vnsel vm14, $0x0, v21  }
0x4b4: {  	v9, _, _ =	vpop (xrf0);
	v1 =	vmctz.xlane vm2;
	[tilespmem:s10+$0xFFFFFE00] =	vst v6;
	vm2 =	veq.s32 v2, v0;
	v2 =	vnsel vm0, $0x0, v7  }
0x4b5: {  	v6 =	vbroadcast v9, $0xF;
	vm0 =	veq.s32 v8, v0;
	v7 =	vnsel vm2, $0x0, v17;
	[tilespmem:s10+$0x0] =	vst v2  }
0x4b6: {  	v2 =	vmctz.xlane vm11;
	vm2 =	veq.s32 v1, v0;
	v1 =	vnsel vm0, $0x0, v14;
	[tilespmem:s10+$0xFFFFFE40] =	vst v7  }
0x4b7: {  	v7 =	vmctz.xlane vm3;
	v4 =	vnsel vm2, $0x0, v4;
	vm0 =	veq.f32 v15, v6;
	[tilespmem:s10+$0xFFFFFE60] =	vst v1  }
0x4b8: {  	v1 =	vnsel vm1, $0x0, v10;
	v6 =	vmctz.xlane vm0;
	vm0 =	veq.s32 v2, v0;
	[tilespmem:s10+$0x40] =	vst v4  }
0x4b9: {  	[tilespmem:s10+$0xFFFFFE70] =	vst v1;
	vm1 =	veq.s32 v7, v0;
	v1 =	vnsel vm0, $0x0, v16  }
0x4ba: {  	v2 =	vnsel vm1, $0x0, v3;
	vm0 =	veq.s32 v6, v0;
	[tilespmem:s10+$0x20] =	vst v1  }
0x4bb: {  	[tilespmem:s10+$0xFFFFFE10] =	vst v2;
	v1 =	vnsel vm0, $0x0, v5  }
0x4bc: {  	[tilespmem:s10+$0xFFFFFE30] =	vst v1  }
0x4bd: {  	v9 =	vld [tilespmem:s9+$0xFFFFFE20];
	_ =	sdelay $0x1  }
0x4be: {  	v13 =	vld [tilespmem:s9+$0x50]  }
0x4bf: {  	v12 =	vld [tilespmem:s9+$0x70]  }
0x4c0: {  	v7 =	vld [tilespmem:s9+$0x30]  }
0x4c1: {  	v2 =	vld [tilespmem:s9+$0x20];
	v3 =	vand.u32 $0x7FFFFFFF, v9  }
0x4c2: {  	(xrf0) =	vmax.scan.msk.f32 $0xffff, v3  }
0x4c3: {  	v28 =	vld [tilespmem:s9+$0x60];
	v14 =	vand.u32 $0x7FFFFFFF, v13  }
0x4c4: {  	v27 =	vld [tilespmem:s9+$0x40];
	v20 =	vand.u32 $0x7FFFFFFF, v12;
	(xrf0) =	vmax.scan.msk.f32 $0xffff, v14  }
0x4c5: {  	v5 =	vld [tilespmem:s9+$0xFFFFFE00];
	v21 =	vand.u32 $0x7FFFFFFF, v7;
	(xrf0) =	vmax.scan.msk.f32 $0xffff, v20  }
0x4c6: {  	v1 =	vld [tilespmem:s9+$0x0];
	v22 =	vand.u32 $0x7FFFFFFF, v2;
	(xrf0) =	vmax.scan.msk.f32 $0xffff, v21  }
0x4c7: {  	v8 =	vld [tilespmem:s9+$0xFFFFFE60];
	(xrf0) =	vmax.scan.msk.f32 $0xffff, v22  }
0x4c8: {  	v17 =	vld [tilespmem:s9+$0xFFFFFE70];
	v4, _, _ =	vpop (xrf0)  }
0x4c9: {  	v24 =	vld [tilespmem:s9+$0xFFFFFE40];
	v29 =	vand.u32 $0x7FFFFFFF, v28;
	v4 =	vbroadcast v4, $0xF  }
0x4ca: {  	v15 =	vld [tilespmem:s9+$0xFFFFFE30];
	(xrf0) =	vmax.scan.msk.f32 $0xffff, v29;
	v6, _, _ =	vpop (xrf0)  }
0x4cb: {  	v26 =	vld [tilespmem:s9+$0xFFFFFE10];
	v30 =	vand.u32 $0x7FFFFFFF, v1;
	v59, _, _ =	vpop (xrf0);
	vm0 =	veq.f32 v3, v4;
	v3 =	vbroadcast v6, $0xF  }
0x4cc: {  	v31 =	vand.u32 $0x7FFFFFFF, v8;
	(xrf0) =	vmax.scan.msk.f32 $0xffff, v30;
	v19, _, _ =	vpop (xrf0)  }
0x4cd: {  	v16 =	vand.u32 $0x7FFFFFFF, v5;
	(xrf0) =	vmax.scan.msk.f32 $0xffff, v31;
	v4 =	vld [tilespmem:s9+$0x10];
	v18 =	vmctz.xlane vm0;
	vm0 =	veq.f32 v14, v3;
	v14, _, _ =	vpop (xrf0)  }
0x4ce: {  	v25 =	vld [tilespmem:s9+$0xFFFFFE50];
	v10 =	vand.u32 $0x7FFFFFFF, v27;
	(xrf0) =	vmax.scan.msk.f32 $0xffff, v16;
	v14 =	vbroadcast v14, $0xF  }
0x4cf: {  	v11 =	vand.u32 $0x7FFFFFFF, v24;
	v3 =	vand.u32 $0x7FFFFFFF, v15;
	(xrf0) =	vmax.scan.msk.f32 $0xffff, v10  }
0x4d0: {  	v6 =	vand.u32 $0x7FFFFFFF, v17;
	v34 =	vbroadcast v19, $0xF;
	v19 =	vand.u32 $0x7FFFFFFF, v26;
	v23, _, _ =	vpop (xrf0);
	(xrf0) =	vmax.scan.msk.f32 $0xffff, v3  }
0x4d1: {  	vm1 =	veq.s32 v18, v0;
	v60 =	vmctz.xlane vm0;
	v61 =	vbroadcast v23, $0xF;
	(xrf0) =	vmax.scan.msk.f32 $0xffff, v6  }
0x4d2: {  	v18 =	vnsel vm1, $0x0, v9;
	vm0 =	veq.f32 v22, v14;
	v23 =	vand.u32 $0x7FFFFFFF, v4;
	v14, _, _ =	vpop (xrf0);
	(xrf0) =	vmax.scan.msk.f32 $0xffff, v11  }
0x4d3: {  	v9 =	vand.u32 $0x7FFFFFFF, v25;
	v22 =	vbroadcast v59, $0xF;
	vm2 =	veq.f32 v29, v61;
	v29, _, _ =	vpop (xrf0);
	(xrf0) =	vmax.scan.msk.f32 $0xffff, v23  }
0x4d4: {  	p2 =	por $0x1, $0x1;
	v62 =	vmctz.xlane vm0;
	vm0 =	veq.f32 v21, v34;
	v14 =	vbroadcast v14, $0xF;
	v21, _, _ =	vpop (xrf0)  }
.Ltmp20:
0x4d5: {  	vm1 =	veq.s32 v60, v0;
	v34 =	vmctz.xlane vm0;
	vm0 =	veq.f32 v20, v22;
	v20, _, _ =	vpop (xrf0);
	(pc) =	sbr.rel @!p2 .LBB2_39-.Ltmp20, $4  }
0x4d6: {  	v63 =	vbroadcast v29, $0xF;
	vm3 =	veq.f32 v30, v14;
	v14 =	vmctz.xlane vm0;
	v29, _, _ =	vpop (xrf0)  }
0x4d7: {  	v38 =	vmctz.xlane vm2;
	v30 =	vnsel vm1, $0x0, v13;
	v37 =	vbroadcast v21, $0xF;
	v33, _, _ =	vpop (xrf0)  }
0x4d8: {  	(xrf0) =	vmax.scan.msk.f32 $0xffff, v9;
	vm0 =	veq.s32 v62, v0;
	v32 =	vbroadcast v20, $0xF;
	vm15 =	veq.s32 v14, v0;
	v35, _, _ =	vpop (xrf0)  }
0x4d9: {  	s8 =	simm.s32 $0x8700;
	p0 =	por $0x0, $0x0;
	s6 =	simm.s32 $0x8380;
	vm1 =	veq.f32 v31, v63;
	(xrf0) =	vmax.scan.msk.f32 $0xffff, v19;
	v36 =	vmctz.xlane vm3;
	v39 =	vnsel vm15, $0x0, v12;
	v31, _, _ =	vpop (xrf0)  }
0x4da: {  	vm2 =	veq.f32 v16, v37  }
0x4db: {  	v40 =	vld [tilespmem:s8+$0xFFFFFE20];
	v14 =	vbroadcast v31, $0xF;
	vm3 =	veq.s32 v34, v0;
	v16 =	vbroadcast v35, $0xF  }
0x4dc: {  	v31 =	vld [tilespmem:s8+$0x70];
	v20 =	vmctz.xlane vm1;
	v33 =	vbroadcast v33, $0xF;
	vm4 =	veq.f32 v10, v32  }
0x4dd: {  	v46 =	vld [tilespmem:s8+$0x50];
	[tilespmem:s1+$0xFFFFFE20] =	vst v18;
	v29 =	vbroadcast v29, $0xF;
	v18 =	vnsel vm0, $0x0, v2;
	v13 =	vmctz.xlane vm2  }
0x4de: {  	[tilespmem:s1+$0x70] =	vst v39;
	v12 =	vld [tilespmem:s8+$0x60];
	v7 =	vnsel vm3, $0x0, v7;
	vm2 =	veq.s32 v38, v0;
	vm1 =	veq.s32 v36, v0  }
0x4df: {  	[tilespmem:s1+$0x50] =	vst v30;
	v2 =	vld [tilespmem:s8+$0x20];
	vm0 =	veq.s32 v20, v0;
	vm5 =	veq.f32 v11, v16;
	v1 =	vnsel vm1, $0x0, v1  }
0x4e0: {  	[tilespmem:s1+$0x20] =	vst v18;
	v16 =	vmctz.xlane vm4;
	vm3 =	veq.s32 v13, v0;
	v20 =	vnsel vm0, $0x0, v8  }
0x4e1: {  	[tilespmem:s1+$0x30] =	vst v7;
	v7 =	vld [tilespmem:s8+$0x30];
	vm0 =	veq.f32 v23, v14;
	v11 =	vmctz.xlane vm5;
	v21, _, _ =	vpop (xrf0);
	v30 =	vand.u32 $0x7FFFFFFF, v40  }
0x4e2: {  	v5 =	vnsel vm3, $0x0, v5;
	v47 =	vbroadcast v21, $0xF;
	v18 =	vand.u32 $0x7FFFFFFF, v46;
	(xrf0) =	vmax.scan.msk.f32 $0xffff, v30  }
0x4e3: {  	v13 =	vld [tilespmem:s8+$0x40];
	[tilespmem:s1+$0x0] =	vst v1;
	v23 =	vand.u32 $0x7FFFFFFF, v12;
	v48 =	vand.u32 $0x7FFFFFFF, v31;
	v21 =	vnsel vm2, $0x0, v28  }
0x4e4: {  	v8 =	vld [tilespmem:s8+$0xFFFFFE60];
	v10, _, _ =	vpop (xrf0);
	[tilespmem:s1+$0xFFFFFE00] =	vst v5;
	v28 =	vand.u32 $0x7FFFFFFF, v2;
	vm2 =	veq.f32 v6, v33;
	v6 =	vmctz.xlane vm0  }
0x4e5: {  	v22 =	vld [tilespmem:s8+$0xFFFFFE70];
	vm1 =	veq.s32 v11, v0;
	v5 =	vbroadcast v10, $0xF;
	v11 =	vmctz.xlane vm2;
	(xrf0) =	vmax.scan.msk.f32 $0xffff, v18  }
0x4e6: {  	vm2 =	veq.s32 v16, v0;
	v24 =	vnsel vm1, $0x0, v24;
	v49 =	vand.u32 $0x7FFFFFFF, v7;
	(xrf0) =	vmax.scan.msk.f32 $0xffff, v48  }
0x4e7: {  	v1 =	vld [tilespmem:s8+$0x0];
	v51 =	vnsel vm2, $0x0, v27;
	vm13 =	veq.f32 v9, v47;
	vm3 =	veq.f32 v19, v5;
	(xrf0) =	vmax.scan.msk.f32 $0xffff, v49  }
0x4e8: {  	v5 =	vld [tilespmem:s8+$0xFFFFFE00];
	v10 =	vand.u32 $0x7FFFFFFF, v13;
	vm0 =	veq.s32 v11, v0;
	v57 =	vmctz.xlane vm13;
	(xrf0) =	vmax.scan.msk.f32 $0xffff, v28;
	v50, _, _ =	vpop (xrf0)  }
0x4e9: {  	v14 =	vld [tilespmem:s8+$0xFFFFFE40];
	[tilespmem:s1+$0xFFFFFE60] =	vst v20;
	v54 =	vand.u32 $0x7FFFFFFF, v8;
	v19 =	vmctz.xlane vm3;
	v33 =	vbroadcast v50, $0xF  }
0x4ea: {  	vm3 =	veq.s32 v6, v0;
	v6 =	vand.u32 $0x7FFFFFFF, v22;
	v17 =	vnsel vm0, $0x0, v17;
	(xrf0) =	vmax.scan.msk.f32 $0xffff, v23  }
0x4eb: {  	[tilespmem:s1+$0x60] =	vst v21;
	v27 =	vld [tilespmem:s8+$0xFFFFFE30];
	v4 =	vnsel vm3, $0x0, v4;
	vm12 =	veq.s32 v19, v0;
	v11, _, _ =	vpop (xrf0);
	vm2 =	veq.f32 v30, v33  }
0x4ec: {  	[tilespmem:s1+$0xFFFFFE40] =	vst v24;
	v52 =	vbroadcast v11, $0xF;
	v53, _, _ =	vpop (xrf0);
	v30 =	vand.u32 $0x7FFFFFFF, v1;
	v19 =	vmctz.xlane vm2  }
0x4ed: {  	[tilespmem:s1+$0x10] =	vst v4;
	v26 =	vnsel vm12, $0x0, v26;
	v16 =	vand.u32 $0x7FFFFFFF, v5;
	v41, _, _ =	vpop (xrf0);
	(xrf0) =	vmax.scan.msk.f32 $0xffff, v30  }
0x4ee: {  	v4 =	vld [tilespmem:s8+$0x10];
	v11 =	vand.u32 $0x7FFFFFFF, v14;
	vm3 =	veq.f32 v18, v52;
	v9, _, _ =	vpop (xrf0);
	(xrf0) =	vmax.scan.msk.f32 $0xffff, v54;
	vm2 =	veq.s32 v19, v0  }
0x4ef: {  	v21 =	vld [tilespmem:s8+$0xFFFFFE50];
	v55 =	vmctz.xlane vm3;
	v9 =	vbroadcast v9, $0xF;
	(xrf0) =	vmax.scan.msk.f32 $0xffff, v16;
	v18 =	vnsel vm2, $0x0, v40  }
0x4f0: {  	v20 =	vld [tilespmem:s8+$0xFFFFFE10];
	vm2 =	veq.f32 v3, v29;
	v29 =	vbroadcast v41, $0xF;
	v3 =	vand.u32 $0x7FFFFFFF, v27;
	(xrf0) =	vmax.scan.msk.f32 $0xffff, v10;
	v19, _, _ =	vpop (xrf0)  }
0x4f1: {  	vm3 =	veq.s32 v57, v0;
	vm1 =	veq.f32 v28, v9;
	(xrf0) =	vmax.scan.msk.f32 $0xffff, v3;
	v56 =	vbroadcast v19, $0xF  }
0x4f2: {  	v28 =	vmctz.xlane vm2;
	v59 =	vmctz.xlane vm1;
	(xrf0) =	vmax.scan.msk.f32 $0xffff, v6;
	vm1 =	veq.f32 v49, v29  }
0x4f3: {  	v29 =	vbroadcast v53, $0xF;
	v58, _, _ =	vpop (xrf0);
	(xrf0) =	vmax.scan.msk.f32 $0xffff, v11;
	vm2 =	veq.f32 v23, v56;
	v23 =	vand.u32 $0x7FFFFFFF, v4  }
0x4f4: {  	v25 =	vnsel vm3, $0x0, v25;
	v9 =	vand.u32 $0x7FFFFFFF, v21;
	v33 =	vbroadcast v58, $0xF;
	v60, _, _ =	vpop (xrf0);
	(xrf0) =	vmax.scan.msk.f32 $0xffff, v23  }
0x4f5: {  	p4 =	por $0x1, $0x1;
	v19 =	vand.u32 $0x7FFFFFFF, v20;
	v34 =	vmctz.xlane vm1;
	vm1 =	veq.s32 v55, v0;
	v62, _, _ =	vpop (xrf0);
	(xrf0) =	vmax.scan.msk.f32 $0xffff, v9  }
.Ltmp21:
0x4f6: {  	vm15 =	veq.s32 v28, v0;
	vm0 =	veq.s32 v59, v0;
	vm14 =	veq.f32 v48, v29;
	v63, _, _ =	vpop (xrf0);
	(xrf0) =	vmax.scan.msk.f32 $0xffff, v19;
	(pc) =	sbr.rel @!p4 .LBB2_41-.Ltmp21, $4  }
0x4f7: {  	[tilespmem:s1+$0x40] =	vst v51;
	v40 =	vnsel vm15, $0x0, v15;
	v61 =	vbroadcast v60, $0xF;
	v28 =	vmctz.xlane vm14;
	v29, _, _ =	vpop (xrf0)  }
0x4f8: {  	[tilespmem:s1+$0xFFFFFE70] =	vst v17;
	v38 =	vmctz.xlane vm2;
	vm3 =	veq.f32 v30, v33;
	v30 =	vnsel vm1, $0x0, v46;
	v33, _, _ =	vpop (xrf0)  }
0x4f9: {  	s10 =	simm.s32 $0x100;
	s9 =	simm.s32 $0x14700;
	[tilespmem:s1+$0xFFFFFE10] =	vst v26;
	v37 =	vbroadcast v62, $0xF;
	v32 =	vbroadcast v63, $0xF;
	vm2 =	veq.s32 v28, v0;
	v35, _, _ =	vpop (xrf0)  }
0x4fa: {  	p3 =	por $0x1, $0x1;
	s13 =	simm.s32 $0x14700;
	s8 =	simm.s32 $0x8B00;
	[tilespmem:s1+$0xFFFFFE50] =	vst v25;
	vm1 =	veq.f32 v54, v61;
	v36 =	vmctz.xlane vm3;
	v39 =	vnsel vm2, $0x0, v31;
	v31, _, _ =	vpop (xrf0)  }
.LBB2_42:
0x4fb: {  	v26 =	vld [tilespmem:s8+$0xFFFFFE20];
	s10 =	sadd.s32 $0x100, s10;
	vm2 =	veq.f32 v16, v37;
	v16 =	vbroadcast v31, $0xF;
	vm3 =	veq.s32 v34, v0;
	s13 =	sadd.s32 $0x400, s13;
	v28, _, _ =	vpop (xrf0);
	[tilespmem:s1+$0xFFFFFE30] =	vst v40  }
0x4fc: {  	s1 =	smov.u32 s9;
	v15 =	vld [tilespmem:s8+$0x70];
	p4 =	slt.u32 s10, $0xF00;
	v31 =	vmctz.xlane vm2;
	v7 =	vnsel vm3, $0x0, v7;
	vm2 =	veq.s32 v38, v0;
	[tilespmem:s9+$0x70] =	vst v39;
	v34, _, _ =	vpop (xrf0);
	s9 =	smov.u32 s13  }
0x4fd: {  	v35 =	vbroadcast v35, $0xF;
	v24 =	vmovc v22;
	v17 =	vmovc v27;
	v38 =	vmctz.xlane vm1;
	vm1 =	veq.s32 v36, v0;
	v37 =	vld [tilespmem:s8+$0x60];
	[tilespmem:s1+$0x30] =	vst v7  }
0x4fe: {  	v27 =	vbroadcast v33, $0xF;
	vm4 =	veq.f32 v10, v32;
	v25 =	vld [tilespmem:s8+$0x50];
	vm3 =	veq.s32 v31, v0;
	[tilespmem:s1+$0x50] =	vst v30  }
0x4ff: {  	v29 =	vbroadcast v29, $0xF;
	v10 =	vnsel vm0, $0x0, v2;
	v30 =	vld [tilespmem:s8+$0x40];
	v5 =	vnsel vm3, $0x0, v5;
	[tilespmem:s1+$0xFFFFFE20] =	vst v18  }
0x500: {  	v22 =	vbroadcast v34, $0xF;
	vm0 =	veq.s32 v38, v0;
	v18 =	vand.u32 $0x7FFFFFFF, v26;
	v7 =	vld [tilespmem:s8+$0x30];
	[tilespmem:s1+$0xFFFFFE00] =	vst v5  }
0x501: {  	v28 =	vbroadcast v28, $0xF;
	v31 =	vnsel vm0, $0x0, v8;
	vm0 =	veq.f32 v23, v16;
	v2 =	vld [tilespmem:s8+$0x20];
	(xrf0) =	vmax.scan.msk.f32 $0xffff, v18  }
0x502: {  	vm5 =	veq.f32 v11, v35;
	vm3 =	veq.f32 v19, v22;
	v8 =	vnsel vm1, $0x0, v1;
	v5 =	vld [tilespmem:s8+$0xFFFFFE00];
	[tilespmem:s1+$0x20] =	vst v10  }
0x503: {  	v11 =	vmctz.xlane vm5;
	v16 =	vmctz.xlane vm4;
	v1 =	vld [tilespmem:s8+$0x0];
	v19 =	vand.u32 $0x7FFFFFFF, v25;
	[tilespmem:s1+$0x0] =	vst v8  }
0x504: {  	v33 =	vmctz.xlane vm3;
	v32 =	vand.u32 $0x7FFFFFFF, v15;
	v23 =	vand.u32 $0x7FFFFFFF, v37;
	v22 =	vld [tilespmem:s8+$0xFFFFFE70];
	(xrf0) =	vmax.scan.msk.f32 $0xffff, v19  }
0x505: {  	v36 =	vnsel vm2, $0x0, v12;
	v12 =	vmovc v37;
	v10 =	vand.u32 $0x7FFFFFFF, v30;
	v34 =	vld [tilespmem:s8+$0xFFFFFE40];
	v35 =	vand.u32 $0x7FFFFFFF, v7;
	(xrf0) =	vmax.scan.msk.f32 $0xffff, v32  }
0x506: {  	vm2 =	veq.f32 v6, v27;
	v6 =	vmctz.xlane vm0;
	v37 =	vld [tilespmem:s8+$0xFFFFFE50];
	v38 =	vand.u32 $0x7FFFFFFF, v2;
	(xrf0) =	vmax.scan.msk.f32 $0xffff, v35  }
0x507: {  	v39 =	vmctz.xlane vm2;
	vm1 =	veq.s32 v11, v0;
	vm2 =	veq.s32 v16, v0;
	v8 =	vld [tilespmem:s8+$0xFFFFFE60];
	v27, _, _ =	vpop (xrf0);
	(xrf0) =	vmax.scan.msk.f32 $0xffff, v38  }
0x508: {  	vm3 =	veq.s32 v6, v0;
	v16 =	vand.u32 $0x7FFFFFFF, v5;
	v27 =	vbroadcast v27, $0xF;
	[tilespmem:s1+$0x60] =	vst v36  }
0x509: {  	vm0 =	veq.s32 v39, v0;
	v36 =	vnsel vm2, $0x0, v13;
	v13 =	vmovc v30;
	v6 =	vand.u32 $0x7FFFFFFF, v22;
	(xrf0) =	vmax.scan.msk.f32 $0xffff, v23  }
0x50a: {  	vm4 =	veq.s32 v33, v0;
	v30 =	vand.u32 $0x7FFFFFFF, v1;
	vm2 =	veq.f32 v18, v27;
	v11, _, _ =	vpop (xrf0);
	[tilespmem:s1+$0xFFFFFE60] =	vst v31  }
0x50b: {  	v4 =	vnsel vm3, $0x0, v4;
	v18 =	vmctz.xlane vm2;
	v27 =	vld [tilespmem:s8+$0xFFFFFE30];
	v31 =	vbroadcast v11, $0xF;
	(xrf0) =	vmax.scan.msk.f32 $0xffff, v30;
	v33, _, _ =	vpop (xrf0)  }
0x50c: {  	v41 =	vnsel vm4, $0x0, v20;
	v11 =	vand.u32 $0x7FFFFFFF, v34;
	v39 =	vand.u32 $0x7FFFFFFF, v8;
	v40, _, _ =	vpop (xrf0);
	v20 =	vld [tilespmem:s8+$0xFFFFFE10];
	[tilespmem:s1+$0x10] =	vst v4  }
0x50d: {  	vm4 =	veq.f32 v9, v28;
	vm2 =	veq.s32 v18, v0;
	vm3 =	veq.f32 v19, v31;
	v19, _, _ =	vpop (xrf0);
	[tilespmem:s1+$0x40] =	vst v36  }
0x50e: {  	v18 =	vnsel vm2, $0x0, v26;
	v4 =	vld [tilespmem:s8+$0x10];
	v26 =	vmctz.xlane vm3;
	(xrf0) =	vmax.scan.msk.f32 $0xffff, v39;
	vm2 =	veq.f32 v3, v29  }
0x50f: {  	v42 =	vnsel vm1, $0x0, v14;
	v28 =	vbroadcast v40, $0xF;
	v9 =	vbroadcast v19, $0xF;
	(xrf0) =	vmax.scan.msk.f32 $0xffff, v16;
	v19, _, _ =	vpop (xrf0)  }
0x510: {  	v14 =	vmovc v34;
	v31 =	vmctz.xlane vm4;
	v3 =	vand.u32 $0x7FFFFFFF, v27;
	v29 =	vbroadcast v19, $0xF;
	(xrf0) =	vmax.scan.msk.f32 $0xffff, v10  }
0x511: {  	v36 =	vmctz.xlane vm2;
	vm1 =	veq.f32 v38, v9;
	v19 =	vand.u32 $0x7FFFFFFF, v20;
	(xrf0) =	vmax.scan.msk.f32 $0xffff, v3;
	v34, _, _ =	vpop (xrf0)  }
0x512: {  	vm3 =	veq.s32 v31, v0;
	v9 =	vand.u32 $0x7FFFFFFF, v37;
	vm2 =	veq.f32 v23, v29;
	(xrf0) =	vmax.scan.msk.f32 $0xffff, v6  }
0x513: {  	v38 =	vnsel vm3, $0x0, v21;
	v21 =	vmovc v37;
	v31 =	vmctz.xlane vm1;
	v23 =	vand.u32 $0x7FFFFFFF, v4;
	(xrf0) =	vmax.scan.msk.f32 $0xffff, v11  }
0x514: {  	v37 =	vbroadcast v33, $0xF;
	vm1 =	veq.f32 v35, v28;
	v40 =	vbroadcast v34, $0xF;
	v33, _, _ =	vpop (xrf0);
	(xrf0) =	vmax.scan.msk.f32 $0xffff, v23  }
0x515: {  	v34 =	vmctz.xlane vm1;
	vm1 =	veq.s32 v26, v0;
	v35 =	vbroadcast v33, $0xF;
	v26, _, _ =	vpop (xrf0);
	(xrf0) =	vmax.scan.msk.f32 $0xffff, v9  }
.Ltmp22:
0x516: {  	vm5 =	veq.s32 v36, v0;
	vm4 =	veq.f32 v32, v37;
	vm3 =	veq.f32 v30, v40;
	(xrf0) =	vmax.scan.msk.f32 $0xffff, v19;
	v28, _, _ =	vpop (xrf0);
	(pc) =	sbr.rel @p4 .LBB2_42-.Ltmp22, $4  }
0x517: {  	v24 =	vnsel vm0, $0x0, v24;
	v30 =	vnsel vm1, $0x0, v25;
	v25 =	vmctz.xlane vm4;
	v29, _, _ =	vpop (xrf0);
	[tilespmem:s1+$0xFFFFFE50] =	vst v38  }
0x518: {  	vm0 =	veq.s32 v31, v0;
	v37 =	vbroadcast v26, $0xF;
	v32 =	vbroadcast v28, $0xF;
	v33, _, _ =	vpop (xrf0);
	[tilespmem:s1+$0xFFFFFE70] =	vst v24  }
0x519: {  	vm1 =	veq.f32 v39, v35;
	v38 =	vmctz.xlane vm2;
	vm2 =	veq.s32 v25, v0;
	v35, _, _ =	vpop (xrf0);
	[tilespmem:s1+$0xFFFFFE10] =	vst v41  }
0x51a: {  	s8 =	sadd.s32 $0x400, s8;
	v40 =	vnsel vm5, $0x0, v17;
	v36 =	vmctz.xlane vm3;
	v39 =	vnsel vm2, $0x0, v15;
	v31, _, _ =	vpop (xrf0);
	[tilespmem:s1+$0xFFFFFE40] =	vst v42  }
0x51b: {  	v17 =	vmov v22;
	v15 =	vmov v27  }
0x51c: {  	s8 =	smov.u32 s1;
	s1 =	smov.u32 s9;
	v28 =	vmovc v12;
	v27 =	vmovc v13;
	v26 =	vmov v20;
	v24 =	vmov v14;
	v25 =	vmov v21  }
.LBB2_44:
0x51d: {  	vm2 =	veq.f32 v16, v37  }
0x51e: {  	v12 =	vbroadcast v31, $0xF;
	vm3 =	veq.s32 v34, v0;
	v14 =	vbroadcast v35, $0xF  }
0x51f: {  	[tilespmem:s8+$0xFFFFFE30] =	vst @p3 v40;
	v20 =	vmctz.xlane vm1;
	vm1 =	veq.s32 v36, v0;
	vm4 =	veq.f32 v10, v32  }
0x520: {  	v16, _, _ =	vpop (xrf0);
	[tilespmem:s1+$0x70] =	vst v39;
	v10 =	vbroadcast v29, $0xF;
	v2 =	vnsel vm0, $0x0, v2;
	v13 =	vmctz.xlane vm2  }
0x521: {  	[tilespmem:s1+$0x50] =	vst v30;
	v7 =	vnsel vm3, $0x0, v7;
	vm2 =	veq.s32 v38, v0;
	v16 =	vbroadcast v16, $0xF  }
0x522: {  	v1 =	vnsel vm1, $0x0, v1;
	[tilespmem:s1+$0x30] =	vst v7;
	v7 =	vbroadcast v33, $0xF;
	vm0 =	veq.f32 v23, v12  }
0x523: {  	vm5 =	veq.f32 v11, v14;
	[tilespmem:s1+$0x0] =	vst v1;
	v1 =	vmctz.xlane vm4;
	vm3 =	veq.s32 v13, v0  }
0x524: {  	[tilespmem:s1+$0x20] =	vst v2;
	v11 =	vnsel vm2, $0x0, v28;
	v2 =	vmctz.xlane vm5;
	v5 =	vnsel vm3, $0x0, v5  }
0x525: {  	vm3 =	veq.s32 v20, v0;
	vm1 =	veq.f32 v6, v7;
	v13, _, _ =	vpop (xrf0);
	[tilespmem:s1+$0xFFFFFE00] =	vst v5;
	v5 =	vmctz.xlane vm0  }
0x526: {  	[tilespmem:s1+$0xFFFFFE20] =	vst v18;
	v8 =	vnsel vm3, $0x0, v8;
	vm0 =	veq.f32 v9, v16;
	v13 =	vbroadcast v13, $0xF  }
0x527: {  	[tilespmem:s1+$0x60] =	vst v11;
	v6 =	vmctz.xlane vm1;
	vm2 =	veq.s32 v5, v0;
	v5 =	vmctz.xlane vm0  }
0x528: {  	[tilespmem:s1+$0xFFFFFE60] =	vst v8;
	vm0 =	veq.s32 v1, v0;
	vm3 =	veq.f32 v19, v13;
	v1 =	vnsel vm2, $0x0, v4  }
0x529: {  	v7 =	vnsel vm0, $0x0, v27;
	v4 =	vmctz.xlane vm3;
	[tilespmem:s1+$0x10] =	vst v1;
	vm0 =	veq.s32 v5, v0  }
0x52a: {  	vm1 =	veq.s32 v6, v0;
	vm2 =	veq.f32 v3, v10;
	[tilespmem:s1+$0x40] =	vst v7;
	v1 =	vnsel vm0, $0x0, v25  }
0x52b: {  	v3 =	vmctz.xlane vm2;
	vm0 =	veq.s32 v4, v0;
	[tilespmem:s1+$0xFFFFFE50] =	vst v1;
	v1 =	vnsel vm1, $0x0, v17  }
0x52c: {  	vm1 =	veq.s32 v2, v0;
	v2 =	vnsel vm0, $0x0, v26;
	[tilespmem:s1+$0xFFFFFE70] =	vst v1  }
0x52d: {  	v1 =	vnsel vm1, $0x0, v24;
	vm0 =	veq.s32 v3, v0;
	[tilespmem:s1+$0xFFFFFE10] =	vst v2  }
0x52e: {  	v2 =	vnsel vm0, $0x0, v15;
	[tilespmem:s1+$0xFFFFFE40] =	vst v1  }
0x52f: {  	[tilespmem:s1+$0xFFFFFE30] =	vst v2  }
0x530: {  	v3 =	vld [tilespmem:s6+$0xFFFFFE20]  }
0x531: {  	v11 =	vld [tilespmem:s6+$0x50]  }
0x532: {  	v25 =	vld [tilespmem:s6+$0x70]  }
0x533: {  	v4 =	vld [tilespmem:s6+$0x40]  }
0x534: {  	v5 =	vld [tilespmem:s6+$0x30]  }
0x535: {  	v17 =	vld [tilespmem:s6+$0xFFFFFE00];
	v6 =	vand.u32 $0x7FFFFFFF, v3  }
0x536: {  	v21 =	vld [tilespmem:s6+$0x20];
	v12 =	vand.u32 $0x7FFFFFFF, v11;
	(xrf0) =	vmax.scan.msk.f32 $0xffff, v6  }
0x537: {  	v31 =	vld [tilespmem:s6+$0xFFFFFE10];
	v13 =	vand.u32 $0x7FFFFFFF, v25;
	(xrf0) =	vmax.scan.msk.f32 $0xffff, v12  }
0x538: {  	v9 =	vld [tilespmem:s6+$0x0];
	v15 =	vand.u32 $0x7FFFFFFF, v4;
	(xrf0) =	vmax.scan.msk.f32 $0xffff, v13  }
0x539: {  	v24 =	vld [tilespmem:s6+$0x10];
	v16 =	vand.u32 $0x7FFFFFFF, v5;
	(xrf0) =	vmax.scan.msk.f32 $0xffff, v15  }
0x53a: {  	v22 =	vld [tilespmem:s6+$0xFFFFFE60];
	(xrf0) =	vmax.scan.msk.f32 $0xffff, v16  }
0x53b: {  	v2 =	vld [tilespmem:s6+$0xFFFFFE30]  }
0x53c: {  	v32 =	vld [tilespmem:s6+$0xFFFFFE50];
	v18 =	vand.u32 $0x7FFFFFFF, v17;
	v7, _, _ =	vpop (xrf0)  }
0x53d: {  	v19 =	vand.u32 $0x7FFFFFFF, v31;
	(xrf0) =	vmax.scan.msk.f32 $0xffff, v18;
	v7 =	vbroadcast v7, $0xF;
	v14, _, _ =	vpop (xrf0)  }
0x53e: {  	v30 =	vld [tilespmem:s6+$0xFFFFFE70];
	v20 =	vand.u32 $0x7FFFFFFF, v9;
	(xrf0) =	vmax.scan.msk.f32 $0xffff, v19;
	v23, _, _ =	vpop (xrf0)  }
0x53f: {  	v8 =	vand.u32 $0x7FFFFFFF, v24;
	v10 =	vand.u32 $0x7FFFFFFF, v21;
	(xrf0) =	vmax.scan.msk.f32 $0xffff, v20;
	vm0 =	veq.f32 v6, v7;
	v27, _, _ =	vpop (xrf0)  }
0x540: {  	v26 =	vand.u32 $0x7FFFFFFF, v2;
	(xrf0) =	vmax.scan.msk.f32 $0xffff, v8;
	v29 =	vbroadcast v14, $0xF;
	v7 =	vmctz.xlane vm0;
	v61, _, _ =	vpop (xrf0)  }
0x541: {  	v14 =	vand.u32 $0x7FFFFFFF, v32;
	(xrf0) =	vmax.scan.msk.f32 $0xffff, v10;
	v6 =	vand.u32 $0x7FFFFFFF, v22;
	v33 =	vbroadcast v61, $0xF  }
0x542: {  	v1 =	vld [tilespmem:s6+$0x60];
	(xrf0) =	vmax.scan.msk.f32 $0xffff, v26;
	vm1 =	veq.f32 v12, v29;
	v12 =	vbroadcast v27, $0xF;
	vm0 =	veq.s32 v7, v0  }
0x543: {  	v62, _, _ =	vpop (xrf0);
	(xrf0) =	vmax.scan.msk.f32 $0xffff, v14;
	v7 =	vand.u32 $0x7FFFFFFF, v30;
	v3 =	vnsel vm0, $0x0, v3;
	vm0 =	veq.f32 v16, v33  }
0x544: {  	v29 =	vbroadcast v23, $0xF;
	v27, _, _ =	vpop (xrf0);
	vm2 =	veq.f32 v15, v12;
	(xrf0) =	vmax.scan.msk.f32 $0xffff, v7;
	v12 =	vmctz.xlane vm0  }
0x545: {  	v16, _, _ =	vpop (xrf0);
	(xrf0) =	vmax.scan.msk.f32 $0xffff, v6  }
0x546: {  	v63 =	vbroadcast v62, $0xF;
	vm4 =	veq.f32 v13, v29;
	v27 =	vbroadcast v27, $0xF;
	v23, _, _ =	vpop (xrf0)  }
.Ltmp23:
0x547: {  	v28 =	vand.u32 $0x7FFFFFFF, v1;
	v40 =	vmctz.xlane vm2;
	v38 =	vmctz.xlane vm4;
	v15, _, _ =	vpop (xrf0);
	(pc) =	sbr.rel @!p2 .LBB2_45-.Ltmp23, $4  }
0x548: {  	v13 =	vbroadcast v16, $0xF;
	v16 =	vmctz.xlane vm1;
	vm1 =	veq.s32 v12, v0;
	v12, _, _ =	vpop (xrf0)  }
0x549: {  	s1 =	simm.s32 $0x14380;
	vm3 =	veq.f32 v18, v63;
	vm0 =	veq.f32 v19, v27;
	v34 =	vbroadcast v15, $0xF;
	v33, _, _ =	vpop (xrf0)  }
0x54a: {  	[tilespmem:s1+$0xFFFFFE20] =	vst v3;
	vm5 =	veq.s32 v16, v0;
	v37 =	vnsel vm1, $0x0, v5;
	vm1 =	veq.f32 v20, v13;
	v29, _, _ =	vpop (xrf0)  }
0x54b: {  	s8 =	sadd.s32 $0x400, s6;
	v5 =	vld [tilespmem:s6+$0xFFFFFE40];
	v3 =	vnsel vm5, $0x0, v11;
	v41 =	vmctz.xlane vm1;
	v39 =	vbroadcast v12, $0xF;
	(xrf0) =	vmax.scan.msk.f32 $0xffff, v28;
	v35, _, _ =	vpop (xrf0)  }
0x54c: {  	_ = 	snop  }
0x54d: {  	v15 =	vld [tilespmem:s8+$0xFFFFFE20];
	vm2 =	veq.s32 v40, v0;
	v18 =	vmctz.xlane vm0;
	vm0 =	veq.f32 v10, v34  }
0x54e: {  	v11 =	vld [tilespmem:s8+$0x70];
	v10 =	vmctz.xlane vm3;
	v20 =	vbroadcast v35, $0xF;
	vm1 =	veq.f32 v26, v39  }
0x54f: {  	v12 =	vld [tilespmem:s8+$0x60];
	vm4 =	veq.s32 v41, v0;
	v13 =	vnsel vm2, $0x0, v4;
	vm2 =	veq.s32 v38, v0  }
0x550: {  	v36 =	vld [tilespmem:s8+$0x50];
	v9 =	vnsel vm4, $0x0, v9;
	[tilespmem:s1+$0x40] =	vst v13;
	v13 =	vmctz.xlane vm0;
	v19 =	vnsel vm2, $0x0, v25  }
0x551: {  	v51 =	vld [tilespmem:s8+$0x30];
	vm0 =	veq.s32 v10, v0;
	v10 =	vbroadcast v33, $0xF;
	vm2 =	veq.s32 v18, v0;
	v4, _, _ =	vpop (xrf0)  }
0x552: {  	v45 =	vmctz.xlane vm1;
	[tilespmem:s1+$0x0] =	vst v9;
	v26 =	vand.u32 $0x7FFFFFFF, v15;
	v50 =	vbroadcast v4, $0xF;
	v4 =	vld [tilespmem:s8+$0x40]  }
0x553: {  	v9 =	vnsel vm0, $0x0, v17;
	v31 =	vnsel vm2, $0x0, v31;
	vm3 =	veq.s32 v13, v0;
	(xrf0) =	vmax.scan.msk.f32 $0xffff, v26  }
0x554: {  	v16 =	vld [tilespmem:s8+$0x20];
	[tilespmem:s1+$0x70] =	vst v19;
	vm4 =	veq.f32 v14, v10;
	v10 =	vbroadcast v23, $0xF;
	v54 =	vand.u32 $0x7FFFFFFF, v5  }
0x555: {  	v25 =	vld [tilespmem:s8+$0xFFFFFE70];
	[tilespmem:s1+$0xFFFFFE00] =	vst v9;
	vm1 =	veq.s32 v45, v0;
	v14 =	vand.u32 $0x7FFFFFFF, v36;
	v9 =	vnsel vm3, $0x0, v21  }
0x556: {  	v17 =	vld [tilespmem:s8+$0xFFFFFE00];
	v21 =	vand.u32 $0x7FFFFFFF, v12;
	v23 =	vand.u32 $0x7FFFFFFF, v11;
	vm3 =	veq.f32 v6, v20;
	(xrf0) =	vmax.scan.msk.f32 $0xffff, v14  }
0x557: {  	v52 =	vand.u32 $0x7FFFFFFF, v51;
	v20 =	vld [tilespmem:s8+$0xFFFFFE10];
	v6 =	vbroadcast v29, $0xF;
	(xrf0) =	vmax.scan.msk.f32 $0xffff, v23;
	v53 =	vand.u32 $0x7FFFFFFF, v4  }
0x558: {  	v13 =	vld [tilespmem:s8+$0xFFFFFE60];
	v18 =	vmctz.xlane vm4;
	[tilespmem:s1+$0x20] =	vst v9;
	vm0 =	veq.f32 v8, v10;
	(xrf0) =	vmax.scan.msk.f32 $0xffff, v53  }
0x559: {  	v9 =	vld [tilespmem:s8+$0x0];
	v29 =	vmctz.xlane vm3;
	v10 =	vand.u32 $0x7FFFFFFF, v16;
	vm3 =	veq.f32 v7, v6;
	v8, _, _ =	vpop (xrf0);
	(xrf0) =	vmax.scan.msk.f32 $0xffff, v54  }
0x55a: {  	v19 =	vld [tilespmem:s8+$0x10];
	vm4 =	veq.s32 v18, v0;
	v58 =	vmctz.xlane vm0;
	v8 =	vbroadcast v8, $0xF;
	(xrf0) =	vmax.scan.msk.f32 $0xffff, v52  }
0x55b: {  	v27 =	vld [tilespmem:s8+$0xFFFFFE30];
	v55 =	vand.u32 $0x7FFFFFFF, v17;
	v7 =	vmctz.xlane vm3;
	v32 =	vnsel vm4, $0x0, v32  }
0x55c: {  	vm6 =	veq.s32 v29, v0;
	v56 =	vand.u32 $0x7FFFFFFF, v20;
	vm3 =	veq.f32 v26, v8;
	(xrf0) =	vmax.scan.msk.f32 $0xffff, v55;
	v26, _, _ =	vpop (xrf0)  }
0x55d: {  	v18 =	vld [tilespmem:s8+$0xFFFFFE50];
	v6 =	vand.u32 $0x7FFFFFFF, v13;
	vm0 =	veq.s32 v58, v0;
	v8 =	vmctz.xlane vm3;
	(xrf0) =	vmax.scan.msk.f32 $0xffff, v56;
	v43, _, _ =	vpop (xrf0)  }
0x55e: {  	[tilespmem:s1+$0x30] =	vst v37;
	vm2 =	veq.s32 v7, v0;
	v7 =	vand.u32 $0x7FFFFFFF, v25;
	v57 =	vand.u32 $0x7FFFFFFF, v9;
	v44, _, _ =	vpop (xrf0)  }
0x55f: {  	v42 =	vbroadcast v26, $0xF;
	(xrf0) =	vmax.scan.msk.f32 $0xffff, v57;
	vm3 =	veq.s32 v8, v0;
	v8 =	vand.u32 $0x7FFFFFFF, v19;
	v46, _, _ =	vpop (xrf0)  }
0x560: {  	s6 =	simm.s32 $0x14780;
	v30 =	vnsel vm2, $0x0, v30;
	v26 =	vand.u32 $0x7FFFFFFF, v27;
	(xrf0) =	vmax.scan.msk.f32 $0xffff, v8;
	v15 =	vnsel vm3, $0x0, v15;
	v47, _, _ =	vpop (xrf0)  }
0x561: {  	vm2 =	veq.f32 v14, v42;
	(xrf0) =	vmax.scan.msk.f32 $0xffff, v10;
	[tilespmem:s6+$0xFFFFFE20] =	vst v15;
	v15 =	vbroadcast v47, $0xF  }
0x562: {  	v14 =	vand.u32 $0x7FFFFFFF, v18;
	vm3 =	veq.f32 v28, v50;
	v28 =	vbroadcast v43, $0xF;
	(xrf0) =	vmax.scan.msk.f32 $0xffff, v26;
	v59, _, _ =	vpop (xrf0)  }
0x563: {  	v24 =	vnsel vm0, $0x0, v24;
	v44 =	vbroadcast v44, $0xF;
	v61, _, _ =	vpop (xrf0);
	(xrf0) =	vmax.scan.msk.f32 $0xffff, v14;
	vm0 =	veq.f32 v52, v15  }
0x564: {  	v29 =	vmctz.xlane vm2;
	vm5 =	veq.f32 v23, v28;
	(xrf0) =	vmax.scan.msk.f32 $0xffff, v7;
	v28 =	vmctz.xlane vm0  }
0x565: {  	v22 =	vnsel vm6, $0x0, v22;
	v63 =	vbroadcast v46, $0xF;
	vm4 =	veq.f32 v53, v44;
	v15, _, _ =	vpop (xrf0);
	(xrf0) =	vmax.scan.msk.f32 $0xffff, v6  }
0x566: {  	p2 =	por $0x1, $0x1;
	[tilespmem:s1+$0xFFFFFE10] =	vst v31;
	vm7 =	veq.s32 v29, v0;
	v60 =	vbroadcast v59, $0xF;
	v34 =	vbroadcast v61, $0xF;
	v23, _, _ =	vpop (xrf0)  }
.Ltmp24:
0x567: {  	v40 =	vmctz.xlane vm4;
	v38 =	vmctz.xlane vm5;
	v31 =	vnsel vm7, $0x0, v36;
	(xrf0) =	vmax.scan.msk.f32 $0xffff, v21;
	v62, _, _ =	vpop (xrf0);
	(pc) =	sbr.rel @!p2 .LBB2_47-.Ltmp24, $4  }
0x568: {  	[tilespmem:s1+$0xFFFFFE50] =	vst v32;
	vm0 =	veq.f32 v56, v34;
	v15 =	vbroadcast v15, $0xF;
	vm2 =	veq.s32 v28, v0;
	v28, _, _ =	vpop (xrf0)  }
0x569: {  	[tilespmem:s1+$0xFFFFFE60] =	vst v22;
	v37 =	vnsel vm2, $0x0, v51;
	v39 =	vbroadcast v28, $0xF;
	v33, _, _ =	vpop (xrf0);
	v28 =	vmctz.xlane vm3  }
0x56a: {  	s9 =	simm.s32 $0x100;
	[tilespmem:s1+$0x10] =	vst v24;
	vm2 =	veq.f32 v54, v63;
	v34 =	vbroadcast v62, $0xF;
	vm6 =	veq.f32 v57, v15;
	v29, _, _ =	vpop (xrf0)  }
0x56b: {  	p0 =	por $0x1, $0x1;
	s10 =	simm.s32 $0x14780;
	[tilespmem:s1+$0xFFFFFE70] =	vst v30;
	v15 =	vld [tilespmem:s8+$0xFFFFFE40];
	s8 =	sadd.s32 $0x400, s8;
	vm3 =	veq.f32 v55, v60;
	v41 =	vmctz.xlane vm6;
	v35, _, _ =	vpop (xrf0);
	vm5 =	veq.s32 v28, v0  }
.LBB2_48:
0x56c: {  	v28 =	vld [tilespmem:s8+$0xFFFFFE20];
	s9 =	sadd.s32 $0x100, s9;
	vm4 =	veq.f32 v26, v39;
	[tilespmem:s6+$0x30] =	vst v37;
	vm6 =	veq.s32 v40, v0;
	s10 =	sadd.s32 $0x400, s10;
	v22 =	vnsel vm5, $0x0, v1;
	v1 =	vmovc v12  }
0x56d: {  	v37 =	vnsel vm1, $0x0, v2;
	v26 =	vld [tilespmem:s8+$0x70];
	p2 =	slt.u32 s9, $0xF00;
	vm5 =	veq.s32 v41, v0;
	v4 =	vnsel vm6, $0x0, v4;
	v24, _, _ =	vpop (xrf0);
	[tilespmem:s1+$0x60] =	vst v22  }
0x56e: {  	v30 =	vmctz.xlane vm0;
	vm0 =	veq.f32 v10, v34;
	v32 =	vmovc v21;
	v34 =	vmovc v25;
	v12 =	vld [tilespmem:s8+$0x60];
	v9 =	vnsel vm5, $0x0, v9;
	[tilespmem:s6+$0x40] =	vst v4  }
0x56f: {  	v10 =	vmctz.xlane vm3;
	vm1 =	veq.s32 v38, v0;
	v2 =	vmovc v27;
	v36 =	vbroadcast v24, $0xF;
	v22 =	vld [tilespmem:s8+$0x50];
	[tilespmem:s1+$0xFFFFFE30] =	vst v37  }
0x570: {  	v21 =	vmctz.xlane vm2;
	v38 =	vnsel vm1, $0x0, v11;
	v4 =	vld [tilespmem:s8+$0x40];
	[tilespmem:s6+$0x0] =	vst v9;
	v9 =	vmctz.xlane vm0  }
0x571: {  	vm0 =	veq.s32 v10, v0;
	v10 =	vbroadcast v33, $0xF;
	v37 =	vand.u32 $0x7FFFFFFF, v28;
	v24 =	vld [tilespmem:s8+$0x30];
	[tilespmem:s6+$0x70] =	vst v38  }
0x572: {  	v27 =	vbroadcast v35, $0xF;
	vm2 =	veq.s32 v21, v0;
	v25 =	vld [tilespmem:s8+$0xFFFFFE00];
	(xrf0) =	vmax.scan.msk.f32 $0xffff, v37;
	vm5 =	veq.s32 v9, v0;
	v11 =	vmovc v26  }
0x573: {  	vm1 =	veq.s32 v30, v0;
	v9 =	vnsel vm0, $0x0, v17;
	vm3 =	veq.f32 v14, v10;
	v26 =	vld [tilespmem:s8+$0x20];
	[tilespmem:s1+$0x50] =	vst v3;
	v3 =	vmovc v31  }
0x574: {  	v10 =	vbroadcast v23, $0xF;
	v30 =	vld [tilespmem:s8+$0x10];
	v14 =	vand.u32 $0x7FFFFFFF, v22;
	[tilespmem:s6+$0xFFFFFE00] =	vst v9;
	v9 =	vnsel vm5, $0x0, v16  }
0x575: {  	v21 =	vand.u32 $0x7FFFFFFF, v12;
	v23 =	vand.u32 $0x7FFFFFFF, v11;
	vm5 =	veq.f32 v6, v27;
	v31 =	vld [tilespmem:s8+$0xFFFFFE60];
	[tilespmem:s6+$0x20] =	vst v9  }
0x576: {  	vm0 =	veq.f32 v8, v10;
	v35 =	vand.u32 $0x7FFFFFFF, v4;
	v9 =	vld [tilespmem:s8+$0x0];
	v33 =	vand.u32 $0x7FFFFFFF, v24;
	(xrf0) =	vmax.scan.msk.f32 $0xffff, v14  }
0x577: {  	v40 =	vand.u32 $0x7FFFFFFF, v15;
	v6 =	vbroadcast v29, $0xF;
	v39 =	vmctz.xlane vm5;
	v38 =	vld [tilespmem:s8+$0xFFFFFE10];
	(xrf0) =	vmax.scan.msk.f32 $0xffff, v23;
	v17 =	vmovc v25  }
0x578: {  	v29 =	vmctz.xlane vm3;
	v27 =	vnsel vm2, $0x0, v5;
	v25 =	vld [tilespmem:s8+$0xFFFFFE70];
	v10 =	vand.u32 $0x7FFFFFFF, v26;
	v8, _, _ =	vpop (xrf0);
	(xrf0) =	vmax.scan.msk.f32 $0xffff, v35  }
0x579: {  	v5 =	vmovc v15;
	vm2 =	veq.f32 v7, v6;
	v41 =	vand.u32 $0x7FFFFFFF, v17;
	v16 =	vmovc v26;
	v8 =	vbroadcast v8, $0xF;
	[tilespmem:s1+$0xFFFFFE40] =	vst v27;
	v15 =	vld [tilespmem:s8+$0xFFFFFE40];
	s1 =	smov.u32 s6;
	s6 =	smov.u32 s10  }
0x57a: {  	vm3 =	veq.s32 v29, v0;
	v7 =	vmctz.xlane vm2;
	v27 =	vld [tilespmem:s8+$0xFFFFFE30];
	v6 =	vand.u32 $0x7FFFFFFF, v31;
	(xrf0) =	vmax.scan.msk.f32 $0xffff, v40  }
0x57b: {  	v29 =	vnsel vm1, $0x0, v20;
	vm2 =	veq.f32 v37, v8;
	(xrf0) =	vmax.scan.msk.f32 $0xffff, v33;
	v37 =	vnsel vm3, $0x0, v18;
	v18 =	vld [tilespmem:s8+$0xFFFFFE50]  }
0x57c: {  	vm1 =	veq.s32 v7, v0;
	v42 =	vand.u32 $0x7FFFFFFF, v38;
	v8 =	vmctz.xlane vm2;
	(xrf0) =	vmax.scan.msk.f32 $0xffff, v41;
	v20, _, _ =	vpop (xrf0)  }
0x57d: {  	v45 =	vnsel vm1, $0x0, v34;
	v43 =	vand.u32 $0x7FFFFFFF, v9;
	v48 =	vbroadcast v20, $0xF;
	(xrf0) =	vmax.scan.msk.f32 $0xffff, v42;
	v44, _, _ =	vpop (xrf0)  }
0x57e: {  	v7 =	vand.u32 $0x7FFFFFFF, v25;
	vm1 =	veq.s32 v8, v0;
	v8 =	vand.u32 $0x7FFFFFFF, v30;
	(xrf0) =	vmax.scan.msk.f32 $0xffff, v43;
	v34, _, _ =	vpop (xrf0)  }
0x57f: {  	v46 =	vmctz.xlane vm0;
	v20 =	vmovc v38;
	v26 =	vand.u32 $0x7FFFFFFF, v27;
	vm2 =	veq.f32 v14, v48;
	(xrf0) =	vmax.scan.msk.f32 $0xffff, v8  }
0x580: {  	v38 =	vmctz.xlane vm4;
	v28 =	vnsel vm1, $0x0, v28;
	v14 =	vand.u32 $0x7FFFFFFF, v18;
	(xrf0) =	vmax.scan.msk.f32 $0xffff, v10;
	v47, _, _ =	vpop (xrf0)  }
0x581: {  	vm0 =	veq.s32 v46, v0;
	vm3 =	veq.f32 v32, v36;
	v34 =	vbroadcast v34, $0xF;
	(xrf0) =	vmax.scan.msk.f32 $0xffff, v26;
	v48, _, _ =	vpop (xrf0)  }
0x582: {  	v32 =	vbroadcast v44, $0xF;
	v44 =	vnsel vm0, $0x0, v19;
	[tilespmem:s10+$0xFFFFFE20] =	vst v28;
	v28 =	vbroadcast v48, $0xF;
	v36, _, _ =	vpop (xrf0)  }
0x583: {  	vm1 =	veq.s32 v38, v0;
	vm4 =	veq.f32 v35, v34;
	v36 =	vbroadcast v36, $0xF;
	v19, _, _ =	vpop (xrf0);
	(xrf0) =	vmax.scan.msk.f32 $0xffff, v14  }
0x584: {  	vm5 =	veq.f32 v23, v32;
	v34 =	vbroadcast v19, $0xF;
	vm0 =	veq.f32 v33, v28;
	(xrf0) =	vmax.scan.msk.f32 $0xffff, v7;
	v23, _, _ =	vpop (xrf0)  }
0x585: {  	vm6 =	veq.s32 v39, v0;
	v28 =	vbroadcast v23, $0xF;
	v32 =	vmctz.xlane vm0;
	(xrf0) =	vmax.scan.msk.f32 $0xffff, v6;
	v23, _, _ =	vpop (xrf0)  }
0x586: {  	v38 =	vmctz.xlane vm2;
	v35 =	vbroadcast v47, $0xF;
	vm0 =	veq.f32 v42, v34;
	v19, _, _ =	vpop (xrf0);
	[tilespmem:s1+$0xFFFFFE50] =	vst v37  }
.Ltmp25:
0x587: {  	v34 =	vbroadcast v19, $0xF;
	vm2 =	veq.s32 v32, v0;
	v19, _, _ =	vpop (xrf0);
	(xrf0) =	vmax.scan.msk.f32 $0xffff, v21;
	v32 =	vnsel vm6, $0x0, v13;
	(pc) =	sbr.rel @p2 .LBB2_48-.Ltmp25, $4  }
0x588: {  	v13 =	vmovc v31;
	v39 =	vbroadcast v19, $0xF;
	v37 =	vnsel vm2, $0x0, v24;
	[tilespmem:s1+$0xFFFFFE10] =	vst v29;
	vm2 =	veq.f32 v40, v35;
	v19 =	vmovc v30  }
0x589: {  	vm7 =	veq.s32 v38, v0;
	vm6 =	veq.f32 v43, v28;
	v24 =	vmctz.xlane vm3;
	v33, _, _ =	vpop (xrf0);
	[tilespmem:s1+$0xFFFFFE70] =	vst v45  }
0x58a: {  	v38 =	vmctz.xlane vm5;
	vm3 =	veq.f32 v41, v36;
	v40 =	vmctz.xlane vm4;
	v29, _, _ =	vpop (xrf0);
	[tilespmem:s1+$0xFFFFFE60] =	vst v32  }
0x58b: {  	s8 =	sadd.s32 $0x400, s8;
	v31 =	vnsel vm7, $0x0, v22;
	v41 =	vmctz.xlane vm6;
	vm5 =	veq.s32 v24, v0;
	v35, _, _ =	vpop (xrf0);
	[tilespmem:s1+$0x10] =	vst v44  }
0x58c: {  	v42 =	vmovc v1;
	v43 =	vmov v2;
	v36 =	vmov v3;
	v1 =	vmov v12  }
0x58d: {  	v28 =	vmovc v21;
	v30 =	vmovc v25;
	v2 =	vmov v27;
	v25 =	vmov v11;
	v3 =	vmov v31  }
0x58e: {  	v21 =	vmovc v16;
	v31 =	vmovc v20;
	v32 =	vmov v18;
	v24 =	vmov v19;
	v22 =	vmov v13  }
.LBB2_50:
0x58f: {  	vm4 =	veq.f32 v26, v39  }
0x590: {  	vm6 =	veq.s32 v40, v0;
	v11 =	vnsel @p0 vm5, $0x0, v42;
	vm15 =	veq.s32 v41, v0  }
0x591: {  	v12 =	vnsel @p0 vm1, $0x0, v43;
	v13 =	vmctz.xlane vm0;
	vm7 =	veq.f32 v10, v34  }
0x592: {  	[tilespmem:s6+$0x30] =	vst v37;
	v42 =	vmctz.xlane vm3;
	vm8 =	veq.s32 v38, v0;
	v46 =	vbroadcast v33, $0xF  }
0x593: {  	v47 =	vbroadcast v35, $0xF;
	v48 =	vand.u32 $0x7FFFFFFF, v15;
	v50 =	vbroadcast v29, $0xF;
	[tilespmem:s1+$0x50] =	vst @p0 v36  }
0x594: {  	v16, _, _ =	vpop (xrf0);
	v51 =	vbroadcast v23, $0xF;
	[tilespmem:s6+$0x50] =	vst v3;
	v4 =	vnsel vm6, $0x0, v4;
	v9 =	vnsel vm15, $0x0, v9  }
0x595: {  	[tilespmem:s1+$0x60] =	vst @p0 v11;
	v43 =	vbroadcast v16, $0xF;
	v44 =	vmctz.xlane vm7;
	v45 =	vnsel vm8, $0x0, v25  }
0x596: {  	[tilespmem:s1+$0xFFFFFE30] =	vst @p0 v12;
	v12 =	vmctz.xlane @p0 vm2;
	(xrf0) =	vmax.scan.msk.f32 $0xffff, v48;
	v61 =	vmctz.xlane vm4  }
0x597: {  	[tilespmem:s6+$0x40] =	vst v4;
	vm9 =	veq.s32 v42, v0;
	vm11 =	veq.s32 v13, v0;
	vm12 =	veq.f32 v14, v46  }
0x598: {  	[tilespmem:s6+$0x0] =	vst v9;
	vm13 =	veq.f32 v7, v50;
	vm14 =	veq.f32 v6, v47;
	vm15 =	veq.f32 v8, v51  }
0x599: {  	[tilespmem:s6+$0x70] =	vst v45;
	vm10 =	veq.s32 v44, v0;
	vm2 =	veq.s32 @p0 v12, v0;
	v49 =	vnsel vm9, $0x0, v17  }
0x59a: {  	v14 =	vmctz.xlane vm12;
	v53 =	vmctz.xlane vm13;
	v55 =	vnsel vm11, $0x0, v31;
	[tilespmem:s6+$0xFFFFFE00] =	vst v49  }
0x59b: {  	v54 =	vmctz.xlane vm14;
	v57 =	vmctz.xlane vm15;
	v52 =	vnsel vm10, $0x0, v21;
	[tilespmem:s6+$0xFFFFFE10] =	vst v55  }
0x59c: {  	vm15 =	veq.s32 v61, v0;
	v5 =	vnsel @p0 vm2, $0x0, v5;
	vm10 =	veq.f32 v28, v43;
	[tilespmem:s6+$0x20] =	vst v52;
	v58, _, _ =	vpop (xrf0)  }
0x59d: {  	v2 =	vnsel vm15, $0x0, v2;
	vm8 =	veq.s32 v14, v0;
	[tilespmem:s1+$0xFFFFFE40] =	vst @p0 v5;
	v59 =	vbroadcast v58, $0xF  }
0x59e: {  	vm9 =	veq.s32 v53, v0;
	vm11 =	veq.s32 v54, v0;
	[tilespmem:s6+$0xFFFFFE30] =	vst v2;
	v56 =	vnsel vm8, $0x0, v32  }
0x59f: {  	v60 =	vmctz.xlane vm10;
	v6 =	vnsel vm9, $0x0, v30;
	[tilespmem:s6+$0xFFFFFE50] =	vst v56;
	vm13 =	veq.f32 v48, v59  }
0x5a0: {  	vm12 =	veq.s32 v57, v0;
	v62 =	vnsel vm11, $0x0, v22;
	[tilespmem:s6+$0xFFFFFE70] =	vst v6;
	v4 =	vmctz.xlane vm13  }
.Ltmp26:
0x5a1: {  	v63 =	vnsel vm12, $0x0, v24;
	[tilespmem:s6+$0xFFFFFE60] =	vst v62;
	vm14 =	veq.s32 v60, v0;
	(pc) =	sbr.rel @p1 .LBB2_52-.Ltmp26, $4  }
0x5a2: {  	[tilespmem:s6+$0x10] =	vst v63;
	v1 =	vnsel vm14, $0x0, v1;
	vm0 =	veq.s32 v4, v0  }
0x5a3: {  	s0 =	sshrl.u32 s0, $0x3;
	[tilespmem:s6+$0x60] =	vst v1;
	v1 =	vnsel vm0, $0x0, v15  }
0x5a4: {  	s0 =	sadd.s32 s4, s0;
	[tilespmem:s6+$0xFFFFFE40] =	vst v1  }
0x5a5: {  	[hbm4b:s0+s14] =	stream.strided.scatter [tilespmem:s23], [sflag:$0x6], $0x4000, s15, s14, $0x38;
	[tilespmem:$0x18000] =	vst v63  }
0x5a6: {  	s0 =	sadd.s32 $0x5, s30  }
0x5a7: {  	s1 =	sshll.u32 s0, $0xE  }
0x5a8: {  	s1 =	sadd.s32 s5, s1  }
0x5a9: {  	s0 =	sshll.u32 s0, $0x9;
	s1 =	sand.u32 $0x7F8000, s1  }
.Ltmp27:
0x5aa: {  	s0 =	sand.u32 $0x200, s0;
	s1 =	sadd.s32 s3, s1;
	(pc) =	sbr.rel .LBB2_2-.Ltmp27, $4  }
0x5ab: {  	s0 =	sor.u32 s0, s1  }
0x5ac: {  	s0 =	sshrl.u32 s0, $0x3  }
0x5ad: {  	s29 =	sadd.s32 $0x1, s29;
	s0 =	sadd.s32 s2, s0  }
0x5ae: {  	[tilespmem:s17], [sflag:$0x3] =	stream.strided.gather [hbm4b:s0+s14], $0x4000, s15, s14, $0x38;
	[tilespmem:$0x18000] =	vst v63  }
.LBB2_7:
.Ltmp28:
0x5af: {  	(pc) =	sbr.rel .LBB2_12-.Ltmp28, $2  }
0x5b0: {  	_ =	sdelay $0x2  }
0x5b1: {  	p3 =	por $0x0, $0x0  }
.LBB2_13:
.Ltmp29:
0x5b2: {  	_ = 	snop;
	(pc) =	sbr.rel .LBB2_18-.Ltmp29, $2  }
0x5b3: {  	_ =	sdelay $0x2  }
0x5b4: {  	s6 =	simm.s32 $0xC380;
	v15 =	vmov v5  }
.LBB2_23:
.Ltmp30:
0x5b5: {  	(pc) =	sbr.rel .LBB2_28-.Ltmp30, $2  }
0x5b6: {  	_ =	sdelay $0x2  }
0x5b7: {  	p4 =	por $0x0, $0x0  }
.LBB2_29:
.Ltmp31:
0x5b8: {  	_ = 	snop;
	(pc) =	sbr.rel .LBB2_34-.Ltmp31, $2  }
0x5b9: {  	_ =	sdelay $0x2  }
0x5ba: {  	s6 =	simm.s32 $0x10380;
	v15 =	vmov v5  }
.LBB2_39:
.Ltmp32:
0x5bb: {  	(pc) =	sbr.rel .LBB2_44-.Ltmp32, $2  }
0x5bc: {  	_ =	sdelay $0x2  }
0x5bd: {  	p3 =	por $0x0, $0x0  }
.LBB2_45:
.Ltmp33:
0x5be: {  	_ = 	snop;
	(pc) =	sbr.rel .LBB2_50-.Ltmp33, $2  }
0x5bf: {  	_ =	sdelay $0x2  }
0x5c0: {  	s6 =	simm.s32 $0x14380;
	v15 =	vmov v5  }
.LBB2_9:
.Ltmp34:
0x5c1: {  	(pc) =	sbr.rel .LBB2_12-.Ltmp34, $3  }
0x5c2: {  	_ =	sdelay $0x1  }
0x5c3: {  	v17 =	vmov v22;
	v15 =	vmov v27  }
0x5c4: {  	s8 =	simm.s32 $0xC300;
	s16 =	simm.s32 $0xC700;
	v28 =	vmovc v12;
	v27 =	vmovc v13;
	v26 =	vmov v20;
	v24 =	vmov v14;
	v25 =	vmov v21  }
.LBB2_15:
.Ltmp35:
0x5c5: {  	(pc) =	sbr.rel .LBB2_18-.Ltmp35, $4  }
0x5c6: {  	_ = 	snop  }
0x5c7: {  	v42 =	vmovc v1;
	v43 =	vmov v2;
	v36 =	vmov v3;
	v1 =	vmov v12  }
0x5c8: {  	v28 =	vmovc v21;
	v30 =	vmovc v25;
	v2 =	vmov v27;
	v25 =	vmov v11;
	v3 =	vmov v31  }
0x5c9: {  	v21 =	vmovc v16;
	v31 =	vmovc v20;
	v32 =	vmov v18;
	v24 =	vmov v19;
	v22 =	vmov v13  }
.LBB2_25:
.Ltmp36:
0x5ca: {  	(pc) =	sbr.rel .LBB2_28-.Ltmp36, $3  }
0x5cb: {  	_ =	sdelay $0x1  }
0x5cc: {  	v17 =	vmov v22;
	v15 =	vmov v27  }
0x5cd: {  	s8 =	simm.s32 $0x10300;
	s16 =	simm.s32 $0x10700;
	v28 =	vmovc v12;
	v27 =	vmovc v13;
	v26 =	vmov v20;
	v24 =	vmov v14;
	v25 =	vmov v21  }
.LBB2_31:
.Ltmp37:
0x5ce: {  	(pc) =	sbr.rel .LBB2_34-.Ltmp37, $4  }
0x5cf: {  	_ = 	snop  }
0x5d0: {  	v42 =	vmovc v1;
	v43 =	vmov v2;
	v36 =	vmov v3;
	v1 =	vmov v12  }
0x5d1: {  	v28 =	vmovc v21;
	v30 =	vmovc v25;
	v2 =	vmov v27;
	v25 =	vmov v11;
	v3 =	vmov v31  }
0x5d2: {  	v21 =	vmovc v16;
	v31 =	vmovc v20;
	v32 =	vmov v18;
	v24 =	vmov v19;
	v22 =	vmov v13  }
.LBB2_41:
.Ltmp38:
0x5d3: {  	(pc) =	sbr.rel .LBB2_44-.Ltmp38, $3  }
0x5d4: {  	_ =	sdelay $0x1  }
0x5d5: {  	v17 =	vmov v22;
	v15 =	vmov v27  }
0x5d6: {  	s8 =	simm.s32 $0x14300;
	s1 =	simm.s32 $0x14700;
	v28 =	vmovc v12;
	v27 =	vmovc v13;
	v26 =	vmov v20;
	v24 =	vmov v14;
	v25 =	vmov v21  }
.LBB2_47:
.Ltmp39:
0x5d7: {  	(pc) =	sbr.rel .LBB2_50-.Ltmp39, $4  }
0x5d8: {  	_ = 	snop  }
0x5d9: {  	v42 =	vmovc v1;
	v43 =	vmov v2;
	v36 =	vmov v3;
	v1 =	vmov v12  }
0x5da: {  	v28 =	vmovc v21;
	v30 =	vmovc v25;
	v2 =	vmov v27;
	v25 =	vmov v11;
	v3 =	vmov v31  }
0x5db: {  	v21 =	vmovc v16;
	v31 =	vmovc v20;
	v32 =	vmov v18;
	v24 =	vmov v19;
	v22 =	vmov v13  }
.LBB2_53:
0x5dc: {  	_ =	sfence.sel $0x180000  }
0x5dd: {  	[bflag:$0x0] =	sbarrier.arrive $0xFFFF  }
0x5de: {  	_ =	strace $0x90000047  }
0x5df: {  	s0 =	stileid.u32;
	[bflag:$0x2] =	sbarrier.arrive $0xFFFF  }
0x5e0: {  	p0 =	sne.s32 s0, $0x0;
	s0 =	rddreg [dreg:$0x2]  }
0x5e1: {  	s0 =	sadd.s32 @!p0 $0x100000, s0  }
0x5e2: {  	[sflag:s0] =	ssyncadd.tile.s32 @!p0 $0x1;
	_ =	shalt  }
.Lfunc_end2:
_tile_overlayer_lowered:
.L_overlay_start_2:
0x5e3: {  	(tag) =	ssettag $0x2  }
0x5e4: {  	s0 =	rddreg [dreg:$0x0];
	s2 =	stileid.u32  }
0x5e5: {  	s1 =	rddreg [dreg:$0x1];
	p0 =	sne.s32 s2, $0x0  }
0x5e6: {  	s3 =	rddreg [dreg:$0x2];
	[bflag:$0x3] =	sbarrier.arrive $0xFFFF;
	s2 =	simm.s32 @!p0 $0x1C07  }
0x5e7: {  	[timem:s3], [sflag:s2] =	dma.local @!p0 [hbm:s0], s1  }
0x5e8: {  	s0 =	simm.s32 @!p0 $0x7  }
0x5e9: {  	_ =	swait.ge @!p0 [sflag:s0], s1  }
0x5ea: {  	s1 =	ssub.s32 @!p0 $0x0, s1;
	[sflag:s0] =	ssyncset.done @!p0 $0x0  }
0x5eb: {  	[sflag:s0] =	ssyncadd.s32 @!p0 s1  }
0x5ec: {  	[bflag:$0x3] =	sbarrier.arrive $0xFFFF  }
0x5ed: {  	_ =	shalt  }

</sc_bundles>
